<compile_context>
chip_gen: v7x
topology: tpu7x:2x2x1
jax: 0.10.2.dev20260603
libtpu: 0.0.44.dev20260713+nightly
codegen_flags: <defaults>
</compile_context>

<pallas_src>
import jax
import jax.numpy as jnp
from jax import lax
from jax.experimental import pallas as pl
from jax.experimental.pallas import tpu as pltpu
from jax.experimental.pallas import tpu_sc as plsc

B = 16384
L = 20
D = 64
HIDDEN = 128
NUM_PERTS = 1000000
NPAIR = NUM_PERTS // 2

NUM_CORES = 2
NUM_SUBCORES = 16
NW = NUM_CORES * NUM_SUBCORES
SEG_PER_W = B // NW
SEG_CHUNK = 32
ROWS_CHUNK = SEG_CHUNK * L
DMA_ROWS = 128
N_DMA = ROWS_CHUNK // DMA_ROWS
N_CHUNK = SEG_PER_W // SEG_CHUNK
IDX_PER_W = SEG_PER_W * L
VECS_PER_W = IDX_PER_W // 16
ACC_ROWS = 2 * SEG_CHUNK



def _pool_fn(idx_hbm, table_hbm, out_hbm,
             idx_v, dst_v, rows_v, acc_t, zero_v, out_v, shared, sem0, sem1):
    sid = lax.axis_index("s")
    wid = sid * NUM_CORES + lax.axis_index("c")
    abase = sid * ACC_ROWS
    pltpu.sync_copy(idx_hbm.at[pl.ds(wid * IDX_PER_W, IDX_PER_W)], idx_v)

    zvec = jnp.zeros((16,), jnp.float32)

    def zero_body(r, carry):
        for k in range(8):
            zero_v[r, pl.ds(16 * k, 16)] = zvec
        return carry

    lax.fori_loop(0, ACC_ROWS, zero_body, 0, unroll=4)

    lane = lax.iota(jnp.int32, 16)

    def prep_body(cc, carry):
        for dd in range(N_DMA):
            for u in range(8):
                fp = dd * DMA_ROWS + u * 16
                sl = pl.ds(cc * ROWS_CHUNK + fp, 16)
                v = idx_v[sl]
                idx_v[sl] = lax.shift_right_logical(v, 1)
                seg = lax.shift_right_logical((fp + lane) * 52429, 20)
                dst_v[cc * N_DMA + dd, pl.ds(u * 16, 16)] = (
                    abase + 2 * seg + (v & 1))
        return carry

    lax.fori_loop(0, N_CHUNK, prep_body, 0)

    def chunk_body(c, carry):
        seg0 = wid * SEG_PER_W + c * SEG_CHUNK
        row_base = c * ROWS_CHUNK
        pltpu.sync_copy(zero_v, shared.at[pl.ds(abase, ACC_ROWS)])
        sems = (sem0, sem1)

        def gather(j):
            return pltpu.async_copy(
                table_hbm.at[idx_v.at[pl.ds(row_base + j * DMA_ROWS,
                                            DMA_ROWS)]],
                rows_v.at[pl.ds((j % 2) * DMA_ROWS, DMA_ROWS)], sems[j % 2])

        cp = gather(0)
        for j in range(N_DMA):
            cp.wait()
            if j + 1 < N_DMA:
                cp = gather(j + 1)
            pltpu.sync_copy(rows_v.at[pl.ds((j % 2) * DMA_ROWS, DMA_ROWS)],
                            shared.at[dst_v.at[c * N_DMA + j]], add=True)
        pltpu.sync_copy(shared.at[pl.ds(abase, ACC_ROWS)], acc_t)

        def seg_body(s, carry2):
            for k in range(4):
                lo = acc_t[2 * s, pl.ds(16 * k, 16)]
                hi = acc_t[2 * s + 1, pl.ds(D + 16 * k, 16)]
                out_v[s, pl.ds(16 * k, 16)] = lo + hi
            return carry2

        lax.fori_loop(0, SEG_CHUNK, seg_body, 0, unroll=True)
        pltpu.sync_copy(out_v, out_hbm.at[pl.ds(seg0, SEG_CHUNK)])
        return carry

    lax.fori_loop(0, N_CHUNK, chunk_body, 0)


_pool = pl.kernel(
    _pool_fn,
    mesh=plsc.VectorSubcoreMesh(core_axis_name="c", subcore_axis_name="s"),
    out_type=jax.ShapeDtypeStruct((B, D), jnp.float32),
    scratch_types=[
        pltpu.VMEM((IDX_PER_W,), jnp.int32),
        pltpu.VMEM((N_CHUNK * N_DMA, DMA_ROWS), jnp.int32),
        pltpu.VMEM((2 * DMA_ROWS, 2 * D), jnp.float32),
        pltpu.VMEM((ACC_ROWS, 2 * D), jnp.float32),
        pltpu.VMEM((ACC_ROWS, 2 * D), jnp.float32),
        pltpu.VMEM((SEG_CHUNK, D), jnp.float32),
        pltpu.VMEM_SHARED((NUM_SUBCORES * ACC_ROWS, 2 * D), jnp.float32),
        pltpu.SemaphoreType.DMA,
        pltpu.SemaphoreType.DMA,
    ],
)



def _mlp_body(x_ref, w1_ref, b1_ref, w2_ref, b2_ref, g_ref, bt_ref, o_ref):
    x = x_ref[...]
    h = jnp.dot(x, w1_ref[...], preferred_element_type=jnp.float32)
    h = jnp.maximum(h + b1_ref[...], 0.0)
    y = jnp.dot(h, w2_ref[...], preferred_element_type=jnp.float32)
    y = y + b2_ref[...]
    mu = jnp.mean(y, axis=1, keepdims=True)
    yc = y - mu
    var = jnp.mean(yc * yc, axis=1, keepdims=True)
    o_ref[...] = yc * lax.rsqrt(var + 1e-5) * g_ref[...] + bt_ref[...]


_MLP_BLOCK = 2048


def _mlp(pooled, W1, b1, W2, b2, gamma, beta):
    grid = (B // _MLP_BLOCK,)
    return pl.pallas_call(
        _mlp_body,
        grid=grid,
        in_specs=[
            pl.BlockSpec((_MLP_BLOCK, D), lambda i: (i, 0)),
            pl.BlockSpec((D, HIDDEN), lambda i: (0, 0)),
            pl.BlockSpec((1, HIDDEN), lambda i: (0, 0)),
            pl.BlockSpec((HIDDEN, D), lambda i: (0, 0)),
            pl.BlockSpec((1, D), lambda i: (0, 0)),
            pl.BlockSpec((1, D), lambda i: (0, 0)),
            pl.BlockSpec((1, D), lambda i: (0, 0)),
        ],
        out_specs=pl.BlockSpec((_MLP_BLOCK, D), lambda i: (i, 0)),
        out_shape=jax.ShapeDtypeStruct((B, D), jnp.float32),
    )(pooled, W1, b1.reshape(1, HIDDEN), W2, b2.reshape(1, D),
      gamma.reshape(1, D), beta.reshape(1, D))


def kernel(pert, embed, W1, b1, W2, b2, gamma, beta):
    idx = pert.astype(jnp.int32).reshape(B * L)
    table = embed.reshape(NPAIR, 2 * D)
    pooled = _pool(idx, table)
    return _mlp(pooled, W1 * (1.0 / L), b1, W2, b2, gamma, beta)

# --- scband reference (transcript-rebuilt; emitter-appended) ---
"""Pipeline reference for scband-pert-encoder-86930138071556 (READ-ONLY COPY).

The authoritative reference and input builder live on the scoring server;
editing this copy changes nothing except your own understanding.
"""

import jax, jax.numpy as jnp
import numpy as np

B, L = 16384, 20
NUM_PERTS, DIM, HIDDEN = 1000000, 64, 128

def setup_inputs(seed: int = 0) -> dict:
    key = jax.random.key(seed)
    ks = jax.random.split(key, 8)
    pert = jax.random.randint(ks[0], (B, L), 0, NUM_PERTS, dtype=jnp.int64)
    embed = jax.random.normal(ks[1], (NUM_PERTS, DIM), dtype=jnp.float32) * 0.02
    # padding_idx=-1 -> last row zeroed (torch semantics)
    embed = embed.at[NUM_PERTS - 1].set(0.0)
    W1 = jax.random.normal(ks[2], (DIM, HIDDEN), dtype=jnp.float32) * (1.0 / np.sqrt(DIM))
    b1 = jnp.zeros((HIDDEN,), dtype=jnp.float32)
    W2 = jax.random.normal(ks[3], (HIDDEN, DIM), dtype=jnp.float32) * (1.0 / np.sqrt(HIDDEN))
    b2 = jnp.zeros((DIM,), dtype=jnp.float32)
    gamma = jnp.ones((DIM,), dtype=jnp.float32)
    beta = jnp.zeros((DIM,), dtype=jnp.float32)
    return {"pert": pert, "embed": embed, "W1": W1, "b1": b1, "W2": W2, "b2": b2, "gamma": gamma, "beta": beta}

def reference(pert, embed, W1, b1, W2, b2, gamma, beta):
    # multihot mode, mean aggregation (dropout is identity at inference)
    mask = (pert >= 0).astype(jnp.float32)[..., None]            # [B, L, 1]
    x = jnp.take(embed, jnp.clip(pert, 0, None), axis=0)         # gather [B, L, D]
    x = (x * mask).sum(axis=1) / jnp.clip(mask.sum(axis=1), 1.0, None)  # [B, D]
    # out_proj: 2-layer MLP (Linear -> ReLU -> Linear)
    h = jax.nn.relu(x @ W1 + b1)
    x = h @ W2 + b2
    # LayerNorm
    mu = x.mean(axis=-1, keepdims=True)
    var = ((x - mu) ** 2).mean(axis=-1, keepdims=True)
    x = (x - mu) / jnp.sqrt(var + 1e-5) * gamma + beta
    return x

if __name__ == "__main__":
    import jax
    _d = setup_inputs()
    print(jax.jit(kernel)(*tuple(_d.values())))

</pallas_src>

<mosaic_0001>
#map = affine_map<(d0, d1) -> (0)>
#map1 = affine_map<(d0, d1) -> (0, 0)>
module attributes {stable_mosaic.version = 14 : i64} {
  func.func @_pool_fn(%arg0: i32, %arg1: i32, %arg2: memref<327680xi32, #tpu.memory_space<hbm>>, %arg3: memref<500000x128xf32, #tpu.memory_space<hbm>>, %arg4: memref<16384x64xf32, #tpu.memory_space<hbm>>, %arg5: memref<10240xi32, #tpu.memory_space<vmem>>, %arg6: memref<80x128xi32, #tpu.memory_space<vmem>>, %arg7: memref<256x128xf32, #tpu.memory_space<vmem>>, %arg8: memref<64x128xf32, #tpu.memory_space<vmem>>, %arg9: memref<64x128xf32, #tpu.memory_space<vmem>>, %arg10: memref<32x64xf32, #tpu.memory_space<vmem>>, %arg11: memref<1024x128xf32, #tpu.memory_space<vmem_shared>>, %arg12: memref<!tpu.dma_semaphore, #tpu.memory_space<semaphore_mem>>, %arg13: memref<!tpu.dma_semaphore, #tpu.memory_space<semaphore_mem>>) attributes {dimension_semantics = [#tpu.dimension_semantics<core_parallel>, #tpu.dimension_semantics<subcore_parallel>], iteration_bounds = array<i64: 2, 16>, scalar_prefetch = 0 : i64, scratch_operands = 9 : i64, tpu.core_type = #tpu.core_type<sc_vector_subcore>, window_params = [{transform_indices = #map}, {transform_indices = #map1}, {transform_indices = #map1}]} {
    %mul3A = arith.constant 2 : i32
    %mul3A_0 = arith.muli %arg1, %mul3A : i32
    %add3A = arith.addi %mul3A_0, %arg0 : i32
    %mul3A_1 = arith.constant 64 : i32
    %mul3A_2 = arith.muli %arg1, %mul3A_1 : i32
    %mul3A_3 = arith.constant 10240 : i32
    %mul3A_4 = arith.muli %add3A, %mul3A_3 : i32
    "tpu.region"() ({
      %run_scoped3A = tpu.sem_alloc : memref<!tpu.dma_semaphore, #tpu.memory_space<semaphore_mem>>
      %dma_start3A = tpu.memref_slice %arg2[%mul3A_4] : memref<327680xi32, #tpu.memory_space<hbm>> -> memref<10240xi32, #tpu.memory_space<hbm>>
      %dma_start3A_23 = tpu.memref_slice %arg2[%mul3A_4] : memref<327680xi32, #tpu.memory_space<hbm>> -> memref<10240xi32, #tpu.memory_space<hbm>>
      tpu.enqueue_dma source(%dma_start3A_23 : memref<10240xi32, #tpu.memory_space<hbm>>) target(%arg5 : memref<10240xi32, #tpu.memory_space<vmem>>) target_semaphore(%run_scoped3A : memref<!tpu.dma_semaphore, #tpu.memory_space<semaphore_mem>>)
      %dma_wait3A = tpu.memref_slice %arg2[%mul3A_4] : memref<327680xi32, #tpu.memory_space<hbm>> -> memref<10240xi32, #tpu.memory_space<hbm>>
      %dma_wait3A_24 = tpu.memref_slice %arg2[%mul3A_4] : memref<327680xi32, #tpu.memory_space<hbm>> -> memref<10240xi32, #tpu.memory_space<hbm>>
      tpu.wait_dma2 semaphore(%run_scoped3A : memref<!tpu.dma_semaphore, #tpu.memory_space<semaphore_mem>>) src(%dma_wait3A_24 : memref<10240xi32, #tpu.memory_space<hbm>>) dst(%arg5 : memref<10240xi32, #tpu.memory_space<vmem>>)
      tpu.yield
    }) : () -> ()
    %broadcast_in_dim3A = arith.constant 0.000000e+00 : f32
    %broadcast_in_dim3A_5 = vector.broadcast %broadcast_in_dim3A : f32 to vector<16xf32>
    %scan3A = arith.constant 0 : i32
    %scan3A_6 = arith.constant 0 : i32
    %scan3A_7 = arith.constant 64 : i32
    %scan3A_8 = arith.addi %scan3A_6, %scan3A_7 : i32
    %scan3A_9 = arith.constant 4 : i32
    scf.for %scan3A_23 = %scan3A_6 to %scan3A_8 step %scan3A_9  : i32 {
      %swap3A = arith.index_cast %scan3A_23 : i32 to index
      %swap3A_24 = arith.constant 0 : index
      %swap3A_25 = tpu.vector_load %arg9[%swap3A, %swap3A_24] {strides = array<i32>} : memref<64x128xf32, #tpu.memory_space<vmem>>, vector<1x16xf32>,
      %swap3A_26 = vector.shape_cast %swap3A_25 : vector<1x16xf32> to vector<16xf32>
      %swap3A_27 = vector.shape_cast %broadcast_in_dim3A_5 : vector<16xf32> to vector<1x16xf32>
      tpu.vector_store %arg9[%swap3A, %swap3A_24], %swap3A_27 {strides = array<i32>} : memref<64x128xf32, #tpu.memory_space<vmem>>, vector<1x16xf32>,
      %swap3A_28 = arith.index_cast %scan3A_23 : i32 to index
      %swap3A_29 = arith.constant 16 : index
      %swap3A_30 = tpu.vector_load %arg9[%swap3A_28, %swap3A_29] {strides = array<i32>} : memref<64x128xf32, #tpu.memory_space<vmem>>, vector<1x16xf32>,
      %swap3A_31 = vector.shape_cast %swap3A_30 : vector<1x16xf32> to vector<16xf32>
      %swap3A_32 = vector.shape_cast %broadcast_in_dim3A_5 : vector<16xf32> to vector<1x16xf32>
      tpu.vector_store %arg9[%swap3A_28, %swap3A_29], %swap3A_32 {strides = array<i32>} : memref<64x128xf32, #tpu.memory_space<vmem>>, vector<1x16xf32>,
      %swap3A_33 = arith.index_cast %scan3A_23 : i32 to index
      %swap3A_34 = arith.constant 32 : index
      %swap3A_35 = tpu.vector_load %arg9[%swap3A_33, %swap3A_34] {strides = array<i32>} : memref<64x128xf32, #tpu.memory_space<vmem>>, vector<1x16xf32>,
      %swap3A_36 = vector.shape_cast %swap3A_35 : vector<1x16xf32> to vector<16xf32>
      %swap3A_37 = vector.shape_cast %broadcast_in_dim3A_5 : vector<16xf32> to vector<1x16xf32>
      tpu.vector_store %arg9[%swap3A_33, %swap3A_34], %swap3A_37 {strides = array<i32>} : memref<64x128xf32, #tpu.memory_space<vmem>>, vector<1x16xf32>,
      %swap3A_38 = arith.index_cast %scan3A_23 : i32 to index
      %swap3A_39 = arith.constant 48 : index
      %swap3A_40 = tpu.vector_load %arg9[%swap3A_38, %swap3A_39] {strides = array<i32>} : memref<64x128xf32, #tpu.memory_space<vmem>>, vector<1x16xf32>,
      %swap3A_41 = vector.shape_cast %swap3A_40 : vector<1x16xf32> to vector<16xf32>
      %swap3A_42 = vector.shape_cast %broadcast_in_dim3A_5 : vector<16xf32> to vector<1x16xf32>
      tpu.vector_store %arg9[%swap3A_38, %swap3A_39], %swap3A_42 {strides = array<i32>} : memref<64x128xf32, #tpu.memory_space<vmem>>, vector<1x16xf32>,
      %swap3A_43 = arith.index_cast %scan3A_23 : i32 to index
      %swap3A_44 = arith.constant 64 : index
      %swap3A_45 = tpu.vector_load %arg9[%swap3A_43, %swap3A_44] {strides = array<i32>} : memref<64x128xf32, #tpu.memory_space<vmem>>, vector<1x16xf32>,
      %swap3A_46 = vector.shape_cast %swap3A_45 : vector<1x16xf32> to vector<16xf32>
      %swap3A_47 = vector.shape_cast %broadcast_in_dim3A_5 : vector<16xf32> to vector<1x16xf32>
      tpu.vector_store %arg9[%swap3A_43, %swap3A_44], %swap3A_47 {strides = array<i32>} : memref<64x128xf32, #tpu.memory_space<vmem>>, vector<1x16xf32>,
      %swap3A_48 = arith.index_cast %scan3A_23 : i32 to index
      %swap3A_49 = arith.constant 80 : index
      %swap3A_50 = tpu.vector_load %arg9[%swap3A_48, %swap3A_49] {strides = array<i32>} : memref<64x128xf32, #tpu.memory_space<vmem>>, vector<1x16xf32>,
      %swap3A_51 = vector.shape_cast %swap3A_50 : vector<1x16xf32> to vector<16xf32>
      %swap3A_52 = vector.shape_cast %broadcast_in_dim3A_5 : vector<16xf32> to vector<1x16xf32>
      tpu.vector_store %arg9[%swap3A_48, %swap3A_49], %swap3A_52 {strides = array<i32>} : memref<64x128xf32, #tpu.memory_space<vmem>>, vector<1x16xf32>,
      %swap3A_53 = arith.index_cast %scan3A_23 : i32 to index
      %swap3A_54 = arith.constant 96 : index
      %swap3A_55 = tpu.vector_load %arg9[%swap3A_53, %swap3A_54] {strides = array<i32>} : memref<64x128xf32, #tpu.memory_space<vmem>>, vector<1x16xf32>,
      %swap3A_56 = vector.shape_cast %swap3A_55 : vector<1x16xf32> to vector<16xf32>
      %swap3A_57 = vector.shape_cast %broadcast_in_dim3A_5 : vector<16xf32> to vector<1x16xf32>
      tpu.vector_store %arg9[%swap3A_53, %swap3A_54], %swap3A_57 {strides = array<i32>} : memref<64x128xf32, #tpu.memory_space<vmem>>, vector<1x16xf32>,
      %swap3A_58 = arith.index_cast %scan3A_23 : i32 to index
      %swap3A_59 = arith.constant 112 : index
      %swap3A_60 = tpu.vector_load %arg9[%swap3A_58, %swap3A_59] {strides = array<i32>} : memref<64x128xf32, #tpu.memory_space<vmem>>, vector<1x16xf32>,
      %swap3A_61 = vector.shape_cast %swap3A_60 : vector<1x16xf32> to vector<16xf32>
      %swap3A_62 = vector.shape_cast %broadcast_in_dim3A_5 : vector<16xf32> to vector<1x16xf32>
      tpu.vector_store %arg9[%swap3A_58, %swap3A_59], %swap3A_62 {strides = array<i32>} : memref<64x128xf32, #tpu.memory_space<vmem>>, vector<1x16xf32>,
      %scan3A_63 = arith.constant 1 : i32
      %scan3A_64 = arith.addi %scan3A_23, %scan3A_63 : i32
      %swap3A_65 = arith.index_cast %scan3A_64 : i32 to index
      %swap3A_66 = arith.constant 0 : index
      %swap3A_67 = tpu.vector_load %arg9[%swap3A_65, %swap3A_66] {strides = array<i32>} : memref<64x128xf32, #tpu.memory_space<vmem>>, vector<1x16xf32>,
      %swap3A_68 = vector.shape_cast %swap3A_67 : vector<1x16xf32> to vector<16xf32>
      %swap3A_69 = vector.shape_cast %broadcast_in_dim3A_5 : vector<16xf32> to vector<1x16xf32>
      tpu.vector_store %arg9[%swap3A_65, %swap3A_66], %swap3A_69 {strides = array<i32>} : memref<64x128xf32, #tpu.memory_space<vmem>>, vector<1x16xf32>,
      %swap3A_70 = arith.index_cast %scan3A_64 : i32 to index
      %swap3A_71 = arith.constant 16 : index
      %swap3A_72 = tpu.vector_load %arg9[%swap3A_70, %swap3A_71] {strides = array<i32>} : memref<64x128xf32, #tpu.memory_space<vmem>>, vector<1x16xf32>,
      %swap3A_73 = vector.shape_cast %swap3A_72 : vector<1x16xf32> to vector<16xf32>
      %swap3A_74 = vector.shape_cast %broadcast_in_dim3A_5 : vector<16xf32> to vector<1x16xf32>
      tpu.vector_store %arg9[%swap3A_70, %swap3A_71], %swap3A_74 {strides = array<i32>} : memref<64x128xf32, #tpu.memory_space<vmem>>, vector<1x16xf32>,
      %swap3A_75 = arith.index_cast %scan3A_64 : i32 to index
      %swap3A_76 = arith.constant 32 : index
      %swap3A_77 = tpu.vector_load %arg9[%swap3A_75, %swap3A_76] {strides = array<i32>} : memref<64x128xf32, #tpu.memory_space<vmem>>, vector<1x16xf32>,
      %swap3A_78 = vector.shape_cast %swap3A_77 : vector<1x16xf32> to vector<16xf32>
      %swap3A_79 = vector.shape_cast %broadcast_in_dim3A_5 : vector<16xf32> to vector<1x16xf32>
      tpu.vector_store %arg9[%swap3A_75, %swap3A_76], %swap3A_79 {strides = array<i32>} : memref<64x128xf32, #tpu.memory_space<vmem>>, vector<1x16xf32>,
      %swap3A_80 = arith.index_cast %scan3A_64 : i32 to index
      %swap3A_81 = arith.constant 48 : index
      %swap3A_82 = tpu.vector_load %arg9[%swap3A_80, %swap3A_81] {strides = array<i32>} : memref<64x128xf32, #tpu.memory_space<vmem>>, vector<1x16xf32>,
      %swap3A_83 = vector.shape_cast %swap3A_82 : vector<1x16xf32> to vector<16xf32>
      %swap3A_84 = vector.shape_cast %broadcast_in_dim3A_5 : vector<16xf32> to vector<1x16xf32>
      tpu.vector_store %arg9[%swap3A_80, %swap3A_81], %swap3A_84 {strides = array<i32>} : memref<64x128xf32, #tpu.memory_space<vmem>>, vector<1x16xf32>,
      %swap3A_85 = arith.index_cast %scan3A_64 : i32 to index
      %swap3A_86 = arith.constant 64 : index
      %swap3A_87 = tpu.vector_load %arg9[%swap3A_85, %swap3A_86] {strides = array<i32>} : memref<64x128xf32, #tpu.memory_space<vmem>>, vector<1x16xf32>,
      %swap3A_88 = vector.shape_cast %swap3A_87 : vector<1x16xf32> to vector<16xf32>
      %swap3A_89 = vector.shape_cast %broadcast_in_dim3A_5 : vector<16xf32> to vector<1x16xf32>
      tpu.vector_store %arg9[%swap3A_85, %swap3A_86], %swap3A_89 {strides = array<i32>} : memref<64x128xf32, #tpu.memory_space<vmem>>, vector<1x16xf32>,
      %swap3A_90 = arith.index_cast %scan3A_64 : i32 to index
      %swap3A_91 = arith.constant 80 : index
      %swap3A_92 = tpu.vector_load %arg9[%swap3A_90, %swap3A_91] {strides = array<i32>} : memref<64x128xf32, #tpu.memory_space<vmem>>, vector<1x16xf32>,
      %swap3A_93 = vector.shape_cast %swap3A_92 : vector<1x16xf32> to vector<16xf32>
      %swap3A_94 = vector.shape_cast %broadcast_in_dim3A_5 : vector<16xf32> to vector<1x16xf32>
      tpu.vector_store %arg9[%swap3A_90, %swap3A_91], %swap3A_94 {strides = array<i32>} : memref<64x128xf32, #tpu.memory_space<vmem>>, vector<1x16xf32>,
      %swap3A_95 = arith.index_cast %scan3A_64 : i32 to index
      %swap3A_96 = arith.constant 96 : index
      %swap3A_97 = tpu.vector_load %arg9[%swap3A_95, %swap3A_96] {strides = array<i32>} : memref<64x128xf32, #tpu.memory_space<vmem>>, vector<1x16xf32>,
      %swap3A_98 = vector.shape_cast %swap3A_97 : vector<1x16xf32> to vector<16xf32>
      %swap3A_99 = vector.shape_cast %broadcast_in_dim3A_5 : vector<16xf32> to vector<1x16xf32>
      tpu.vector_store %arg9[%swap3A_95, %swap3A_96], %swap3A_99 {strides = array<i32>} : memref<64x128xf32, #tpu.memory_space<vmem>>, vector<1x16xf32>,
      %swap3A_100 = arith.index_cast %scan3A_64 : i32 to index
      %swap3A_101 = arith.constant 112 : index
      %swap3A_102 = tpu.vector_load %arg9[%swap3A_100, %swap3A_101] {strides = array<i32>} : memref<64x128xf32, #tpu.memory_space<vmem>>, vector<1x16xf32>,
      %swap3A_103 = vector.shape_cast %swap3A_102 : vector<1x16xf32> to vector<16xf32>
      %swap3A_104 = vector.shape_cast %broadcast_in_dim3A_5 : vector<16xf32> to vector<1x16xf32>
      tpu.vector_store %arg9[%swap3A_100, %swap3A_101], %swap3A_104 {strides = array<i32>} : memref<64x128xf32, #tpu.memory_space<vmem>>, vector<1x16xf32>,
      %scan3A_105 = arith.constant 2 : i32
      %scan3A_106 = arith.addi %scan3A_23, %scan3A_105 : i32
      %swap3A_107 = arith.index_cast %scan3A_106 : i32 to index
      %swap3A_108 = arith.constant 0 : index
      %swap3A_109 = tpu.vector_load %arg9[%swap3A_107, %swap3A_108] {strides = array<i32>} : memref<64x128xf32, #tpu.memory_space<vmem>>, vector<1x16xf32>,
      %swap3A_110 = vector.shape_cast %swap3A_109 : vector<1x16xf32> to vector<16xf32>
      %swap3A_111 = vector.shape_cast %broadcast_in_dim3A_5 : vector<16xf32> to vector<1x16xf32>
      tpu.vector_store %arg9[%swap3A_107, %swap3A_108], %swap3A_111 {strides = array<i32>} : memref<64x128xf32, #tpu.memory_space<vmem>>, vector<1x16xf32>,
      %swap3A_112 = arith.index_cast %scan3A_106 : i32 to index
      %swap3A_113 = arith.constant 16 : index
      %swap3A_114 = tpu.vector_load %arg9[%swap3A_112, %swap3A_113] {strides = array<i32>} : memref<64x128xf32, #tpu.memory_space<vmem>>, vector<1x16xf32>,
      %swap3A_115 = vector.shape_cast %swap3A_114 : vector<1x16xf32> to vector<16xf32>
      %swap3A_116 = vector.shape_cast %broadcast_in_dim3A_5 : vector<16xf32> to vector<1x16xf32>
      tpu.vector_store %arg9[%swap3A_112, %swap3A_113], %swap3A_116 {strides = array<i32>} : memref<64x128xf32, #tpu.memory_space<vmem>>, vector<1x16xf32>,
      %swap3A_117 = arith.index_cast %scan3A_106 : i32 to index
      %swap3A_118 = arith.constant 32 : index
      %swap3A_119 = tpu.vector_load %arg9[%swap3A_117, %swap3A_118] {strides = array<i32>} : memref<64x128xf32, #tpu.memory_space<vmem>>, vector<1x16xf32>,
      %swap3A_120 = vector.shape_cast %swap3A_119 : vector<1x16xf32> to vector<16xf32>
      %swap3A_121 = vector.shape_cast %broadcast_in_dim3A_5 : vector<16xf32> to vector<1x16xf32>
      tpu.vector_store %arg9[%swap3A_117, %swap3A_118], %swap3A_121 {strides = array<i32>} : memref<64x128xf32, #tpu.memory_space<vmem>>, vector<1x16xf32>,
      %swap3A_122 = arith.index_cast %scan3A_106 : i32 to index
      %swap3A_123 = arith.constant 48 : index
      %swap3A_124 = tpu.vector_load %arg9[%swap3A_122, %swap3A_123] {strides = array<i32>} : memref<64x128xf32, #tpu.memory_space<vmem>>, vector<1x16xf32>,
      %swap3A_125 = vector.shape_cast %swap3A_124 : vector<1x16xf32> to vector<16xf32>
      %swap3A_126 = vector.shape_cast %broadcast_in_dim3A_5 : vector<16xf32> to vector<1x16xf32>
      tpu.vector_store %arg9[%swap3A_122, %swap3A_123], %swap3A_126 {strides = array<i32>} : memref<64x128xf32, #tpu.memory_space<vmem>>, vector<1x16xf32>,
      %swap3A_127 = arith.index_cast %scan3A_106 : i32 to index
      %swap3A_128 = arith.constant 64 : index
      %swap3A_129 = tpu.vector_load %arg9[%swap3A_127, %swap3A_128] {strides = array<i32>} : memref<64x128xf32, #tpu.memory_space<vmem>>, vector<1x16xf32>,
      %swap3A_130 = vector.shape_cast %swap3A_129 : vector<1x16xf32> to vector<16xf32>
      %swap3A_131 = vector.shape_cast %broadcast_in_dim3A_5 : vector<16xf32> to vector<1x16xf32>
      tpu.vector_store %arg9[%swap3A_127, %swap3A_128], %swap3A_131 {strides = array<i32>} : memref<64x128xf32, #tpu.memory_space<vmem>>, vector<1x16xf32>,
      %swap3A_132 = arith.index_cast %scan3A_106 : i32 to index
      %swap3A_133 = arith.constant 80 : index
      %swap3A_134 = tpu.vector_load %arg9[%swap3A_132, %swap3A_133] {strides = array<i32>} : memref<64x128xf32, #tpu.memory_space<vmem>>, vector<1x16xf32>,
      %swap3A_135 = vector.shape_cast %swap3A_134 : vector<1x16xf32> to vector<16xf32>
      %swap3A_136 = vector.shape_cast %broadcast_in_dim3A_5 : vector<16xf32> to vector<1x16xf32>
      tpu.vector_store %arg9[%swap3A_132, %swap3A_133], %swap3A_136 {strides = array<i32>} : memref<64x128xf32, #tpu.memory_space<vmem>>, vector<1x16xf32>,
      %swap3A_137 = arith.index_cast %scan3A_106 : i32 to index
      %swap3A_138 = arith.constant 96 : index
      %swap3A_139 = tpu.vector_load %arg9[%swap3A_137, %swap3A_138] {strides = array<i32>} : memref<64x128xf32, #tpu.memory_space<vmem>>, vector<1x16xf32>,
      %swap3A_140 = vector.shape_cast %swap3A_139 : vector<1x16xf32> to vector<16xf32>
      %swap3A_141 = vector.shape_cast %broadcast_in_dim3A_5 : vector<16xf32> to vector<1x16xf32>
      tpu.vector_store %arg9[%swap3A_137, %swap3A_138], %swap3A_141 {strides = array<i32>} : memref<64x128xf32, #tpu.memory_space<vmem>>, vector<1x16xf32>,
      %swap3A_142 = arith.index_cast %scan3A_106 : i32 to index
      %swap3A_143 = arith.constant 112 : index
      %swap3A_144 = tpu.vector_load %arg9[%swap3A_142, %swap3A_143] {strides = array<i32>} : memref<64x128xf32, #tpu.memory_space<vmem>>, vector<1x16xf32>,
      %swap3A_145 = vector.shape_cast %swap3A_144 : vector<1x16xf32> to vector<16xf32>
      %swap3A_146 = vector.shape_cast %broadcast_in_dim3A_5 : vector<16xf32> to vector<1x16xf32>
      tpu.vector_store %arg9[%swap3A_142, %swap3A_143], %swap3A_146 {strides = array<i32>} : memref<64x128xf32, #tpu.memory_space<vmem>>, vector<1x16xf32>,
      %scan3A_147 = arith.constant 3 : i32
      %scan3A_148 = arith.addi %scan3A_23, %scan3A_147 : i32
      %swap3A_149 = arith.index_cast %scan3A_148 : i32 to index
      %swap3A_150 = arith.constant 0 : index
      %swap3A_151 = tpu.vector_load %arg9[%swap3A_149, %swap3A_150] {strides = array<i32>} : memref<64x128xf32, #tpu.memory_space<vmem>>, vector<1x16xf32>,
      %swap3A_152 = vector.shape_cast %swap3A_151 : vector<1x16xf32> to vector<16xf32>
      %swap3A_153 = vector.shape_cast %broadcast_in_dim3A_5 : vector<16xf32> to vector<1x16xf32>
      tpu.vector_store %arg9[%swap3A_149, %swap3A_150], %swap3A_153 {strides = array<i32>} : memref<64x128xf32, #tpu.memory_space<vmem>>, vector<1x16xf32>,
      %swap3A_154 = arith.index_cast %scan3A_148 : i32 to index
      %swap3A_155 = arith.constant 16 : index
      %swap3A_156 = tpu.vector_load %arg9[%swap3A_154, %swap3A_155] {strides = array<i32>} : memref<64x128xf32, #tpu.memory_space<vmem>>, vector<1x16xf32>,
      %swap3A_157 = vector.shape_cast %swap3A_156 : vector<1x16xf32> to vector<16xf32>
      %swap3A_158 = vector.shape_cast %broadcast_in_dim3A_5 : vector<16xf32> to vector<1x16xf32>
      tpu.vector_store %arg9[%swap3A_154, %swap3A_155], %swap3A_158 {strides = array<i32>} : memref<64x128xf32, #tpu.memory_space<vmem>>, vector<1x16xf32>,
      %swap3A_159 = arith.index_cast %scan3A_148 : i32 to index
      %swap3A_160 = arith.constant 32 : index
      %swap3A_161 = tpu.vector_load %arg9[%swap3A_159, %swap3A_160] {strides = array<i32>} : memref<64x128xf32, #tpu.memory_space<vmem>>, vector<1x16xf32>,
      %swap3A_162 = vector.shape_cast %swap3A_161 : vector<1x16xf32> to vector<16xf32>
      %swap3A_163 = vector.shape_cast %broadcast_in_dim3A_5 : vector<16xf32> to vector<1x16xf32>
      tpu.vector_store %arg9[%swap3A_159, %swap3A_160], %swap3A_163 {strides = array<i32>} : memref<64x128xf32, #tpu.memory_space<vmem>>, vector<1x16xf32>,
      %swap3A_164 = arith.index_cast %scan3A_148 : i32 to index
      %swap3A_165 = arith.constant 48 : index
      %swap3A_166 = tpu.vector_load %arg9[%swap3A_164, %swap3A_165] {strides = array<i32>} : memref<64x128xf32, #tpu.memory_space<vmem>>, vector<1x16xf32>,
      %swap3A_167 = vector.shape_cast %swap3A_166 : vector<1x16xf32> to vector<16xf32>
      %swap3A_168 = vector.shape_cast %broadcast_in_dim3A_5 : vector<16xf32> to vector<1x16xf32>
      tpu.vector_store %arg9[%swap3A_164, %swap3A_165], %swap3A_168 {strides = array<i32>} : memref<64x128xf32, #tpu.memory_space<vmem>>, vector<1x16xf32>,
      %swap3A_169 = arith.index_cast %scan3A_148 : i32 to index
      %swap3A_170 = arith.constant 64 : index
      %swap3A_171 = tpu.vector_load %arg9[%swap3A_169, %swap3A_170] {strides = array<i32>} : memref<64x128xf32, #tpu.memory_space<vmem>>, vector<1x16xf32>,
      %swap3A_172 = vector.shape_cast %swap3A_171 : vector<1x16xf32> to vector<16xf32>
      %swap3A_173 = vector.shape_cast %broadcast_in_dim3A_5 : vector<16xf32> to vector<1x16xf32>
      tpu.vector_store %arg9[%swap3A_169, %swap3A_170], %swap3A_173 {strides = array<i32>} : memref<64x128xf32, #tpu.memory_space<vmem>>, vector<1x16xf32>,
      %swap3A_174 = arith.index_cast %scan3A_148 : i32 to index
      %swap3A_175 = arith.constant 80 : index
      %swap3A_176 = tpu.vector_load %arg9[%swap3A_174, %swap3A_175] {strides = array<i32>} : memref<64x128xf32, #tpu.memory_space<vmem>>, vector<1x16xf32>,
      %swap3A_177 = vector.shape_cast %swap3A_176 : vector<1x16xf32> to vector<16xf32>
      %swap3A_178 = vector.shape_cast %broadcast_in_dim3A_5 : vector<16xf32> to vector<1x16xf32>
      tpu.vector_store %arg9[%swap3A_174, %swap3A_175], %swap3A_178 {strides = array<i32>} : memref<64x128xf32, #tpu.memory_space<vmem>>, vector<1x16xf32>,
      %swap3A_179 = arith.index_cast %scan3A_148 : i32 to index
      %swap3A_180 = arith.constant 96 : index
      %swap3A_181 = tpu.vector_load %arg9[%swap3A_179, %swap3A_180] {strides = array<i32>} : memref<64x128xf32, #tpu.memory_space<vmem>>, vector<1x16xf32>,
      %swap3A_182 = vector.shape_cast %swap3A_181 : vector<1x16xf32> to vector<16xf32>
      %swap3A_183 = vector.shape_cast %broadcast_in_dim3A_5 : vector<16xf32> to vector<1x16xf32>
      tpu.vector_store %arg9[%swap3A_179, %swap3A_180], %swap3A_183 {strides = array<i32>} : memref<64x128xf32, #tpu.memory_space<vmem>>, vector<1x16xf32>,
      %swap3A_184 = arith.index_cast %scan3A_148 : i32 to index
      %swap3A_185 = arith.constant 112 : index
      %swap3A_186 = tpu.vector_load %arg9[%swap3A_184, %swap3A_185] {strides = array<i32>} : memref<64x128xf32, #tpu.memory_space<vmem>>, vector<1x16xf32>,
      %swap3A_187 = vector.shape_cast %swap3A_186 : vector<1x16xf32> to vector<16xf32>
      %swap3A_188 = vector.shape_cast %broadcast_in_dim3A_5 : vector<16xf32> to vector<1x16xf32>
      tpu.vector_store %arg9[%swap3A_184, %swap3A_185], %swap3A_188 {strides = array<i32>} : memref<64x128xf32, #tpu.memory_space<vmem>>, vector<1x16xf32>,
    }
    %scan3A_10 = arith.constant 64 : i32
    %iota3A = tpu.iota {dimensions = array<i32: 0>} : vector<16xi32>
    %scan3A_11 = arith.constant 0 : i32
    %scan3A_12 = arith.constant 0 : i32
    %scan3A_13 = arith.constant 16 : i32
    %scan3A_14 = arith.addi %scan3A_12, %scan3A_13 : i32
    %scan3A_15 = arith.constant 1 : i32
    scf.for %scan3A_23 = %scan3A_12 to %scan3A_14 step %scan3A_15  : i32 {
      %mul3A_24 = arith.constant 640 : i32
      %mul3A_25 = arith.muli %scan3A_23, %mul3A_24 : i32
      %add3A_26 = arith.constant 0 : i32
      %add3A_27 = arith.addi %mul3A_25, %add3A_26 : i32
      %get3A = arith.index_cast %add3A_27 : i32 to index
      %get3A_28 = tpu.vector_load %arg5[%get3A] {strides = array<i32>} : memref<10240xi32, #tpu.memory_space<vmem>>, vector<16xi32>,
      %get3A_29 = vector.shape_cast %get3A_28 : vector<16xi32> to vector<16xi32>
      %shift_right_logical3A = arith.constant 1 : i32
      %shift_right_logical3A_30 = vector.broadcast %shift_right_logical3A : i32 to vector<16xi32>
      %shift_right_logical3A_31 = arith.shrui %get3A_29, %shift_right_logical3A_30 : vector<16xi32>
      %swap3A = arith.index_cast %add3A_27 : i32 to index
      %swap3A_32 = tpu.vector_load %arg5[%swap3A] {strides = array<i32>} : memref<10240xi32, #tpu.memory_space<vmem>>, vector<16xi32>,
      %swap3A_33 = vector.shape_cast %swap3A_32 : vector<16xi32> to vector<16xi32>
      %swap3A_34 = vector.shape_cast %shift_right_logical3A_31 : vector<16xi32> to vector<16xi32>
      tpu.vector_store %arg5[%swap3A], %swap3A_34 {strides = array<i32>} : memref<10240xi32, #tpu.memory_space<vmem>>, vector<16xi32>,
      %add3A_35 = arith.constant 0 : i32
      %add3A_36 = vector.broadcast %add3A_35 : i32 to vector<16xi32>
      %add3A_37 = arith.addi %add3A_36, %iota3A : vector<16xi32>
      %mul3A_38 = arith.constant 52429 : i32
      %mul3A_39 = vector.broadcast %mul3A_38 : i32 to vector<16xi32>
      %mul3A_40 = arith.muli %add3A_37, %mul3A_39 : vector<16xi32>
      %shift_right_logical3A_41 = arith.constant 20 : i32
      %shift_right_logical3A_42 = vector.broadcast %shift_right_logical3A_41 : i32 to vector<16xi32>
      %shift_right_logical3A_43 = arith.shrui %mul3A_40, %shift_right_logical3A_42 : vector<16xi32>
      %mul3A_44 = arith.constant 2 : i32
      %mul3A_45 = vector.broadcast %mul3A_44 : i32 to vector<16xi32>
      %mul3A_46 = arith.muli %mul3A_45, %shift_right_logical3A_43 : vector<16xi32>
      %add3A_47 = vector.broadcast %mul3A_2 : i32 to vector<16xi32>
      %add3A_48 = arith.addi %add3A_47, %mul3A_46 : vector<16xi32>
      %and3A = arith.constant 1 : i32
      %and3A_49 = vector.broadcast %and3A : i32 to vector<16xi32>
      %and3A_50 = arith.andi %get3A_29, %and3A_49 : vector<16xi32>
      %add3A_51 = arith.addi %add3A_48, %and3A_50 : vector<16xi32>
      %mul3A_52 = arith.constant 5 : i32
      %mul3A_53 = arith.muli %scan3A_23, %mul3A_52 : i32
      %add3A_54 = arith.constant 0 : i32
      %add3A_55 = arith.addi %mul3A_53, %add3A_54 : i32
      %swap3A_56 = arith.index_cast %add3A_55 : i32 to index
      %swap3A_57 = arith.constant 0 : index
      %swap3A_58 = tpu.vector_load %arg6[%swap3A_56, %swap3A_57] {strides = array<i32>} : memref<80x128xi32, #tpu.memory_space<vmem>>, vector<1x16xi32>,
      %swap3A_59 = vector.shape_cast %swap3A_58 : vector<1x16xi32> to vector<16xi32>
      %swap3A_60 = vector.shape_cast %add3A_51 : vector<16xi32> to vector<1x16xi32>
      tpu.vector_store %arg6[%swap3A_56, %swap3A_57], %swap3A_60 {strides = array<i32>} : memref<80x128xi32, #tpu.memory_space<vmem>>, vector<1x16xi32>,
      %mul3A_61 = arith.constant 640 : i32
      %mul3A_62 = arith.muli %scan3A_23, %mul3A_61 : i32
      %add3A_63 = arith.constant 16 : i32
      %add3A_64 = arith.addi %mul3A_62, %add3A_63 : i32
      %get3A_65 = arith.index_cast %add3A_64 : i32 to index
      %get3A_66 = tpu.vector_load %arg5[%get3A_65] {strides = array<i32>} : memref<10240xi32, #tpu.memory_space<vmem>>, vector<16xi32>,
      %get3A_67 = vector.shape_cast %get3A_66 : vector<16xi32> to vector<16xi32>
      %shift_right_logical3A_68 = arith.constant 1 : i32
      %shift_right_logical3A_69 = vector.broadcast %shift_right_logical3A_68 : i32 to vector<16xi32>
      %shift_right_logical3A_70 = arith.shrui %get3A_67, %shift_right_logical3A_69 : vector<16xi32>
      %swap3A_71 = arith.index_cast %add3A_64 : i32 to index
      %swap3A_72 = tpu.vector_load %arg5[%swap3A_71] {strides = array<i32>} : memref<10240xi32, #tpu.memory_space<vmem>>, vector<16xi32>,
      %swap3A_73 = vector.shape_cast %swap3A_72 : vector<16xi32> to vector<16xi32>
      %swap3A_74 = vector.shape_cast %shift_right_logical3A_70 : vector<16xi32> to vector<16xi32>
      tpu.vector_store %arg5[%swap3A_71], %swap3A_74 {strides = array<i32>} : memref<10240xi32, #tpu.memory_space<vmem>>, vector<16xi32>,
      %add3A_75 = arith.constant 16 : i32
      %add3A_76 = vector.broadcast %add3A_75 : i32 to vector<16xi32>
      %add3A_77 = arith.addi %add3A_76, %iota3A : vector<16xi32>
      %mul3A_78 = arith.constant 52429 : i32
      %mul3A_79 = vector.broadcast %mul3A_78 : i32 to vector<16xi32>
      %mul3A_80 = arith.muli %add3A_77, %mul3A_79 : vector<16xi32>
      %shift_right_logical3A_81 = arith.constant 20 : i32
      %shift_right_logical3A_82 = vector.broadcast %shift_right_logical3A_81 : i32 to vector<16xi32>
      %shift_right_logical3A_83 = arith.shrui %mul3A_80, %shift_right_logical3A_82 : vector<16xi32>
      %mul3A_84 = arith.constant 2 : i32
      %mul3A_85 = vector.broadcast %mul3A_84 : i32 to vector<16xi32>
      %mul3A_86 = arith.muli %mul3A_85, %shift_right_logical3A_83 : vector<16xi32>
      %add3A_87 = vector.broadcast %mul3A_2 : i32 to vector<16xi32>
      %add3A_88 = arith.addi %add3A_87, %mul3A_86 : vector<16xi32>
      %and3A_89 = arith.constant 1 : i32
      %and3A_90 = vector.broadcast %and3A_89 : i32 to vector<16xi32>
      %and3A_91 = arith.andi %get3A_67, %and3A_90 : vector<16xi32>
      %add3A_92 = arith.addi %add3A_88, %and3A_91 : vector<16xi32>
      %mul3A_93 = arith.constant 5 : i32
      %mul3A_94 = arith.muli %scan3A_23, %mul3A_93 : i32
      %add3A_95 = arith.constant 0 : i32
      %add3A_96 = arith.addi %mul3A_94, %add3A_95 : i32
      %swap3A_97 = arith.index_cast %add3A_96 : i32 to index
      %swap3A_98 = arith.constant 16 : index
      %swap3A_99 = tpu.vector_load %arg6[%swap3A_97, %swap3A_98] {strides = array<i32>} : memref<80x128xi32, #tpu.memory_space<vmem>>, vector<1x16xi32>,
      %swap3A_100 = vector.shape_cast %swap3A_99 : vector<1x16xi32> to vector<16xi32>
      %swap3A_101 = vector.shape_cast %add3A_92 : vector<16xi32> to vector<1x16xi32>
      tpu.vector_store %arg6[%swap3A_97, %swap3A_98], %swap3A_101 {strides = array<i32>} : memref<80x128xi32, #tpu.memory_space<vmem>>, vector<1x16xi32>,
      %mul3A_102 = arith.constant 640 : i32
      %mul3A_103 = arith.muli %scan3A_23, %mul3A_102 : i32
      %add3A_104 = arith.constant 32 : i32
      %add3A_105 = arith.addi %mul3A_103, %add3A_104 : i32
      %get3A_106 = arith.index_cast %add3A_105 : i32 to index
      %get3A_107 = tpu.vector_load %arg5[%get3A_106] {strides = array<i32>} : memref<10240xi32, #tpu.memory_space<vmem>>, vector<16xi32>,
      %get3A_108 = vector.shape_cast %get3A_107 : vector<16xi32> to vector<16xi32>
      %shift_right_logical3A_109 = arith.constant 1 : i32
      %shift_right_logical3A_110 = vector.broadcast %shift_right_logical3A_109 : i32 to vector<16xi32>
      %shift_right_logical3A_111 = arith.shrui %get3A_108, %shift_right_logical3A_110 : vector<16xi32>
      %swap3A_112 = arith.index_cast %add3A_105 : i32 to index
      %swap3A_113 = tpu.vector_load %arg5[%swap3A_112] {strides = array<i32>} : memref<10240xi32, #tpu.memory_space<vmem>>, vector<16xi32>,
      %swap3A_114 = vector.shape_cast %swap3A_113 : vector<16xi32> to vector<16xi32>
      %swap3A_115 = vector.shape_cast %shift_right_logical3A_111 : vector<16xi32> to vector<16xi32>
      tpu.vector_store %arg5[%swap3A_112], %swap3A_115 {strides = array<i32>} : memref<10240xi32, #tpu.memory_space<vmem>>, vector<16xi32>,
      %add3A_116 = arith.constant 32 : i32
      %add3A_117 = vector.broadcast %add3A_116 : i32 to vector<16xi32>
      %add3A_118 = arith.addi %add3A_117, %iota3A : vector<16xi32>
      %mul3A_119 = arith.constant 52429 : i32
      %mul3A_120 = vector.broadcast %mul3A_119 : i32 to vector<16xi32>
      %mul3A_121 = arith.muli %add3A_118, %mul3A_120 : vector<16xi32>
      %shift_right_logical3A_122 = arith.constant 20 : i32
      %shift_right_logical3A_123 = vector.broadcast %shift_right_logical3A_122 : i32 to vector<16xi32>
      %shift_right_logical3A_124 = arith.shrui %mul3A_121, %shift_right_logical3A_123 : vector<16xi32>
      %mul3A_125 = arith.constant 2 : i32
      %mul3A_126 = vector.broadcast %mul3A_125 : i32 to vector<16xi32>
      %mul3A_127 = arith.muli %mul3A_126, %shift_right_logical3A_124 : vector<16xi32>
      %add3A_128 = vector.broadcast %mul3A_2 : i32 to vector<16xi32>
      %add3A_129 = arith.addi %add3A_128, %mul3A_127 : vector<16xi32>
      %and3A_130 = arith.constant 1 : i32
      %and3A_131 = vector.broadcast %and3A_130 : i32 to vector<16xi32>
      %and3A_132 = arith.andi %get3A_108, %and3A_131 : vector<16xi32>
      %add3A_133 = arith.addi %add3A_129, %and3A_132 : vector<16xi32>
      %mul3A_134 = arith.constant 5 : i32
      %mul3A_135 = arith.muli %scan3A_23, %mul3A_134 : i32
      %add3A_136 = arith.constant 0 : i32
      %add3A_137 = arith.addi %mul3A_135, %add3A_136 : i32
      %swap3A_138 = arith.index_cast %add3A_137 : i32 to index
      %swap3A_139 = arith.constant 32 : index
      %swap3A_140 = tpu.vector_load %arg6[%swap3A_138, %swap3A_139] {strides = array<i32>} : memref<80x128xi32, #tpu.memory_space<vmem>>, vector<1x16xi32>,
      %swap3A_141 = vector.shape_cast %swap3A_140 : vector<1x16xi32> to vector<16xi32>
      %swap3A_142 = vector.shape_cast %add3A_133 : vector<16xi32> to vector<1x16xi32>
      tpu.vector_store %arg6[%swap3A_138, %swap3A_139], %swap3A_142 {strides = array<i32>} : memref<80x128xi32, #tpu.memory_space<vmem>>, vector<1x16xi32>,
      %mul3A_143 = arith.constant 640 : i32
      %mul3A_144 = arith.muli %scan3A_23, %mul3A_143 : i32
      %add3A_145 = arith.constant 48 : i32
      %add3A_146 = arith.addi %mul3A_144, %add3A_145 : i32
      %get3A_147 = arith.index_cast %add3A_146 : i32 to index
      %get3A_148 = tpu.vector_load %arg5[%get3A_147] {strides = array<i32>} : memref<10240xi32, #tpu.memory_space<vmem>>, vector<16xi32>,
      %get3A_149 = vector.shape_cast %get3A_148 : vector<16xi32> to vector<16xi32>
      %shift_right_logical3A_150 = arith.constant 1 : i32
      %shift_right_logical3A_151 = vector.broadcast %shift_right_logical3A_150 : i32 to vector<16xi32>
      %shift_right_logical3A_152 = arith.shrui %get3A_149, %shift_right_logical3A_151 : vector<16xi32>
      %swap3A_153 = arith.index_cast %add3A_146 : i32 to index
      %swap3A_154 = tpu.vector_load %arg5[%swap3A_153] {strides = array<i32>} : memref<10240xi32, #tpu.memory_space<vmem>>, vector<16xi32>,
      %swap3A_155 = vector.shape_cast %swap3A_154 : vector<16xi32> to vector<16xi32>
      %swap3A_156 = vector.shape_cast %shift_right_logical3A_152 : vector<16xi32> to vector<16xi32>
      tpu.vector_store %arg5[%swap3A_153], %swap3A_156 {strides = array<i32>} : memref<10240xi32, #tpu.memory_space<vmem>>, vector<16xi32>,
      %add3A_157 = arith.constant 48 : i32
      %add3A_158 = vector.broadcast %add3A_157 : i32 to vector<16xi32>
      %add3A_159 = arith.addi %add3A_158, %iota3A : vector<16xi32>
      %mul3A_160 = arith.constant 52429 : i32
      %mul3A_161 = vector.broadcast %mul3A_160 : i32 to vector<16xi32>
      %mul3A_162 = arith.muli %add3A_159, %mul3A_161 : vector<16xi32>
      %shift_right_logical3A_163 = arith.constant 20 : i32
      %shift_right_logical3A_164 = vector.broadcast %shift_right_logical3A_163 : i32 to vector<16xi32>
      %shift_right_logical3A_165 = arith.shrui %mul3A_162, %shift_right_logical3A_164 : vector<16xi32>
      %mul3A_166 = arith.constant 2 : i32
      %mul3A_167 = vector.broadcast %mul3A_166 : i32 to vector<16xi32>
      %mul3A_168 = arith.muli %mul3A_167, %shift_right_logical3A_165 : vector<16xi32>
      %add3A_169 = vector.broadcast %mul3A_2 : i32 to vector<16xi32>
      %add3A_170 = arith.addi %add3A_169, %mul3A_168 : vector<16xi32>
      %and3A_171 = arith.constant 1 : i32
      %and3A_172 = vector.broadcast %and3A_171 : i32 to vector<16xi32>
      %and3A_173 = arith.andi %get3A_149, %and3A_172 : vector<16xi32>
      %add3A_174 = arith.addi %add3A_170, %and3A_173 : vector<16xi32>
      %mul3A_175 = arith.constant 5 : i32
      %mul3A_176 = arith.muli %scan3A_23, %mul3A_175 : i32
      %add3A_177 = arith.constant 0 : i32
      %add3A_178 = arith.addi %mul3A_176, %add3A_177 : i32
      %swap3A_179 = arith.index_cast %add3A_178 : i32 to index
      %swap3A_180 = arith.constant 48 : index
      %swap3A_181 = tpu.vector_load %arg6[%swap3A_179, %swap3A_180] {strides = array<i32>} : memref<80x128xi32, #tpu.memory_space<vmem>>, vector<1x16xi32>,
      %swap3A_182 = vector.shape_cast %swap3A_181 : vector<1x16xi32> to vector<16xi32>
      %swap3A_183 = vector.shape_cast %add3A_174 : vector<16xi32> to vector<1x16xi32>
      tpu.vector_store %arg6[%swap3A_179, %swap3A_180], %swap3A_183 {strides = array<i32>} : memref<80x128xi32, #tpu.memory_space<vmem>>, vector<1x16xi32>,
      %mul3A_184 = arith.constant 640 : i32
      %mul3A_185 = arith.muli %scan3A_23, %mul3A_184 : i32
      %add3A_186 = arith.constant 64 : i32
      %add3A_187 = arith.addi %mul3A_185, %add3A_186 : i32
      %get3A_188 = arith.index_cast %add3A_187 : i32 to index
      %get3A_189 = tpu.vector_load %arg5[%get3A_188] {strides = array<i32>} : memref<10240xi32, #tpu.memory_space<vmem>>, vector<16xi32>,
      %get3A_190 = vector.shape_cast %get3A_189 : vector<16xi32> to vector<16xi32>
      %shift_right_logical3A_191 = arith.constant 1 : i32
      %shift_right_logical3A_192 = vector.broadcast %shift_right_logical3A_191 : i32 to vector<16xi32>
      %shift_right_logical3A_193 = arith.shrui %get3A_190, %shift_right_logical3A_192 : vector<16xi32>
      %swap3A_194 = arith.index_cast %add3A_187 : i32 to index
      %swap3A_195 = tpu.vector_load %arg5[%swap3A_194] {strides = array<i32>} : memref<10240xi32, #tpu.memory_space<vmem>>, vector<16xi32>,
      %swap3A_196 = vector.shape_cast %swap3A_195 : vector<16xi32> to vector<16xi32>
      %swap3A_197 = vector.shape_cast %shift_right_logical3A_193 : vector<16xi32> to vector<16xi32>
      tpu.vector_store %arg5[%swap3A_194], %swap3A_197 {strides = array<i32>} : memref<10240xi32, #tpu.memory_space<vmem>>, vector<16xi32>,
      %add3A_198 = arith.constant 64 : i32
      %add3A_199 = vector.broadcast %add3A_198 : i32 to vector<16xi32>
      %add3A_200 = arith.addi %add3A_199, %iota3A : vector<16xi32>
      %mul3A_201 = arith.constant 52429 : i32
      %mul3A_202 = vector.broadcast %mul3A_201 : i32 to vector<16xi32>
      %mul3A_203 = arith.muli %add3A_200, %mul3A_202 : vector<16xi32>
      %shift_right_logical3A_204 = arith.constant 20 : i32
      %shift_right_logical3A_205 = vector.broadcast %shift_right_logical3A_204 : i32 to vector<16xi32>
      %shift_right_logical3A_206 = arith.shrui %mul3A_203, %shift_right_logical3A_205 : vector<16xi32>
      %mul3A_207 = arith.constant 2 : i32
      %mul3A_208 = vector.broadcast %mul3A_207 : i32 to vector<16xi32>
      %mul3A_209 = arith.muli %mul3A_208, %shift_right_logical3A_206 : vector<16xi32>
      %add3A_210 = vector.broadcast %mul3A_2 : i32 to vector<16xi32>
      %add3A_211 = arith.addi %add3A_210, %mul3A_209 : vector<16xi32>
      %and3A_212 = arith.constant 1 : i32
      %and3A_213 = vector.broadcast %and3A_212 : i32 to vector<16xi32>
      %and3A_214 = arith.andi %get3A_190, %and3A_213 : vector<16xi32>
      %add3A_215 = arith.addi %add3A_211, %and3A_214 : vector<16xi32>
      %mul3A_216 = arith.constant 5 : i32
      %mul3A_217 = arith.muli %scan3A_23, %mul3A_216 : i32
      %add3A_218 = arith.constant 0 : i32
      %add3A_219 = arith.addi %mul3A_217, %add3A_218 : i32
      %swap3A_220 = arith.index_cast %add3A_219 : i32 to index
      %swap3A_221 = arith.constant 64 : index
      %swap3A_222 = tpu.vector_load %arg6[%swap3A_220, %swap3A_221] {strides = array<i32>} : memref<80x128xi32, #tpu.memory_space<vmem>>, vector<1x16xi32>,
      %swap3A_223 = vector.shape_cast %swap3A_222 : vector<1x16xi32> to vector<16xi32>
      %swap3A_224 = vector.shape_cast %add3A_215 : vector<16xi32> to vector<1x16xi32>
      tpu.vector_store %arg6[%swap3A_220, %swap3A_221], %swap3A_224 {strides = array<i32>} : memref<80x128xi32, #tpu.memory_space<vmem>>, vector<1x16xi32>,
      %mul3A_225 = arith.constant 640 : i32
      %mul3A_226 = arith.muli %scan3A_23, %mul3A_225 : i32
      %add3A_227 = arith.constant 80 : i32
      %add3A_228 = arith.addi %mul3A_226, %add3A_227 : i32
      %get3A_229 = arith.index_cast %add3A_228 : i32 to index
      %get3A_230 = tpu.vector_load %arg5[%get3A_229] {strides = array<i32>} : memref<10240xi32, #tpu.memory_space<vmem>>, vector<16xi32>,
      %get3A_231 = vector.shape_cast %get3A_230 : vector<16xi32> to vector<16xi32>
      %shift_right_logical3A_232 = arith.constant 1 : i32
      %shift_right_logical3A_233 = vector.broadcast %shift_right_logical3A_232 : i32 to vector<16xi32>
      %shift_right_logical3A_234 = arith.shrui %get3A_231, %shift_right_logical3A_233 : vector<16xi32>
      %swap3A_235 = arith.index_cast %add3A_228 : i32 to index
      %swap3A_236 = tpu.vector_load %arg5[%swap3A_235] {strides = array<i32>} : memref<10240xi32, #tpu.memory_space<vmem>>, vector<16xi32>,
      %swap3A_237 = vector.shape_cast %swap3A_236 : vector<16xi32> to vector<16xi32>
      %swap3A_238 = vector.shape_cast %shift_right_logical3A_234 : vector<16xi32> to vector<16xi32>
      tpu.vector_store %arg5[%swap3A_235], %swap3A_238 {strides = array<i32>} : memref<10240xi32, #tpu.memory_space<vmem>>, vector<16xi32>,
      %add3A_239 = arith.constant 80 : i32
      %add3A_240 = vector.broadcast %add3A_239 : i32 to vector<16xi32>
      %add3A_241 = arith.addi %add3A_240, %iota3A : vector<16xi32>
      %mul3A_242 = arith.constant 52429 : i32
      %mul3A_243 = vector.broadcast %mul3A_242 : i32 to vector<16xi32>
      %mul3A_244 = arith.muli %add3A_241, %mul3A_243 : vector<16xi32>
      %shift_right_logical3A_245 = arith.constant 20 : i32
      %shift_right_logical3A_246 = vector.broadcast %shift_right_logical3A_245 : i32 to vector<16xi32>
      %shift_right_logical3A_247 = arith.shrui %mul3A_244, %shift_right_logical3A_246 : vector<16xi32>
      %mul3A_248 = arith.constant 2 : i32
      %mul3A_249 = vector.broadcast %mul3A_248 : i32 to vector<16xi32>
      %mul3A_250 = arith.muli %mul3A_249, %shift_right_logical3A_247 : vector<16xi32>
      %add3A_251 = vector.broadcast %mul3A_2 : i32 to vector<16xi32>
      %add3A_252 = arith.addi %add3A_251, %mul3A_250 : vector<16xi32>
      %and3A_253 = arith.constant 1 : i32
      %and3A_254 = vector.broadcast %and3A_253 : i32 to vector<16xi32>
      %and3A_255 = arith.andi %get3A_231, %and3A_254 : vector<16xi32>
      %add3A_256 = arith.addi %add3A_252, %and3A_255 : vector<16xi32>
      %mul3A_257 = arith.constant 5 : i32
      %mul3A_258 = arith.muli %scan3A_23, %mul3A_257 : i32
      %add3A_259 = arith.constant 0 : i32
      %add3A_260 = arith.addi %mul3A_258, %add3A_259 : i32
      %swap3A_261 = arith.index_cast %add3A_260 : i32 to index
      %swap3A_262 = arith.constant 80 : index
      %swap3A_263 = tpu.vector_load %arg6[%swap3A_261, %swap3A_262] {strides = array<i32>} : memref<80x128xi32, #tpu.memory_space<vmem>>, vector<1x16xi32>,
      %swap3A_264 = vector.shape_cast %swap3A_263 : vector<1x16xi32> to vector<16xi32>
      %swap3A_265 = vector.shape_cast %add3A_256 : vector<16xi32> to vector<1x16xi32>
      tpu.vector_store %arg6[%swap3A_261, %swap3A_262], %swap3A_265 {strides = array<i32>} : memref<80x128xi32, #tpu.memory_space<vmem>>, vector<1x16xi32>,
      %mul3A_266 = arith.constant 640 : i32
      %mul3A_267 = arith.muli %scan3A_23, %mul3A_266 : i32
      %add3A_268 = arith.constant 96 : i32
      %add3A_269 = arith.addi %mul3A_267, %add3A_268 : i32
      %get3A_270 = arith.index_cast %add3A_269 : i32 to index
      %get3A_271 = tpu.vector_load %arg5[%get3A_270] {strides = array<i32>} : memref<10240xi32, #tpu.memory_space<vmem>>, vector<16xi32>,
      %get3A_272 = vector.shape_cast %get3A_271 : vector<16xi32> to vector<16xi32>
      %shift_right_logical3A_273 = arith.constant 1 : i32
      %shift_right_logical3A_274 = vector.broadcast %shift_right_logical3A_273 : i32 to vector<16xi32>
      %shift_right_logical3A_275 = arith.shrui %get3A_272, %shift_right_logical3A_274 : vector<16xi32>
      %swap3A_276 = arith.index_cast %add3A_269 : i32 to index
      %swap3A_277 = tpu.vector_load %arg5[%swap3A_276] {strides = array<i32>} : memref<10240xi32, #tpu.memory_space<vmem>>, vector<16xi32>,
      %swap3A_278 = vector.shape_cast %swap3A_277 : vector<16xi32> to vector<16xi32>
      %swap3A_279 = vector.shape_cast %shift_right_logical3A_275 : vector<16xi32> to vector<16xi32>
      tpu.vector_store %arg5[%swap3A_276], %swap3A_279 {strides = array<i32>} : memref<10240xi32, #tpu.memory_space<vmem>>, vector<16xi32>,
      %add3A_280 = arith.constant 96 : i32
      %add3A_281 = vector.broadcast %add3A_280 : i32 to vector<16xi32>
      %add3A_282 = arith.addi %add3A_281, %iota3A : vector<16xi32>
      %mul3A_283 = arith.constant 52429 : i32
      %mul3A_284 = vector.broadcast %mul3A_283 : i32 to vector<16xi32>
      %mul3A_285 = arith.muli %add3A_282, %mul3A_284 : vector<16xi32>
      %shift_right_logical3A_286 = arith.constant 20 : i32
      %shift_right_logical3A_287 = vector.broadcast %shift_right_logical3A_286 : i32 to vector<16xi32>
      %shift_right_logical3A_288 = arith.shrui %mul3A_285, %shift_right_logical3A_287 : vector<16xi32>
      %mul3A_289 = arith.constant 2 : i32
      %mul3A_290 = vector.broadcast %mul3A_289 : i32 to vector<16xi32>
      %mul3A_291 = arith.muli %mul3A_290, %shift_right_logical3A_288 : vector<16xi32>
      %add3A_292 = vector.broadcast %mul3A_2 : i32 to vector<16xi32>
      %add3A_293 = arith.addi %add3A_292, %mul3A_291 : vector<16xi32>
      %and3A_294 = arith.constant 1 : i32
      %and3A_295 = vector.broadcast %and3A_294 : i32 to vector<16xi32>
      %and3A_296 = arith.andi %get3A_272, %and3A_295 : vector<16xi32>
      %add3A_297 = arith.addi %add3A_293, %and3A_296 : vector<16xi32>
      %mul3A_298 = arith.constant 5 : i32
      %mul3A_299 = arith.muli %scan3A_23, %mul3A_298 : i32
      %add3A_300 = arith.constant 0 : i32
      %add3A_301 = arith.addi %mul3A_299, %add3A_300 : i32
      %swap3A_302 = arith.index_cast %add3A_301 : i32 to index
      %swap3A_303 = arith.constant 96 : index
      %swap3A_304 = tpu.vector_load %arg6[%swap3A_302, %swap3A_303] {strides = array<i32>} : memref<80x128xi32, #tpu.memory_space<vmem>>, vector<1x16xi32>,
      %swap3A_305 = vector.shape_cast %swap3A_304 : vector<1x16xi32> to vector<16xi32>
      %swap3A_306 = vector.shape_cast %add3A_297 : vector<16xi32> to vector<1x16xi32>
      tpu.vector_store %arg6[%swap3A_302, %swap3A_303], %swap3A_306 {strides = array<i32>} : memref<80x128xi32, #tpu.memory_space<vmem>>, vector<1x16xi32>,
      %mul3A_307 = arith.constant 640 : i32
      %mul3A_308 = arith.muli %scan3A_23, %mul3A_307 : i32
      %add3A_309 = arith.constant 112 : i32
      %add3A_310 = arith.addi %mul3A_308, %add3A_309 : i32
      %get3A_311 = arith.index_cast %add3A_310 : i32 to index
      %get3A_312 = tpu.vector_load %arg5[%get3A_311] {strides = array<i32>} : memref<10240xi32, #tpu.memory_space<vmem>>, vector<16xi32>,
      %get3A_313 = vector.shape_cast %get3A_312 : vector<16xi32> to vector<16xi32>
      %shift_right_logical3A_314 = arith.constant 1 : i32
      %shift_right_logical3A_315 = vector.broadcast %shift_right_logical3A_314 : i32 to vector<16xi32>
      %shift_right_logical3A_316 = arith.shrui %get3A_313, %shift_right_logical3A_315 : vector<16xi32>
      %swap3A_317 = arith.index_cast %add3A_310 : i32 to index
      %swap3A_318 = tpu.vector_load %arg5[%swap3A_317] {strides = array<i32>} : memref<10240xi32, #tpu.memory_space<vmem>>, vector<16xi32>,
      %swap3A_319 = vector.shape_cast %swap3A_318 : vector<16xi32> to vector<16xi32>
      %swap3A_320 = vector.shape_cast %shift_right_logical3A_316 : vector<16xi32> to vector<16xi32>
      tpu.vector_store %arg5[%swap3A_317], %swap3A_320 {strides = array<i32>} : memref<10240xi32, #tpu.memory_space<vmem>>, vector<16xi32>,
      %add3A_321 = arith.constant 112 : i32
      %add3A_322 = vector.broadcast %add3A_321 : i32 to vector<16xi32>
      %add3A_323 = arith.addi %add3A_322, %iota3A : vector<16xi32>
      %mul3A_324 = arith.constant 52429 : i32
      %mul3A_325 = vector.broadcast %mul3A_324 : i32 to vector<16xi32>
      %mul3A_326 = arith.muli %add3A_323, %mul3A_325 : vector<16xi32>
      %shift_right_logical3A_327 = arith.constant 20 : i32
      %shift_right_logical3A_328 = vector.broadcast %shift_right_logical3A_327 : i32 to vector<16xi32>
      %shift_right_logical3A_329 = arith.shrui %mul3A_326, %shift_right_logical3A_328 : vector<16xi32>
      %mul3A_330 = arith.constant 2 : i32
      %mul3A_331 = vector.broadcast %mul3A_330 : i32 to vector<16xi32>
      %mul3A_332 = arith.muli %mul3A_331, %shift_right_logical3A_329 : vector<16xi32>
      %add3A_333 = vector.broadcast %mul3A_2 : i32 to vector<16xi32>
      %add3A_334 = arith.addi %add3A_333, %mul3A_332 : vector<16xi32>
      %and3A_335 = arith.constant 1 : i32
      %and3A_336 = vector.broadcast %and3A_335 : i32 to vector<16xi32>
      %and3A_337 = arith.andi %get3A_313, %and3A_336 : vector<16xi32>
      %add3A_338 = arith.addi %add3A_334, %and3A_337 : vector<16xi32>
      %mul3A_339 = arith.constant 5 : i32
      %mul3A_340 = arith.muli %scan3A_23, %mul3A_339 : i32
      %add3A_341 = arith.constant 0 : i32
      %add3A_342 = arith.addi %mul3A_340, %add3A_341 : i32
      %swap3A_343 = arith.index_cast %add3A_342 : i32 to index
      %swap3A_344 = arith.constant 112 : index
      %swap3A_345 = tpu.vector_load %arg6[%swap3A_343, %swap3A_344] {strides = array<i32>} : memref<80x128xi32, #tpu.memory_space<vmem>>, vector<1x16xi32>,
      %swap3A_346 = vector.shape_cast %swap3A_345 : vector<1x16xi32> to vector<16xi32>
      %swap3A_347 = vector.shape_cast %add3A_338 : vector<16xi32> to vector<1x16xi32>
      tpu.vector_store %arg6[%swap3A_343, %swap3A_344], %swap3A_347 {strides = array<i32>} : memref<80x128xi32, #tpu.memory_space<vmem>>, vector<1x16xi32>,
      %mul3A_348 = arith.constant 640 : i32
      %mul3A_349 = arith.muli %scan3A_23, %mul3A_348 : i32
      %add3A_350 = arith.constant 128 : i32
      %add3A_351 = arith.addi %mul3A_349, %add3A_350 : i32
      %get3A_352 = arith.index_cast %add3A_351 : i32 to index
      %get3A_353 = tpu.vector_load %arg5[%get3A_352] {strides = array<i32>} : memref<10240xi32, #tpu.memory_space<vmem>>, vector<16xi32>,
      %get3A_354 = vector.shape_cast %get3A_353 : vector<16xi32> to vector<16xi32>
      %shift_right_logical3A_355 = arith.constant 1 : i32
      %shift_right_logical3A_356 = vector.broadcast %shift_right_logical3A_355 : i32 to vector<16xi32>
      %shift_right_logical3A_357 = arith.shrui %get3A_354, %shift_right_logical3A_356 : vector<16xi32>
      %swap3A_358 = arith.index_cast %add3A_351 : i32 to index
      %swap3A_359 = tpu.vector_load %arg5[%swap3A_358] {strides = array<i32>} : memref<10240xi32, #tpu.memory_space<vmem>>, vector<16xi32>,
      %swap3A_360 = vector.shape_cast %swap3A_359 : vector<16xi32> to vector<16xi32>
      %swap3A_361 = vector.shape_cast %shift_right_logical3A_357 : vector<16xi32> to vector<16xi32>
      tpu.vector_store %arg5[%swap3A_358], %swap3A_361 {strides = array<i32>} : memref<10240xi32, #tpu.memory_space<vmem>>, vector<16xi32>,
      %add3A_362 = arith.constant 128 : i32
      %add3A_363 = vector.broadcast %add3A_362 : i32 to vector<16xi32>
      %add3A_364 = arith.addi %add3A_363, %iota3A : vector<16xi32>
      %mul3A_365 = arith.constant 52429 : i32
      %mul3A_366 = vector.broadcast %mul3A_365 : i32 to vector<16xi32>
      %mul3A_367 = arith.muli %add3A_364, %mul3A_366 : vector<16xi32>
      %shift_right_logical3A_368 = arith.constant 20 : i32
      %shift_right_logical3A_369 = vector.broadcast %shift_right_logical3A_368 : i32 to vector<16xi32>
      %shift_right_logical3A_370 = arith.shrui %mul3A_367, %shift_right_logical3A_369 : vector<16xi32>
      %mul3A_371 = arith.constant 2 : i32
      %mul3A_372 = vector.broadcast %mul3A_371 : i32 to vector<16xi32>
      %mul3A_373 = arith.muli %mul3A_372, %shift_right_logical3A_370 : vector<16xi32>
      %add3A_374 = vector.broadcast %mul3A_2 : i32 to vector<16xi32>
      %add3A_375 = arith.addi %add3A_374, %mul3A_373 : vector<16xi32>
      %and3A_376 = arith.constant 1 : i32
      %and3A_377 = vector.broadcast %and3A_376 : i32 to vector<16xi32>
      %and3A_378 = arith.andi %get3A_354, %and3A_377 : vector<16xi32>
      %add3A_379 = arith.addi %add3A_375, %and3A_378 : vector<16xi32>
      %mul3A_380 = arith.constant 5 : i32
      %mul3A_381 = arith.muli %scan3A_23, %mul3A_380 : i32
      %add3A_382 = arith.constant 1 : i32
      %add3A_383 = arith.addi %mul3A_381, %add3A_382 : i32
      %swap3A_384 = arith.index_cast %add3A_383 : i32 to index
      %swap3A_385 = arith.constant 0 : index
      %swap3A_386 = tpu.vector_load %arg6[%swap3A_384, %swap3A_385] {strides = array<i32>} : memref<80x128xi32, #tpu.memory_space<vmem>>, vector<1x16xi32>,
      %swap3A_387 = vector.shape_cast %swap3A_386 : vector<1x16xi32> to vector<16xi32>
      %swap3A_388 = vector.shape_cast %add3A_379 : vector<16xi32> to vector<1x16xi32>
      tpu.vector_store %arg6[%swap3A_384, %swap3A_385], %swap3A_388 {strides = array<i32>} : memref<80x128xi32, #tpu.memory_space<vmem>>, vector<1x16xi32>,
      %mul3A_389 = arith.constant 640 : i32
      %mul3A_390 = arith.muli %scan3A_23, %mul3A_389 : i32
      %add3A_391 = arith.constant 144 : i32
      %add3A_392 = arith.addi %mul3A_390, %add3A_391 : i32
      %get3A_393 = arith.index_cast %add3A_392 : i32 to index
      %get3A_394 = tpu.vector_load %arg5[%get3A_393] {strides = array<i32>} : memref<10240xi32, #tpu.memory_space<vmem>>, vector<16xi32>,
      %get3A_395 = vector.shape_cast %get3A_394 : vector<16xi32> to vector<16xi32>
      %shift_right_logical3A_396 = arith.constant 1 : i32
      %shift_right_logical3A_397 = vector.broadcast %shift_right_logical3A_396 : i32 to vector<16xi32>
      %shift_right_logical3A_398 = arith.shrui %get3A_395, %shift_right_logical3A_397 : vector<16xi32>
      %swap3A_399 = arith.index_cast %add3A_392 : i32 to index
      %swap3A_400 = tpu.vector_load %arg5[%swap3A_399] {strides = array<i32>} : memref<10240xi32, #tpu.memory_space<vmem>>, vector<16xi32>,
      %swap3A_401 = vector.shape_cast %swap3A_400 : vector<16xi32> to vector<16xi32>
      %swap3A_402 = vector.shape_cast %shift_right_logical3A_398 : vector<16xi32> to vector<16xi32>
      tpu.vector_store %arg5[%swap3A_399], %swap3A_402 {strides = array<i32>} : memref<10240xi32, #tpu.memory_space<vmem>>, vector<16xi32>,
      %add3A_403 = arith.constant 144 : i32
      %add3A_404 = vector.broadcast %add3A_403 : i32 to vector<16xi32>
      %add3A_405 = arith.addi %add3A_404, %iota3A : vector<16xi32>
      %mul3A_406 = arith.constant 52429 : i32
      %mul3A_407 = vector.broadcast %mul3A_406 : i32 to vector<16xi32>
      %mul3A_408 = arith.muli %add3A_405, %mul3A_407 : vector<16xi32>
      %shift_right_logical3A_409 = arith.constant 20 : i32
      %shift_right_logical3A_410 = vector.broadcast %shift_right_logical3A_409 : i32 to vector<16xi32>
      %shift_right_logical3A_411 = arith.shrui %mul3A_408, %shift_right_logical3A_410 : vector<16xi32>
      %mul3A_412 = arith.constant 2 : i32
      %mul3A_413 = vector.broadcast %mul3A_412 : i32 to vector<16xi32>
      %mul3A_414 = arith.muli %mul3A_413, %shift_right_logical3A_411 : vector<16xi32>
      %add3A_415 = vector.broadcast %mul3A_2 : i32 to vector<16xi32>
      %add3A_416 = arith.addi %add3A_415, %mul3A_414 : vector<16xi32>
      %and3A_417 = arith.constant 1 : i32
      %and3A_418 = vector.broadcast %and3A_417 : i32 to vector<16xi32>
      %and3A_419 = arith.andi %get3A_395, %and3A_418 : vector<16xi32>
      %add3A_420 = arith.addi %add3A_416, %and3A_419 : vector<16xi32>
      %mul3A_421 = arith.constant 5 : i32
      %mul3A_422 = arith.muli %scan3A_23, %mul3A_421 : i32
      %add3A_423 = arith.constant 1 : i32
      %add3A_424 = arith.addi %mul3A_422, %add3A_423 : i32
      %swap3A_425 = arith.index_cast %add3A_424 : i32 to index
      %swap3A_426 = arith.constant 16 : index
      %swap3A_427 = tpu.vector_load %arg6[%swap3A_425, %swap3A_426] {strides = array<i32>} : memref<80x128xi32, #tpu.memory_space<vmem>>, vector<1x16xi32>,
      %swap3A_428 = vector.shape_cast %swap3A_427 : vector<1x16xi32> to vector<16xi32>
      %swap3A_429 = vector.shape_cast %add3A_420 : vector<16xi32> to vector<1x16xi32>
      tpu.vector_store %arg6[%swap3A_425, %swap3A_426], %swap3A_429 {strides = array<i32>} : memref<80x128xi32, #tpu.memory_space<vmem>>, vector<1x16xi32>,
      %mul3A_430 = arith.constant 640 : i32
      %mul3A_431 = arith.muli %scan3A_23, %mul3A_430 : i32
      %add3A_432 = arith.constant 160 : i32
      %add3A_433 = arith.addi %mul3A_431, %add3A_432 : i32
      %get3A_434 = arith.index_cast %add3A_433 : i32 to index
      %get3A_435 = tpu.vector_load %arg5[%get3A_434] {strides = array<i32>} : memref<10240xi32, #tpu.memory_space<vmem>>, vector<16xi32>,
      %get3A_436 = vector.shape_cast %get3A_435 : vector<16xi32> to vector<16xi32>
      %shift_right_logical3A_437 = arith.constant 1 : i32
      %shift_right_logical3A_438 = vector.broadcast %shift_right_logical3A_437 : i32 to vector<16xi32>
      %shift_right_logical3A_439 = arith.shrui %get3A_436, %shift_right_logical3A_438 : vector<16xi32>
      %swap3A_440 = arith.index_cast %add3A_433 : i32 to index
      %swap3A_441 = tpu.vector_load %arg5[%swap3A_440] {strides = array<i32>} : memref<10240xi32, #tpu.memory_space<vmem>>, vector<16xi32>,
      %swap3A_442 = vector.shape_cast %swap3A_441 : vector<16xi32> to vector<16xi32>
      %swap3A_443 = vector.shape_cast %shift_right_logical3A_439 : vector<16xi32> to vector<16xi32>
      tpu.vector_store %arg5[%swap3A_440], %swap3A_443 {strides = array<i32>} : memref<10240xi32, #tpu.memory_space<vmem>>, vector<16xi32>,
      %add3A_444 = arith.constant 160 : i32
      %add3A_445 = vector.broadcast %add3A_444 : i32 to vector<16xi32>
      %add3A_446 = arith.addi %add3A_445, %iota3A : vector<16xi32>
      %mul3A_447 = arith.constant 52429 : i32
      %mul3A_448 = vector.broadcast %mul3A_447 : i32 to vector<16xi32>
      %mul3A_449 = arith.muli %add3A_446, %mul3A_448 : vector<16xi32>
      %shift_right_logical3A_450 = arith.constant 20 : i32
      %shift_right_logical3A_451 = vector.broadcast %shift_right_logical3A_450 : i32 to vector<16xi32>
      %shift_right_logical3A_452 = arith.shrui %mul3A_449, %shift_right_logical3A_451 : vector<16xi32>
      %mul3A_453 = arith.constant 2 : i32
      %mul3A_454 = vector.broadcast %mul3A_453 : i32 to vector<16xi32>
      %mul3A_455 = arith.muli %mul3A_454, %shift_right_logical3A_452 : vector<16xi32>
      %add3A_456 = vector.broadcast %mul3A_2 : i32 to vector<16xi32>
      %add3A_457 = arith.addi %add3A_456, %mul3A_455 : vector<16xi32>
      %and3A_458 = arith.constant 1 : i32
      %and3A_459 = vector.broadcast %and3A_458 : i32 to vector<16xi32>
      %and3A_460 = arith.andi %get3A_436, %and3A_459 : vector<16xi32>
      %add3A_461 = arith.addi %add3A_457, %and3A_460 : vector<16xi32>
      %mul3A_462 = arith.constant 5 : i32
      %mul3A_463 = arith.muli %scan3A_23, %mul3A_462 : i32
      %add3A_464 = arith.constant 1 : i32
      %add3A_465 = arith.addi %mul3A_463, %add3A_464 : i32
      %swap3A_466 = arith.index_cast %add3A_465 : i32 to index
      %swap3A_467 = arith.constant 32 : index
      %swap3A_468 = tpu.vector_load %arg6[%swap3A_466, %swap3A_467] {strides = array<i32>} : memref<80x128xi32, #tpu.memory_space<vmem>>, vector<1x16xi32>,
      %swap3A_469 = vector.shape_cast %swap3A_468 : vector<1x16xi32> to vector<16xi32>
      %swap3A_470 = vector.shape_cast %add3A_461 : vector<16xi32> to vector<1x16xi32>
      tpu.vector_store %arg6[%swap3A_466, %swap3A_467], %swap3A_470 {strides = array<i32>} : memref<80x128xi32, #tpu.memory_space<vmem>>, vector<1x16xi32>,
      %mul3A_471 = arith.constant 640 : i32
      %mul3A_472 = arith.muli %scan3A_23, %mul3A_471 : i32
      %add3A_473 = arith.constant 176 : i32
      %add3A_474 = arith.addi %mul3A_472, %add3A_473 : i32
      %get3A_475 = arith.index_cast %add3A_474 : i32 to index
      %get3A_476 = tpu.vector_load %arg5[%get3A_475] {strides = array<i32>} : memref<10240xi32, #tpu.memory_space<vmem>>, vector<16xi32>,
      %get3A_477 = vector.shape_cast %get3A_476 : vector<16xi32> to vector<16xi32>
      %shift_right_logical3A_478 = arith.constant 1 : i32
      %shift_right_logical3A_479 = vector.broadcast %shift_right_logical3A_478 : i32 to vector<16xi32>
      %shift_right_logical3A_480 = arith.shrui %get3A_477, %shift_right_logical3A_479 : vector<16xi32>
      %swap3A_481 = arith.index_cast %add3A_474 : i32 to index
      %swap3A_482 = tpu.vector_load %arg5[%swap3A_481] {strides = array<i32>} : memref<10240xi32, #tpu.memory_space<vmem>>, vector<16xi32>,
      %swap3A_483 = vector.shape_cast %swap3A_482 : vector<16xi32> to vector<16xi32>
      %swap3A_484 = vector.shape_cast %shift_right_logical3A_480 : vector<16xi32> to vector<16xi32>
      tpu.vector_store %arg5[%swap3A_481], %swap3A_484 {strides = array<i32>} : memref<10240xi32, #tpu.memory_space<vmem>>, vector<16xi32>,
      %add3A_485 = arith.constant 176 : i32
      %add3A_486 = vector.broadcast %add3A_485 : i32 to vector<16xi32>
      %add3A_487 = arith.addi %add3A_486, %iota3A : vector<16xi32>
      %mul3A_488 = arith.constant 52429 : i32
      %mul3A_489 = vector.broadcast %mul3A_488 : i32 to vector<16xi32>
      %mul3A_490 = arith.muli %add3A_487, %mul3A_489 : vector<16xi32>
      %shift_right_logical3A_491 = arith.constant 20 : i32
      %shift_right_logical3A_492 = vector.broadcast %shift_right_logical3A_491 : i32 to vector<16xi32>
      %shift_right_logical3A_493 = arith.shrui %mul3A_490, %shift_right_logical3A_492 : vector<16xi32>
      %mul3A_494 = arith.constant 2 : i32
      %mul3A_495 = vector.broadcast %mul3A_494 : i32 to vector<16xi32>
      %mul3A_496 = arith.muli %mul3A_495, %shift_right_logical3A_493 : vector<16xi32>
      %add3A_497 = vector.broadcast %mul3A_2 : i32 to vector<16xi32>
      %add3A_498 = arith.addi %add3A_497, %mul3A_496 : vector<16xi32>
      %and3A_499 = arith.constant 1 : i32
      %and3A_500 = vector.broadcast %and3A_499 : i32 to vector<16xi32>
      %and3A_501 = arith.andi %get3A_477, %and3A_500 : vector<16xi32>
      %add3A_502 = arith.addi %add3A_498, %and3A_501 : vector<16xi32>
      %mul3A_503 = arith.constant 5 : i32
      %mul3A_504 = arith.muli %scan3A_23, %mul3A_503 : i32
      %add3A_505 = arith.constant 1 : i32
      %add3A_506 = arith.addi %mul3A_504, %add3A_505 : i32
      %swap3A_507 = arith.index_cast %add3A_506 : i32 to index
      %swap3A_508 = arith.constant 48 : index
      %swap3A_509 = tpu.vector_load %arg6[%swap3A_507, %swap3A_508] {strides = array<i32>} : memref<80x128xi32, #tpu.memory_space<vmem>>, vector<1x16xi32>,
      %swap3A_510 = vector.shape_cast %swap3A_509 : vector<1x16xi32> to vector<16xi32>
      %swap3A_511 = vector.shape_cast %add3A_502 : vector<16xi32> to vector<1x16xi32>
      tpu.vector_store %arg6[%swap3A_507, %swap3A_508], %swap3A_511 {strides = array<i32>} : memref<80x128xi32, #tpu.memory_space<vmem>>, vector<1x16xi32>,
      %mul3A_512 = arith.constant 640 : i32
      %mul3A_513 = arith.muli %scan3A_23, %mul3A_512 : i32
      %add3A_514 = arith.constant 192 : i32
      %add3A_515 = arith.addi %mul3A_513, %add3A_514 : i32
      %get3A_516 = arith.index_cast %add3A_515 : i32 to index
      %get3A_517 = tpu.vector_load %arg5[%get3A_516] {strides = array<i32>} : memref<10240xi32, #tpu.memory_space<vmem>>, vector<16xi32>,
      %get3A_518 = vector.shape_cast %get3A_517 : vector<16xi32> to vector<16xi32>
      %shift_right_logical3A_519 = arith.constant 1 : i32
      %shift_right_logical3A_520 = vector.broadcast %shift_right_logical3A_519 : i32 to vector<16xi32>
      %shift_right_logical3A_521 = arith.shrui %get3A_518, %shift_right_logical3A_520 : vector<16xi32>
      %swap3A_522 = arith.index_cast %add3A_515 : i32 to index
      %swap3A_523 = tpu.vector_load %arg5[%swap3A_522] {strides = array<i32>} : memref<10240xi32, #tpu.memory_space<vmem>>, vector<16xi32>,
      %swap3A_524 = vector.shape_cast %swap3A_523 : vector<16xi32> to vector<16xi32>
      %swap3A_525 = vector.shape_cast %shift_right_logical3A_521 : vector<16xi32> to vector<16xi32>
      tpu.vector_store %arg5[%swap3A_522], %swap3A_525 {strides = array<i32>} : memref<10240xi32, #tpu.memory_space<vmem>>, vector<16xi32>,
      %add3A_526 = arith.constant 192 : i32
      %add3A_527 = vector.broadcast %add3A_526 : i32 to vector<16xi32>
      %add3A_528 = arith.addi %add3A_527, %iota3A : vector<16xi32>
      %mul3A_529 = arith.constant 52429 : i32
      %mul3A_530 = vector.broadcast %mul3A_529 : i32 to vector<16xi32>
      %mul3A_531 = arith.muli %add3A_528, %mul3A_530 : vector<16xi32>
      %shift_right_logical3A_532 = arith.constant 20 : i32
      %shift_right_logical3A_533 = vector.broadcast %shift_right_logical3A_532 : i32 to vector<16xi32>
      %shift_right_logical3A_534 = arith.shrui %mul3A_531, %shift_right_logical3A_533 : vector<16xi32>
      %mul3A_535 = arith.constant 2 : i32
      %mul3A_536 = vector.broadcast %mul3A_535 : i32 to vector<16xi32>
      %mul3A_537 = arith.muli %mul3A_536, %shift_right_logical3A_534 : vector<16xi32>
      %add3A_538 = vector.broadcast %mul3A_2 : i32 to vector<16xi32>
      %add3A_539 = arith.addi %add3A_538, %mul3A_537 : vector<16xi32>
      %and3A_540 = arith.constant 1 : i32
      %and3A_541 = vector.broadcast %and3A_540 : i32 to vector<16xi32>
      %and3A_542 = arith.andi %get3A_518, %and3A_541 : vector<16xi32>
      %add3A_543 = arith.addi %add3A_539, %and3A_542 : vector<16xi32>
      %mul3A_544 = arith.constant 5 : i32
      %mul3A_545 = arith.muli %scan3A_23, %mul3A_544 : i32
      %add3A_546 = arith.constant 1 : i32
      %add3A_547 = arith.addi %mul3A_545, %add3A_546 : i32
      %swap3A_548 = arith.index_cast %add3A_547 : i32 to index
      %swap3A_549 = arith.constant 64 : index
      %swap3A_550 = tpu.vector_load %arg6[%swap3A_548, %swap3A_549] {strides = array<i32>} : memref<80x128xi32, #tpu.memory_space<vmem>>, vector<1x16xi32>,
      %swap3A_551 = vector.shape_cast %swap3A_550 : vector<1x16xi32> to vector<16xi32>
      %swap3A_552 = vector.shape_cast %add3A_543 : vector<16xi32> to vector<1x16xi32>
      tpu.vector_store %arg6[%swap3A_548, %swap3A_549], %swap3A_552 {strides = array<i32>} : memref<80x128xi32, #tpu.memory_space<vmem>>, vector<1x16xi32>,
      %mul3A_553 = arith.constant 640 : i32
      %mul3A_554 = arith.muli %scan3A_23, %mul3A_553 : i32
      %add3A_555 = arith.constant 208 : i32
      %add3A_556 = arith.addi %mul3A_554, %add3A_555 : i32
      %get3A_557 = arith.index_cast %add3A_556 : i32 to index
      %get3A_558 = tpu.vector_load %arg5[%get3A_557] {strides = array<i32>} : memref<10240xi32, #tpu.memory_space<vmem>>, vector<16xi32>,
      %get3A_559 = vector.shape_cast %get3A_558 : vector<16xi32> to vector<16xi32>
      %shift_right_logical3A_560 = arith.constant 1 : i32
      %shift_right_logical3A_561 = vector.broadcast %shift_right_logical3A_560 : i32 to vector<16xi32>
      %shift_right_logical3A_562 = arith.shrui %get3A_559, %shift_right_logical3A_561 : vector<16xi32>
      %swap3A_563 = arith.index_cast %add3A_556 : i32 to index
      %swap3A_564 = tpu.vector_load %arg5[%swap3A_563] {strides = array<i32>} : memref<10240xi32, #tpu.memory_space<vmem>>, vector<16xi32>,
      %swap3A_565 = vector.shape_cast %swap3A_564 : vector<16xi32> to vector<16xi32>
      %swap3A_566 = vector.shape_cast %shift_right_logical3A_562 : vector<16xi32> to vector<16xi32>
      tpu.vector_store %arg5[%swap3A_563], %swap3A_566 {strides = array<i32>} : memref<10240xi32, #tpu.memory_space<vmem>>, vector<16xi32>,
      %add3A_567 = arith.constant 208 : i32
      %add3A_568 = vector.broadcast %add3A_567 : i32 to vector<16xi32>
      %add3A_569 = arith.addi %add3A_568, %iota3A : vector<16xi32>
      %mul3A_570 = arith.constant 52429 : i32
      %mul3A_571 = vector.broadcast %mul3A_570 : i32 to vector<16xi32>
      %mul3A_572 = arith.muli %add3A_569, %mul3A_571 : vector<16xi32>
      %shift_right_logical3A_573 = arith.constant 20 : i32
      %shift_right_logical3A_574 = vector.broadcast %shift_right_logical3A_573 : i32 to vector<16xi32>
      %shift_right_logical3A_575 = arith.shrui %mul3A_572, %shift_right_logical3A_574 : vector<16xi32>
      %mul3A_576 = arith.constant 2 : i32
      %mul3A_577 = vector.broadcast %mul3A_576 : i32 to vector<16xi32>
      %mul3A_578 = arith.muli %mul3A_577, %shift_right_logical3A_575 : vector<16xi32>
      %add3A_579 = vector.broadcast %mul3A_2 : i32 to vector<16xi32>
      %add3A_580 = arith.addi %add3A_579, %mul3A_578 : vector<16xi32>
      %and3A_581 = arith.constant 1 : i32
      %and3A_582 = vector.broadcast %and3A_581 : i32 to vector<16xi32>
      %and3A_583 = arith.andi %get3A_559, %and3A_582 : vector<16xi32>
      %add3A_584 = arith.addi %add3A_580, %and3A_583 : vector<16xi32>
      %mul3A_585 = arith.constant 5 : i32
      %mul3A_586 = arith.muli %scan3A_23, %mul3A_585 : i32
      %add3A_587 = arith.constant 1 : i32
      %add3A_588 = arith.addi %mul3A_586, %add3A_587 : i32
      %swap3A_589 = arith.index_cast %add3A_588 : i32 to index
      %swap3A_590 = arith.constant 80 : index
      %swap3A_591 = tpu.vector_load %arg6[%swap3A_589, %swap3A_590] {strides = array<i32>} : memref<80x128xi32, #tpu.memory_space<vmem>>, vector<1x16xi32>,
      %swap3A_592 = vector.shape_cast %swap3A_591 : vector<1x16xi32> to vector<16xi32>
      %swap3A_593 = vector.shape_cast %add3A_584 : vector<16xi32> to vector<1x16xi32>
      tpu.vector_store %arg6[%swap3A_589, %swap3A_590], %swap3A_593 {strides = array<i32>} : memref<80x128xi32, #tpu.memory_space<vmem>>, vector<1x16xi32>,
      %mul3A_594 = arith.constant 640 : i32
      %mul3A_595 = arith.muli %scan3A_23, %mul3A_594 : i32
      %add3A_596 = arith.constant 224 : i32
      %add3A_597 = arith.addi %mul3A_595, %add3A_596 : i32
      %get3A_598 = arith.index_cast %add3A_597 : i32 to index
      %get3A_599 = tpu.vector_load %arg5[%get3A_598] {strides = array<i32>} : memref<10240xi32, #tpu.memory_space<vmem>>, vector<16xi32>,
      %get3A_600 = vector.shape_cast %get3A_599 : vector<16xi32> to vector<16xi32>
      %shift_right_logical3A_601 = arith.constant 1 : i32
      %shift_right_logical3A_602 = vector.broadcast %shift_right_logical3A_601 : i32 to vector<16xi32>
      %shift_right_logical3A_603 = arith.shrui %get3A_600, %shift_right_logical3A_602 : vector<16xi32>
      %swap3A_604 = arith.index_cast %add3A_597 : i32 to index
      %swap3A_605 = tpu.vector_load %arg5[%swap3A_604] {strides = array<i32>} : memref<10240xi32, #tpu.memory_space<vmem>>, vector<16xi32>,
      %swap3A_606 = vector.shape_cast %swap3A_605 : vector<16xi32> to vector<16xi32>
      %swap3A_607 = vector.shape_cast %shift_right_logical3A_603 : vector<16xi32> to vector<16xi32>
      tpu.vector_store %arg5[%swap3A_604], %swap3A_607 {strides = array<i32>} : memref<10240xi32, #tpu.memory_space<vmem>>, vector<16xi32>,
      %add3A_608 = arith.constant 224 : i32
      %add3A_609 = vector.broadcast %add3A_608 : i32 to vector<16xi32>
      %add3A_610 = arith.addi %add3A_609, %iota3A : vector<16xi32>
      %mul3A_611 = arith.constant 52429 : i32
      %mul3A_612 = vector.broadcast %mul3A_611 : i32 to vector<16xi32>
      %mul3A_613 = arith.muli %add3A_610, %mul3A_612 : vector<16xi32>
      %shift_right_logical3A_614 = arith.constant 20 : i32
      %shift_right_logical3A_615 = vector.broadcast %shift_right_logical3A_614 : i32 to vector<16xi32>
      %shift_right_logical3A_616 = arith.shrui %mul3A_613, %shift_right_logical3A_615 : vector<16xi32>
      %mul3A_617 = arith.constant 2 : i32
      %mul3A_618 = vector.broadcast %mul3A_617 : i32 to vector<16xi32>
      %mul3A_619 = arith.muli %mul3A_618, %shift_right_logical3A_616 : vector<16xi32>
      %add3A_620 = vector.broadcast %mul3A_2 : i32 to vector<16xi32>
      %add3A_621 = arith.addi %add3A_620, %mul3A_619 : vector<16xi32>
      %and3A_622 = arith.constant 1 : i32
      %and3A_623 = vector.broadcast %and3A_622 : i32 to vector<16xi32>
      %and3A_624 = arith.andi %get3A_600, %and3A_623 : vector<16xi32>
      %add3A_625 = arith.addi %add3A_621, %and3A_624 : vector<16xi32>
      %mul3A_626 = arith.constant 5 : i32
      %mul3A_627 = arith.muli %scan3A_23, %mul3A_626 : i32
      %add3A_628 = arith.constant 1 : i32
      %add3A_629 = arith.addi %mul3A_627, %add3A_628 : i32
      %swap3A_630 = arith.index_cast %add3A_629 : i32 to index
      %swap3A_631 = arith.constant 96 : index
      %swap3A_632 = tpu.vector_load %arg6[%swap3A_630, %swap3A_631] {strides = array<i32>} : memref<80x128xi32, #tpu.memory_space<vmem>>, vector<1x16xi32>,
      %swap3A_633 = vector.shape_cast %swap3A_632 : vector<1x16xi32> to vector<16xi32>
      %swap3A_634 = vector.shape_cast %add3A_625 : vector<16xi32> to vector<1x16xi32>
      tpu.vector_store %arg6[%swap3A_630, %swap3A_631], %swap3A_634 {strides = array<i32>} : memref<80x128xi32, #tpu.memory_space<vmem>>, vector<1x16xi32>,
      %mul3A_635 = arith.constant 640 : i32
      %mul3A_636 = arith.muli %scan3A_23, %mul3A_635 : i32
      %add3A_637 = arith.constant 240 : i32
      %add3A_638 = arith.addi %mul3A_636, %add3A_637 : i32
      %get3A_639 = arith.index_cast %add3A_638 : i32 to index
      %get3A_640 = tpu.vector_load %arg5[%get3A_639] {strides = array<i32>} : memref<10240xi32, #tpu.memory_space<vmem>>, vector<16xi32>,
      %get3A_641 = vector.shape_cast %get3A_640 : vector<16xi32> to vector<16xi32>
      %shift_right_logical3A_642 = arith.constant 1 : i32
      %shift_right_logical3A_643 = vector.broadcast %shift_right_logical3A_642 : i32 to vector<16xi32>
      %shift_right_logical3A_644 = arith.shrui %get3A_641, %shift_right_logical3A_643 : vector<16xi32>
      %swap3A_645 = arith.index_cast %add3A_638 : i32 to index
      %swap3A_646 = tpu.vector_load %arg5[%swap3A_645] {strides = array<i32>} : memref<10240xi32, #tpu.memory_space<vmem>>, vector<16xi32>,
      %swap3A_647 = vector.shape_cast %swap3A_646 : vector<16xi32> to vector<16xi32>
      %swap3A_648 = vector.shape_cast %shift_right_logical3A_644 : vector<16xi32> to vector<16xi32>
      tpu.vector_store %arg5[%swap3A_645], %swap3A_648 {strides = array<i32>} : memref<10240xi32, #tpu.memory_space<vmem>>, vector<16xi32>,
      %add3A_649 = arith.constant 240 : i32
      %add3A_650 = vector.broadcast %add3A_649 : i32 to vector<16xi32>
      %add3A_651 = arith.addi %add3A_650, %iota3A : vector<16xi32>
      %mul3A_652 = arith.constant 52429 : i32
      %mul3A_653 = vector.broadcast %mul3A_652 : i32 to vector<16xi32>
      %mul3A_654 = arith.muli %add3A_651, %mul3A_653 : vector<16xi32>
      %shift_right_logical3A_655 = arith.constant 20 : i32
      %shift_right_logical3A_656 = vector.broadcast %shift_right_logical3A_655 : i32 to vector<16xi32>
      %shift_right_logical3A_657 = arith.shrui %mul3A_654, %shift_right_logical3A_656 : vector<16xi32>
      %mul3A_658 = arith.constant 2 : i32
      %mul3A_659 = vector.broadcast %mul3A_658 : i32 to vector<16xi32>
      %mul3A_660 = arith.muli %mul3A_659, %shift_right_logical3A_657 : vector<16xi32>
      %add3A_661 = vector.broadcast %mul3A_2 : i32 to vector<16xi32>
      %add3A_662 = arith.addi %add3A_661, %mul3A_660 : vector<16xi32>
      %and3A_663 = arith.constant 1 : i32
      %and3A_664 = vector.broadcast %and3A_663 : i32 to vector<16xi32>
      %and3A_665 = arith.andi %get3A_641, %and3A_664 : vector<16xi32>
      %add3A_666 = arith.addi %add3A_662, %and3A_665 : vector<16xi32>
      %mul3A_667 = arith.constant 5 : i32
      %mul3A_668 = arith.muli %scan3A_23, %mul3A_667 : i32
      %add3A_669 = arith.constant 1 : i32
      %add3A_670 = arith.addi %mul3A_668, %add3A_669 : i32
      %swap3A_671 = arith.index_cast %add3A_670 : i32 to index
      %swap3A_672 = arith.constant 112 : index
      %swap3A_673 = tpu.vector_load %arg6[%swap3A_671, %swap3A_672] {strides = array<i32>} : memref<80x128xi32, #tpu.memory_space<vmem>>, vector<1x16xi32>,
      %swap3A_674 = vector.shape_cast %swap3A_673 : vector<1x16xi32> to vector<16xi32>
      %swap3A_675 = vector.shape_cast %add3A_666 : vector<16xi32> to vector<1x16xi32>
      tpu.vector_store %arg6[%swap3A_671, %swap3A_672], %swap3A_675 {strides = array<i32>} : memref<80x128xi32, #tpu.memory_space<vmem>>, vector<1x16xi32>,
      %mul3A_676 = arith.constant 640 : i32
      %mul3A_677 = arith.muli %scan3A_23, %mul3A_676 : i32
      %add3A_678 = arith.constant 256 : i32
      %add3A_679 = arith.addi %mul3A_677, %add3A_678 : i32
      %get3A_680 = arith.index_cast %add3A_679 : i32 to index
      %get3A_681 = tpu.vector_load %arg5[%get3A_680] {strides = array<i32>} : memref<10240xi32, #tpu.memory_space<vmem>>, vector<16xi32>,
      %get3A_682 = vector.shape_cast %get3A_681 : vector<16xi32> to vector<16xi32>
      %shift_right_logical3A_683 = arith.constant 1 : i32
      %shift_right_logical3A_684 = vector.broadcast %shift_right_logical3A_683 : i32 to vector<16xi32>
      %shift_right_logical3A_685 = arith.shrui %get3A_682, %shift_right_logical3A_684 : vector<16xi32>
      %swap3A_686 = arith.index_cast %add3A_679 : i32 to index
      %swap3A_687 = tpu.vector_load %arg5[%swap3A_686] {strides = array<i32>} : memref<10240xi32, #tpu.memory_space<vmem>>, vector<16xi32>,
      %swap3A_688 = vector.shape_cast %swap3A_687 : vector<16xi32> to vector<16xi32>
      %swap3A_689 = vector.shape_cast %shift_right_logical3A_685 : vector<16xi32> to vector<16xi32>
      tpu.vector_store %arg5[%swap3A_686], %swap3A_689 {strides = array<i32>} : memref<10240xi32, #tpu.memory_space<vmem>>, vector<16xi32>,
      %add3A_690 = arith.constant 256 : i32
      %add3A_691 = vector.broadcast %add3A_690 : i32 to vector<16xi32>
      %add3A_692 = arith.addi %add3A_691, %iota3A : vector<16xi32>
      %mul3A_693 = arith.constant 52429 : i32
      %mul3A_694 = vector.broadcast %mul3A_693 : i32 to vector<16xi32>
      %mul3A_695 = arith.muli %add3A_692, %mul3A_694 : vector<16xi32>
      %shift_right_logical3A_696 = arith.constant 20 : i32
      %shift_right_logical3A_697 = vector.broadcast %shift_right_logical3A_696 : i32 to vector<16xi32>
      %shift_right_logical3A_698 = arith.shrui %mul3A_695, %shift_right_logical3A_697 : vector<16xi32>
      %mul3A_699 = arith.constant 2 : i32
      %mul3A_700 = vector.broadcast %mul3A_699 : i32 to vector<16xi32>
      %mul3A_701 = arith.muli %mul3A_700, %shift_right_logical3A_698 : vector<16xi32>
      %add3A_702 = vector.broadcast %mul3A_2 : i32 to vector<16xi32>
      %add3A_703 = arith.addi %add3A_702, %mul3A_701 : vector<16xi32>
      %and3A_704 = arith.constant 1 : i32
      %and3A_705 = vector.broadcast %and3A_704 : i32 to vector<16xi32>
      %and3A_706 = arith.andi %get3A_682, %and3A_705 : vector<16xi32>
      %add3A_707 = arith.addi %add3A_703, %and3A_706 : vector<16xi32>
      %mul3A_708 = arith.constant 5 : i32
      %mul3A_709 = arith.muli %scan3A_23, %mul3A_708 : i32
      %add3A_710 = arith.constant 2 : i32
      %add3A_711 = arith.addi %mul3A_709, %add3A_710 : i32
      %swap3A_712 = arith.index_cast %add3A_711 : i32 to index
      %swap3A_713 = arith.constant 0 : index
      %swap3A_714 = tpu.vector_load %arg6[%swap3A_712, %swap3A_713] {strides = array<i32>} : memref<80x128xi32, #tpu.memory_space<vmem>>, vector<1x16xi32>,
      %swap3A_715 = vector.shape_cast %swap3A_714 : vector<1x16xi32> to vector<16xi32>
      %swap3A_716 = vector.shape_cast %add3A_707 : vector<16xi32> to vector<1x16xi32>
      tpu.vector_store %arg6[%swap3A_712, %swap3A_713], %swap3A_716 {strides = array<i32>} : memref<80x128xi32, #tpu.memory_space<vmem>>, vector<1x16xi32>,
      %mul3A_717 = arith.constant 640 : i32
      %mul3A_718 = arith.muli %scan3A_23, %mul3A_717 : i32
      %add3A_719 = arith.constant 272 : i32
      %add3A_720 = arith.addi %mul3A_718, %add3A_719 : i32
      %get3A_721 = arith.index_cast %add3A_720 : i32 to index
      %get3A_722 = tpu.vector_load %arg5[%get3A_721] {strides = array<i32>} : memref<10240xi32, #tpu.memory_space<vmem>>, vector<16xi32>,
      %get3A_723 = vector.shape_cast %get3A_722 : vector<16xi32> to vector<16xi32>
      %shift_right_logical3A_724 = arith.constant 1 : i32
      %shift_right_logical3A_725 = vector.broadcast %shift_right_logical3A_724 : i32 to vector<16xi32>
      %shift_right_logical3A_726 = arith.shrui %get3A_723, %shift_right_logical3A_725 : vector<16xi32>
      %swap3A_727 = arith.index_cast %add3A_720 : i32 to index
      %swap3A_728 = tpu.vector_load %arg5[%swap3A_727] {strides = array<i32>} : memref<10240xi32, #tpu.memory_space<vmem>>, vector<16xi32>,
      %swap3A_729 = vector.shape_cast %swap3A_728 : vector<16xi32> to vector<16xi32>
      %swap3A_730 = vector.shape_cast %shift_right_logical3A_726 : vector<16xi32> to vector<16xi32>
      tpu.vector_store %arg5[%swap3A_727], %swap3A_730 {strides = array<i32>} : memref<10240xi32, #tpu.memory_space<vmem>>, vector<16xi32>,
      %add3A_731 = arith.constant 272 : i32
      %add3A_732 = vector.broadcast %add3A_731 : i32 to vector<16xi32>
      %add3A_733 = arith.addi %add3A_732, %iota3A : vector<16xi32>
      %mul3A_734 = arith.constant 52429 : i32
      %mul3A_735 = vector.broadcast %mul3A_734 : i32 to vector<16xi32>
      %mul3A_736 = arith.muli %add3A_733, %mul3A_735 : vector<16xi32>
      %shift_right_logical3A_737 = arith.constant 20 : i32
      %shift_right_logical3A_738 = vector.broadcast %shift_right_logical3A_737 : i32 to vector<16xi32>
      %shift_right_logical3A_739 = arith.shrui %mul3A_736, %shift_right_logical3A_738 : vector<16xi32>
      %mul3A_740 = arith.constant 2 : i32
      %mul3A_741 = vector.broadcast %mul3A_740 : i32 to vector<16xi32>
      %mul3A_742 = arith.muli %mul3A_741, %shift_right_logical3A_739 : vector<16xi32>
      %add3A_743 = vector.broadcast %mul3A_2 : i32 to vector<16xi32>
      %add3A_744 = arith.addi %add3A_743, %mul3A_742 : vector<16xi32>
      %and3A_745 = arith.constant 1 : i32
      %and3A_746 = vector.broadcast %and3A_745 : i32 to vector<16xi32>
      %and3A_747 = arith.andi %get3A_723, %and3A_746 : vector<16xi32>
      %add3A_748 = arith.addi %add3A_744, %and3A_747 : vector<16xi32>
      %mul3A_749 = arith.constant 5 : i32
      %mul3A_750 = arith.muli %scan3A_23, %mul3A_749 : i32
      %add3A_751 = arith.constant 2 : i32
      %add3A_752 = arith.addi %mul3A_750, %add3A_751 : i32
      %swap3A_753 = arith.index_cast %add3A_752 : i32 to index
      %swap3A_754 = arith.constant 16 : index
      %swap3A_755 = tpu.vector_load %arg6[%swap3A_753, %swap3A_754] {strides = array<i32>} : memref<80x128xi32, #tpu.memory_space<vmem>>, vector<1x16xi32>,
      %swap3A_756 = vector.shape_cast %swap3A_755 : vector<1x16xi32> to vector<16xi32>
      %swap3A_757 = vector.shape_cast %add3A_748 : vector<16xi32> to vector<1x16xi32>
      tpu.vector_store %arg6[%swap3A_753, %swap3A_754], %swap3A_757 {strides = array<i32>} : memref<80x128xi32, #tpu.memory_space<vmem>>, vector<1x16xi32>,
      %mul3A_758 = arith.constant 640 : i32
      %mul3A_759 = arith.muli %scan3A_23, %mul3A_758 : i32
      %add3A_760 = arith.constant 288 : i32
      %add3A_761 = arith.addi %mul3A_759, %add3A_760 : i32
      %get3A_762 = arith.index_cast %add3A_761 : i32 to index
      %get3A_763 = tpu.vector_load %arg5[%get3A_762] {strides = array<i32>} : memref<10240xi32, #tpu.memory_space<vmem>>, vector<16xi32>,
      %get3A_764 = vector.shape_cast %get3A_763 : vector<16xi32> to vector<16xi32>
      %shift_right_logical3A_765 = arith.constant 1 : i32
      %shift_right_logical3A_766 = vector.broadcast %shift_right_logical3A_765 : i32 to vector<16xi32>
      %shift_right_logical3A_767 = arith.shrui %get3A_764, %shift_right_logical3A_766 : vector<16xi32>
      %swap3A_768 = arith.index_cast %add3A_761 : i32 to index
      %swap3A_769 = tpu.vector_load %arg5[%swap3A_768] {strides = array<i32>} : memref<10240xi32, #tpu.memory_space<vmem>>, vector<16xi32>,
      %swap3A_770 = vector.shape_cast %swap3A_769 : vector<16xi32> to vector<16xi32>
      %swap3A_771 = vector.shape_cast %shift_right_logical3A_767 : vector<16xi32> to vector<16xi32>
      tpu.vector_store %arg5[%swap3A_768], %swap3A_771 {strides = array<i32>} : memref<10240xi32, #tpu.memory_space<vmem>>, vector<16xi32>,
      %add3A_772 = arith.constant 288 : i32
      %add3A_773 = vector.broadcast %add3A_772 : i32 to vector<16xi32>
      %add3A_774 = arith.addi %add3A_773, %iota3A : vector<16xi32>
      %mul3A_775 = arith.constant 52429 : i32
      %mul3A_776 = vector.broadcast %mul3A_775 : i32 to vector<16xi32>
      %mul3A_777 = arith.muli %add3A_774, %mul3A_776 : vector<16xi32>
      %shift_right_logical3A_778 = arith.constant 20 : i32
      %shift_right_logical3A_779 = vector.broadcast %shift_right_logical3A_778 : i32 to vector<16xi32>
      %shift_right_logical3A_780 = arith.shrui %mul3A_777, %shift_right_logical3A_779 : vector<16xi32>
      %mul3A_781 = arith.constant 2 : i32
      %mul3A_782 = vector.broadcast %mul3A_781 : i32 to vector<16xi32>
      %mul3A_783 = arith.muli %mul3A_782, %shift_right_logical3A_780 : vector<16xi32>
      %add3A_784 = vector.broadcast %mul3A_2 : i32 to vector<16xi32>
      %add3A_785 = arith.addi %add3A_784, %mul3A_783 : vector<16xi32>
      %and3A_786 = arith.constant 1 : i32
      %and3A_787 = vector.broadcast %and3A_786 : i32 to vector<16xi32>
      %and3A_788 = arith.andi %get3A_764, %and3A_787 : vector<16xi32>
      %add3A_789 = arith.addi %add3A_785, %and3A_788 : vector<16xi32>
      %mul3A_790 = arith.constant 5 : i32
      %mul3A_791 = arith.muli %scan3A_23, %mul3A_790 : i32
      %add3A_792 = arith.constant 2 : i32
      %add3A_793 = arith.addi %mul3A_791, %add3A_792 : i32
      %swap3A_794 = arith.index_cast %add3A_793 : i32 to index
      %swap3A_795 = arith.constant 32 : index
      %swap3A_796 = tpu.vector_load %arg6[%swap3A_794, %swap3A_795] {strides = array<i32>} : memref<80x128xi32, #tpu.memory_space<vmem>>, vector<1x16xi32>,
      %swap3A_797 = vector.shape_cast %swap3A_796 : vector<1x16xi32> to vector<16xi32>
      %swap3A_798 = vector.shape_cast %add3A_789 : vector<16xi32> to vector<1x16xi32>
      tpu.vector_store %arg6[%swap3A_794, %swap3A_795], %swap3A_798 {strides = array<i32>} : memref<80x128xi32, #tpu.memory_space<vmem>>, vector<1x16xi32>,
      %mul3A_799 = arith.constant 640 : i32
      %mul3A_800 = arith.muli %scan3A_23, %mul3A_799 : i32
      %add3A_801 = arith.constant 304 : i32
      %add3A_802 = arith.addi %mul3A_800, %add3A_801 : i32
      %get3A_803 = arith.index_cast %add3A_802 : i32 to index
      %get3A_804 = tpu.vector_load %arg5[%get3A_803] {strides = array<i32>} : memref<10240xi32, #tpu.memory_space<vmem>>, vector<16xi32>,
      %get3A_805 = vector.shape_cast %get3A_804 : vector<16xi32> to vector<16xi32>
      %shift_right_logical3A_806 = arith.constant 1 : i32
      %shift_right_logical3A_807 = vector.broadcast %shift_right_logical3A_806 : i32 to vector<16xi32>
      %shift_right_logical3A_808 = arith.shrui %get3A_805, %shift_right_logical3A_807 : vector<16xi32>
      %swap3A_809 = arith.index_cast %add3A_802 : i32 to index
      %swap3A_810 = tpu.vector_load %arg5[%swap3A_809] {strides = array<i32>} : memref<10240xi32, #tpu.memory_space<vmem>>, vector<16xi32>,
      %swap3A_811 = vector.shape_cast %swap3A_810 : vector<16xi32> to vector<16xi32>
      %swap3A_812 = vector.shape_cast %shift_right_logical3A_808 : vector<16xi32> to vector<16xi32>
      tpu.vector_store %arg5[%swap3A_809], %swap3A_812 {strides = array<i32>} : memref<10240xi32, #tpu.memory_space<vmem>>, vector<16xi32>,
      %add3A_813 = arith.constant 304 : i32
      %add3A_814 = vector.broadcast %add3A_813 : i32 to vector<16xi32>
      %add3A_815 = arith.addi %add3A_814, %iota3A : vector<16xi32>
      %mul3A_816 = arith.constant 52429 : i32
      %mul3A_817 = vector.broadcast %mul3A_816 : i32 to vector<16xi32>
      %mul3A_818 = arith.muli %add3A_815, %mul3A_817 : vector<16xi32>
      %shift_right_logical3A_819 = arith.constant 20 : i32
      %shift_right_logical3A_820 = vector.broadcast %shift_right_logical3A_819 : i32 to vector<16xi32>
      %shift_right_logical3A_821 = arith.shrui %mul3A_818, %shift_right_logical3A_820 : vector<16xi32>
      %mul3A_822 = arith.constant 2 : i32
      %mul3A_823 = vector.broadcast %mul3A_822 : i32 to vector<16xi32>
      %mul3A_824 = arith.muli %mul3A_823, %shift_right_logical3A_821 : vector<16xi32>
      %add3A_825 = vector.broadcast %mul3A_2 : i32 to vector<16xi32>
      %add3A_826 = arith.addi %add3A_825, %mul3A_824 : vector<16xi32>
      %and3A_827 = arith.constant 1 : i32
      %and3A_828 = vector.broadcast %and3A_827 : i32 to vector<16xi32>
      %and3A_829 = arith.andi %get3A_805, %and3A_828 : vector<16xi32>
      %add3A_830 = arith.addi %add3A_826, %and3A_829 : vector<16xi32>
      %mul3A_831 = arith.constant 5 : i32
      %mul3A_832 = arith.muli %scan3A_23, %mul3A_831 : i32
      %add3A_833 = arith.constant 2 : i32
      %add3A_834 = arith.addi %mul3A_832, %add3A_833 : i32
      %swap3A_835 = arith.index_cast %add3A_834 : i32 to index
      %swap3A_836 = arith.constant 48 : index
      %swap3A_837 = tpu.vector_load %arg6[%swap3A_835, %swap3A_836] {strides = array<i32>} : memref<80x128xi32, #tpu.memory_space<vmem>>, vector<1x16xi32>,
      %swap3A_838 = vector.shape_cast %swap3A_837 : vector<1x16xi32> to vector<16xi32>
      %swap3A_839 = vector.shape_cast %add3A_830 : vector<16xi32> to vector<1x16xi32>
      tpu.vector_store %arg6[%swap3A_835, %swap3A_836], %swap3A_839 {strides = array<i32>} : memref<80x128xi32, #tpu.memory_space<vmem>>, vector<1x16xi32>,
      %mul3A_840 = arith.constant 640 : i32
      %mul3A_841 = arith.muli %scan3A_23, %mul3A_840 : i32
      %add3A_842 = arith.constant 320 : i32
      %add3A_843 = arith.addi %mul3A_841, %add3A_842 : i32
      %get3A_844 = arith.index_cast %add3A_843 : i32 to index
      %get3A_845 = tpu.vector_load %arg5[%get3A_844] {strides = array<i32>} : memref<10240xi32, #tpu.memory_space<vmem>>, vector<16xi32>,
      %get3A_846 = vector.shape_cast %get3A_845 : vector<16xi32> to vector<16xi32>
      %shift_right_logical3A_847 = arith.constant 1 : i32
      %shift_right_logical3A_848 = vector.broadcast %shift_right_logical3A_847 : i32 to vector<16xi32>
      %shift_right_logical3A_849 = arith.shrui %get3A_846, %shift_right_logical3A_848 : vector<16xi32>
      %swap3A_850 = arith.index_cast %add3A_843 : i32 to index
      %swap3A_851 = tpu.vector_load %arg5[%swap3A_850] {strides = array<i32>} : memref<10240xi32, #tpu.memory_space<vmem>>, vector<16xi32>,
      %swap3A_852 = vector.shape_cast %swap3A_851 : vector<16xi32> to vector<16xi32>
      %swap3A_853 = vector.shape_cast %shift_right_logical3A_849 : vector<16xi32> to vector<16xi32>
      tpu.vector_store %arg5[%swap3A_850], %swap3A_853 {strides = array<i32>} : memref<10240xi32, #tpu.memory_space<vmem>>, vector<16xi32>,
      %add3A_854 = arith.constant 320 : i32
      %add3A_855 = vector.broadcast %add3A_854 : i32 to vector<16xi32>
      %add3A_856 = arith.addi %add3A_855, %iota3A : vector<16xi32>
      %mul3A_857 = arith.constant 52429 : i32
      %mul3A_858 = vector.broadcast %mul3A_857 : i32 to vector<16xi32>
      %mul3A_859 = arith.muli %add3A_856, %mul3A_858 : vector<16xi32>
      %shift_right_logical3A_860 = arith.constant 20 : i32
      %shift_right_logical3A_861 = vector.broadcast %shift_right_logical3A_860 : i32 to vector<16xi32>
      %shift_right_logical3A_862 = arith.shrui %mul3A_859, %shift_right_logical3A_861 : vector<16xi32>
      %mul3A_863 = arith.constant 2 : i32
      %mul3A_864 = vector.broadcast %mul3A_863 : i32 to vector<16xi32>
      %mul3A_865 = arith.muli %mul3A_864, %shift_right_logical3A_862 : vector<16xi32>
      %add3A_866 = vector.broadcast %mul3A_2 : i32 to vector<16xi32>
      %add3A_867 = arith.addi %add3A_866, %mul3A_865 : vector<16xi32>
      %and3A_868 = arith.constant 1 : i32
      %and3A_869 = vector.broadcast %and3A_868 : i32 to vector<16xi32>
      %and3A_870 = arith.andi %get3A_846, %and3A_869 : vector<16xi32>
      %add3A_871 = arith.addi %add3A_867, %and3A_870 : vector<16xi32>
      %mul3A_872 = arith.constant 5 : i32
      %mul3A_873 = arith.muli %scan3A_23, %mul3A_872 : i32
      %add3A_874 = arith.constant 2 : i32
      %add3A_875 = arith.addi %mul3A_873, %add3A_874 : i32
      %swap3A_876 = arith.index_cast %add3A_875 : i32 to index
      %swap3A_877 = arith.constant 64 : index
      %swap3A_878 = tpu.vector_load %arg6[%swap3A_876, %swap3A_877] {strides = array<i32>} : memref<80x128xi32, #tpu.memory_space<vmem>>, vector<1x16xi32>,
      %swap3A_879 = vector.shape_cast %swap3A_878 : vector<1x16xi32> to vector<16xi32>
      %swap3A_880 = vector.shape_cast %add3A_871 : vector<16xi32> to vector<1x16xi32>
      tpu.vector_store %arg6[%swap3A_876, %swap3A_877], %swap3A_880 {strides = array<i32>} : memref<80x128xi32, #tpu.memory_space<vmem>>, vector<1x16xi32>,
      %mul3A_881 = arith.constant 640 : i32
      %mul3A_882 = arith.muli %scan3A_23, %mul3A_881 : i32
      %add3A_883 = arith.constant 336 : i32
      %add3A_884 = arith.addi %mul3A_882, %add3A_883 : i32
      %get3A_885 = arith.index_cast %add3A_884 : i32 to index
      %get3A_886 = tpu.vector_load %arg5[%get3A_885] {strides = array<i32>} : memref<10240xi32, #tpu.memory_space<vmem>>, vector<16xi32>,
      %get3A_887 = vector.shape_cast %get3A_886 : vector<16xi32> to vector<16xi32>
      %shift_right_logical3A_888 = arith.constant 1 : i32
      %shift_right_logical3A_889 = vector.broadcast %shift_right_logical3A_888 : i32 to vector<16xi32>
      %shift_right_logical3A_890 = arith.shrui %get3A_887, %shift_right_logical3A_889 : vector<16xi32>
      %swap3A_891 = arith.index_cast %add3A_884 : i32 to index
      %swap3A_892 = tpu.vector_load %arg5[%swap3A_891] {strides = array<i32>} : memref<10240xi32, #tpu.memory_space<vmem>>, vector<16xi32>,
      %swap3A_893 = vector.shape_cast %swap3A_892 : vector<16xi32> to vector<16xi32>
      %swap3A_894 = vector.shape_cast %shift_right_logical3A_890 : vector<16xi32> to vector<16xi32>
      tpu.vector_store %arg5[%swap3A_891], %swap3A_894 {strides = array<i32>} : memref<10240xi32, #tpu.memory_space<vmem>>, vector<16xi32>,
      %add3A_895 = arith.constant 336 : i32
      %add3A_896 = vector.broadcast %add3A_895 : i32 to vector<16xi32>
      %add3A_897 = arith.addi %add3A_896, %iota3A : vector<16xi32>
      %mul3A_898 = arith.constant 52429 : i32
      %mul3A_899 = vector.broadcast %mul3A_898 : i32 to vector<16xi32>
      %mul3A_900 = arith.muli %add3A_897, %mul3A_899 : vector<16xi32>
      %shift_right_logical3A_901 = arith.constant 20 : i32
      %shift_right_logical3A_902 = vector.broadcast %shift_right_logical3A_901 : i32 to vector<16xi32>
      %shift_right_logical3A_903 = arith.shrui %mul3A_900, %shift_right_logical3A_902 : vector<16xi32>
      %mul3A_904 = arith.constant 2 : i32
      %mul3A_905 = vector.broadcast %mul3A_904 : i32 to vector<16xi32>
      %mul3A_906 = arith.muli %mul3A_905, %shift_right_logical3A_903 : vector<16xi32>
      %add3A_907 = vector.broadcast %mul3A_2 : i32 to vector<16xi32>
      %add3A_908 = arith.addi %add3A_907, %mul3A_906 : vector<16xi32>
      %and3A_909 = arith.constant 1 : i32
      %and3A_910 = vector.broadcast %and3A_909 : i32 to vector<16xi32>
      %and3A_911 = arith.andi %get3A_887, %and3A_910 : vector<16xi32>
      %add3A_912 = arith.addi %add3A_908, %and3A_911 : vector<16xi32>
      %mul3A_913 = arith.constant 5 : i32
      %mul3A_914 = arith.muli %scan3A_23, %mul3A_913 : i32
      %add3A_915 = arith.constant 2 : i32
      %add3A_916 = arith.addi %mul3A_914, %add3A_915 : i32
      %swap3A_917 = arith.index_cast %add3A_916 : i32 to index
      %swap3A_918 = arith.constant 80 : index
      %swap3A_919 = tpu.vector_load %arg6[%swap3A_917, %swap3A_918] {strides = array<i32>} : memref<80x128xi32, #tpu.memory_space<vmem>>, vector<1x16xi32>,
      %swap3A_920 = vector.shape_cast %swap3A_919 : vector<1x16xi32> to vector<16xi32>
      %swap3A_921 = vector.shape_cast %add3A_912 : vector<16xi32> to vector<1x16xi32>
      tpu.vector_store %arg6[%swap3A_917, %swap3A_918], %swap3A_921 {strides = array<i32>} : memref<80x128xi32, #tpu.memory_space<vmem>>, vector<1x16xi32>,
      %mul3A_922 = arith.constant 640 : i32
      %mul3A_923 = arith.muli %scan3A_23, %mul3A_922 : i32
      %add3A_924 = arith.constant 352 : i32
      %add3A_925 = arith.addi %mul3A_923, %add3A_924 : i32
      %get3A_926 = arith.index_cast %add3A_925 : i32 to index
      %get3A_927 = tpu.vector_load %arg5[%get3A_926] {strides = array<i32>} : memref<10240xi32, #tpu.memory_space<vmem>>, vector<16xi32>,
      %get3A_928 = vector.shape_cast %get3A_927 : vector<16xi32> to vector<16xi32>
      %shift_right_logical3A_929 = arith.constant 1 : i32
      %shift_right_logical3A_930 = vector.broadcast %shift_right_logical3A_929 : i32 to vector<16xi32>
      %shift_right_logical3A_931 = arith.shrui %get3A_928, %shift_right_logical3A_930 : vector<16xi32>
      %swap3A_932 = arith.index_cast %add3A_925 : i32 to index
      %swap3A_933 = tpu.vector_load %arg5[%swap3A_932] {strides = array<i32>} : memref<10240xi32, #tpu.memory_space<vmem>>, vector<16xi32>,
      %swap3A_934 = vector.shape_cast %swap3A_933 : vector<16xi32> to vector<16xi32>
      %swap3A_935 = vector.shape_cast %shift_right_logical3A_931 : vector<16xi32> to vector<16xi32>
      tpu.vector_store %arg5[%swap3A_932], %swap3A_935 {strides = array<i32>} : memref<10240xi32, #tpu.memory_space<vmem>>, vector<16xi32>,
      %add3A_936 = arith.constant 352 : i32
      %add3A_937 = vector.broadcast %add3A_936 : i32 to vector<16xi32>
      %add3A_938 = arith.addi %add3A_937, %iota3A : vector<16xi32>
      %mul3A_939 = arith.constant 52429 : i32
      %mul3A_940 = vector.broadcast %mul3A_939 : i32 to vector<16xi32>
      %mul3A_941 = arith.muli %add3A_938, %mul3A_940 : vector<16xi32>
      %shift_right_logical3A_942 = arith.constant 20 : i32
      %shift_right_logical3A_943 = vector.broadcast %shift_right_logical3A_942 : i32 to vector<16xi32>
      %shift_right_logical3A_944 = arith.shrui %mul3A_941, %shift_right_logical3A_943 : vector<16xi32>
      %mul3A_945 = arith.constant 2 : i32
      %mul3A_946 = vector.broadcast %mul3A_945 : i32 to vector<16xi32>
      %mul3A_947 = arith.muli %mul3A_946, %shift_right_logical3A_944 : vector<16xi32>
      %add3A_948 = vector.broadcast %mul3A_2 : i32 to vector<16xi32>
      %add3A_949 = arith.addi %add3A_948, %mul3A_947 : vector<16xi32>
      %and3A_950 = arith.constant 1 : i32
      %and3A_951 = vector.broadcast %and3A_950 : i32 to vector<16xi32>
      %and3A_952 = arith.andi %get3A_928, %and3A_951 : vector<16xi32>
      %add3A_953 = arith.addi %add3A_949, %and3A_952 : vector<16xi32>
      %mul3A_954 = arith.constant 5 : i32
      %mul3A_955 = arith.muli %scan3A_23, %mul3A_954 : i32
      %add3A_956 = arith.constant 2 : i32
      %add3A_957 = arith.addi %mul3A_955, %add3A_956 : i32
      %swap3A_958 = arith.index_cast %add3A_957 : i32 to index
      %swap3A_959 = arith.constant 96 : index
      %swap3A_960 = tpu.vector_load %arg6[%swap3A_958, %swap3A_959] {strides = array<i32>} : memref<80x128xi32, #tpu.memory_space<vmem>>, vector<1x16xi32>,
      %swap3A_961 = vector.shape_cast %swap3A_960 : vector<1x16xi32> to vector<16xi32>
      %swap3A_962 = vector.shape_cast %add3A_953 : vector<16xi32> to vector<1x16xi32>
      tpu.vector_store %arg6[%swap3A_958, %swap3A_959], %swap3A_962 {strides = array<i32>} : memref<80x128xi32, #tpu.memory_space<vmem>>, vector<1x16xi32>,
      %mul3A_963 = arith.constant 640 : i32
      %mul3A_964 = arith.muli %scan3A_23, %mul3A_963 : i32
      %add3A_965 = arith.constant 368 : i32
      %add3A_966 = arith.addi %mul3A_964, %add3A_965 : i32
      %get3A_967 = arith.index_cast %add3A_966 : i32 to index
      %get3A_968 = tpu.vector_load %arg5[%get3A_967] {strides = array<i32>} : memref<10240xi32, #tpu.memory_space<vmem>>, vector<16xi32>,
      %get3A_969 = vector.shape_cast %get3A_968 : vector<16xi32> to vector<16xi32>
      %shift_right_logical3A_970 = arith.constant 1 : i32
      %shift_right_logical3A_971 = vector.broadcast %shift_right_logical3A_970 : i32 to vector<16xi32>
      %shift_right_logical3A_972 = arith.shrui %get3A_969, %shift_right_logical3A_971 : vector<16xi32>
      %swap3A_973 = arith.index_cast %add3A_966 : i32 to index
      %swap3A_974 = tpu.vector_load %arg5[%swap3A_973] {strides = array<i32>} : memref<10240xi32, #tpu.memory_space<vmem>>, vector<16xi32>,
      %swap3A_975 = vector.shape_cast %swap3A_974 : vector<16xi32> to vector<16xi32>
      %swap3A_976 = vector.shape_cast %shift_right_logical3A_972 : vector<16xi32> to vector<16xi32>
      tpu.vector_store %arg5[%swap3A_973], %swap3A_976 {strides = array<i32>} : memref<10240xi32, #tpu.memory_space<vmem>>, vector<16xi32>,
      %add3A_977 = arith.constant 368 : i32
      %add3A_978 = vector.broadcast %add3A_977 : i32 to vector<16xi32>
      %add3A_979 = arith.addi %add3A_978, %iota3A : vector<16xi32>
      %mul3A_980 = arith.constant 52429 : i32
      %mul3A_981 = vector.broadcast %mul3A_980 : i32 to vector<16xi32>
      %mul3A_982 = arith.muli %add3A_979, %mul3A_981 : vector<16xi32>
      %shift_right_logical3A_983 = arith.constant 20 : i32
      %shift_right_logical3A_984 = vector.broadcast %shift_right_logical3A_983 : i32 to vector<16xi32>
      %shift_right_logical3A_985 = arith.shrui %mul3A_982, %shift_right_logical3A_984 : vector<16xi32>
      %mul3A_986 = arith.constant 2 : i32
      %mul3A_987 = vector.broadcast %mul3A_986 : i32 to vector<16xi32>
      %mul3A_988 = arith.muli %mul3A_987, %shift_right_logical3A_985 : vector<16xi32>
      %add3A_989 = vector.broadcast %mul3A_2 : i32 to vector<16xi32>
      %add3A_990 = arith.addi %add3A_989, %mul3A_988 : vector<16xi32>
      %and3A_991 = arith.constant 1 : i32
      %and3A_992 = vector.broadcast %and3A_991 : i32 to vector<16xi32>
      %and3A_993 = arith.andi %get3A_969, %and3A_992 : vector<16xi32>
      %add3A_994 = arith.addi %add3A_990, %and3A_993 : vector<16xi32>
      %mul3A_995 = arith.constant 5 : i32
      %mul3A_996 = arith.muli %scan3A_23, %mul3A_995 : i32
      %add3A_997 = arith.constant 2 : i32
      %add3A_998 = arith.addi %mul3A_996, %add3A_997 : i32
      %swap3A_999 = arith.index_cast %add3A_998 : i32 to index
      %swap3A_1000 = arith.constant 112 : index
      %swap3A_1001 = tpu.vector_load %arg6[%swap3A_999, %swap3A_1000] {strides = array<i32>} : memref<80x128xi32, #tpu.memory_space<vmem>>, vector<1x16xi32>,
      %swap3A_1002 = vector.shape_cast %swap3A_1001 : vector<1x16xi32> to vector<16xi32>
      %swap3A_1003 = vector.shape_cast %add3A_994 : vector<16xi32> to vector<1x16xi32>
      tpu.vector_store %arg6[%swap3A_999, %swap3A_1000], %swap3A_1003 {strides = array<i32>} : memref<80x128xi32, #tpu.memory_space<vmem>>, vector<1x16xi32>,
      %mul3A_1004 = arith.constant 640 : i32
      %mul3A_1005 = arith.muli %scan3A_23, %mul3A_1004 : i32
      %add3A_1006 = arith.constant 384 : i32
      %add3A_1007 = arith.addi %mul3A_1005, %add3A_1006 : i32
      %get3A_1008 = arith.index_cast %add3A_1007 : i32 to index
      %get3A_1009 = tpu.vector_load %arg5[%get3A_1008] {strides = array<i32>} : memref<10240xi32, #tpu.memory_space<vmem>>, vector<16xi32>,
      %get3A_1010 = vector.shape_cast %get3A_1009 : vector<16xi32> to vector<16xi32>
      %shift_right_logical3A_1011 = arith.constant 1 : i32
      %shift_right_logical3A_1012 = vector.broadcast %shift_right_logical3A_1011 : i32 to vector<16xi32>
      %shift_right_logical3A_1013 = arith.shrui %get3A_1010, %shift_right_logical3A_1012 : vector<16xi32>
      %swap3A_1014 = arith.index_cast %add3A_1007 : i32 to index
      %swap3A_1015 = tpu.vector_load %arg5[%swap3A_1014] {strides = array<i32>} : memref<10240xi32, #tpu.memory_space<vmem>>, vector<16xi32>,
      %swap3A_1016 = vector.shape_cast %swap3A_1015 : vector<16xi32> to vector<16xi32>
      %swap3A_1017 = vector.shape_cast %shift_right_logical3A_1013 : vector<16xi32> to vector<16xi32>
      tpu.vector_store %arg5[%swap3A_1014], %swap3A_1017 {strides = array<i32>} : memref<10240xi32, #tpu.memory_space<vmem>>, vector<16xi32>,
      %add3A_1018 = arith.constant 384 : i32
      %add3A_1019 = vector.broadcast %add3A_1018 : i32 to vector<16xi32>
      %add3A_1020 = arith.addi %add3A_1019, %iota3A : vector<16xi32>
      %mul3A_1021 = arith.constant 52429 : i32
      %mul3A_1022 = vector.broadcast %mul3A_1021 : i32 to vector<16xi32>
      %mul3A_1023 = arith.muli %add3A_1020, %mul3A_1022 : vector<16xi32>
      %shift_right_logical3A_1024 = arith.constant 20 : i32
      %shift_right_logical3A_1025 = vector.broadcast %shift_right_logical3A_1024 : i32 to vector<16xi32>
      %shift_right_logical3A_1026 = arith.shrui %mul3A_1023, %shift_right_logical3A_1025 : vector<16xi32>
      %mul3A_1027 = arith.constant 2 : i32
      %mul3A_1028 = vector.broadcast %mul3A_1027 : i32 to vector<16xi32>
      %mul3A_1029 = arith.muli %mul3A_1028, %shift_right_logical3A_1026 : vector<16xi32>
      %add3A_1030 = vector.broadcast %mul3A_2 : i32 to vector<16xi32>
      %add3A_1031 = arith.addi %add3A_1030, %mul3A_1029 : vector<16xi32>
      %and3A_1032 = arith.constant 1 : i32
      %and3A_1033 = vector.broadcast %and3A_1032 : i32 to vector<16xi32>
      %and3A_1034 = arith.andi %get3A_1010, %and3A_1033 : vector<16xi32>
      %add3A_1035 = arith.addi %add3A_1031, %and3A_1034 : vector<16xi32>
      %mul3A_1036 = arith.constant 5 : i32
      %mul3A_1037 = arith.muli %scan3A_23, %mul3A_1036 : i32
      %add3A_1038 = arith.constant 3 : i32
      %add3A_1039 = arith.addi %mul3A_1037, %add3A_1038 : i32
      %swap3A_1040 = arith.index_cast %add3A_1039 : i32 to index
      %swap3A_1041 = arith.constant 0 : index
      %swap3A_1042 = tpu.vector_load %arg6[%swap3A_1040, %swap3A_1041] {strides = array<i32>} : memref<80x128xi32, #tpu.memory_space<vmem>>, vector<1x16xi32>,
      %swap3A_1043 = vector.shape_cast %swap3A_1042 : vector<1x16xi32> to vector<16xi32>
      %swap3A_1044 = vector.shape_cast %add3A_1035 : vector<16xi32> to vector<1x16xi32>
      tpu.vector_store %arg6[%swap3A_1040, %swap3A_1041], %swap3A_1044 {strides = array<i32>} : memref<80x128xi32, #tpu.memory_space<vmem>>, vector<1x16xi32>,
      %mul3A_1045 = arith.constant 640 : i32
      %mul3A_1046 = arith.muli %scan3A_23, %mul3A_1045 : i32
      %add3A_1047 = arith.constant 400 : i32
      %add3A_1048 = arith.addi %mul3A_1046, %add3A_1047 : i32
      %get3A_1049 = arith.index_cast %add3A_1048 : i32 to index
      %get3A_1050 = tpu.vector_load %arg5[%get3A_1049] {strides = array<i32>} : memref<10240xi32, #tpu.memory_space<vmem>>, vector<16xi32>,
      %get3A_1051 = vector.shape_cast %get3A_1050 : vector<16xi32> to vector<16xi32>
      %shift_right_logical3A_1052 = arith.constant 1 : i32
      %shift_right_logical3A_1053 = vector.broadcast %shift_right_logical3A_1052 : i32 to vector<16xi32>
      %shift_right_logical3A_1054 = arith.shrui %get3A_1051, %shift_right_logical3A_1053 : vector<16xi32>
      %swap3A_1055 = arith.index_cast %add3A_1048 : i32 to index
      %swap3A_1056 = tpu.vector_load %arg5[%swap3A_1055] {strides = array<i32>} : memref<10240xi32, #tpu.memory_space<vmem>>, vector<16xi32>,
      %swap3A_1057 = vector.shape_cast %swap3A_1056 : vector<16xi32> to vector<16xi32>
      %swap3A_1058 = vector.shape_cast %shift_right_logical3A_1054 : vector<16xi32> to vector<16xi32>
      tpu.vector_store %arg5[%swap3A_1055], %swap3A_1058 {strides = array<i32>} : memref<10240xi32, #tpu.memory_space<vmem>>, vector<16xi32>,
      %add3A_1059 = arith.constant 400 : i32
      %add3A_1060 = vector.broadcast %add3A_1059 : i32 to vector<16xi32>
      %add3A_1061 = arith.addi %add3A_1060, %iota3A : vector<16xi32>
      %mul3A_1062 = arith.constant 52429 : i32
      %mul3A_1063 = vector.broadcast %mul3A_1062 : i32 to vector<16xi32>
      %mul3A_1064 = arith.muli %add3A_1061, %mul3A_1063 : vector<16xi32>
      %shift_right_logical3A_1065 = arith.constant 20 : i32
      %shift_right_logical3A_1066 = vector.broadcast %shift_right_logical3A_1065 : i32 to vector<16xi32>
      %shift_right_logical3A_1067 = arith.shrui %mul3A_1064, %shift_right_logical3A_1066 : vector<16xi32>
      %mul3A_1068 = arith.constant 2 : i32
      %mul3A_1069 = vector.broadcast %mul3A_1068 : i32 to vector<16xi32>
      %mul3A_1070 = arith.muli %mul3A_1069, %shift_right_logical3A_1067 : vector<16xi32>
      %add3A_1071 = vector.broadcast %mul3A_2 : i32 to vector<16xi32>
      %add3A_1072 = arith.addi %add3A_1071, %mul3A_1070 : vector<16xi32>
      %and3A_1073 = arith.constant 1 : i32
      %and3A_1074 = vector.broadcast %and3A_1073 : i32 to vector<16xi32>
      %and3A_1075 = arith.andi %get3A_1051, %and3A_1074 : vector<16xi32>
      %add3A_1076 = arith.addi %add3A_1072, %and3A_1075 : vector<16xi32>
      %mul3A_1077 = arith.constant 5 : i32
      %mul3A_1078 = arith.muli %scan3A_23, %mul3A_1077 : i32
      %add3A_1079 = arith.constant 3 : i32
      %add3A_1080 = arith.addi %mul3A_1078, %add3A_1079 : i32
      %swap3A_1081 = arith.index_cast %add3A_1080 : i32 to index
      %swap3A_1082 = arith.constant 16 : index
      %swap3A_1083 = tpu.vector_load %arg6[%swap3A_1081, %swap3A_1082] {strides = array<i32>} : memref<80x128xi32, #tpu.memory_space<vmem>>, vector<1x16xi32>,
      %swap3A_1084 = vector.shape_cast %swap3A_1083 : vector<1x16xi32> to vector<16xi32>
      %swap3A_1085 = vector.shape_cast %add3A_1076 : vector<16xi32> to vector<1x16xi32>
      tpu.vector_store %arg6[%swap3A_1081, %swap3A_1082], %swap3A_1085 {strides = array<i32>} : memref<80x128xi32, #tpu.memory_space<vmem>>, vector<1x16xi32>,
      %mul3A_1086 = arith.constant 640 : i32
      %mul3A_1087 = arith.muli %scan3A_23, %mul3A_1086 : i32
      %add3A_1088 = arith.constant 416 : i32
      %add3A_1089 = arith.addi %mul3A_1087, %add3A_1088 : i32
      %get3A_1090 = arith.index_cast %add3A_1089 : i32 to index
      %get3A_1091 = tpu.vector_load %arg5[%get3A_1090] {strides = array<i32>} : memref<10240xi32, #tpu.memory_space<vmem>>, vector<16xi32>,
      %get3A_1092 = vector.shape_cast %get3A_1091 : vector<16xi32> to vector<16xi32>
      %shift_right_logical3A_1093 = arith.constant 1 : i32
      %shift_right_logical3A_1094 = vector.broadcast %shift_right_logical3A_1093 : i32 to vector<16xi32>
      %shift_right_logical3A_1095 = arith.shrui %get3A_1092, %shift_right_logical3A_1094 : vector<16xi32>
      %swap3A_1096 = arith.index_cast %add3A_1089 : i32 to index
      %swap3A_1097 = tpu.vector_load %arg5[%swap3A_1096] {strides = array<i32>} : memref<10240xi32, #tpu.memory_space<vmem>>, vector<16xi32>,
      %swap3A_1098 = vector.shape_cast %swap3A_1097 : vector<16xi32> to vector<16xi32>
      %swap3A_1099 = vector.shape_cast %shift_right_logical3A_1095 : vector<16xi32> to vector<16xi32>
      tpu.vector_store %arg5[%swap3A_1096], %swap3A_1099 {strides = array<i32>} : memref<10240xi32, #tpu.memory_space<vmem>>, vector<16xi32>,
      %add3A_1100 = arith.constant 416 : i32
      %add3A_1101 = vector.broadcast %add3A_1100 : i32 to vector<16xi32>
      %add3A_1102 = arith.addi %add3A_1101, %iota3A : vector<16xi32>
      %mul3A_1103 = arith.constant 52429 : i32
      %mul3A_1104 = vector.broadcast %mul3A_1103 : i32 to vector<16xi32>
      %mul3A_1105 = arith.muli %add3A_1102, %mul3A_1104 : vector<16xi32>
      %shift_right_logical3A_1106 = arith.constant 20 : i32
      %shift_right_logical3A_1107 = vector.broadcast %shift_right_logical3A_1106 : i32 to vector<16xi32>
      %shift_right_logical3A_1108 = arith.shrui %mul3A_1105, %shift_right_logical3A_1107 : vector<16xi32>
      %mul3A_1109 = arith.constant 2 : i32
      %mul3A_1110 = vector.broadcast %mul3A_1109 : i32 to vector<16xi32>
      %mul3A_1111 = arith.muli %mul3A_1110, %shift_right_logical3A_1108 : vector<16xi32>
      %add3A_1112 = vector.broadcast %mul3A_2 : i32 to vector<16xi32>
      %add3A_1113 = arith.addi %add3A_1112, %mul3A_1111 : vector<16xi32>
      %and3A_1114 = arith.constant 1 : i32
      %and3A_1115 = vector.broadcast %and3A_1114 : i32 to vector<16xi32>
      %and3A_1116 = arith.andi %get3A_1092, %and3A_1115 : vector<16xi32>
      %add3A_1117 = arith.addi %add3A_1113, %and3A_1116 : vector<16xi32>
      %mul3A_1118 = arith.constant 5 : i32
      %mul3A_1119 = arith.muli %scan3A_23, %mul3A_1118 : i32
      %add3A_1120 = arith.constant 3 : i32
      %add3A_1121 = arith.addi %mul3A_1119, %add3A_1120 : i32
      %swap3A_1122 = arith.index_cast %add3A_1121 : i32 to index
      %swap3A_1123 = arith.constant 32 : index
      %swap3A_1124 = tpu.vector_load %arg6[%swap3A_1122, %swap3A_1123] {strides = array<i32>} : memref<80x128xi32, #tpu.memory_space<vmem>>, vector<1x16xi32>,
      %swap3A_1125 = vector.shape_cast %swap3A_1124 : vector<1x16xi32> to vector<16xi32>
      %swap3A_1126 = vector.shape_cast %add3A_1117 : vector<16xi32> to vector<1x16xi32>
      tpu.vector_store %arg6[%swap3A_1122, %swap3A_1123], %swap3A_1126 {strides = array<i32>} : memref<80x128xi32, #tpu.memory_space<vmem>>, vector<1x16xi32>,
      %mul3A_1127 = arith.constant 640 : i32
      %mul3A_1128 = arith.muli %scan3A_23, %mul3A_1127 : i32
      %add3A_1129 = arith.constant 432 : i32
      %add3A_1130 = arith.addi %mul3A_1128, %add3A_1129 : i32
      %get3A_1131 = arith.index_cast %add3A_1130 : i32 to index
      %get3A_1132 = tpu.vector_load %arg5[%get3A_1131] {strides = array<i32>} : memref<10240xi32, #tpu.memory_space<vmem>>, vector<16xi32>,
      %get3A_1133 = vector.shape_cast %get3A_1132 : vector<16xi32> to vector<16xi32>
      %shift_right_logical3A_1134 = arith.constant 1 : i32
      %shift_right_logical3A_1135 = vector.broadcast %shift_right_logical3A_1134 : i32 to vector<16xi32>
      %shift_right_logical3A_1136 = arith.shrui %get3A_1133, %shift_right_logical3A_1135 : vector<16xi32>
      %swap3A_1137 = arith.index_cast %add3A_1130 : i32 to index
      %swap3A_1138 = tpu.vector_load %arg5[%swap3A_1137] {strides = array<i32>} : memref<10240xi32, #tpu.memory_space<vmem>>, vector<16xi32>,
      %swap3A_1139 = vector.shape_cast %swap3A_1138 : vector<16xi32> to vector<16xi32>
      %swap3A_1140 = vector.shape_cast %shift_right_logical3A_1136 : vector<16xi32> to vector<16xi32>
      tpu.vector_store %arg5[%swap3A_1137], %swap3A_1140 {strides = array<i32>} : memref<10240xi32, #tpu.memory_space<vmem>>, vector<16xi32>,
      %add3A_1141 = arith.constant 432 : i32
      %add3A_1142 = vector.broadcast %add3A_1141 : i32 to vector<16xi32>
      %add3A_1143 = arith.addi %add3A_1142, %iota3A : vector<16xi32>
      %mul3A_1144 = arith.constant 52429 : i32
      %mul3A_1145 = vector.broadcast %mul3A_1144 : i32 to vector<16xi32>
      %mul3A_1146 = arith.muli %add3A_1143, %mul3A_1145 : vector<16xi32>
      %shift_right_logical3A_1147 = arith.constant 20 : i32
      %shift_right_logical3A_1148 = vector.broadcast %shift_right_logical3A_1147 : i32 to vector<16xi32>
      %shift_right_logical3A_1149 = arith.shrui %mul3A_1146, %shift_right_logical3A_1148 : vector<16xi32>
      %mul3A_1150 = arith.constant 2 : i32
      %mul3A_1151 = vector.broadcast %mul3A_1150 : i32 to vector<16xi32>
      %mul3A_1152 = arith.muli %mul3A_1151, %shift_right_logical3A_1149 : vector<16xi32>
      %add3A_1153 = vector.broadcast %mul3A_2 : i32 to vector<16xi32>
      %add3A_1154 = arith.addi %add3A_1153, %mul3A_1152 : vector<16xi32>
      %and3A_1155 = arith.constant 1 : i32
      %and3A_1156 = vector.broadcast %and3A_1155 : i32 to vector<16xi32>
      %and3A_1157 = arith.andi %get3A_1133, %and3A_1156 : vector<16xi32>
      %add3A_1158 = arith.addi %add3A_1154, %and3A_1157 : vector<16xi32>
      %mul3A_1159 = arith.constant 5 : i32
      %mul3A_1160 = arith.muli %scan3A_23, %mul3A_1159 : i32
      %add3A_1161 = arith.constant 3 : i32
      %add3A_1162 = arith.addi %mul3A_1160, %add3A_1161 : i32
      %swap3A_1163 = arith.index_cast %add3A_1162 : i32 to index
      %swap3A_1164 = arith.constant 48 : index
      %swap3A_1165 = tpu.vector_load %arg6[%swap3A_1163, %swap3A_1164] {strides = array<i32>} : memref<80x128xi32, #tpu.memory_space<vmem>>, vector<1x16xi32>,
      %swap3A_1166 = vector.shape_cast %swap3A_1165 : vector<1x16xi32> to vector<16xi32>
      %swap3A_1167 = vector.shape_cast %add3A_1158 : vector<16xi32> to vector<1x16xi32>
      tpu.vector_store %arg6[%swap3A_1163, %swap3A_1164], %swap3A_1167 {strides = array<i32>} : memref<80x128xi32, #tpu.memory_space<vmem>>, vector<1x16xi32>,
      %mul3A_1168 = arith.constant 640 : i32
      %mul3A_1169 = arith.muli %scan3A_23, %mul3A_1168 : i32
      %add3A_1170 = arith.constant 448 : i32
      %add3A_1171 = arith.addi %mul3A_1169, %add3A_1170 : i32
      %get3A_1172 = arith.index_cast %add3A_1171 : i32 to index
      %get3A_1173 = tpu.vector_load %arg5[%get3A_1172] {strides = array<i32>} : memref<10240xi32, #tpu.memory_space<vmem>>, vector<16xi32>,
      %get3A_1174 = vector.shape_cast %get3A_1173 : vector<16xi32> to vector<16xi32>
      %shift_right_logical3A_1175 = arith.constant 1 : i32
      %shift_right_logical3A_1176 = vector.broadcast %shift_right_logical3A_1175 : i32 to vector<16xi32>
      %shift_right_logical3A_1177 = arith.shrui %get3A_1174, %shift_right_logical3A_1176 : vector<16xi32>
      %swap3A_1178 = arith.index_cast %add3A_1171 : i32 to index
      %swap3A_1179 = tpu.vector_load %arg5[%swap3A_1178] {strides = array<i32>} : memref<10240xi32, #tpu.memory_space<vmem>>, vector<16xi32>,
      %swap3A_1180 = vector.shape_cast %swap3A_1179 : vector<16xi32> to vector<16xi32>
      %swap3A_1181 = vector.shape_cast %shift_right_logical3A_1177 : vector<16xi32> to vector<16xi32>
      tpu.vector_store %arg5[%swap3A_1178], %swap3A_1181 {strides = array<i32>} : memref<10240xi32, #tpu.memory_space<vmem>>, vector<16xi32>,
      %add3A_1182 = arith.constant 448 : i32
      %add3A_1183 = vector.broadcast %add3A_1182 : i32 to vector<16xi32>
      %add3A_1184 = arith.addi %add3A_1183, %iota3A : vector<16xi32>
      %mul3A_1185 = arith.constant 52429 : i32
      %mul3A_1186 = vector.broadcast %mul3A_1185 : i32 to vector<16xi32>
      %mul3A_1187 = arith.muli %add3A_1184, %mul3A_1186 : vector<16xi32>
      %shift_right_logical3A_1188 = arith.constant 20 : i32
      %shift_right_logical3A_1189 = vector.broadcast %shift_right_logical3A_1188 : i32 to vector<16xi32>
      %shift_right_logical3A_1190 = arith.shrui %mul3A_1187, %shift_right_logical3A_1189 : vector<16xi32>
      %mul3A_1191 = arith.constant 2 : i32
      %mul3A_1192 = vector.broadcast %mul3A_1191 : i32 to vector<16xi32>
      %mul3A_1193 = arith.muli %mul3A_1192, %shift_right_logical3A_1190 : vector<16xi32>
      %add3A_1194 = vector.broadcast %mul3A_2 : i32 to vector<16xi32>
      %add3A_1195 = arith.addi %add3A_1194, %mul3A_1193 : vector<16xi32>
      %and3A_1196 = arith.constant 1 : i32
      %and3A_1197 = vector.broadcast %and3A_1196 : i32 to vector<16xi32>
      %and3A_1198 = arith.andi %get3A_1174, %and3A_1197 : vector<16xi32>
      %add3A_1199 = arith.addi %add3A_1195, %and3A_1198 : vector<16xi32>
      %mul3A_1200 = arith.constant 5 : i32
      %mul3A_1201 = arith.muli %scan3A_23, %mul3A_1200 : i32
      %add3A_1202 = arith.constant 3 : i32
      %add3A_1203 = arith.addi %mul3A_1201, %add3A_1202 : i32
      %swap3A_1204 = arith.index_cast %add3A_1203 : i32 to index
      %swap3A_1205 = arith.constant 64 : index
      %swap3A_1206 = tpu.vector_load %arg6[%swap3A_1204, %swap3A_1205] {strides = array<i32>} : memref<80x128xi32, #tpu.memory_space<vmem>>, vector<1x16xi32>,
      %swap3A_1207 = vector.shape_cast %swap3A_1206 : vector<1x16xi32> to vector<16xi32>
      %swap3A_1208 = vector.shape_cast %add3A_1199 : vector<16xi32> to vector<1x16xi32>
      tpu.vector_store %arg6[%swap3A_1204, %swap3A_1205], %swap3A_1208 {strides = array<i32>} : memref<80x128xi32, #tpu.memory_space<vmem>>, vector<1x16xi32>,
      %mul3A_1209 = arith.constant 640 : i32
      %mul3A_1210 = arith.muli %scan3A_23, %mul3A_1209 : i32
      %add3A_1211 = arith.constant 464 : i32
      %add3A_1212 = arith.addi %mul3A_1210, %add3A_1211 : i32
      %get3A_1213 = arith.index_cast %add3A_1212 : i32 to index
      %get3A_1214 = tpu.vector_load %arg5[%get3A_1213] {strides = array<i32>} : memref<10240xi32, #tpu.memory_space<vmem>>, vector<16xi32>,
      %get3A_1215 = vector.shape_cast %get3A_1214 : vector<16xi32> to vector<16xi32>
      %shift_right_logical3A_1216 = arith.constant 1 : i32
      %shift_right_logical3A_1217 = vector.broadcast %shift_right_logical3A_1216 : i32 to vector<16xi32>
      %shift_right_logical3A_1218 = arith.shrui %get3A_1215, %shift_right_logical3A_1217 : vector<16xi32>
      %swap3A_1219 = arith.index_cast %add3A_1212 : i32 to index
      %swap3A_1220 = tpu.vector_load %arg5[%swap3A_1219] {strides = array<i32>} : memref<10240xi32, #tpu.memory_space<vmem>>, vector<16xi32>,
      %swap3A_1221 = vector.shape_cast %swap3A_1220 : vector<16xi32> to vector<16xi32>
      %swap3A_1222 = vector.shape_cast %shift_right_logical3A_1218 : vector<16xi32> to vector<16xi32>
      tpu.vector_store %arg5[%swap3A_1219], %swap3A_1222 {strides = array<i32>} : memref<10240xi32, #tpu.memory_space<vmem>>, vector<16xi32>,
      %add3A_1223 = arith.constant 464 : i32
      %add3A_1224 = vector.broadcast %add3A_1223 : i32 to vector<16xi32>
      %add3A_1225 = arith.addi %add3A_1224, %iota3A : vector<16xi32>
      %mul3A_1226 = arith.constant 52429 : i32
      %mul3A_1227 = vector.broadcast %mul3A_1226 : i32 to vector<16xi32>
      %mul3A_1228 = arith.muli %add3A_1225, %mul3A_1227 : vector<16xi32>
      %shift_right_logical3A_1229 = arith.constant 20 : i32
      %shift_right_logical3A_1230 = vector.broadcast %shift_right_logical3A_1229 : i32 to vector<16xi32>
      %shift_right_logical3A_1231 = arith.shrui %mul3A_1228, %shift_right_logical3A_1230 : vector<16xi32>
      %mul3A_1232 = arith.constant 2 : i32
      %mul3A_1233 = vector.broadcast %mul3A_1232 : i32 to vector<16xi32>
      %mul3A_1234 = arith.muli %mul3A_1233, %shift_right_logical3A_1231 : vector<16xi32>
      %add3A_1235 = vector.broadcast %mul3A_2 : i32 to vector<16xi32>
      %add3A_1236 = arith.addi %add3A_1235, %mul3A_1234 : vector<16xi32>
      %and3A_1237 = arith.constant 1 : i32
      %and3A_1238 = vector.broadcast %and3A_1237 : i32 to vector<16xi32>
      %and3A_1239 = arith.andi %get3A_1215, %and3A_1238 : vector<16xi32>
      %add3A_1240 = arith.addi %add3A_1236, %and3A_1239 : vector<16xi32>
      %mul3A_1241 = arith.constant 5 : i32
      %mul3A_1242 = arith.muli %scan3A_23, %mul3A_1241 : i32
      %add3A_1243 = arith.constant 3 : i32
      %add3A_1244 = arith.addi %mul3A_1242, %add3A_1243 : i32
      %swap3A_1245 = arith.index_cast %add3A_1244 : i32 to index
      %swap3A_1246 = arith.constant 80 : index
      %swap3A_1247 = tpu.vector_load %arg6[%swap3A_1245, %swap3A_1246] {strides = array<i32>} : memref<80x128xi32, #tpu.memory_space<vmem>>, vector<1x16xi32>,
      %swap3A_1248 = vector.shape_cast %swap3A_1247 : vector<1x16xi32> to vector<16xi32>
      %swap3A_1249 = vector.shape_cast %add3A_1240 : vector<16xi32> to vector<1x16xi32>
      tpu.vector_store %arg6[%swap3A_1245, %swap3A_1246], %swap3A_1249 {strides = array<i32>} : memref<80x128xi32, #tpu.memory_space<vmem>>, vector<1x16xi32>,
      %mul3A_1250 = arith.constant 640 : i32
      %mul3A_1251 = arith.muli %scan3A_23, %mul3A_1250 : i32
      %add3A_1252 = arith.constant 480 : i32
      %add3A_1253 = arith.addi %mul3A_1251, %add3A_1252 : i32
      %get3A_1254 = arith.index_cast %add3A_1253 : i32 to index
      %get3A_1255 = tpu.vector_load %arg5[%get3A_1254] {strides = array<i32>} : memref<10240xi32, #tpu.memory_space<vmem>>, vector<16xi32>,
      %get3A_1256 = vector.shape_cast %get3A_1255 : vector<16xi32> to vector<16xi32>
      %shift_right_logical3A_1257 = arith.constant 1 : i32
      %shift_right_logical3A_1258 = vector.broadcast %shift_right_logical3A_1257 : i32 to vector<16xi32>
      %shift_right_logical3A_1259 = arith.shrui %get3A_1256, %shift_right_logical3A_1258 : vector<16xi32>
      %swap3A_1260 = arith.index_cast %add3A_1253 : i32 to index
      %swap3A_1261 = tpu.vector_load %arg5[%swap3A_1260] {strides = array<i32>} : memref<10240xi32, #tpu.memory_space<vmem>>, vector<16xi32>,
      %swap3A_1262 = vector.shape_cast %swap3A_1261 : vector<16xi32> to vector<16xi32>
      %swap3A_1263 = vector.shape_cast %shift_right_logical3A_1259 : vector<16xi32> to vector<16xi32>
      tpu.vector_store %arg5[%swap3A_1260], %swap3A_1263 {strides = array<i32>} : memref<10240xi32, #tpu.memory_space<vmem>>, vector<16xi32>,
      %add3A_1264 = arith.constant 480 : i32
      %add3A_1265 = vector.broadcast %add3A_1264 : i32 to vector<16xi32>
      %add3A_1266 = arith.addi %add3A_1265, %iota3A : vector<16xi32>
      %mul3A_1267 = arith.constant 52429 : i32
      %mul3A_1268 = vector.broadcast %mul3A_1267 : i32 to vector<16xi32>
      %mul3A_1269 = arith.muli %add3A_1266, %mul3A_1268 : vector<16xi32>
      %shift_right_logical3A_1270 = arith.constant 20 : i32
      %shift_right_logical3A_1271 = vector.broadcast %shift_right_logical3A_1270 : i32 to vector<16xi32>
      %shift_right_logical3A_1272 = arith.shrui %mul3A_1269, %shift_right_logical3A_1271 : vector<16xi32>
      %mul3A_1273 = arith.constant 2 : i32
      %mul3A_1274 = vector.broadcast %mul3A_1273 : i32 to vector<16xi32>
      %mul3A_1275 = arith.muli %mul3A_1274, %shift_right_logical3A_1272 : vector<16xi32>
      %add3A_1276 = vector.broadcast %mul3A_2 : i32 to vector<16xi32>
      %add3A_1277 = arith.addi %add3A_1276, %mul3A_1275 : vector<16xi32>
      %and3A_1278 = arith.constant 1 : i32
      %and3A_1279 = vector.broadcast %and3A_1278 : i32 to vector<16xi32>
      %and3A_1280 = arith.andi %get3A_1256, %and3A_1279 : vector<16xi32>
      %add3A_1281 = arith.addi %add3A_1277, %and3A_1280 : vector<16xi32>
      %mul3A_1282 = arith.constant 5 : i32
      %mul3A_1283 = arith.muli %scan3A_23, %mul3A_1282 : i32
      %add3A_1284 = arith.constant 3 : i32
      %add3A_1285 = arith.addi %mul3A_1283, %add3A_1284 : i32
      %swap3A_1286 = arith.index_cast %add3A_1285 : i32 to index
      %swap3A_1287 = arith.constant 96 : index
      %swap3A_1288 = tpu.vector_load %arg6[%swap3A_1286, %swap3A_1287] {strides = array<i32>} : memref<80x128xi32, #tpu.memory_space<vmem>>, vector<1x16xi32>,
      %swap3A_1289 = vector.shape_cast %swap3A_1288 : vector<1x16xi32> to vector<16xi32>
      %swap3A_1290 = vector.shape_cast %add3A_1281 : vector<16xi32> to vector<1x16xi32>
      tpu.vector_store %arg6[%swap3A_1286, %swap3A_1287], %swap3A_1290 {strides = array<i32>} : memref<80x128xi32, #tpu.memory_space<vmem>>, vector<1x16xi32>,
      %mul3A_1291 = arith.constant 640 : i32
      %mul3A_1292 = arith.muli %scan3A_23, %mul3A_1291 : i32
      %add3A_1293 = arith.constant 496 : i32
      %add3A_1294 = arith.addi %mul3A_1292, %add3A_1293 : i32
      %get3A_1295 = arith.index_cast %add3A_1294 : i32 to index
      %get3A_1296 = tpu.vector_load %arg5[%get3A_1295] {strides = array<i32>} : memref<10240xi32, #tpu.memory_space<vmem>>, vector<16xi32>,
      %get3A_1297 = vector.shape_cast %get3A_1296 : vector<16xi32> to vector<16xi32>
      %shift_right_logical3A_1298 = arith.constant 1 : i32
      %shift_right_logical3A_1299 = vector.broadcast %shift_right_logical3A_1298 : i32 to vector<16xi32>
      %shift_right_logical3A_1300 = arith.shrui %get3A_1297, %shift_right_logical3A_1299 : vector<16xi32>
      %swap3A_1301 = arith.index_cast %add3A_1294 : i32 to index
      %swap3A_1302 = tpu.vector_load %arg5[%swap3A_1301] {strides = array<i32>} : memref<10240xi32, #tpu.memory_space<vmem>>, vector<16xi32>,
      %swap3A_1303 = vector.shape_cast %swap3A_1302 : vector<16xi32> to vector<16xi32>
      %swap3A_1304 = vector.shape_cast %shift_right_logical3A_1300 : vector<16xi32> to vector<16xi32>
      tpu.vector_store %arg5[%swap3A_1301], %swap3A_1304 {strides = array<i32>} : memref<10240xi32, #tpu.memory_space<vmem>>, vector<16xi32>,
      %add3A_1305 = arith.constant 496 : i32
      %add3A_1306 = vector.broadcast %add3A_1305 : i32 to vector<16xi32>
      %add3A_1307 = arith.addi %add3A_1306, %iota3A : vector<16xi32>
      %mul3A_1308 = arith.constant 52429 : i32
      %mul3A_1309 = vector.broadcast %mul3A_1308 : i32 to vector<16xi32>
      %mul3A_1310 = arith.muli %add3A_1307, %mul3A_1309 : vector<16xi32>
      %shift_right_logical3A_1311 = arith.constant 20 : i32
      %shift_right_logical3A_1312 = vector.broadcast %shift_right_logical3A_1311 : i32 to vector<16xi32>
      %shift_right_logical3A_1313 = arith.shrui %mul3A_1310, %shift_right_logical3A_1312 : vector<16xi32>
      %mul3A_1314 = arith.constant 2 : i32
      %mul3A_1315 = vector.broadcast %mul3A_1314 : i32 to vector<16xi32>
      %mul3A_1316 = arith.muli %mul3A_1315, %shift_right_logical3A_1313 : vector<16xi32>
      %add3A_1317 = vector.broadcast %mul3A_2 : i32 to vector<16xi32>
      %add3A_1318 = arith.addi %add3A_1317, %mul3A_1316 : vector<16xi32>
      %and3A_1319 = arith.constant 1 : i32
      %and3A_1320 = vector.broadcast %and3A_1319 : i32 to vector<16xi32>
      %and3A_1321 = arith.andi %get3A_1297, %and3A_1320 : vector<16xi32>
      %add3A_1322 = arith.addi %add3A_1318, %and3A_1321 : vector<16xi32>
      %mul3A_1323 = arith.constant 5 : i32
      %mul3A_1324 = arith.muli %scan3A_23, %mul3A_1323 : i32
      %add3A_1325 = arith.constant 3 : i32
      %add3A_1326 = arith.addi %mul3A_1324, %add3A_1325 : i32
      %swap3A_1327 = arith.index_cast %add3A_1326 : i32 to index
      %swap3A_1328 = arith.constant 112 : index
      %swap3A_1329 = tpu.vector_load %arg6[%swap3A_1327, %swap3A_1328] {strides = array<i32>} : memref<80x128xi32, #tpu.memory_space<vmem>>, vector<1x16xi32>,
      %swap3A_1330 = vector.shape_cast %swap3A_1329 : vector<1x16xi32> to vector<16xi32>
      %swap3A_1331 = vector.shape_cast %add3A_1322 : vector<16xi32> to vector<1x16xi32>
      tpu.vector_store %arg6[%swap3A_1327, %swap3A_1328], %swap3A_1331 {strides = array<i32>} : memref<80x128xi32, #tpu.memory_space<vmem>>, vector<1x16xi32>,
      %mul3A_1332 = arith.constant 640 : i32
      %mul3A_1333 = arith.muli %scan3A_23, %mul3A_1332 : i32
      %add3A_1334 = arith.constant 512 : i32
      %add3A_1335 = arith.addi %mul3A_1333, %add3A_1334 : i32
      %get3A_1336 = arith.index_cast %add3A_1335 : i32 to index
      %get3A_1337 = tpu.vector_load %arg5[%get3A_1336] {strides = array<i32>} : memref<10240xi32, #tpu.memory_space<vmem>>, vector<16xi32>,
      %get3A_1338 = vector.shape_cast %get3A_1337 : vector<16xi32> to vector<16xi32>
      %shift_right_logical3A_1339 = arith.constant 1 : i32
      %shift_right_logical3A_1340 = vector.broadcast %shift_right_logical3A_1339 : i32 to vector<16xi32>
      %shift_right_logical3A_1341 = arith.shrui %get3A_1338, %shift_right_logical3A_1340 : vector<16xi32>
      %swap3A_1342 = arith.index_cast %add3A_1335 : i32 to index
      %swap3A_1343 = tpu.vector_load %arg5[%swap3A_1342] {strides = array<i32>} : memref<10240xi32, #tpu.memory_space<vmem>>, vector<16xi32>,
      %swap3A_1344 = vector.shape_cast %swap3A_1343 : vector<16xi32> to vector<16xi32>
      %swap3A_1345 = vector.shape_cast %shift_right_logical3A_1341 : vector<16xi32> to vector<16xi32>
      tpu.vector_store %arg5[%swap3A_1342], %swap3A_1345 {strides = array<i32>} : memref<10240xi32, #tpu.memory_space<vmem>>, vector<16xi32>,
      %add3A_1346 = arith.constant 512 : i32
      %add3A_1347 = vector.broadcast %add3A_1346 : i32 to vector<16xi32>
      %add3A_1348 = arith.addi %add3A_1347, %iota3A : vector<16xi32>
      %mul3A_1349 = arith.constant 52429 : i32
      %mul3A_1350 = vector.broadcast %mul3A_1349 : i32 to vector<16xi32>
      %mul3A_1351 = arith.muli %add3A_1348, %mul3A_1350 : vector<16xi32>
      %shift_right_logical3A_1352 = arith.constant 20 : i32
      %shift_right_logical3A_1353 = vector.broadcast %shift_right_logical3A_1352 : i32 to vector<16xi32>
      %shift_right_logical3A_1354 = arith.shrui %mul3A_1351, %shift_right_logical3A_1353 : vector<16xi32>
      %mul3A_1355 = arith.constant 2 : i32
      %mul3A_1356 = vector.broadcast %mul3A_1355 : i32 to vector<16xi32>
      %mul3A_1357 = arith.muli %mul3A_1356, %shift_right_logical3A_1354 : vector<16xi32>
      %add3A_1358 = vector.broadcast %mul3A_2 : i32 to vector<16xi32>
      %add3A_1359 = arith.addi %add3A_1358, %mul3A_1357 : vector<16xi32>
      %and3A_1360 = arith.constant 1 : i32
      %and3A_1361 = vector.broadcast %and3A_1360 : i32 to vector<16xi32>
      %and3A_1362 = arith.andi %get3A_1338, %and3A_1361 : vector<16xi32>
      %add3A_1363 = arith.addi %add3A_1359, %and3A_1362 : vector<16xi32>
      %mul3A_1364 = arith.constant 5 : i32
      %mul3A_1365 = arith.muli %scan3A_23, %mul3A_1364 : i32
      %add3A_1366 = arith.constant 4 : i32
      %add3A_1367 = arith.addi %mul3A_1365, %add3A_1366 : i32
      %swap3A_1368 = arith.index_cast %add3A_1367 : i32 to index
      %swap3A_1369 = arith.constant 0 : index
      %swap3A_1370 = tpu.vector_load %arg6[%swap3A_1368, %swap3A_1369] {strides = array<i32>} : memref<80x128xi32, #tpu.memory_space<vmem>>, vector<1x16xi32>,
      %swap3A_1371 = vector.shape_cast %swap3A_1370 : vector<1x16xi32> to vector<16xi32>
      %swap3A_1372 = vector.shape_cast %add3A_1363 : vector<16xi32> to vector<1x16xi32>
      tpu.vector_store %arg6[%swap3A_1368, %swap3A_1369], %swap3A_1372 {strides = array<i32>} : memref<80x128xi32, #tpu.memory_space<vmem>>, vector<1x16xi32>,
      %mul3A_1373 = arith.constant 640 : i32
      %mul3A_1374 = arith.muli %scan3A_23, %mul3A_1373 : i32
      %add3A_1375 = arith.constant 528 : i32
      %add3A_1376 = arith.addi %mul3A_1374, %add3A_1375 : i32
      %get3A_1377 = arith.index_cast %add3A_1376 : i32 to index
      %get3A_1378 = tpu.vector_load %arg5[%get3A_1377] {strides = array<i32>} : memref<10240xi32, #tpu.memory_space<vmem>>, vector<16xi32>,
      %get3A_1379 = vector.shape_cast %get3A_1378 : vector<16xi32> to vector<16xi32>
      %shift_right_logical3A_1380 = arith.constant 1 : i32
      %shift_right_logical3A_1381 = vector.broadcast %shift_right_logical3A_1380 : i32 to vector<16xi32>
      %shift_right_logical3A_1382 = arith.shrui %get3A_1379, %shift_right_logical3A_1381 : vector<16xi32>
      %swap3A_1383 = arith.index_cast %add3A_1376 : i32 to index
      %swap3A_1384 = tpu.vector_load %arg5[%swap3A_1383] {strides = array<i32>} : memref<10240xi32, #tpu.memory_space<vmem>>, vector<16xi32>,
      %swap3A_1385 = vector.shape_cast %swap3A_1384 : vector<16xi32> to vector<16xi32>
      %swap3A_1386 = vector.shape_cast %shift_right_logical3A_1382 : vector<16xi32> to vector<16xi32>
      tpu.vector_store %arg5[%swap3A_1383], %swap3A_1386 {strides = array<i32>} : memref<10240xi32, #tpu.memory_space<vmem>>, vector<16xi32>,
      %add3A_1387 = arith.constant 528 : i32
      %add3A_1388 = vector.broadcast %add3A_1387 : i32 to vector<16xi32>
      %add3A_1389 = arith.addi %add3A_1388, %iota3A : vector<16xi32>
      %mul3A_1390 = arith.constant 52429 : i32
      %mul3A_1391 = vector.broadcast %mul3A_1390 : i32 to vector<16xi32>
      %mul3A_1392 = arith.muli %add3A_1389, %mul3A_1391 : vector<16xi32>
      %shift_right_logical3A_1393 = arith.constant 20 : i32
      %shift_right_logical3A_1394 = vector.broadcast %shift_right_logical3A_1393 : i32 to vector<16xi32>
      %shift_right_logical3A_1395 = arith.shrui %mul3A_1392, %shift_right_logical3A_1394 : vector<16xi32>
      %mul3A_1396 = arith.constant 2 : i32
      %mul3A_1397 = vector.broadcast %mul3A_1396 : i32 to vector<16xi32>
      %mul3A_1398 = arith.muli %mul3A_1397, %shift_right_logical3A_1395 : vector<16xi32>
      %add3A_1399 = vector.broadcast %mul3A_2 : i32 to vector<16xi32>
      %add3A_1400 = arith.addi %add3A_1399, %mul3A_1398 : vector<16xi32>
      %and3A_1401 = arith.constant 1 : i32
      %and3A_1402 = vector.broadcast %and3A_1401 : i32 to vector<16xi32>
      %and3A_1403 = arith.andi %get3A_1379, %and3A_1402 : vector<16xi32>
      %add3A_1404 = arith.addi %add3A_1400, %and3A_1403 : vector<16xi32>
      %mul3A_1405 = arith.constant 5 : i32
      %mul3A_1406 = arith.muli %scan3A_23, %mul3A_1405 : i32
      %add3A_1407 = arith.constant 4 : i32
      %add3A_1408 = arith.addi %mul3A_1406, %add3A_1407 : i32
      %swap3A_1409 = arith.index_cast %add3A_1408 : i32 to index
      %swap3A_1410 = arith.constant 16 : index
      %swap3A_1411 = tpu.vector_load %arg6[%swap3A_1409, %swap3A_1410] {strides = array<i32>} : memref<80x128xi32, #tpu.memory_space<vmem>>, vector<1x16xi32>,
      %swap3A_1412 = vector.shape_cast %swap3A_1411 : vector<1x16xi32> to vector<16xi32>
      %swap3A_1413 = vector.shape_cast %add3A_1404 : vector<16xi32> to vector<1x16xi32>
      tpu.vector_store %arg6[%swap3A_1409, %swap3A_1410], %swap3A_1413 {strides = array<i32>} : memref<80x128xi32, #tpu.memory_space<vmem>>, vector<1x16xi32>,
      %mul3A_1414 = arith.constant 640 : i32
      %mul3A_1415 = arith.muli %scan3A_23, %mul3A_1414 : i32
      %add3A_1416 = arith.constant 544 : i32
      %add3A_1417 = arith.addi %mul3A_1415, %add3A_1416 : i32
      %get3A_1418 = arith.index_cast %add3A_1417 : i32 to index
      %get3A_1419 = tpu.vector_load %arg5[%get3A_1418] {strides = array<i32>} : memref<10240xi32, #tpu.memory_space<vmem>>, vector<16xi32>,
      %get3A_1420 = vector.shape_cast %get3A_1419 : vector<16xi32> to vector<16xi32>
      %shift_right_logical3A_1421 = arith.constant 1 : i32
      %shift_right_logical3A_1422 = vector.broadcast %shift_right_logical3A_1421 : i32 to vector<16xi32>
      %shift_right_logical3A_1423 = arith.shrui %get3A_1420, %shift_right_logical3A_1422 : vector<16xi32>
      %swap3A_1424 = arith.index_cast %add3A_1417 : i32 to index
      %swap3A_1425 = tpu.vector_load %arg5[%swap3A_1424] {strides = array<i32>} : memref<10240xi32, #tpu.memory_space<vmem>>, vector<16xi32>,
      %swap3A_1426 = vector.shape_cast %swap3A_1425 : vector<16xi32> to vector<16xi32>
      %swap3A_1427 = vector.shape_cast %shift_right_logical3A_1423 : vector<16xi32> to vector<16xi32>
      tpu.vector_store %arg5[%swap3A_1424], %swap3A_1427 {strides = array<i32>} : memref<10240xi32, #tpu.memory_space<vmem>>, vector<16xi32>,
      %add3A_1428 = arith.constant 544 : i32
      %add3A_1429 = vector.broadcast %add3A_1428 : i32 to vector<16xi32>
      %add3A_1430 = arith.addi %add3A_1429, %iota3A : vector<16xi32>
      %mul3A_1431 = arith.constant 52429 : i32
      %mul3A_1432 = vector.broadcast %mul3A_1431 : i32 to vector<16xi32>
      %mul3A_1433 = arith.muli %add3A_1430, %mul3A_1432 : vector<16xi32>
      %shift_right_logical3A_1434 = arith.constant 20 : i32
      %shift_right_logical3A_1435 = vector.broadcast %shift_right_logical3A_1434 : i32 to vector<16xi32>
      %shift_right_logical3A_1436 = arith.shrui %mul3A_1433, %shift_right_logical3A_1435 : vector<16xi32>
      %mul3A_1437 = arith.constant 2 : i32
      %mul3A_1438 = vector.broadcast %mul3A_1437 : i32 to vector<16xi32>
      %mul3A_1439 = arith.muli %mul3A_1438, %shift_right_logical3A_1436 : vector<16xi32>
      %add3A_1440 = vector.broadcast %mul3A_2 : i32 to vector<16xi32>
      %add3A_1441 = arith.addi %add3A_1440, %mul3A_1439 : vector<16xi32>
      %and3A_1442 = arith.constant 1 : i32
      %and3A_1443 = vector.broadcast %and3A_1442 : i32 to vector<16xi32>
      %and3A_1444 = arith.andi %get3A_1420, %and3A_1443 : vector<16xi32>
      %add3A_1445 = arith.addi %add3A_1441, %and3A_1444 : vector<16xi32>
      %mul3A_1446 = arith.constant 5 : i32
      %mul3A_1447 = arith.muli %scan3A_23, %mul3A_1446 : i32
      %add3A_1448 = arith.constant 4 : i32
      %add3A_1449 = arith.addi %mul3A_1447, %add3A_1448 : i32
      %swap3A_1450 = arith.index_cast %add3A_1449 : i32 to index
      %swap3A_1451 = arith.constant 32 : index
      %swap3A_1452 = tpu.vector_load %arg6[%swap3A_1450, %swap3A_1451] {strides = array<i32>} : memref<80x128xi32, #tpu.memory_space<vmem>>, vector<1x16xi32>,
      %swap3A_1453 = vector.shape_cast %swap3A_1452 : vector<1x16xi32> to vector<16xi32>
      %swap3A_1454 = vector.shape_cast %add3A_1445 : vector<16xi32> to vector<1x16xi32>
      tpu.vector_store %arg6[%swap3A_1450, %swap3A_1451], %swap3A_1454 {strides = array<i32>} : memref<80x128xi32, #tpu.memory_space<vmem>>, vector<1x16xi32>,
      %mul3A_1455 = arith.constant 640 : i32
      %mul3A_1456 = arith.muli %scan3A_23, %mul3A_1455 : i32
      %add3A_1457 = arith.constant 560 : i32
      %add3A_1458 = arith.addi %mul3A_1456, %add3A_1457 : i32
      %get3A_1459 = arith.index_cast %add3A_1458 : i32 to index
      %get3A_1460 = tpu.vector_load %arg5[%get3A_1459] {strides = array<i32>} : memref<10240xi32, #tpu.memory_space<vmem>>, vector<16xi32>,
      %get3A_1461 = vector.shape_cast %get3A_1460 : vector<16xi32> to vector<16xi32>
      %shift_right_logical3A_1462 = arith.constant 1 : i32
      %shift_right_logical3A_1463 = vector.broadcast %shift_right_logical3A_1462 : i32 to vector<16xi32>
      %shift_right_logical3A_1464 = arith.shrui %get3A_1461, %shift_right_logical3A_1463 : vector<16xi32>
      %swap3A_1465 = arith.index_cast %add3A_1458 : i32 to index
      %swap3A_1466 = tpu.vector_load %arg5[%swap3A_1465] {strides = array<i32>} : memref<10240xi32, #tpu.memory_space<vmem>>, vector<16xi32>,
      %swap3A_1467 = vector.shape_cast %swap3A_1466 : vector<16xi32> to vector<16xi32>
      %swap3A_1468 = vector.shape_cast %shift_right_logical3A_1464 : vector<16xi32> to vector<16xi32>
      tpu.vector_store %arg5[%swap3A_1465], %swap3A_1468 {strides = array<i32>} : memref<10240xi32, #tpu.memory_space<vmem>>, vector<16xi32>,
      %add3A_1469 = arith.constant 560 : i32
      %add3A_1470 = vector.broadcast %add3A_1469 : i32 to vector<16xi32>
      %add3A_1471 = arith.addi %add3A_1470, %iota3A : vector<16xi32>
      %mul3A_1472 = arith.constant 52429 : i32
      %mul3A_1473 = vector.broadcast %mul3A_1472 : i32 to vector<16xi32>
      %mul3A_1474 = arith.muli %add3A_1471, %mul3A_1473 : vector<16xi32>
      %shift_right_logical3A_1475 = arith.constant 20 : i32
      %shift_right_logical3A_1476 = vector.broadcast %shift_right_logical3A_1475 : i32 to vector<16xi32>
      %shift_right_logical3A_1477 = arith.shrui %mul3A_1474, %shift_right_logical3A_1476 : vector<16xi32>
      %mul3A_1478 = arith.constant 2 : i32
      %mul3A_1479 = vector.broadcast %mul3A_1478 : i32 to vector<16xi32>
      %mul3A_1480 = arith.muli %mul3A_1479, %shift_right_logical3A_1477 : vector<16xi32>
      %add3A_1481 = vector.broadcast %mul3A_2 : i32 to vector<16xi32>
      %add3A_1482 = arith.addi %add3A_1481, %mul3A_1480 : vector<16xi32>
      %and3A_1483 = arith.constant 1 : i32
      %and3A_1484 = vector.broadcast %and3A_1483 : i32 to vector<16xi32>
      %and3A_1485 = arith.andi %get3A_1461, %and3A_1484 : vector<16xi32>
      %add3A_1486 = arith.addi %add3A_1482, %and3A_1485 : vector<16xi32>
      %mul3A_1487 = arith.constant 5 : i32
      %mul3A_1488 = arith.muli %scan3A_23, %mul3A_1487 : i32
      %add3A_1489 = arith.constant 4 : i32
      %add3A_1490 = arith.addi %mul3A_1488, %add3A_1489 : i32
      %swap3A_1491 = arith.index_cast %add3A_1490 : i32 to index
      %swap3A_1492 = arith.constant 48 : index
      %swap3A_1493 = tpu.vector_load %arg6[%swap3A_1491, %swap3A_1492] {strides = array<i32>} : memref<80x128xi32, #tpu.memory_space<vmem>>, vector<1x16xi32>,
      %swap3A_1494 = vector.shape_cast %swap3A_1493 : vector<1x16xi32> to vector<16xi32>
      %swap3A_1495 = vector.shape_cast %add3A_1486 : vector<16xi32> to vector<1x16xi32>
      tpu.vector_store %arg6[%swap3A_1491, %swap3A_1492], %swap3A_1495 {strides = array<i32>} : memref<80x128xi32, #tpu.memory_space<vmem>>, vector<1x16xi32>,
      %mul3A_1496 = arith.constant 640 : i32
      %mul3A_1497 = arith.muli %scan3A_23, %mul3A_1496 : i32
      %add3A_1498 = arith.constant 576 : i32
      %add3A_1499 = arith.addi %mul3A_1497, %add3A_1498 : i32
      %get3A_1500 = arith.index_cast %add3A_1499 : i32 to index
      %get3A_1501 = tpu.vector_load %arg5[%get3A_1500] {strides = array<i32>} : memref<10240xi32, #tpu.memory_space<vmem>>, vector<16xi32>,
      %get3A_1502 = vector.shape_cast %get3A_1501 : vector<16xi32> to vector<16xi32>
      %shift_right_logical3A_1503 = arith.constant 1 : i32
      %shift_right_logical3A_1504 = vector.broadcast %shift_right_logical3A_1503 : i32 to vector<16xi32>
      %shift_right_logical3A_1505 = arith.shrui %get3A_1502, %shift_right_logical3A_1504 : vector<16xi32>
      %swap3A_1506 = arith.index_cast %add3A_1499 : i32 to index
      %swap3A_1507 = tpu.vector_load %arg5[%swap3A_1506] {strides = array<i32>} : memref<10240xi32, #tpu.memory_space<vmem>>, vector<16xi32>,
      %swap3A_1508 = vector.shape_cast %swap3A_1507 : vector<16xi32> to vector<16xi32>
      %swap3A_1509 = vector.shape_cast %shift_right_logical3A_1505 : vector<16xi32> to vector<16xi32>
      tpu.vector_store %arg5[%swap3A_1506], %swap3A_1509 {strides = array<i32>} : memref<10240xi32, #tpu.memory_space<vmem>>, vector<16xi32>,
      %add3A_1510 = arith.constant 576 : i32
      %add3A_1511 = vector.broadcast %add3A_1510 : i32 to vector<16xi32>
      %add3A_1512 = arith.addi %add3A_1511, %iota3A : vector<16xi32>
      %mul3A_1513 = arith.constant 52429 : i32
      %mul3A_1514 = vector.broadcast %mul3A_1513 : i32 to vector<16xi32>
      %mul3A_1515 = arith.muli %add3A_1512, %mul3A_1514 : vector<16xi32>
      %shift_right_logical3A_1516 = arith.constant 20 : i32
      %shift_right_logical3A_1517 = vector.broadcast %shift_right_logical3A_1516 : i32 to vector<16xi32>
      %shift_right_logical3A_1518 = arith.shrui %mul3A_1515, %shift_right_logical3A_1517 : vector<16xi32>
      %mul3A_1519 = arith.constant 2 : i32
      %mul3A_1520 = vector.broadcast %mul3A_1519 : i32 to vector<16xi32>
      %mul3A_1521 = arith.muli %mul3A_1520, %shift_right_logical3A_1518 : vector<16xi32>
      %add3A_1522 = vector.broadcast %mul3A_2 : i32 to vector<16xi32>
      %add3A_1523 = arith.addi %add3A_1522, %mul3A_1521 : vector<16xi32>
      %and3A_1524 = arith.constant 1 : i32
      %and3A_1525 = vector.broadcast %and3A_1524 : i32 to vector<16xi32>
      %and3A_1526 = arith.andi %get3A_1502, %and3A_1525 : vector<16xi32>
      %add3A_1527 = arith.addi %add3A_1523, %and3A_1526 : vector<16xi32>
      %mul3A_1528 = arith.constant 5 : i32
      %mul3A_1529 = arith.muli %scan3A_23, %mul3A_1528 : i32
      %add3A_1530 = arith.constant 4 : i32
      %add3A_1531 = arith.addi %mul3A_1529, %add3A_1530 : i32
      %swap3A_1532 = arith.index_cast %add3A_1531 : i32 to index
      %swap3A_1533 = arith.constant 64 : index
      %swap3A_1534 = tpu.vector_load %arg6[%swap3A_1532, %swap3A_1533] {strides = array<i32>} : memref<80x128xi32, #tpu.memory_space<vmem>>, vector<1x16xi32>,
      %swap3A_1535 = vector.shape_cast %swap3A_1534 : vector<1x16xi32> to vector<16xi32>
      %swap3A_1536 = vector.shape_cast %add3A_1527 : vector<16xi32> to vector<1x16xi32>
      tpu.vector_store %arg6[%swap3A_1532, %swap3A_1533], %swap3A_1536 {strides = array<i32>} : memref<80x128xi32, #tpu.memory_space<vmem>>, vector<1x16xi32>,
      %mul3A_1537 = arith.constant 640 : i32
      %mul3A_1538 = arith.muli %scan3A_23, %mul3A_1537 : i32
      %add3A_1539 = arith.constant 592 : i32
      %add3A_1540 = arith.addi %mul3A_1538, %add3A_1539 : i32
      %get3A_1541 = arith.index_cast %add3A_1540 : i32 to index
      %get3A_1542 = tpu.vector_load %arg5[%get3A_1541] {strides = array<i32>} : memref<10240xi32, #tpu.memory_space<vmem>>, vector<16xi32>,
      %get3A_1543 = vector.shape_cast %get3A_1542 : vector<16xi32> to vector<16xi32>
      %shift_right_logical3A_1544 = arith.constant 1 : i32
      %shift_right_logical3A_1545 = vector.broadcast %shift_right_logical3A_1544 : i32 to vector<16xi32>
      %shift_right_logical3A_1546 = arith.shrui %get3A_1543, %shift_right_logical3A_1545 : vector<16xi32>
      %swap3A_1547 = arith.index_cast %add3A_1540 : i32 to index
      %swap3A_1548 = tpu.vector_load %arg5[%swap3A_1547] {strides = array<i32>} : memref<10240xi32, #tpu.memory_space<vmem>>, vector<16xi32>,
      %swap3A_1549 = vector.shape_cast %swap3A_1548 : vector<16xi32> to vector<16xi32>
      %swap3A_1550 = vector.shape_cast %shift_right_logical3A_1546 : vector<16xi32> to vector<16xi32>
      tpu.vector_store %arg5[%swap3A_1547], %swap3A_1550 {strides = array<i32>} : memref<10240xi32, #tpu.memory_space<vmem>>, vector<16xi32>,
      %add3A_1551 = arith.constant 592 : i32
      %add3A_1552 = vector.broadcast %add3A_1551 : i32 to vector<16xi32>
      %add3A_1553 = arith.addi %add3A_1552, %iota3A : vector<16xi32>
      %mul3A_1554 = arith.constant 52429 : i32
      %mul3A_1555 = vector.broadcast %mul3A_1554 : i32 to vector<16xi32>
      %mul3A_1556 = arith.muli %add3A_1553, %mul3A_1555 : vector<16xi32>
      %shift_right_logical3A_1557 = arith.constant 20 : i32
      %shift_right_logical3A_1558 = vector.broadcast %shift_right_logical3A_1557 : i32 to vector<16xi32>
      %shift_right_logical3A_1559 = arith.shrui %mul3A_1556, %shift_right_logical3A_1558 : vector<16xi32>
      %mul3A_1560 = arith.constant 2 : i32
      %mul3A_1561 = vector.broadcast %mul3A_1560 : i32 to vector<16xi32>
      %mul3A_1562 = arith.muli %mul3A_1561, %shift_right_logical3A_1559 : vector<16xi32>
      %add3A_1563 = vector.broadcast %mul3A_2 : i32 to vector<16xi32>
      %add3A_1564 = arith.addi %add3A_1563, %mul3A_1562 : vector<16xi32>
      %and3A_1565 = arith.constant 1 : i32
      %and3A_1566 = vector.broadcast %and3A_1565 : i32 to vector<16xi32>
      %and3A_1567 = arith.andi %get3A_1543, %and3A_1566 : vector<16xi32>
      %add3A_1568 = arith.addi %add3A_1564, %and3A_1567 : vector<16xi32>
      %mul3A_1569 = arith.constant 5 : i32
      %mul3A_1570 = arith.muli %scan3A_23, %mul3A_1569 : i32
      %add3A_1571 = arith.constant 4 : i32
      %add3A_1572 = arith.addi %mul3A_1570, %add3A_1571 : i32
      %swap3A_1573 = arith.index_cast %add3A_1572 : i32 to index
      %swap3A_1574 = arith.constant 80 : index
      %swap3A_1575 = tpu.vector_load %arg6[%swap3A_1573, %swap3A_1574] {strides = array<i32>} : memref<80x128xi32, #tpu.memory_space<vmem>>, vector<1x16xi32>,
      %swap3A_1576 = vector.shape_cast %swap3A_1575 : vector<1x16xi32> to vector<16xi32>
      %swap3A_1577 = vector.shape_cast %add3A_1568 : vector<16xi32> to vector<1x16xi32>
      tpu.vector_store %arg6[%swap3A_1573, %swap3A_1574], %swap3A_1577 {strides = array<i32>} : memref<80x128xi32, #tpu.memory_space<vmem>>, vector<1x16xi32>,
      %mul3A_1578 = arith.constant 640 : i32
      %mul3A_1579 = arith.muli %scan3A_23, %mul3A_1578 : i32
      %add3A_1580 = arith.constant 608 : i32
      %add3A_1581 = arith.addi %mul3A_1579, %add3A_1580 : i32
      %get3A_1582 = arith.index_cast %add3A_1581 : i32 to index
      %get3A_1583 = tpu.vector_load %arg5[%get3A_1582] {strides = array<i32>} : memref<10240xi32, #tpu.memory_space<vmem>>, vector<16xi32>,
      %get3A_1584 = vector.shape_cast %get3A_1583 : vector<16xi32> to vector<16xi32>
      %shift_right_logical3A_1585 = arith.constant 1 : i32
      %shift_right_logical3A_1586 = vector.broadcast %shift_right_logical3A_1585 : i32 to vector<16xi32>
      %shift_right_logical3A_1587 = arith.shrui %get3A_1584, %shift_right_logical3A_1586 : vector<16xi32>
      %swap3A_1588 = arith.index_cast %add3A_1581 : i32 to index
      %swap3A_1589 = tpu.vector_load %arg5[%swap3A_1588] {strides = array<i32>} : memref<10240xi32, #tpu.memory_space<vmem>>, vector<16xi32>,
      %swap3A_1590 = vector.shape_cast %swap3A_1589 : vector<16xi32> to vector<16xi32>
      %swap3A_1591 = vector.shape_cast %shift_right_logical3A_1587 : vector<16xi32> to vector<16xi32>
      tpu.vector_store %arg5[%swap3A_1588], %swap3A_1591 {strides = array<i32>} : memref<10240xi32, #tpu.memory_space<vmem>>, vector<16xi32>,
      %add3A_1592 = arith.constant 608 : i32
      %add3A_1593 = vector.broadcast %add3A_1592 : i32 to vector<16xi32>
      %add3A_1594 = arith.addi %add3A_1593, %iota3A : vector<16xi32>
      %mul3A_1595 = arith.constant 52429 : i32
      %mul3A_1596 = vector.broadcast %mul3A_1595 : i32 to vector<16xi32>
      %mul3A_1597 = arith.muli %add3A_1594, %mul3A_1596 : vector<16xi32>
      %shift_right_logical3A_1598 = arith.constant 20 : i32
      %shift_right_logical3A_1599 = vector.broadcast %shift_right_logical3A_1598 : i32 to vector<16xi32>
      %shift_right_logical3A_1600 = arith.shrui %mul3A_1597, %shift_right_logical3A_1599 : vector<16xi32>
      %mul3A_1601 = arith.constant 2 : i32
      %mul3A_1602 = vector.broadcast %mul3A_1601 : i32 to vector<16xi32>
      %mul3A_1603 = arith.muli %mul3A_1602, %shift_right_logical3A_1600 : vector<16xi32>
      %add3A_1604 = vector.broadcast %mul3A_2 : i32 to vector<16xi32>
      %add3A_1605 = arith.addi %add3A_1604, %mul3A_1603 : vector<16xi32>
      %and3A_1606 = arith.constant 1 : i32
      %and3A_1607 = vector.broadcast %and3A_1606 : i32 to vector<16xi32>
      %and3A_1608 = arith.andi %get3A_1584, %and3A_1607 : vector<16xi32>
      %add3A_1609 = arith.addi %add3A_1605, %and3A_1608 : vector<16xi32>
      %mul3A_1610 = arith.constant 5 : i32
      %mul3A_1611 = arith.muli %scan3A_23, %mul3A_1610 : i32
      %add3A_1612 = arith.constant 4 : i32
      %add3A_1613 = arith.addi %mul3A_1611, %add3A_1612 : i32
      %swap3A_1614 = arith.index_cast %add3A_1613 : i32 to index
      %swap3A_1615 = arith.constant 96 : index
      %swap3A_1616 = tpu.vector_load %arg6[%swap3A_1614, %swap3A_1615] {strides = array<i32>} : memref<80x128xi32, #tpu.memory_space<vmem>>, vector<1x16xi32>,
      %swap3A_1617 = vector.shape_cast %swap3A_1616 : vector<1x16xi32> to vector<16xi32>
      %swap3A_1618 = vector.shape_cast %add3A_1609 : vector<16xi32> to vector<1x16xi32>
      tpu.vector_store %arg6[%swap3A_1614, %swap3A_1615], %swap3A_1618 {strides = array<i32>} : memref<80x128xi32, #tpu.memory_space<vmem>>, vector<1x16xi32>,
      %mul3A_1619 = arith.constant 640 : i32
      %mul3A_1620 = arith.muli %scan3A_23, %mul3A_1619 : i32
      %add3A_1621 = arith.constant 624 : i32
      %add3A_1622 = arith.addi %mul3A_1620, %add3A_1621 : i32
      %get3A_1623 = arith.index_cast %add3A_1622 : i32 to index
      %get3A_1624 = tpu.vector_load %arg5[%get3A_1623] {strides = array<i32>} : memref<10240xi32, #tpu.memory_space<vmem>>, vector<16xi32>,
      %get3A_1625 = vector.shape_cast %get3A_1624 : vector<16xi32> to vector<16xi32>
      %shift_right_logical3A_1626 = arith.constant 1 : i32
      %shift_right_logical3A_1627 = vector.broadcast %shift_right_logical3A_1626 : i32 to vector<16xi32>
      %shift_right_logical3A_1628 = arith.shrui %get3A_1625, %shift_right_logical3A_1627 : vector<16xi32>
      %swap3A_1629 = arith.index_cast %add3A_1622 : i32 to index
      %swap3A_1630 = tpu.vector_load %arg5[%swap3A_1629] {strides = array<i32>} : memref<10240xi32, #tpu.memory_space<vmem>>, vector<16xi32>,
      %swap3A_1631 = vector.shape_cast %swap3A_1630 : vector<16xi32> to vector<16xi32>
      %swap3A_1632 = vector.shape_cast %shift_right_logical3A_1628 : vector<16xi32> to vector<16xi32>
      tpu.vector_store %arg5[%swap3A_1629], %swap3A_1632 {strides = array<i32>} : memref<10240xi32, #tpu.memory_space<vmem>>, vector<16xi32>,
      %add3A_1633 = arith.constant 624 : i32
      %add3A_1634 = vector.broadcast %add3A_1633 : i32 to vector<16xi32>
      %add3A_1635 = arith.addi %add3A_1634, %iota3A : vector<16xi32>
      %mul3A_1636 = arith.constant 52429 : i32
      %mul3A_1637 = vector.broadcast %mul3A_1636 : i32 to vector<16xi32>
      %mul3A_1638 = arith.muli %add3A_1635, %mul3A_1637 : vector<16xi32>
      %shift_right_logical3A_1639 = arith.constant 20 : i32
      %shift_right_logical3A_1640 = vector.broadcast %shift_right_logical3A_1639 : i32 to vector<16xi32>
      %shift_right_logical3A_1641 = arith.shrui %mul3A_1638, %shift_right_logical3A_1640 : vector<16xi32>
      %mul3A_1642 = arith.constant 2 : i32
      %mul3A_1643 = vector.broadcast %mul3A_1642 : i32 to vector<16xi32>
      %mul3A_1644 = arith.muli %mul3A_1643, %shift_right_logical3A_1641 : vector<16xi32>
      %add3A_1645 = vector.broadcast %mul3A_2 : i32 to vector<16xi32>
      %add3A_1646 = arith.addi %add3A_1645, %mul3A_1644 : vector<16xi32>
      %and3A_1647 = arith.constant 1 : i32
      %and3A_1648 = vector.broadcast %and3A_1647 : i32 to vector<16xi32>
      %and3A_1649 = arith.andi %get3A_1625, %and3A_1648 : vector<16xi32>
      %add3A_1650 = arith.addi %add3A_1646, %and3A_1649 : vector<16xi32>
      %mul3A_1651 = arith.constant 5 : i32
      %mul3A_1652 = arith.muli %scan3A_23, %mul3A_1651 : i32
      %add3A_1653 = arith.constant 4 : i32
      %add3A_1654 = arith.addi %mul3A_1652, %add3A_1653 : i32
      %swap3A_1655 = arith.index_cast %add3A_1654 : i32 to index
      %swap3A_1656 = arith.constant 112 : index
      %swap3A_1657 = tpu.vector_load %arg6[%swap3A_1655, %swap3A_1656] {strides = array<i32>} : memref<80x128xi32, #tpu.memory_space<vmem>>, vector<1x16xi32>,
      %swap3A_1658 = vector.shape_cast %swap3A_1657 : vector<1x16xi32> to vector<16xi32>
      %swap3A_1659 = vector.shape_cast %add3A_1650 : vector<16xi32> to vector<1x16xi32>
      tpu.vector_store %arg6[%swap3A_1655, %swap3A_1656], %swap3A_1659 {strides = array<i32>} : memref<80x128xi32, #tpu.memory_space<vmem>>, vector<1x16xi32>,
    }
    %scan3A_16 = arith.constant 16 : i32
    %scan3A_17 = arith.constant 0 : i32
    %scan3A_18 = arith.constant 0 : i32
    %scan3A_19 = arith.constant 16 : i32
    %scan3A_20 = arith.addi %scan3A_18, %scan3A_19 : i32
    %scan3A_21 = arith.constant 1 : i32
    scf.for %scan3A_23 = %scan3A_18 to %scan3A_20 step %scan3A_21  : i32 {
      %mul3A_24 = arith.constant 512 : i32
      %mul3A_25 = arith.muli %add3A, %mul3A_24 : i32
      %mul3A_26 = arith.constant 32 : i32
      %mul3A_27 = arith.muli %scan3A_23, %mul3A_26 : i32
      %add3A_28 = arith.addi %mul3A_25, %mul3A_27 : i32
      %mul3A_29 = arith.constant 640 : i32
      %mul3A_30 = arith.muli %scan3A_23, %mul3A_29 : i32
      "tpu.region"() ({
        %run_scoped3A = tpu.sem_alloc : memref<!tpu.dma_semaphore, #tpu.memory_space<semaphore_mem>>
        %dma_start3A_2721 = arith.constant 0 : i32
        %dma_start3A_2722 = tpu.memref_slice %arg11[%mul3A_2, %dma_start3A_2721] : memref<1024x128xf32, #tpu.memory_space<vmem_shared>> -> memref<64x128xf32, #tpu.memory_space<vmem_shared>>
        %dma_start3A_2723 = arith.constant 0 : i32
        %dma_start3A_2724 = tpu.memref_slice %arg11[%mul3A_2, %dma_start3A_2723] : memref<1024x128xf32, #tpu.memory_space<vmem_shared>> -> memref<64x128xf32, #tpu.memory_space<vmem_shared>>
        tpu.enqueue_dma source(%arg9 : memref<64x128xf32, #tpu.memory_space<vmem>>) target(%dma_start3A_2724 : memref<64x128xf32, #tpu.memory_space<vmem_shared>>) target_semaphore(%run_scoped3A : memref<!tpu.dma_semaphore, #tpu.memory_space<semaphore_mem>>)
        %dma_wait3A_2725 = arith.constant 0 : i32
        %dma_wait3A_2726 = tpu.memref_slice %arg11[%mul3A_2, %dma_wait3A_2725] : memref<1024x128xf32, #tpu.memory_space<vmem_shared>> -> memref<64x128xf32, #tpu.memory_space<vmem_shared>>
        %dma_wait3A_2727 = arith.constant 0 : i32
        %dma_wait3A_2728 = tpu.memref_slice %arg11[%mul3A_2, %dma_wait3A_2727] : memref<1024x128xf32, #tpu.memory_space<vmem_shared>> -> memref<64x128xf32, #tpu.memory_space<vmem_shared>>
        tpu.wait_dma2 semaphore(%run_scoped3A : memref<!tpu.dma_semaphore, #tpu.memory_space<semaphore_mem>>) src(%arg9 : memref<64x128xf32, #tpu.memory_space<vmem>>) dst(%dma_wait3A_2728 : memref<64x128xf32, #tpu.memory_space<vmem_shared>>)
        tpu.yield
      }) : () -> ()
      %add3A_31 = arith.constant 0 : i32
      %add3A_32 = arith.addi %mul3A_30, %add3A_31 : i32
      %dma_start3A = arith.constant 0 : i32
      %dma_start3A_33 = arith.constant 0 : i32
      %dma_start3A_34 = tpu.memref_slice %arg7[%dma_start3A, %dma_start3A_33] : memref<256x128xf32, #tpu.memory_space<vmem>> -> memref<128x128xf32, #tpu.memory_space<vmem>>
      %dma_start3A_35 = tpu.memref_slice %arg5[%add3A_32] : memref<10240xi32, #tpu.memory_space<vmem>> -> memref<128xi32, #tpu.memory_space<vmem>>
      %dma_start3A_36 = arith.constant 0 : i32
      %dma_start3A_37 = arith.constant 0 : i32
      %dma_start3A_38 = tpu.memref_slice %arg3[%dma_start3A_36, %dma_start3A_37] : memref<500000x128xf32, #tpu.memory_space<hbm>> -> memref<500000x128xf32, #tpu.memory_space<hbm>>
      tpu.enqueue_indirect_dma source(%dma_start3A_38 : memref<500000x128xf32, #tpu.memory_space<hbm>>) target(%dma_start3A_34 : memref<128x128xf32, #tpu.memory_space<vmem>>) offsets(%dma_start3A_35 : memref<128xi32, #tpu.memory_space<vmem>>) semaphore(%arg12 : memref<!tpu.dma_semaphore, #tpu.memory_space<semaphore_mem>>)
      %dma_wait3A = arith.constant 0 : i32
      %dma_wait3A_39 = arith.constant 0 : i32
      %dma_wait3A_40 = tpu.memref_slice %arg7[%dma_wait3A, %dma_wait3A_39] : memref<256x128xf32, #tpu.memory_space<vmem>> -> memref<128x128xf32, #tpu.memory_space<vmem>>
      %dma_wait3A_41 = tpu.memref_slice %arg5[%add3A_32] : memref<10240xi32, #tpu.memory_space<vmem>> -> memref<128xi32, #tpu.memory_space<vmem>>
      %dma_wait3A_42 = arith.constant 0 : i32
      %dma_wait3A_43 = arith.constant 0 : i32
      %dma_wait3A_44 = tpu.memref_slice %arg3[%dma_wait3A_42, %dma_wait3A_43] : memref<500000x128xf32, #tpu.memory_space<hbm>> -> memref<500000x128xf32, #tpu.memory_space<hbm>>
      tpu.wait_indirect_dma semaphore(%arg12 : memref<!tpu.dma_semaphore, #tpu.memory_space<semaphore_mem>>) src(%dma_wait3A_44 : memref<500000x128xf32, #tpu.memory_space<hbm>>) dst(%dma_wait3A_40 : memref<128x128xf32, #tpu.memory_space<vmem>>)
      %add3A_45 = arith.constant 128 : i32
      %add3A_46 = arith.addi %mul3A_30, %add3A_45 : i32
      %dma_start3A_47 = arith.constant 128 : i32
      %dma_start3A_48 = arith.constant 0 : i32
      %dma_start3A_49 = tpu.memref_slice %arg7[%dma_start3A_47, %dma_start3A_48] : memref<256x128xf32, #tpu.memory_space<vmem>> -> memref<128x128xf32, #tpu.memory_space<vmem>>
      %dma_start3A_50 = tpu.memref_slice %arg5[%add3A_46] : memref<10240xi32, #tpu.memory_space<vmem>> -> memref<128xi32, #tpu.memory_space<vmem>>
      %dma_start3A_51 = arith.constant 0 : i32
      %dma_start3A_52 = arith.constant 0 : i32
      %dma_start3A_53 = tpu.memref_slice %arg3[%dma_start3A_51, %dma_start3A_52] : memref<500000x128xf32, #tpu.memory_space<hbm>> -> memref<500000x128xf32, #tpu.memory_space<hbm>>
      tpu.enqueue_indirect_dma source(%dma_start3A_53 : memref<500000x128xf32, #tpu.memory_space<hbm>>) target(%dma_start3A_49 : memref<128x128xf32, #tpu.memory_space<vmem>>) offsets(%dma_start3A_50 : memref<128xi32, #tpu.memory_space<vmem>>) semaphore(%arg13 : memref<!tpu.dma_semaphore, #tpu.memory_space<semaphore_mem>>)
      %mul3A_54 = arith.constant 5 : i32
      %mul3A_55 = arith.muli %scan3A_23, %mul3A_54 : i32
      %add3A_56 = arith.constant 0 : i32
      %add3A_57 = arith.addi %mul3A_55, %add3A_56 : i32
      "tpu.region"() ({
        %run_scoped3A = tpu.sem_alloc : memref<!tpu.dma_semaphore, #tpu.memory_space<semaphore_mem>>
        %dma_start3A_2721 = arith.constant 0 : i32
        %dma_start3A_2722 = arith.constant 0 : i32
        %dma_start3A_2723 = tpu.memref_slice %arg7[%dma_start3A_2721, %dma_start3A_2722] : memref<256x128xf32, #tpu.memory_space<vmem>> -> memref<128x128xf32, #tpu.memory_space<vmem>>
        %dma_start3A_2724 = arith.constant 0 : i32
        %dma_start3A_2725 = tpu.memref_slice %arg6[%add3A_57, %dma_start3A_2724] : memref<80x128xi32, #tpu.memory_space<vmem>> -> memref<1x128xi32, #tpu.memory_space<vmem>>
        %dma_start3A_2726 = tpu.memref_squeeze %dma_start3A_2725 : memref<1x128xi32, #tpu.memory_space<vmem>> -> memref<128xi32, #tpu.memory_space<vmem>>
        %dma_start3A_2727 = arith.constant 0 : i32
        %dma_start3A_2728 = arith.constant 0 : i32
        %dma_start3A_2729 = tpu.memref_slice %arg11[%dma_start3A_2727, %dma_start3A_2728] : memref<1024x128xf32, #tpu.memory_space<vmem_shared>> -> memref<1024x128xf32, #tpu.memory_space<vmem_shared>>
        tpu.enqueue_indirect_dma source(%dma_start3A_2723 : memref<128x128xf32, #tpu.memory_space<vmem>>) target(%dma_start3A_2729 : memref<1024x128xf32, #tpu.memory_space<vmem_shared>>) offsets(%dma_start3A_2726 : memref<128xi32, #tpu.memory_space<vmem>>) semaphore(%run_scoped3A : memref<!tpu.dma_semaphore, #tpu.memory_space<semaphore_mem>>) {add = true}
        %dma_wait3A_2730 = arith.constant 0 : i32
        %dma_wait3A_2731 = arith.constant 0 : i32
        %dma_wait3A_2732 = tpu.memref_slice %arg7[%dma_wait3A_2730, %dma_wait3A_2731] : memref<256x128xf32, #tpu.memory_space<vmem>> -> memref<128x128xf32, #tpu.memory_space<vmem>>
        %dma_wait3A_2733 = arith.constant 0 : i32
        %dma_wait3A_2734 = tpu.memref_slice %arg6[%add3A_57, %dma_wait3A_2733] : memref<80x128xi32, #tpu.memory_space<vmem>> -> memref<1x128xi32, #tpu.memory_space<vmem>>
        %dma_wait3A_2735 = tpu.memref_squeeze %dma_wait3A_2734 : memref<1x128xi32, #tpu.memory_space<vmem>> -> memref<128xi32, #tpu.memory_space<vmem>>
        %dma_wait3A_2736 = arith.constant 0 : i32
        %dma_wait3A_2737 = arith.constant 0 : i32
        %dma_wait3A_2738 = tpu.memref_slice %arg11[%dma_wait3A_2736, %dma_wait3A_2737] : memref<1024x128xf32, #tpu.memory_space<vmem_shared>> -> memref<1024x128xf32, #tpu.memory_space<vmem_shared>>
        tpu.wait_indirect_dma semaphore(%run_scoped3A : memref<!tpu.dma_semaphore, #tpu.memory_space<semaphore_mem>>) src(%dma_wait3A_2732 : memref<128x128xf32, #tpu.memory_space<vmem>>) dst(%dma_wait3A_2738 : memref<1024x128xf32, #tpu.memory_space<vmem_shared>>)
        tpu.yield
      }) : () -> ()
      %dma_wait3A_58 = arith.constant 128 : i32
      %dma_wait3A_59 = arith.constant 0 : i32
      %dma_wait3A_60 = tpu.memref_slice %arg7[%dma_wait3A_58, %dma_wait3A_59] : memref<256x128xf32, #tpu.memory_space<vmem>> -> memref<128x128xf32, #tpu.memory_space<vmem>>
      %dma_wait3A_61 = tpu.memref_slice %arg5[%add3A_46] : memref<10240xi32, #tpu.memory_space<vmem>> -> memref<128xi32, #tpu.memory_space<vmem>>
      %dma_wait3A_62 = arith.constant 0 : i32
      %dma_wait3A_63 = arith.constant 0 : i32
      %dma_wait3A_64 = tpu.memref_slice %arg3[%dma_wait3A_62, %dma_wait3A_63] : memref<500000x128xf32, #tpu.memory_space<hbm>> -> memref<500000x128xf32, #tpu.memory_space<hbm>>
      tpu.wait_indirect_dma semaphore(%arg13 : memref<!tpu.dma_semaphore, #tpu.memory_space<semaphore_mem>>) src(%dma_wait3A_64 : memref<500000x128xf32, #tpu.memory_space<hbm>>) dst(%dma_wait3A_60 : memref<128x128xf32, #tpu.memory_space<vmem>>)
      %add3A_65 = arith.constant 256 : i32
      %add3A_66 = arith.addi %mul3A_30, %add3A_65 : i32
      %dma_start3A_67 = arith.constant 0 : i32
      %dma_start3A_68 = arith.constant 0 : i32
      %dma_start3A_69 = tpu.memref_slice %arg7[%dma_start3A_67, %dma_start3A_68] : memref<256x128xf32, #tpu.memory_space<vmem>> -> memref<128x128xf32, #tpu.memory_space<vmem>>
      %dma_start3A_70 = tpu.memref_slice %arg5[%add3A_66] : memref<10240xi32, #tpu.memory_space<vmem>> -> memref<128xi32, #tpu.memory_space<vmem>>
      %dma_start3A_71 = arith.constant 0 : i32
      %dma_start3A_72 = arith.constant 0 : i32
      %dma_start3A_73 = tpu.memref_slice %arg3[%dma_start3A_71, %dma_start3A_72] : memref<500000x128xf32, #tpu.memory_space<hbm>> -> memref<500000x128xf32, #tpu.memory_space<hbm>>
      tpu.enqueue_indirect_dma source(%dma_start3A_73 : memref<500000x128xf32, #tpu.memory_space<hbm>>) target(%dma_start3A_69 : memref<128x128xf32, #tpu.memory_space<vmem>>) offsets(%dma_start3A_70 : memref<128xi32, #tpu.memory_space<vmem>>) semaphore(%arg12 : memref<!tpu.dma_semaphore, #tpu.memory_space<semaphore_mem>>)
      %mul3A_74 = arith.constant 5 : i32
      %mul3A_75 = arith.muli %scan3A_23, %mul3A_74 : i32
      %add3A_76 = arith.constant 1 : i32
      %add3A_77 = arith.addi %mul3A_75, %add3A_76 : i32
      "tpu.region"() ({
        %run_scoped3A = tpu.sem_alloc : memref<!tpu.dma_semaphore, #tpu.memory_space<semaphore_mem>>
        %dma_start3A_2721 = arith.constant 128 : i32
        %dma_start3A_2722 = arith.constant 0 : i32
        %dma_start3A_2723 = tpu.memref_slice %arg7[%dma_start3A_2721, %dma_start3A_2722] : memref<256x128xf32, #tpu.memory_space<vmem>> -> memref<128x128xf32, #tpu.memory_space<vmem>>
        %dma_start3A_2724 = arith.constant 0 : i32
        %dma_start3A_2725 = tpu.memref_slice %arg6[%add3A_77, %dma_start3A_2724] : memref<80x128xi32, #tpu.memory_space<vmem>> -> memref<1x128xi32, #tpu.memory_space<vmem>>
        %dma_start3A_2726 = tpu.memref_squeeze %dma_start3A_2725 : memref<1x128xi32, #tpu.memory_space<vmem>> -> memref<128xi32, #tpu.memory_space<vmem>>
        %dma_start3A_2727 = arith.constant 0 : i32
        %dma_start3A_2728 = arith.constant 0 : i32
        %dma_start3A_2729 = tpu.memref_slice %arg11[%dma_start3A_2727, %dma_start3A_2728] : memref<1024x128xf32, #tpu.memory_space<vmem_shared>> -> memref<1024x128xf32, #tpu.memory_space<vmem_shared>>
        tpu.enqueue_indirect_dma source(%dma_start3A_2723 : memref<128x128xf32, #tpu.memory_space<vmem>>) target(%dma_start3A_2729 : memref<1024x128xf32, #tpu.memory_space<vmem_shared>>) offsets(%dma_start3A_2726 : memref<128xi32, #tpu.memory_space<vmem>>) semaphore(%run_scoped3A : memref<!tpu.dma_semaphore, #tpu.memory_space<semaphore_mem>>) {add = true}
        %dma_wait3A_2730 = arith.constant 128 : i32
        %dma_wait3A_2731 = arith.constant 0 : i32
        %dma_wait3A_2732 = tpu.memref_slice %arg7[%dma_wait3A_2730, %dma_wait3A_2731] : memref<256x128xf32, #tpu.memory_space<vmem>> -> memref<128x128xf32, #tpu.memory_space<vmem>>
        %dma_wait3A_2733 = arith.constant 0 : i32
        %dma_wait3A_2734 = tpu.memref_slice %arg6[%add3A_77, %dma_wait3A_2733] : memref<80x128xi32, #tpu.memory_space<vmem>> -> memref<1x128xi32, #tpu.memory_space<vmem>>
        %dma_wait3A_2735 = tpu.memref_squeeze %dma_wait3A_2734 : memref<1x128xi32, #tpu.memory_space<vmem>> -> memref<128xi32, #tpu.memory_space<vmem>>
        %dma_wait3A_2736 = arith.constant 0 : i32
        %dma_wait3A_2737 = arith.constant 0 : i32
        %dma_wait3A_2738 = tpu.memref_slice %arg11[%dma_wait3A_2736, %dma_wait3A_2737] : memref<1024x128xf32, #tpu.memory_space<vmem_shared>> -> memref<1024x128xf32, #tpu.memory_space<vmem_shared>>
        tpu.wait_indirect_dma semaphore(%run_scoped3A : memref<!tpu.dma_semaphore, #tpu.memory_space<semaphore_mem>>) src(%dma_wait3A_2732 : memref<128x128xf32, #tpu.memory_space<vmem>>) dst(%dma_wait3A_2738 : memref<1024x128xf32, #tpu.memory_space<vmem_shared>>)
        tpu.yield
      }) : () -> ()
      %dma_wait3A_78 = arith.constant 0 : i32
      %dma_wait3A_79 = arith.constant 0 : i32
      %dma_wait3A_80 = tpu.memref_slice %arg7[%dma_wait3A_78, %dma_wait3A_79] : memref<256x128xf32, #tpu.memory_space<vmem>> -> memref<128x128xf32, #tpu.memory_space<vmem>>
      %dma_wait3A_81 = tpu.memref_slice %arg5[%add3A_66] : memref<10240xi32, #tpu.memory_space<vmem>> -> memref<128xi32, #tpu.memory_space<vmem>>
      %dma_wait3A_82 = arith.constant 0 : i32
      %dma_wait3A_83 = arith.constant 0 : i32
      %dma_wait3A_84 = tpu.memref_slice %arg3[%dma_wait3A_82, %dma_wait3A_83] : memref<500000x128xf32, #tpu.memory_space<hbm>> -> memref<500000x128xf32, #tpu.memory_space<hbm>>
      tpu.wait_indirect_dma semaphore(%arg12 : memref<!tpu.dma_semaphore, #tpu.memory_space<semaphore_mem>>) src(%dma_wait3A_84 : memref<500000x128xf32, #tpu.memory_space<hbm>>) dst(%dma_wait3A_80 : memref<128x128xf32, #tpu.memory_space<vmem>>)
      %add3A_85 = arith.constant 384 : i32
      %add3A_86 = arith.addi %mul3A_30, %add3A_85 : i32
      %dma_start3A_87 = arith.constant 128 : i32
      %dma_start3A_88 = arith.constant 0 : i32
      %dma_start3A_89 = tpu.memref_slice %arg7[%dma_start3A_87, %dma_start3A_88] : memref<256x128xf32, #tpu.memory_space<vmem>> -> memref<128x128xf32, #tpu.memory_space<vmem>>
      %dma_start3A_90 = tpu.memref_slice %arg5[%add3A_86] : memref<10240xi32, #tpu.memory_space<vmem>> -> memref<128xi32, #tpu.memory_space<vmem>>
      %dma_start3A_91 = arith.constant 0 : i32
      %dma_start3A_92 = arith.constant 0 : i32
      %dma_start3A_93 = tpu.memref_slice %arg3[%dma_start3A_91, %dma_start3A_92] : memref<500000x128xf32, #tpu.memory_space<hbm>> -> memref<500000x128xf32, #tpu.memory_space<hbm>>
      tpu.enqueue_indirect_dma source(%dma_start3A_93 : memref<500000x128xf32, #tpu.memory_space<hbm>>) target(%dma_start3A_89 : memref<128x128xf32, #tpu.memory_space<vmem>>) offsets(%dma_start3A_90 : memref<128xi32, #tpu.memory_space<vmem>>) semaphore(%arg13 : memref<!tpu.dma_semaphore, #tpu.memory_space<semaphore_mem>>)
      %mul3A_94 = arith.constant 5 : i32
      %mul3A_95 = arith.muli %scan3A_23, %mul3A_94 : i32
      %add3A_96 = arith.constant 2 : i32
      %add3A_97 = arith.addi %mul3A_95, %add3A_96 : i32
      "tpu.region"() ({
        %run_scoped3A = tpu.sem_alloc : memref<!tpu.dma_semaphore, #tpu.memory_space<semaphore_mem>>
        %dma_start3A_2721 = arith.constant 0 : i32
        %dma_start3A_2722 = arith.constant 0 : i32
        %dma_start3A_2723 = tpu.memref_slice %arg7[%dma_start3A_2721, %dma_start3A_2722] : memref<256x128xf32, #tpu.memory_space<vmem>> -> memref<128x128xf32, #tpu.memory_space<vmem>>
        %dma_start3A_2724 = arith.constant 0 : i32
        %dma_start3A_2725 = tpu.memref_slice %arg6[%add3A_97, %dma_start3A_2724] : memref<80x128xi32, #tpu.memory_space<vmem>> -> memref<1x128xi32, #tpu.memory_space<vmem>>
        %dma_start3A_2726 = tpu.memref_squeeze %dma_start3A_2725 : memref<1x128xi32, #tpu.memory_space<vmem>> -> memref<128xi32, #tpu.memory_space<vmem>>
        %dma_start3A_2727 = arith.constant 0 : i32
        %dma_start3A_2728 = arith.constant 0 : i32
        %dma_start3A_2729 = tpu.memref_slice %arg11[%dma_start3A_2727, %dma_start3A_2728] : memref<1024x128xf32, #tpu.memory_space<vmem_shared>> -> memref<1024x128xf32, #tpu.memory_space<vmem_shared>>
        tpu.enqueue_indirect_dma source(%dma_start3A_2723 : memref<128x128xf32, #tpu.memory_space<vmem>>) target(%dma_start3A_2729 : memref<1024x128xf32, #tpu.memory_space<vmem_shared>>) offsets(%dma_start3A_2726 : memref<128xi32, #tpu.memory_space<vmem>>) semaphore(%run_scoped3A : memref<!tpu.dma_semaphore, #tpu.memory_space<semaphore_mem>>) {add = true}
        %dma_wait3A_2730 = arith.constant 0 : i32
        %dma_wait3A_2731 = arith.constant 0 : i32
        %dma_wait3A_2732 = tpu.memref_slice %arg7[%dma_wait3A_2730, %dma_wait3A_2731] : memref<256x128xf32, #tpu.memory_space<vmem>> -> memref<128x128xf32, #tpu.memory_space<vmem>>
        %dma_wait3A_2733 = arith.constant 0 : i32
        %dma_wait3A_2734 = tpu.memref_slice %arg6[%add3A_97, %dma_wait3A_2733] : memref<80x128xi32, #tpu.memory_space<vmem>> -> memref<1x128xi32, #tpu.memory_space<vmem>>
        %dma_wait3A_2735 = tpu.memref_squeeze %dma_wait3A_2734 : memref<1x128xi32, #tpu.memory_space<vmem>> -> memref<128xi32, #tpu.memory_space<vmem>>
        %dma_wait3A_2736 = arith.constant 0 : i32
        %dma_wait3A_2737 = arith.constant 0 : i32
        %dma_wait3A_2738 = tpu.memref_slice %arg11[%dma_wait3A_2736, %dma_wait3A_2737] : memref<1024x128xf32, #tpu.memory_space<vmem_shared>> -> memref<1024x128xf32, #tpu.memory_space<vmem_shared>>
        tpu.wait_indirect_dma semaphore(%run_scoped3A : memref<!tpu.dma_semaphore, #tpu.memory_space<semaphore_mem>>) src(%dma_wait3A_2732 : memref<128x128xf32, #tpu.memory_space<vmem>>) dst(%dma_wait3A_2738 : memref<1024x128xf32, #tpu.memory_space<vmem_shared>>)
        tpu.yield
      }) : () -> ()
      %dma_wait3A_98 = arith.constant 128 : i32
      %dma_wait3A_99 = arith.constant 0 : i32
      %dma_wait3A_100 = tpu.memref_slice %arg7[%dma_wait3A_98, %dma_wait3A_99] : memref<256x128xf32, #tpu.memory_space<vmem>> -> memref<128x128xf32, #tpu.memory_space<vmem>>
      %dma_wait3A_101 = tpu.memref_slice %arg5[%add3A_86] : memref<10240xi32, #tpu.memory_space<vmem>> -> memref<128xi32, #tpu.memory_space<vmem>>
      %dma_wait3A_102 = arith.constant 0 : i32
      %dma_wait3A_103 = arith.constant 0 : i32
      %dma_wait3A_104 = tpu.memref_slice %arg3[%dma_wait3A_102, %dma_wait3A_103] : memref<500000x128xf32, #tpu.memory_space<hbm>> -> memref<500000x128xf32, #tpu.memory_space<hbm>>
      tpu.wait_indirect_dma semaphore(%arg13 : memref<!tpu.dma_semaphore, #tpu.memory_space<semaphore_mem>>) src(%dma_wait3A_104 : memref<500000x128xf32, #tpu.memory_space<hbm>>) dst(%dma_wait3A_100 : memref<128x128xf32, #tpu.memory_space<vmem>>)
      %add3A_105 = arith.constant 512 : i32
      %add3A_106 = arith.addi %mul3A_30, %add3A_105 : i32
      %dma_start3A_107 = arith.constant 0 : i32
      %dma_start3A_108 = arith.constant 0 : i32
      %dma_start3A_109 = tpu.memref_slice %arg7[%dma_start3A_107, %dma_start3A_108] : memref<256x128xf32, #tpu.memory_space<vmem>> -> memref<128x128xf32, #tpu.memory_space<vmem>>
      %dma_start3A_110 = tpu.memref_slice %arg5[%add3A_106] : memref<10240xi32, #tpu.memory_space<vmem>> -> memref<128xi32, #tpu.memory_space<vmem>>
      %dma_start3A_111 = arith.constant 0 : i32
      %dma_start3A_112 = arith.constant 0 : i32
      %dma_start3A_113 = tpu.memref_slice %arg3[%dma_start3A_111, %dma_start3A_112] : memref<500000x128xf32, #tpu.memory_space<hbm>> -> memref<500000x128xf32, #tpu.memory_space<hbm>>
      tpu.enqueue_indirect_dma source(%dma_start3A_113 : memref<500000x128xf32, #tpu.memory_space<hbm>>) target(%dma_start3A_109 : memref<128x128xf32, #tpu.memory_space<vmem>>) offsets(%dma_start3A_110 : memref<128xi32, #tpu.memory_space<vmem>>) semaphore(%arg12 : memref<!tpu.dma_semaphore, #tpu.memory_space<semaphore_mem>>)
      %mul3A_114 = arith.constant 5 : i32
      %mul3A_115 = arith.muli %scan3A_23, %mul3A_114 : i32
      %add3A_116 = arith.constant 3 : i32
      %add3A_117 = arith.addi %mul3A_115, %add3A_116 : i32
      "tpu.region"() ({
        %run_scoped3A = tpu.sem_alloc : memref<!tpu.dma_semaphore, #tpu.memory_space<semaphore_mem>>
        %dma_start3A_2721 = arith.constant 128 : i32
        %dma_start3A_2722 = arith.constant 0 : i32
        %dma_start3A_2723 = tpu.memref_slice %arg7[%dma_start3A_2721, %dma_start3A_2722] : memref<256x128xf32, #tpu.memory_space<vmem>> -> memref<128x128xf32, #tpu.memory_space<vmem>>
        %dma_start3A_2724 = arith.constant 0 : i32
        %dma_start3A_2725 = tpu.memref_slice %arg6[%add3A_117, %dma_start3A_2724] : memref<80x128xi32, #tpu.memory_space<vmem>> -> memref<1x128xi32, #tpu.memory_space<vmem>>
        %dma_start3A_2726 = tpu.memref_squeeze %dma_start3A_2725 : memref<1x128xi32, #tpu.memory_space<vmem>> -> memref<128xi32, #tpu.memory_space<vmem>>
        %dma_start3A_2727 = arith.constant 0 : i32
        %dma_start3A_2728 = arith.constant 0 : i32
        %dma_start3A_2729 = tpu.memref_slice %arg11[%dma_start3A_2727, %dma_start3A_2728] : memref<1024x128xf32, #tpu.memory_space<vmem_shared>> -> memref<1024x128xf32, #tpu.memory_space<vmem_shared>>
        tpu.enqueue_indirect_dma source(%dma_start3A_2723 : memref<128x128xf32, #tpu.memory_space<vmem>>) target(%dma_start3A_2729 : memref<1024x128xf32, #tpu.memory_space<vmem_shared>>) offsets(%dma_start3A_2726 : memref<128xi32, #tpu.memory_space<vmem>>) semaphore(%run_scoped3A : memref<!tpu.dma_semaphore, #tpu.memory_space<semaphore_mem>>) {add = true}
        %dma_wait3A_2730 = arith.constant 128 : i32
        %dma_wait3A_2731 = arith.constant 0 : i32
        %dma_wait3A_2732 = tpu.memref_slice %arg7[%dma_wait3A_2730, %dma_wait3A_2731] : memref<256x128xf32, #tpu.memory_space<vmem>> -> memref<128x128xf32, #tpu.memory_space<vmem>>
        %dma_wait3A_2733 = arith.constant 0 : i32
        %dma_wait3A_2734 = tpu.memref_slice %arg6[%add3A_117, %dma_wait3A_2733] : memref<80x128xi32, #tpu.memory_space<vmem>> -> memref<1x128xi32, #tpu.memory_space<vmem>>
        %dma_wait3A_2735 = tpu.memref_squeeze %dma_wait3A_2734 : memref<1x128xi32, #tpu.memory_space<vmem>> -> memref<128xi32, #tpu.memory_space<vmem>>
        %dma_wait3A_2736 = arith.constant 0 : i32
        %dma_wait3A_2737 = arith.constant 0 : i32
        %dma_wait3A_2738 = tpu.memref_slice %arg11[%dma_wait3A_2736, %dma_wait3A_2737] : memref<1024x128xf32, #tpu.memory_space<vmem_shared>> -> memref<1024x128xf32, #tpu.memory_space<vmem_shared>>
        tpu.wait_indirect_dma semaphore(%run_scoped3A : memref<!tpu.dma_semaphore, #tpu.memory_space<semaphore_mem>>) src(%dma_wait3A_2732 : memref<128x128xf32, #tpu.memory_space<vmem>>) dst(%dma_wait3A_2738 : memref<1024x128xf32, #tpu.memory_space<vmem_shared>>)
        tpu.yield
      }) : () -> ()
      %dma_wait3A_118 = arith.constant 0 : i32
      %dma_wait3A_119 = arith.constant 0 : i32
      %dma_wait3A_120 = tpu.memref_slice %arg7[%dma_wait3A_118, %dma_wait3A_119] : memref<256x128xf32, #tpu.memory_space<vmem>> -> memref<128x128xf32, #tpu.memory_space<vmem>>
      %dma_wait3A_121 = tpu.memref_slice %arg5[%add3A_106] : memref<10240xi32, #tpu.memory_space<vmem>> -> memref<128xi32, #tpu.memory_space<vmem>>
      %dma_wait3A_122 = arith.constant 0 : i32
      %dma_wait3A_123 = arith.constant 0 : i32
      %dma_wait3A_124 = tpu.memref_slice %arg3[%dma_wait3A_122, %dma_wait3A_123] : memref<500000x128xf32, #tpu.memory_space<hbm>> -> memref<500000x128xf32, #tpu.memory_space<hbm>>
      tpu.wait_indirect_dma semaphore(%arg12 : memref<!tpu.dma_semaphore, #tpu.memory_space<semaphore_mem>>) src(%dma_wait3A_124 : memref<500000x128xf32, #tpu.memory_space<hbm>>) dst(%dma_wait3A_120 : memref<128x128xf32, #tpu.memory_space<vmem>>)
      %mul3A_125 = arith.constant 5 : i32
      %mul3A_126 = arith.muli %scan3A_23, %mul3A_125 : i32
      %add3A_127 = arith.constant 4 : i32
      %add3A_128 = arith.addi %mul3A_126, %add3A_127 : i32
      "tpu.region"() ({
        %run_scoped3A = tpu.sem_alloc : memref<!tpu.dma_semaphore, #tpu.memory_space<semaphore_mem>>
        %dma_start3A_2721 = arith.constant 0 : i32
        %dma_start3A_2722 = arith.constant 0 : i32
        %dma_start3A_2723 = tpu.memref_slice %arg7[%dma_start3A_2721, %dma_start3A_2722] : memref<256x128xf32, #tpu.memory_space<vmem>> -> memref<128x128xf32, #tpu.memory_space<vmem>>
        %dma_start3A_2724 = arith.constant 0 : i32
        %dma_start3A_2725 = tpu.memref_slice %arg6[%add3A_128, %dma_start3A_2724] : memref<80x128xi32, #tpu.memory_space<vmem>> -> memref<1x128xi32, #tpu.memory_space<vmem>>
        %dma_start3A_2726 = tpu.memref_squeeze %dma_start3A_2725 : memref<1x128xi32, #tpu.memory_space<vmem>> -> memref<128xi32, #tpu.memory_space<vmem>>
        %dma_start3A_2727 = arith.constant 0 : i32
        %dma_start3A_2728 = arith.constant 0 : i32
        %dma_start3A_2729 = tpu.memref_slice %arg11[%dma_start3A_2727, %dma_start3A_2728] : memref<1024x128xf32, #tpu.memory_space<vmem_shared>> -> memref<1024x128xf32, #tpu.memory_space<vmem_shared>>
        tpu.enqueue_indirect_dma source(%dma_start3A_2723 : memref<128x128xf32, #tpu.memory_space<vmem>>) target(%dma_start3A_2729 : memref<1024x128xf32, #tpu.memory_space<vmem_shared>>) offsets(%dma_start3A_2726 : memref<128xi32, #tpu.memory_space<vmem>>) semaphore(%run_scoped3A : memref<!tpu.dma_semaphore, #tpu.memory_space<semaphore_mem>>) {add = true}
        %dma_wait3A_2730 = arith.constant 0 : i32
        %dma_wait3A_2731 = arith.constant 0 : i32
        %dma_wait3A_2732 = tpu.memref_slice %arg7[%dma_wait3A_2730, %dma_wait3A_2731] : memref<256x128xf32, #tpu.memory_space<vmem>> -> memref<128x128xf32, #tpu.memory_space<vmem>>
        %dma_wait3A_2733 = arith.constant 0 : i32
        %dma_wait3A_2734 = tpu.memref_slice %arg6[%add3A_128, %dma_wait3A_2733] : memref<80x128xi32, #tpu.memory_space<vmem>> -> memref<1x128xi32, #tpu.memory_space<vmem>>
        %dma_wait3A_2735 = tpu.memref_squeeze %dma_wait3A_2734 : memref<1x128xi32, #tpu.memory_space<vmem>> -> memref<128xi32, #tpu.memory_space<vmem>>
        %dma_wait3A_2736 = arith.constant 0 : i32
        %dma_wait3A_2737 = arith.constant 0 : i32
        %dma_wait3A_2738 = tpu.memref_slice %arg11[%dma_wait3A_2736, %dma_wait3A_2737] : memref<1024x128xf32, #tpu.memory_space<vmem_shared>> -> memref<1024x128xf32, #tpu.memory_space<vmem_shared>>
        tpu.wait_indirect_dma semaphore(%run_scoped3A : memref<!tpu.dma_semaphore, #tpu.memory_space<semaphore_mem>>) src(%dma_wait3A_2732 : memref<128x128xf32, #tpu.memory_space<vmem>>) dst(%dma_wait3A_2738 : memref<1024x128xf32, #tpu.memory_space<vmem_shared>>)
        tpu.yield
      }) : () -> ()
      "tpu.region"() ({
        %run_scoped3A = tpu.sem_alloc : memref<!tpu.dma_semaphore, #tpu.memory_space<semaphore_mem>>
        %dma_start3A_2721 = arith.constant 0 : i32
        %dma_start3A_2722 = tpu.memref_slice %arg11[%mul3A_2, %dma_start3A_2721] : memref<1024x128xf32, #tpu.memory_space<vmem_shared>> -> memref<64x128xf32, #tpu.memory_space<vmem_shared>>
        %dma_start3A_2723 = arith.constant 0 : i32
        %dma_start3A_2724 = tpu.memref_slice %arg11[%mul3A_2, %dma_start3A_2723] : memref<1024x128xf32, #tpu.memory_space<vmem_shared>> -> memref<64x128xf32, #tpu.memory_space<vmem_shared>>
        tpu.enqueue_dma source(%dma_start3A_2724 : memref<64x128xf32, #tpu.memory_space<vmem_shared>>) target(%arg8 : memref<64x128xf32, #tpu.memory_space<vmem>>) target_semaphore(%run_scoped3A : memref<!tpu.dma_semaphore, #tpu.memory_space<semaphore_mem>>)
        %dma_wait3A_2725 = arith.constant 0 : i32
        %dma_wait3A_2726 = tpu.memref_slice %arg11[%mul3A_2, %dma_wait3A_2725] : memref<1024x128xf32, #tpu.memory_space<vmem_shared>> -> memref<64x128xf32, #tpu.memory_space<vmem_shared>>
        %dma_wait3A_2727 = arith.constant 0 : i32
        %dma_wait3A_2728 = tpu.memref_slice %arg11[%mul3A_2, %dma_wait3A_2727] : memref<1024x128xf32, #tpu.memory_space<vmem_shared>> -> memref<64x128xf32, #tpu.memory_space<vmem_shared>>
        tpu.wait_dma2 semaphore(%run_scoped3A : memref<!tpu.dma_semaphore, #tpu.memory_space<semaphore_mem>>) src(%dma_wait3A_2728 : memref<64x128xf32, #tpu.memory_space<vmem_shared>>) dst(%arg8 : memref<64x128xf32, #tpu.memory_space<vmem>>)
        tpu.yield
      }) : () -> ()
      %scan3A_129 = arith.constant 0 : i32
      %scan3A_130 = arith.constant 0 : i32
      %mul3A_131 = arith.constant 2 : i32
      %mul3A_132 = arith.muli %mul3A_131, %scan3A_130 : i32
      %get3A = arith.index_cast %mul3A_132 : i32 to index
      %get3A_133 = arith.constant 0 : index
      %get3A_134 = tpu.vector_load %arg8[%get3A, %get3A_133] {strides = array<i32>} : memref<64x128xf32, #tpu.memory_space<vmem>>, vector<1x16xf32>,
      %get3A_135 = vector.shape_cast %get3A_134 : vector<1x16xf32> to vector<16xf32>
      %mul3A_136 = arith.constant 2 : i32
      %mul3A_137 = arith.muli %mul3A_136, %scan3A_130 : i32
      %add3A_138 = arith.constant 1 : i32
      %add3A_139 = arith.addi %mul3A_137, %add3A_138 : i32
      %get3A_140 = arith.index_cast %add3A_139 : i32 to index
      %get3A_141 = arith.constant 64 : index
      %get3A_142 = tpu.vector_load %arg8[%get3A_140, %get3A_141] {strides = array<i32>} : memref<64x128xf32, #tpu.memory_space<vmem>>, vector<1x16xf32>,
      %get3A_143 = vector.shape_cast %get3A_142 : vector<1x16xf32> to vector<16xf32>
      %add3A_144 = arith.addf %get3A_135, %get3A_143 : vector<16xf32>
      %swap3A = arith.index_cast %scan3A_130 : i32 to index
      %swap3A_145 = arith.constant 0 : index
      %swap3A_146 = tpu.vector_load %arg10[%swap3A, %swap3A_145] {strides = array<i32>} : memref<32x64xf32, #tpu.memory_space<vmem>>, vector<1x16xf32>,
      %swap3A_147 = vector.shape_cast %swap3A_146 : vector<1x16xf32> to vector<16xf32>
      %swap3A_148 = vector.shape_cast %add3A_144 : vector<16xf32> to vector<1x16xf32>
      tpu.vector_store %arg10[%swap3A, %swap3A_145], %swap3A_148 {strides = array<i32>} : memref<32x64xf32, #tpu.memory_space<vmem>>, vector<1x16xf32>,
      %mul3A_149 = arith.constant 2 : i32
      %mul3A_150 = arith.muli %mul3A_149, %scan3A_130 : i32
      %get3A_151 = arith.index_cast %mul3A_150 : i32 to index
      %get3A_152 = arith.constant 16 : index
      %get3A_153 = tpu.vector_load %arg8[%get3A_151, %get3A_152] {strides = array<i32>} : memref<64x128xf32, #tpu.memory_space<vmem>>, vector<1x16xf32>,
      %get3A_154 = vector.shape_cast %get3A_153 : vector<1x16xf32> to vector<16xf32>
      %mul3A_155 = arith.constant 2 : i32
      %mul3A_156 = arith.muli %mul3A_155, %scan3A_130 : i32
      %add3A_157 = arith.constant 1 : i32
      %add3A_158 = arith.addi %mul3A_156, %add3A_157 : i32
      %get3A_159 = arith.index_cast %add3A_158 : i32 to index
      %get3A_160 = arith.constant 80 : index
      %get3A_161 = tpu.vector_load %arg8[%get3A_159, %get3A_160] {strides = array<i32>} : memref<64x128xf32, #tpu.memory_space<vmem>>, vector<1x16xf32>,
      %get3A_162 = vector.shape_cast %get3A_161 : vector<1x16xf32> to vector<16xf32>
      %add3A_163 = arith.addf %get3A_154, %get3A_162 : vector<16xf32>
      %swap3A_164 = arith.index_cast %scan3A_130 : i32 to index
      %swap3A_165 = arith.constant 16 : index
      %swap3A_166 = tpu.vector_load %arg10[%swap3A_164, %swap3A_165] {strides = array<i32>} : memref<32x64xf32, #tpu.memory_space<vmem>>, vector<1x16xf32>,
      %swap3A_167 = vector.shape_cast %swap3A_166 : vector<1x16xf32> to vector<16xf32>
      %swap3A_168 = vector.shape_cast %add3A_163 : vector<16xf32> to vector<1x16xf32>
      tpu.vector_store %arg10[%swap3A_164, %swap3A_165], %swap3A_168 {strides = array<i32>} : memref<32x64xf32, #tpu.memory_space<vmem>>, vector<1x16xf32>,
      %mul3A_169 = arith.constant 2 : i32
      %mul3A_170 = arith.muli %mul3A_169, %scan3A_130 : i32
      %get3A_171 = arith.index_cast %mul3A_170 : i32 to index
      %get3A_172 = arith.constant 32 : index
      %get3A_173 = tpu.vector_load %arg8[%get3A_171, %get3A_172] {strides = array<i32>} : memref<64x128xf32, #tpu.memory_space<vmem>>, vector<1x16xf32>,
      %get3A_174 = vector.shape_cast %get3A_173 : vector<1x16xf32> to vector<16xf32>
      %mul3A_175 = arith.constant 2 : i32
      %mul3A_176 = arith.muli %mul3A_175, %scan3A_130 : i32
      %add3A_177 = arith.constant 1 : i32
      %add3A_178 = arith.addi %mul3A_176, %add3A_177 : i32
      %get3A_179 = arith.index_cast %add3A_178 : i32 to index
      %get3A_180 = arith.constant 96 : index
      %get3A_181 = tpu.vector_load %arg8[%get3A_179, %get3A_180] {strides = array<i32>} : memref<64x128xf32, #tpu.memory_space<vmem>>, vector<1x16xf32>,
      %get3A_182 = vector.shape_cast %get3A_181 : vector<1x16xf32> to vector<16xf32>
      %add3A_183 = arith.addf %get3A_174, %get3A_182 : vector<16xf32>
      %swap3A_184 = arith.index_cast %scan3A_130 : i32 to index
      %swap3A_185 = arith.constant 32 : index
      %swap3A_186 = tpu.vector_load %arg10[%swap3A_184, %swap3A_185] {strides = array<i32>} : memref<32x64xf32, #tpu.memory_space<vmem>>, vector<1x16xf32>,
      %swap3A_187 = vector.shape_cast %swap3A_186 : vector<1x16xf32> to vector<16xf32>
      %swap3A_188 = vector.shape_cast %add3A_183 : vector<16xf32> to vector<1x16xf32>
      tpu.vector_store %arg10[%swap3A_184, %swap3A_185], %swap3A_188 {strides = array<i32>} : memref<32x64xf32, #tpu.memory_space<vmem>>, vector<1x16xf32>,
      %mul3A_189 = arith.constant 2 : i32
      %mul3A_190 = arith.muli %mul3A_189, %scan3A_130 : i32
      %get3A_191 = arith.index_cast %mul3A_190 : i32 to index
      %get3A_192 = arith.constant 48 : index
      %get3A_193 = tpu.vector_load %arg8[%get3A_191, %get3A_192] {strides = array<i32>} : memref<64x128xf32, #tpu.memory_space<vmem>>, vector<1x16xf32>,
      %get3A_194 = vector.shape_cast %get3A_193 : vector<1x16xf32> to vector<16xf32>
      %mul3A_195 = arith.constant 2 : i32
      %mul3A_196 = arith.muli %mul3A_195, %scan3A_130 : i32
      %add3A_197 = arith.constant 1 : i32
      %add3A_198 = arith.addi %mul3A_196, %add3A_197 : i32
      %get3A_199 = arith.index_cast %add3A_198 : i32 to index
      %get3A_200 = arith.constant 112 : index
      %get3A_201 = tpu.vector_load %arg8[%get3A_199, %get3A_200] {strides = array<i32>} : memref<64x128xf32, #tpu.memory_space<vmem>>, vector<1x16xf32>,
      %get3A_202 = vector.shape_cast %get3A_201 : vector<1x16xf32> to vector<16xf32>
      %add3A_203 = arith.addf %get3A_194, %get3A_202 : vector<16xf32>
      %swap3A_204 = arith.index_cast %scan3A_130 : i32 to index
      %swap3A_205 = arith.constant 48 : index
      %swap3A_206 = tpu.vector_load %arg10[%swap3A_204, %swap3A_205] {strides = array<i32>} : memref<32x64xf32, #tpu.memory_space<vmem>>, vector<1x16xf32>,
      %swap3A_207 = vector.shape_cast %swap3A_206 : vector<1x16xf32> to vector<16xf32>
      %swap3A_208 = vector.shape_cast %add3A_203 : vector<16xf32> to vector<1x16xf32>
      tpu.vector_store %arg10[%swap3A_204, %swap3A_205], %swap3A_208 {strides = array<i32>} : memref<32x64xf32, #tpu.memory_space<vmem>>, vector<1x16xf32>,
      %scan3A_209 = arith.constant 1 : i32
      %mul3A_210 = arith.constant 2 : i32
      %mul3A_211 = arith.muli %mul3A_210, %scan3A_209 : i32
      %get3A_212 = arith.index_cast %mul3A_211 : i32 to index
      %get3A_213 = arith.constant 0 : index
      %get3A_214 = tpu.vector_load %arg8[%get3A_212, %get3A_213] {strides = array<i32>} : memref<64x128xf32, #tpu.memory_space<vmem>>, vector<1x16xf32>,
      %get3A_215 = vector.shape_cast %get3A_214 : vector<1x16xf32> to vector<16xf32>
      %mul3A_216 = arith.constant 2 : i32
      %mul3A_217 = arith.muli %mul3A_216, %scan3A_209 : i32
      %add3A_218 = arith.constant 1 : i32
      %add3A_219 = arith.addi %mul3A_217, %add3A_218 : i32
      %get3A_220 = arith.index_cast %add3A_219 : i32 to index
      %get3A_221 = arith.constant 64 : index
      %get3A_222 = tpu.vector_load %arg8[%get3A_220, %get3A_221] {strides = array<i32>} : memref<64x128xf32, #tpu.memory_space<vmem>>, vector<1x16xf32>,
      %get3A_223 = vector.shape_cast %get3A_222 : vector<1x16xf32> to vector<16xf32>
      %add3A_224 = arith.addf %get3A_215, %get3A_223 : vector<16xf32>
      %swap3A_225 = arith.index_cast %scan3A_209 : i32 to index
      %swap3A_226 = arith.constant 0 : index
      %swap3A_227 = tpu.vector_load %arg10[%swap3A_225, %swap3A_226] {strides = array<i32>} : memref<32x64xf32, #tpu.memory_space<vmem>>, vector<1x16xf32>,
      %swap3A_228 = vector.shape_cast %swap3A_227 : vector<1x16xf32> to vector<16xf32>
      %swap3A_229 = vector.shape_cast %add3A_224 : vector<16xf32> to vector<1x16xf32>
      tpu.vector_store %arg10[%swap3A_225, %swap3A_226], %swap3A_229 {strides = array<i32>} : memref<32x64xf32, #tpu.memory_space<vmem>>, vector<1x16xf32>,
      %mul3A_230 = arith.constant 2 : i32
      %mul3A_231 = arith.muli %mul3A_230, %scan3A_209 : i32
      %get3A_232 = arith.index_cast %mul3A_231 : i32 to index
      %get3A_233 = arith.constant 16 : index
      %get3A_234 = tpu.vector_load %arg8[%get3A_232, %get3A_233] {strides = array<i32>} : memref<64x128xf32, #tpu.memory_space<vmem>>, vector<1x16xf32>,
      %get3A_235 = vector.shape_cast %get3A_234 : vector<1x16xf32> to vector<16xf32>
      %mul3A_236 = arith.constant 2 : i32
      %mul3A_237 = arith.muli %mul3A_236, %scan3A_209 : i32
      %add3A_238 = arith.constant 1 : i32
      %add3A_239 = arith.addi %mul3A_237, %add3A_238 : i32
      %get3A_240 = arith.index_cast %add3A_239 : i32 to index
      %get3A_241 = arith.constant 80 : index
      %get3A_242 = tpu.vector_load %arg8[%get3A_240, %get3A_241] {strides = array<i32>} : memref<64x128xf32, #tpu.memory_space<vmem>>, vector<1x16xf32>,
      %get3A_243 = vector.shape_cast %get3A_242 : vector<1x16xf32> to vector<16xf32>
      %add3A_244 = arith.addf %get3A_235, %get3A_243 : vector<16xf32>
      %swap3A_245 = arith.index_cast %scan3A_209 : i32 to index
      %swap3A_246 = arith.constant 16 : index
      %swap3A_247 = tpu.vector_load %arg10[%swap3A_245, %swap3A_246] {strides = array<i32>} : memref<32x64xf32, #tpu.memory_space<vmem>>, vector<1x16xf32>,
      %swap3A_248 = vector.shape_cast %swap3A_247 : vector<1x16xf32> to vector<16xf32>
      %swap3A_249 = vector.shape_cast %add3A_244 : vector<16xf32> to vector<1x16xf32>
      tpu.vector_store %arg10[%swap3A_245, %swap3A_246], %swap3A_249 {strides = array<i32>} : memref<32x64xf32, #tpu.memory_space<vmem>>, vector<1x16xf32>,
      %mul3A_250 = arith.constant 2 : i32
      %mul3A_251 = arith.muli %mul3A_250, %scan3A_209 : i32
      %get3A_252 = arith.index_cast %mul3A_251 : i32 to index
      %get3A_253 = arith.constant 32 : index
      %get3A_254 = tpu.vector_load %arg8[%get3A_252, %get3A_253] {strides = array<i32>} : memref<64x128xf32, #tpu.memory_space<vmem>>, vector<1x16xf32>,
      %get3A_255 = vector.shape_cast %get3A_254 : vector<1x16xf32> to vector<16xf32>
      %mul3A_256 = arith.constant 2 : i32
      %mul3A_257 = arith.muli %mul3A_256, %scan3A_209 : i32
      %add3A_258 = arith.constant 1 : i32
      %add3A_259 = arith.addi %mul3A_257, %add3A_258 : i32
      %get3A_260 = arith.index_cast %add3A_259 : i32 to index
      %get3A_261 = arith.constant 96 : index
      %get3A_262 = tpu.vector_load %arg8[%get3A_260, %get3A_261] {strides = array<i32>} : memref<64x128xf32, #tpu.memory_space<vmem>>, vector<1x16xf32>,
      %get3A_263 = vector.shape_cast %get3A_262 : vector<1x16xf32> to vector<16xf32>
      %add3A_264 = arith.addf %get3A_255, %get3A_263 : vector<16xf32>
      %swap3A_265 = arith.index_cast %scan3A_209 : i32 to index
      %swap3A_266 = arith.constant 32 : index
      %swap3A_267 = tpu.vector_load %arg10[%swap3A_265, %swap3A_266] {strides = array<i32>} : memref<32x64xf32, #tpu.memory_space<vmem>>, vector<1x16xf32>,
      %swap3A_268 = vector.shape_cast %swap3A_267 : vector<1x16xf32> to vector<16xf32>
      %swap3A_269 = vector.shape_cast %add3A_264 : vector<16xf32> to vector<1x16xf32>
      tpu.vector_store %arg10[%swap3A_265, %swap3A_266], %swap3A_269 {strides = array<i32>} : memref<32x64xf32, #tpu.memory_space<vmem>>, vector<1x16xf32>,
      %mul3A_270 = arith.constant 2 : i32
      %mul3A_271 = arith.muli %mul3A_270, %scan3A_209 : i32
      %get3A_272 = arith.index_cast %mul3A_271 : i32 to index
      %get3A_273 = arith.constant 48 : index
      %get3A_274 = tpu.vector_load %arg8[%get3A_272, %get3A_273] {strides = array<i32>} : memref<64x128xf32, #tpu.memory_space<vmem>>, vector<1x16xf32>,
      %get3A_275 = vector.shape_cast %get3A_274 : vector<1x16xf32> to vector<16xf32>
      %mul3A_276 = arith.constant 2 : i32
      %mul3A_277 = arith.muli %mul3A_276, %scan3A_209 : i32
      %add3A_278 = arith.constant 1 : i32
      %add3A_279 = arith.addi %mul3A_277, %add3A_278 : i32
      %get3A_280 = arith.index_cast %add3A_279 : i32 to index
      %get3A_281 = arith.constant 112 : index
      %get3A_282 = tpu.vector_load %arg8[%get3A_280, %get3A_281] {strides = array<i32>} : memref<64x128xf32, #tpu.memory_space<vmem>>, vector<1x16xf32>,
      %get3A_283 = vector.shape_cast %get3A_282 : vector<1x16xf32> to vector<16xf32>
      %add3A_284 = arith.addf %get3A_275, %get3A_283 : vector<16xf32>
      %swap3A_285 = arith.index_cast %scan3A_209 : i32 to index
      %swap3A_286 = arith.constant 48 : index
      %swap3A_287 = tpu.vector_load %arg10[%swap3A_285, %swap3A_286] {strides = array<i32>} : memref<32x64xf32, #tpu.memory_space<vmem>>, vector<1x16xf32>,
      %swap3A_288 = vector.shape_cast %swap3A_287 : vector<1x16xf32> to vector<16xf32>
      %swap3A_289 = vector.shape_cast %add3A_284 : vector<16xf32> to vector<1x16xf32>
      tpu.vector_store %arg10[%swap3A_285, %swap3A_286], %swap3A_289 {strides = array<i32>} : memref<32x64xf32, #tpu.memory_space<vmem>>, vector<1x16xf32>,
      %scan3A_290 = arith.constant 2 : i32
      %mul3A_291 = arith.constant 2 : i32
      %mul3A_292 = arith.muli %mul3A_291, %scan3A_290 : i32
      %get3A_293 = arith.index_cast %mul3A_292 : i32 to index
      %get3A_294 = arith.constant 0 : index
      %get3A_295 = tpu.vector_load %arg8[%get3A_293, %get3A_294] {strides = array<i32>} : memref<64x128xf32, #tpu.memory_space<vmem>>, vector<1x16xf32>,
      %get3A_296 = vector.shape_cast %get3A_295 : vector<1x16xf32> to vector<16xf32>
      %mul3A_297 = arith.constant 2 : i32
      %mul3A_298 = arith.muli %mul3A_297, %scan3A_290 : i32
      %add3A_299 = arith.constant 1 : i32
      %add3A_300 = arith.addi %mul3A_298, %add3A_299 : i32
      %get3A_301 = arith.index_cast %add3A_300 : i32 to index
      %get3A_302 = arith.constant 64 : index
      %get3A_303 = tpu.vector_load %arg8[%get3A_301, %get3A_302] {strides = array<i32>} : memref<64x128xf32, #tpu.memory_space<vmem>>, vector<1x16xf32>,
      %get3A_304 = vector.shape_cast %get3A_303 : vector<1x16xf32> to vector<16xf32>
      %add3A_305 = arith.addf %get3A_296, %get3A_304 : vector<16xf32>
      %swap3A_306 = arith.index_cast %scan3A_290 : i32 to index
      %swap3A_307 = arith.constant 0 : index
      %swap3A_308 = tpu.vector_load %arg10[%swap3A_306, %swap3A_307] {strides = array<i32>} : memref<32x64xf32, #tpu.memory_space<vmem>>, vector<1x16xf32>,
      %swap3A_309 = vector.shape_cast %swap3A_308 : vector<1x16xf32> to vector<16xf32>
      %swap3A_310 = vector.shape_cast %add3A_305 : vector<16xf32> to vector<1x16xf32>
      tpu.vector_store %arg10[%swap3A_306, %swap3A_307], %swap3A_310 {strides = array<i32>} : memref<32x64xf32, #tpu.memory_space<vmem>>, vector<1x16xf32>,
      %mul3A_311 = arith.constant 2 : i32
      %mul3A_312 = arith.muli %mul3A_311, %scan3A_290 : i32
      %get3A_313 = arith.index_cast %mul3A_312 : i32 to index
      %get3A_314 = arith.constant 16 : index
      %get3A_315 = tpu.vector_load %arg8[%get3A_313, %get3A_314] {strides = array<i32>} : memref<64x128xf32, #tpu.memory_space<vmem>>, vector<1x16xf32>,
      %get3A_316 = vector.shape_cast %get3A_315 : vector<1x16xf32> to vector<16xf32>
      %mul3A_317 = arith.constant 2 : i32
      %mul3A_318 = arith.muli %mul3A_317, %scan3A_290 : i32
      %add3A_319 = arith.constant 1 : i32
      %add3A_320 = arith.addi %mul3A_318, %add3A_319 : i32
      %get3A_321 = arith.index_cast %add3A_320 : i32 to index
      %get3A_322 = arith.constant 80 : index
      %get3A_323 = tpu.vector_load %arg8[%get3A_321, %get3A_322] {strides = array<i32>} : memref<64x128xf32, #tpu.memory_space<vmem>>, vector<1x16xf32>,
      %get3A_324 = vector.shape_cast %get3A_323 : vector<1x16xf32> to vector<16xf32>
      %add3A_325 = arith.addf %get3A_316, %get3A_324 : vector<16xf32>
      %swap3A_326 = arith.index_cast %scan3A_290 : i32 to index
      %swap3A_327 = arith.constant 16 : index
      %swap3A_328 = tpu.vector_load %arg10[%swap3A_326, %swap3A_327] {strides = array<i32>} : memref<32x64xf32, #tpu.memory_space<vmem>>, vector<1x16xf32>,
      %swap3A_329 = vector.shape_cast %swap3A_328 : vector<1x16xf32> to vector<16xf32>
      %swap3A_330 = vector.shape_cast %add3A_325 : vector<16xf32> to vector<1x16xf32>
      tpu.vector_store %arg10[%swap3A_326, %swap3A_327], %swap3A_330 {strides = array<i32>} : memref<32x64xf32, #tpu.memory_space<vmem>>, vector<1x16xf32>,
      %mul3A_331 = arith.constant 2 : i32
      %mul3A_332 = arith.muli %mul3A_331, %scan3A_290 : i32
      %get3A_333 = arith.index_cast %mul3A_332 : i32 to index
      %get3A_334 = arith.constant 32 : index
      %get3A_335 = tpu.vector_load %arg8[%get3A_333, %get3A_334] {strides = array<i32>} : memref<64x128xf32, #tpu.memory_space<vmem>>, vector<1x16xf32>,
      %get3A_336 = vector.shape_cast %get3A_335 : vector<1x16xf32> to vector<16xf32>
      %mul3A_337 = arith.constant 2 : i32
      %mul3A_338 = arith.muli %mul3A_337, %scan3A_290 : i32
      %add3A_339 = arith.constant 1 : i32
      %add3A_340 = arith.addi %mul3A_338, %add3A_339 : i32
      %get3A_341 = arith.index_cast %add3A_340 : i32 to index
      %get3A_342 = arith.constant 96 : index
      %get3A_343 = tpu.vector_load %arg8[%get3A_341, %get3A_342] {strides = array<i32>} : memref<64x128xf32, #tpu.memory_space<vmem>>, vector<1x16xf32>,
      %get3A_344 = vector.shape_cast %get3A_343 : vector<1x16xf32> to vector<16xf32>
      %add3A_345 = arith.addf %get3A_336, %get3A_344 : vector<16xf32>
      %swap3A_346 = arith.index_cast %scan3A_290 : i32 to index
      %swap3A_347 = arith.constant 32 : index
      %swap3A_348 = tpu.vector_load %arg10[%swap3A_346, %swap3A_347] {strides = array<i32>} : memref<32x64xf32, #tpu.memory_space<vmem>>, vector<1x16xf32>,
      %swap3A_349 = vector.shape_cast %swap3A_348 : vector<1x16xf32> to vector<16xf32>
      %swap3A_350 = vector.shape_cast %add3A_345 : vector<16xf32> to vector<1x16xf32>
      tpu.vector_store %arg10[%swap3A_346, %swap3A_347], %swap3A_350 {strides = array<i32>} : memref<32x64xf32, #tpu.memory_space<vmem>>, vector<1x16xf32>,
      %mul3A_351 = arith.constant 2 : i32
      %mul3A_352 = arith.muli %mul3A_351, %scan3A_290 : i32
      %get3A_353 = arith.index_cast %mul3A_352 : i32 to index
      %get3A_354 = arith.constant 48 : index
      %get3A_355 = tpu.vector_load %arg8[%get3A_353, %get3A_354] {strides = array<i32>} : memref<64x128xf32, #tpu.memory_space<vmem>>, vector<1x16xf32>,
      %get3A_356 = vector.shape_cast %get3A_355 : vector<1x16xf32> to vector<16xf32>
      %mul3A_357 = arith.constant 2 : i32
      %mul3A_358 = arith.muli %mul3A_357, %scan3A_290 : i32
      %add3A_359 = arith.constant 1 : i32
      %add3A_360 = arith.addi %mul3A_358, %add3A_359 : i32
      %get3A_361 = arith.index_cast %add3A_360 : i32 to index
      %get3A_362 = arith.constant 112 : index
      %get3A_363 = tpu.vector_load %arg8[%get3A_361, %get3A_362] {strides = array<i32>} : memref<64x128xf32, #tpu.memory_space<vmem>>, vector<1x16xf32>,
      %get3A_364 = vector.shape_cast %get3A_363 : vector<1x16xf32> to vector<16xf32>
      %add3A_365 = arith.addf %get3A_356, %get3A_364 : vector<16xf32>
      %swap3A_366 = arith.index_cast %scan3A_290 : i32 to index
      %swap3A_367 = arith.constant 48 : index
      %swap3A_368 = tpu.vector_load %arg10[%swap3A_366, %swap3A_367] {strides = array<i32>} : memref<32x64xf32, #tpu.memory_space<vmem>>, vector<1x16xf32>,
      %swap3A_369 = vector.shape_cast %swap3A_368 : vector<1x16xf32> to vector<16xf32>
      %swap3A_370 = vector.shape_cast %add3A_365 : vector<16xf32> to vector<1x16xf32>
      tpu.vector_store %arg10[%swap3A_366, %swap3A_367], %swap3A_370 {strides = array<i32>} : memref<32x64xf32, #tpu.memory_space<vmem>>, vector<1x16xf32>,
      %scan3A_371 = arith.constant 3 : i32
      %mul3A_372 = arith.constant 2 : i32
      %mul3A_373 = arith.muli %mul3A_372, %scan3A_371 : i32
      %get3A_374 = arith.index_cast %mul3A_373 : i32 to index
      %get3A_375 = arith.constant 0 : index
      %get3A_376 = tpu.vector_load %arg8[%get3A_374, %get3A_375] {strides = array<i32>} : memref<64x128xf32, #tpu.memory_space<vmem>>, vector<1x16xf32>,
      %get3A_377 = vector.shape_cast %get3A_376 : vector<1x16xf32> to vector<16xf32>
      %mul3A_378 = arith.constant 2 : i32
      %mul3A_379 = arith.muli %mul3A_378, %scan3A_371 : i32
      %add3A_380 = arith.constant 1 : i32
      %add3A_381 = arith.addi %mul3A_379, %add3A_380 : i32
      %get3A_382 = arith.index_cast %add3A_381 : i32 to index
      %get3A_383 = arith.constant 64 : index
      %get3A_384 = tpu.vector_load %arg8[%get3A_382, %get3A_383] {strides = array<i32>} : memref<64x128xf32, #tpu.memory_space<vmem>>, vector<1x16xf32>,
      %get3A_385 = vector.shape_cast %get3A_384 : vector<1x16xf32> to vector<16xf32>
      %add3A_386 = arith.addf %get3A_377, %get3A_385 : vector<16xf32>
      %swap3A_387 = arith.index_cast %scan3A_371 : i32 to index
      %swap3A_388 = arith.constant 0 : index
      %swap3A_389 = tpu.vector_load %arg10[%swap3A_387, %swap3A_388] {strides = array<i32>} : memref<32x64xf32, #tpu.memory_space<vmem>>, vector<1x16xf32>,
      %swap3A_390 = vector.shape_cast %swap3A_389 : vector<1x16xf32> to vector<16xf32>
      %swap3A_391 = vector.shape_cast %add3A_386 : vector<16xf32> to vector<1x16xf32>
      tpu.vector_store %arg10[%swap3A_387, %swap3A_388], %swap3A_391 {strides = array<i32>} : memref<32x64xf32, #tpu.memory_space<vmem>>, vector<1x16xf32>,
      %mul3A_392 = arith.constant 2 : i32
      %mul3A_393 = arith.muli %mul3A_392, %scan3A_371 : i32
      %get3A_394 = arith.index_cast %mul3A_393 : i32 to index
      %get3A_395 = arith.constant 16 : index
      %get3A_396 = tpu.vector_load %arg8[%get3A_394, %get3A_395] {strides = array<i32>} : memref<64x128xf32, #tpu.memory_space<vmem>>, vector<1x16xf32>,
      %get3A_397 = vector.shape_cast %get3A_396 : vector<1x16xf32> to vector<16xf32>
      %mul3A_398 = arith.constant 2 : i32
      %mul3A_399 = arith.muli %mul3A_398, %scan3A_371 : i32
      %add3A_400 = arith.constant 1 : i32
      %add3A_401 = arith.addi %mul3A_399, %add3A_400 : i32
      %get3A_402 = arith.index_cast %add3A_401 : i32 to index
      %get3A_403 = arith.constant 80 : index
      %get3A_404 = tpu.vector_load %arg8[%get3A_402, %get3A_403] {strides = array<i32>} : memref<64x128xf32, #tpu.memory_space<vmem>>, vector<1x16xf32>,
      %get3A_405 = vector.shape_cast %get3A_404 : vector<1x16xf32> to vector<16xf32>
      %add3A_406 = arith.addf %get3A_397, %get3A_405 : vector<16xf32>
      %swap3A_407 = arith.index_cast %scan3A_371 : i32 to index
      %swap3A_408 = arith.constant 16 : index
      %swap3A_409 = tpu.vector_load %arg10[%swap3A_407, %swap3A_408] {strides = array<i32>} : memref<32x64xf32, #tpu.memory_space<vmem>>, vector<1x16xf32>,
      %swap3A_410 = vector.shape_cast %swap3A_409 : vector<1x16xf32> to vector<16xf32>
      %swap3A_411 = vector.shape_cast %add3A_406 : vector<16xf32> to vector<1x16xf32>
      tpu.vector_store %arg10[%swap3A_407, %swap3A_408], %swap3A_411 {strides = array<i32>} : memref<32x64xf32, #tpu.memory_space<vmem>>, vector<1x16xf32>,
      %mul3A_412 = arith.constant 2 : i32
      %mul3A_413 = arith.muli %mul3A_412, %scan3A_371 : i32
      %get3A_414 = arith.index_cast %mul3A_413 : i32 to index
      %get3A_415 = arith.constant 32 : index
      %get3A_416 = tpu.vector_load %arg8[%get3A_414, %get3A_415] {strides = array<i32>} : memref<64x128xf32, #tpu.memory_space<vmem>>, vector<1x16xf32>,
      %get3A_417 = vector.shape_cast %get3A_416 : vector<1x16xf32> to vector<16xf32>
      %mul3A_418 = arith.constant 2 : i32
      %mul3A_419 = arith.muli %mul3A_418, %scan3A_371 : i32
      %add3A_420 = arith.constant 1 : i32
      %add3A_421 = arith.addi %mul3A_419, %add3A_420 : i32
      %get3A_422 = arith.index_cast %add3A_421 : i32 to index
      %get3A_423 = arith.constant 96 : index
      %get3A_424 = tpu.vector_load %arg8[%get3A_422, %get3A_423] {strides = array<i32>} : memref<64x128xf32, #tpu.memory_space<vmem>>, vector<1x16xf32>,
      %get3A_425 = vector.shape_cast %get3A_424 : vector<1x16xf32> to vector<16xf32>
      %add3A_426 = arith.addf %get3A_417, %get3A_425 : vector<16xf32>
      %swap3A_427 = arith.index_cast %scan3A_371 : i32 to index
      %swap3A_428 = arith.constant 32 : index
      %swap3A_429 = tpu.vector_load %arg10[%swap3A_427, %swap3A_428] {strides = array<i32>} : memref<32x64xf32, #tpu.memory_space<vmem>>, vector<1x16xf32>,
      %swap3A_430 = vector.shape_cast %swap3A_429 : vector<1x16xf32> to vector<16xf32>
      %swap3A_431 = vector.shape_cast %add3A_426 : vector<16xf32> to vector<1x16xf32>
      tpu.vector_store %arg10[%swap3A_427, %swap3A_428], %swap3A_431 {strides = array<i32>} : memref<32x64xf32, #tpu.memory_space<vmem>>, vector<1x16xf32>,
      %mul3A_432 = arith.constant 2 : i32
      %mul3A_433 = arith.muli %mul3A_432, %scan3A_371 : i32
      %get3A_434 = arith.index_cast %mul3A_433 : i32 to index
      %get3A_435 = arith.constant 48 : index
      %get3A_436 = tpu.vector_load %arg8[%get3A_434, %get3A_435] {strides = array<i32>} : memref<64x128xf32, #tpu.memory_space<vmem>>, vector<1x16xf32>,
      %get3A_437 = vector.shape_cast %get3A_436 : vector<1x16xf32> to vector<16xf32>
      %mul3A_438 = arith.constant 2 : i32
      %mul3A_439 = arith.muli %mul3A_438, %scan3A_371 : i32
      %add3A_440 = arith.constant 1 : i32
      %add3A_441 = arith.addi %mul3A_439, %add3A_440 : i32
      %get3A_442 = arith.index_cast %add3A_441 : i32 to index
      %get3A_443 = arith.constant 112 : index
      %get3A_444 = tpu.vector_load %arg8[%get3A_442, %get3A_443] {strides = array<i32>} : memref<64x128xf32, #tpu.memory_space<vmem>>, vector<1x16xf32>,
      %get3A_445 = vector.shape_cast %get3A_444 : vector<1x16xf32> to vector<16xf32>
      %add3A_446 = arith.addf %get3A_437, %get3A_445 : vector<16xf32>
      %swap3A_447 = arith.index_cast %scan3A_371 : i32 to index
      %swap3A_448 = arith.constant 48 : index
      %swap3A_449 = tpu.vector_load %arg10[%swap3A_447, %swap3A_448] {strides = array<i32>} : memref<32x64xf32, #tpu.memory_space<vmem>>, vector<1x16xf32>,
      %swap3A_450 = vector.shape_cast %swap3A_449 : vector<1x16xf32> to vector<16xf32>
      %swap3A_451 = vector.shape_cast %add3A_446 : vector<16xf32> to vector<1x16xf32>
      tpu.vector_store %arg10[%swap3A_447, %swap3A_448], %swap3A_451 {strides = array<i32>} : memref<32x64xf32, #tpu.memory_space<vmem>>, vector<1x16xf32>,
      %scan3A_452 = arith.constant 4 : i32
      %mul3A_453 = arith.constant 2 : i32
      %mul3A_454 = arith.muli %mul3A_453, %scan3A_452 : i32
      %get3A_455 = arith.index_cast %mul3A_454 : i32 to index
      %get3A_456 = arith.constant 0 : index
      %get3A_457 = tpu.vector_load %arg8[%get3A_455, %get3A_456] {strides = array<i32>} : memref<64x128xf32, #tpu.memory_space<vmem>>, vector<1x16xf32>,
      %get3A_458 = vector.shape_cast %get3A_457 : vector<1x16xf32> to vector<16xf32>
      %mul3A_459 = arith.constant 2 : i32
      %mul3A_460 = arith.muli %mul3A_459, %scan3A_452 : i32
      %add3A_461 = arith.constant 1 : i32
      %add3A_462 = arith.addi %mul3A_460, %add3A_461 : i32
      %get3A_463 = arith.index_cast %add3A_462 : i32 to index
      %get3A_464 = arith.constant 64 : index
      %get3A_465 = tpu.vector_load %arg8[%get3A_463, %get3A_464] {strides = array<i32>} : memref<64x128xf32, #tpu.memory_space<vmem>>, vector<1x16xf32>,
      %get3A_466 = vector.shape_cast %get3A_465 : vector<1x16xf32> to vector<16xf32>
      %add3A_467 = arith.addf %get3A_458, %get3A_466 : vector<16xf32>
      %swap3A_468 = arith.index_cast %scan3A_452 : i32 to index
      %swap3A_469 = arith.constant 0 : index
      %swap3A_470 = tpu.vector_load %arg10[%swap3A_468, %swap3A_469] {strides = array<i32>} : memref<32x64xf32, #tpu.memory_space<vmem>>, vector<1x16xf32>,
      %swap3A_471 = vector.shape_cast %swap3A_470 : vector<1x16xf32> to vector<16xf32>
      %swap3A_472 = vector.shape_cast %add3A_467 : vector<16xf32> to vector<1x16xf32>
      tpu.vector_store %arg10[%swap3A_468, %swap3A_469], %swap3A_472 {strides = array<i32>} : memref<32x64xf32, #tpu.memory_space<vmem>>, vector<1x16xf32>,
      %mul3A_473 = arith.constant 2 : i32
      %mul3A_474 = arith.muli %mul3A_473, %scan3A_452 : i32
      %get3A_475 = arith.index_cast %mul3A_474 : i32 to index
      %get3A_476 = arith.constant 16 : index
      %get3A_477 = tpu.vector_load %arg8[%get3A_475, %get3A_476] {strides = array<i32>} : memref<64x128xf32, #tpu.memory_space<vmem>>, vector<1x16xf32>,
      %get3A_478 = vector.shape_cast %get3A_477 : vector<1x16xf32> to vector<16xf32>
      %mul3A_479 = arith.constant 2 : i32
      %mul3A_480 = arith.muli %mul3A_479, %scan3A_452 : i32
      %add3A_481 = arith.constant 1 : i32
      %add3A_482 = arith.addi %mul3A_480, %add3A_481 : i32
      %get3A_483 = arith.index_cast %add3A_482 : i32 to index
      %get3A_484 = arith.constant 80 : index
      %get3A_485 = tpu.vector_load %arg8[%get3A_483, %get3A_484] {strides = array<i32>} : memref<64x128xf32, #tpu.memory_space<vmem>>, vector<1x16xf32>,
      %get3A_486 = vector.shape_cast %get3A_485 : vector<1x16xf32> to vector<16xf32>
      %add3A_487 = arith.addf %get3A_478, %get3A_486 : vector<16xf32>
      %swap3A_488 = arith.index_cast %scan3A_452 : i32 to index
      %swap3A_489 = arith.constant 16 : index
      %swap3A_490 = tpu.vector_load %arg10[%swap3A_488, %swap3A_489] {strides = array<i32>} : memref<32x64xf32, #tpu.memory_space<vmem>>, vector<1x16xf32>,
      %swap3A_491 = vector.shape_cast %swap3A_490 : vector<1x16xf32> to vector<16xf32>
      %swap3A_492 = vector.shape_cast %add3A_487 : vector<16xf32> to vector<1x16xf32>
      tpu.vector_store %arg10[%swap3A_488, %swap3A_489], %swap3A_492 {strides = array<i32>} : memref<32x64xf32, #tpu.memory_space<vmem>>, vector<1x16xf32>,
      %mul3A_493 = arith.constant 2 : i32
      %mul3A_494 = arith.muli %mul3A_493, %scan3A_452 : i32
      %get3A_495 = arith.index_cast %mul3A_494 : i32 to index
      %get3A_496 = arith.constant 32 : index
      %get3A_497 = tpu.vector_load %arg8[%get3A_495, %get3A_496] {strides = array<i32>} : memref<64x128xf32, #tpu.memory_space<vmem>>, vector<1x16xf32>,
      %get3A_498 = vector.shape_cast %get3A_497 : vector<1x16xf32> to vector<16xf32>
      %mul3A_499 = arith.constant 2 : i32
      %mul3A_500 = arith.muli %mul3A_499, %scan3A_452 : i32
      %add3A_501 = arith.constant 1 : i32
      %add3A_502 = arith.addi %mul3A_500, %add3A_501 : i32
      %get3A_503 = arith.index_cast %add3A_502 : i32 to index
      %get3A_504 = arith.constant 96 : index
      %get3A_505 = tpu.vector_load %arg8[%get3A_503, %get3A_504] {strides = array<i32>} : memref<64x128xf32, #tpu.memory_space<vmem>>, vector<1x16xf32>,
      %get3A_506 = vector.shape_cast %get3A_505 : vector<1x16xf32> to vector<16xf32>
      %add3A_507 = arith.addf %get3A_498, %get3A_506 : vector<16xf32>
      %swap3A_508 = arith.index_cast %scan3A_452 : i32 to index
      %swap3A_509 = arith.constant 32 : index
      %swap3A_510 = tpu.vector_load %arg10[%swap3A_508, %swap3A_509] {strides = array<i32>} : memref<32x64xf32, #tpu.memory_space<vmem>>, vector<1x16xf32>,
      %swap3A_511 = vector.shape_cast %swap3A_510 : vector<1x16xf32> to vector<16xf32>
      %swap3A_512 = vector.shape_cast %add3A_507 : vector<16xf32> to vector<1x16xf32>
      tpu.vector_store %arg10[%swap3A_508, %swap3A_509], %swap3A_512 {strides = array<i32>} : memref<32x64xf32, #tpu.memory_space<vmem>>, vector<1x16xf32>,
      %mul3A_513 = arith.constant 2 : i32
      %mul3A_514 = arith.muli %mul3A_513, %scan3A_452 : i32
      %get3A_515 = arith.index_cast %mul3A_514 : i32 to index
      %get3A_516 = arith.constant 48 : index
      %get3A_517 = tpu.vector_load %arg8[%get3A_515, %get3A_516] {strides = array<i32>} : memref<64x128xf32, #tpu.memory_space<vmem>>, vector<1x16xf32>,
      %get3A_518 = vector.shape_cast %get3A_517 : vector<1x16xf32> to vector<16xf32>
      %mul3A_519 = arith.constant 2 : i32
      %mul3A_520 = arith.muli %mul3A_519, %scan3A_452 : i32
      %add3A_521 = arith.constant 1 : i32
      %add3A_522 = arith.addi %mul3A_520, %add3A_521 : i32
      %get3A_523 = arith.index_cast %add3A_522 : i32 to index
      %get3A_524 = arith.constant 112 : index
      %get3A_525 = tpu.vector_load %arg8[%get3A_523, %get3A_524] {strides = array<i32>} : memref<64x128xf32, #tpu.memory_space<vmem>>, vector<1x16xf32>,
      %get3A_526 = vector.shape_cast %get3A_525 : vector<1x16xf32> to vector<16xf32>
      %add3A_527 = arith.addf %get3A_518, %get3A_526 : vector<16xf32>
      %swap3A_528 = arith.index_cast %scan3A_452 : i32 to index
      %swap3A_529 = arith.constant 48 : index
      %swap3A_530 = tpu.vector_load %arg10[%swap3A_528, %swap3A_529] {strides = array<i32>} : memref<32x64xf32, #tpu.memory_space<vmem>>, vector<1x16xf32>,
      %swap3A_531 = vector.shape_cast %swap3A_530 : vector<1x16xf32> to vector<16xf32>
      %swap3A_532 = vector.shape_cast %add3A_527 : vector<16xf32> to vector<1x16xf32>
      tpu.vector_store %arg10[%swap3A_528, %swap3A_529], %swap3A_532 {strides = array<i32>} : memref<32x64xf32, #tpu.memory_space<vmem>>, vector<1x16xf32>,
      %scan3A_533 = arith.constant 5 : i32
      %mul3A_534 = arith.constant 2 : i32
      %mul3A_535 = arith.muli %mul3A_534, %scan3A_533 : i32
      %get3A_536 = arith.index_cast %mul3A_535 : i32 to index
      %get3A_537 = arith.constant 0 : index
      %get3A_538 = tpu.vector_load %arg8[%get3A_536, %get3A_537] {strides = array<i32>} : memref<64x128xf32, #tpu.memory_space<vmem>>, vector<1x16xf32>,
      %get3A_539 = vector.shape_cast %get3A_538 : vector<1x16xf32> to vector<16xf32>
      %mul3A_540 = arith.constant 2 : i32
      %mul3A_541 = arith.muli %mul3A_540, %scan3A_533 : i32
      %add3A_542 = arith.constant 1 : i32
      %add3A_543 = arith.addi %mul3A_541, %add3A_542 : i32
      %get3A_544 = arith.index_cast %add3A_543 : i32 to index
      %get3A_545 = arith.constant 64 : index
      %get3A_546 = tpu.vector_load %arg8[%get3A_544, %get3A_545] {strides = array<i32>} : memref<64x128xf32, #tpu.memory_space<vmem>>, vector<1x16xf32>,
      %get3A_547 = vector.shape_cast %get3A_546 : vector<1x16xf32> to vector<16xf32>
      %add3A_548 = arith.addf %get3A_539, %get3A_547 : vector<16xf32>
      %swap3A_549 = arith.index_cast %scan3A_533 : i32 to index
      %swap3A_550 = arith.constant 0 : index
      %swap3A_551 = tpu.vector_load %arg10[%swap3A_549, %swap3A_550] {strides = array<i32>} : memref<32x64xf32, #tpu.memory_space<vmem>>, vector<1x16xf32>,
      %swap3A_552 = vector.shape_cast %swap3A_551 : vector<1x16xf32> to vector<16xf32>
      %swap3A_553 = vector.shape_cast %add3A_548 : vector<16xf32> to vector<1x16xf32>
      tpu.vector_store %arg10[%swap3A_549, %swap3A_550], %swap3A_553 {strides = array<i32>} : memref<32x64xf32, #tpu.memory_space<vmem>>, vector<1x16xf32>,
      %mul3A_554 = arith.constant 2 : i32
      %mul3A_555 = arith.muli %mul3A_554, %scan3A_533 : i32
      %get3A_556 = arith.index_cast %mul3A_555 : i32 to index
      %get3A_557 = arith.constant 16 : index
      %get3A_558 = tpu.vector_load %arg8[%get3A_556, %get3A_557] {strides = array<i32>} : memref<64x128xf32, #tpu.memory_space<vmem>>, vector<1x16xf32>,
      %get3A_559 = vector.shape_cast %get3A_558 : vector<1x16xf32> to vector<16xf32>
      %mul3A_560 = arith.constant 2 : i32
      %mul3A_561 = arith.muli %mul3A_560, %scan3A_533 : i32
      %add3A_562 = arith.constant 1 : i32
      %add3A_563 = arith.addi %mul3A_561, %add3A_562 : i32
      %get3A_564 = arith.index_cast %add3A_563 : i32 to index
      %get3A_565 = arith.constant 80 : index
      %get3A_566 = tpu.vector_load %arg8[%get3A_564, %get3A_565] {strides = array<i32>} : memref<64x128xf32, #tpu.memory_space<vmem>>, vector<1x16xf32>,
      %get3A_567 = vector.shape_cast %get3A_566 : vector<1x16xf32> to vector<16xf32>
      %add3A_568 = arith.addf %get3A_559, %get3A_567 : vector<16xf32>
      %swap3A_569 = arith.index_cast %scan3A_533 : i32 to index
      %swap3A_570 = arith.constant 16 : index
      %swap3A_571 = tpu.vector_load %arg10[%swap3A_569, %swap3A_570] {strides = array<i32>} : memref<32x64xf32, #tpu.memory_space<vmem>>, vector<1x16xf32>,
      %swap3A_572 = vector.shape_cast %swap3A_571 : vector<1x16xf32> to vector<16xf32>
      %swap3A_573 = vector.shape_cast %add3A_568 : vector<16xf32> to vector<1x16xf32>
      tpu.vector_store %arg10[%swap3A_569, %swap3A_570], %swap3A_573 {strides = array<i32>} : memref<32x64xf32, #tpu.memory_space<vmem>>, vector<1x16xf32>,
      %mul3A_574 = arith.constant 2 : i32
      %mul3A_575 = arith.muli %mul3A_574, %scan3A_533 : i32
      %get3A_576 = arith.index_cast %mul3A_575 : i32 to index
      %get3A_577 = arith.constant 32 : index
      %get3A_578 = tpu.vector_load %arg8[%get3A_576, %get3A_577] {strides = array<i32>} : memref<64x128xf32, #tpu.memory_space<vmem>>, vector<1x16xf32>,
      %get3A_579 = vector.shape_cast %get3A_578 : vector<1x16xf32> to vector<16xf32>
      %mul3A_580 = arith.constant 2 : i32
      %mul3A_581 = arith.muli %mul3A_580, %scan3A_533 : i32
      %add3A_582 = arith.constant 1 : i32
      %add3A_583 = arith.addi %mul3A_581, %add3A_582 : i32
      %get3A_584 = arith.index_cast %add3A_583 : i32 to index
      %get3A_585 = arith.constant 96 : index
      %get3A_586 = tpu.vector_load %arg8[%get3A_584, %get3A_585] {strides = array<i32>} : memref<64x128xf32, #tpu.memory_space<vmem>>, vector<1x16xf32>,
      %get3A_587 = vector.shape_cast %get3A_586 : vector<1x16xf32> to vector<16xf32>
      %add3A_588 = arith.addf %get3A_579, %get3A_587 : vector<16xf32>
      %swap3A_589 = arith.index_cast %scan3A_533 : i32 to index
      %swap3A_590 = arith.constant 32 : index
      %swap3A_591 = tpu.vector_load %arg10[%swap3A_589, %swap3A_590] {strides = array<i32>} : memref<32x64xf32, #tpu.memory_space<vmem>>, vector<1x16xf32>,
      %swap3A_592 = vector.shape_cast %swap3A_591 : vector<1x16xf32> to vector<16xf32>
      %swap3A_593 = vector.shape_cast %add3A_588 : vector<16xf32> to vector<1x16xf32>
      tpu.vector_store %arg10[%swap3A_589, %swap3A_590], %swap3A_593 {strides = array<i32>} : memref<32x64xf32, #tpu.memory_space<vmem>>, vector<1x16xf32>,
      %mul3A_594 = arith.constant 2 : i32
      %mul3A_595 = arith.muli %mul3A_594, %scan3A_533 : i32
      %get3A_596 = arith.index_cast %mul3A_595 : i32 to index
      %get3A_597 = arith.constant 48 : index
      %get3A_598 = tpu.vector_load %arg8[%get3A_596, %get3A_597] {strides = array<i32>} : memref<64x128xf32, #tpu.memory_space<vmem>>, vector<1x16xf32>,
      %get3A_599 = vector.shape_cast %get3A_598 : vector<1x16xf32> to vector<16xf32>
      %mul3A_600 = arith.constant 2 : i32
      %mul3A_601 = arith.muli %mul3A_600, %scan3A_533 : i32
      %add3A_602 = arith.constant 1 : i32
      %add3A_603 = arith.addi %mul3A_601, %add3A_602 : i32
      %get3A_604 = arith.index_cast %add3A_603 : i32 to index
      %get3A_605 = arith.constant 112 : index
      %get3A_606 = tpu.vector_load %arg8[%get3A_604, %get3A_605] {strides = array<i32>} : memref<64x128xf32, #tpu.memory_space<vmem>>, vector<1x16xf32>,
      %get3A_607 = vector.shape_cast %get3A_606 : vector<1x16xf32> to vector<16xf32>
      %add3A_608 = arith.addf %get3A_599, %get3A_607 : vector<16xf32>
      %swap3A_609 = arith.index_cast %scan3A_533 : i32 to index
      %swap3A_610 = arith.constant 48 : index
      %swap3A_611 = tpu.vector_load %arg10[%swap3A_609, %swap3A_610] {strides = array<i32>} : memref<32x64xf32, #tpu.memory_space<vmem>>, vector<1x16xf32>,
      %swap3A_612 = vector.shape_cast %swap3A_611 : vector<1x16xf32> to vector<16xf32>
      %swap3A_613 = vector.shape_cast %add3A_608 : vector<16xf32> to vector<1x16xf32>
      tpu.vector_store %arg10[%swap3A_609, %swap3A_610], %swap3A_613 {strides = array<i32>} : memref<32x64xf32, #tpu.memory_space<vmem>>, vector<1x16xf32>,
      %scan3A_614 = arith.constant 6 : i32
      %mul3A_615 = arith.constant 2 : i32
      %mul3A_616 = arith.muli %mul3A_615, %scan3A_614 : i32
      %get3A_617 = arith.index_cast %mul3A_616 : i32 to index
      %get3A_618 = arith.constant 0 : index
      %get3A_619 = tpu.vector_load %arg8[%get3A_617, %get3A_618] {strides = array<i32>} : memref<64x128xf32, #tpu.memory_space<vmem>>, vector<1x16xf32>,
      %get3A_620 = vector.shape_cast %get3A_619 : vector<1x16xf32> to vector<16xf32>
      %mul3A_621 = arith.constant 2 : i32
      %mul3A_622 = arith.muli %mul3A_621, %scan3A_614 : i32
      %add3A_623 = arith.constant 1 : i32
      %add3A_624 = arith.addi %mul3A_622, %add3A_623 : i32
      %get3A_625 = arith.index_cast %add3A_624 : i32 to index
      %get3A_626 = arith.constant 64 : index
      %get3A_627 = tpu.vector_load %arg8[%get3A_625, %get3A_626] {strides = array<i32>} : memref<64x128xf32, #tpu.memory_space<vmem>>, vector<1x16xf32>,
      %get3A_628 = vector.shape_cast %get3A_627 : vector<1x16xf32> to vector<16xf32>
      %add3A_629 = arith.addf %get3A_620, %get3A_628 : vector<16xf32>
      %swap3A_630 = arith.index_cast %scan3A_614 : i32 to index
      %swap3A_631 = arith.constant 0 : index
      %swap3A_632 = tpu.vector_load %arg10[%swap3A_630, %swap3A_631] {strides = array<i32>} : memref<32x64xf32, #tpu.memory_space<vmem>>, vector<1x16xf32>,
      %swap3A_633 = vector.shape_cast %swap3A_632 : vector<1x16xf32> to vector<16xf32>
      %swap3A_634 = vector.shape_cast %add3A_629 : vector<16xf32> to vector<1x16xf32>
      tpu.vector_store %arg10[%swap3A_630, %swap3A_631], %swap3A_634 {strides = array<i32>} : memref<32x64xf32, #tpu.memory_space<vmem>>, vector<1x16xf32>,
      %mul3A_635 = arith.constant 2 : i32
      %mul3A_636 = arith.muli %mul3A_635, %scan3A_614 : i32
      %get3A_637 = arith.index_cast %mul3A_636 : i32 to index
      %get3A_638 = arith.constant 16 : index
      %get3A_639 = tpu.vector_load %arg8[%get3A_637, %get3A_638] {strides = array<i32>} : memref<64x128xf32, #tpu.memory_space<vmem>>, vector<1x16xf32>,
      %get3A_640 = vector.shape_cast %get3A_639 : vector<1x16xf32> to vector<16xf32>
      %mul3A_641 = arith.constant 2 : i32
      %mul3A_642 = arith.muli %mul3A_641, %scan3A_614 : i32
      %add3A_643 = arith.constant 1 : i32
      %add3A_644 = arith.addi %mul3A_642, %add3A_643 : i32
      %get3A_645 = arith.index_cast %add3A_644 : i32 to index
      %get3A_646 = arith.constant 80 : index
      %get3A_647 = tpu.vector_load %arg8[%get3A_645, %get3A_646] {strides = array<i32>} : memref<64x128xf32, #tpu.memory_space<vmem>>, vector<1x16xf32>,
      %get3A_648 = vector.shape_cast %get3A_647 : vector<1x16xf32> to vector<16xf32>
      %add3A_649 = arith.addf %get3A_640, %get3A_648 : vector<16xf32>
      %swap3A_650 = arith.index_cast %scan3A_614 : i32 to index
      %swap3A_651 = arith.constant 16 : index
      %swap3A_652 = tpu.vector_load %arg10[%swap3A_650, %swap3A_651] {strides = array<i32>} : memref<32x64xf32, #tpu.memory_space<vmem>>, vector<1x16xf32>,
      %swap3A_653 = vector.shape_cast %swap3A_652 : vector<1x16xf32> to vector<16xf32>
      %swap3A_654 = vector.shape_cast %add3A_649 : vector<16xf32> to vector<1x16xf32>
      tpu.vector_store %arg10[%swap3A_650, %swap3A_651], %swap3A_654 {strides = array<i32>} : memref<32x64xf32, #tpu.memory_space<vmem>>, vector<1x16xf32>,
      %mul3A_655 = arith.constant 2 : i32
      %mul3A_656 = arith.muli %mul3A_655, %scan3A_614 : i32
      %get3A_657 = arith.index_cast %mul3A_656 : i32 to index
      %get3A_658 = arith.constant 32 : index
      %get3A_659 = tpu.vector_load %arg8[%get3A_657, %get3A_658] {strides = array<i32>} : memref<64x128xf32, #tpu.memory_space<vmem>>, vector<1x16xf32>,
      %get3A_660 = vector.shape_cast %get3A_659 : vector<1x16xf32> to vector<16xf32>
      %mul3A_661 = arith.constant 2 : i32
      %mul3A_662 = arith.muli %mul3A_661, %scan3A_614 : i32
      %add3A_663 = arith.constant 1 : i32
      %add3A_664 = arith.addi %mul3A_662, %add3A_663 : i32
      %get3A_665 = arith.index_cast %add3A_664 : i32 to index
      %get3A_666 = arith.constant 96 : index
      %get3A_667 = tpu.vector_load %arg8[%get3A_665, %get3A_666] {strides = array<i32>} : memref<64x128xf32, #tpu.memory_space<vmem>>, vector<1x16xf32>,
      %get3A_668 = vector.shape_cast %get3A_667 : vector<1x16xf32> to vector<16xf32>
      %add3A_669 = arith.addf %get3A_660, %get3A_668 : vector<16xf32>
      %swap3A_670 = arith.index_cast %scan3A_614 : i32 to index
      %swap3A_671 = arith.constant 32 : index
      %swap3A_672 = tpu.vector_load %arg10[%swap3A_670, %swap3A_671] {strides = array<i32>} : memref<32x64xf32, #tpu.memory_space<vmem>>, vector<1x16xf32>,
      %swap3A_673 = vector.shape_cast %swap3A_672 : vector<1x16xf32> to vector<16xf32>
      %swap3A_674 = vector.shape_cast %add3A_669 : vector<16xf32> to vector<1x16xf32>
      tpu.vector_store %arg10[%swap3A_670, %swap3A_671], %swap3A_674 {strides = array<i32>} : memref<32x64xf32, #tpu.memory_space<vmem>>, vector<1x16xf32>,
      %mul3A_675 = arith.constant 2 : i32
      %mul3A_676 = arith.muli %mul3A_675, %scan3A_614 : i32
      %get3A_677 = arith.index_cast %mul3A_676 : i32 to index
      %get3A_678 = arith.constant 48 : index
      %get3A_679 = tpu.vector_load %arg8[%get3A_677, %get3A_678] {strides = array<i32>} : memref<64x128xf32, #tpu.memory_space<vmem>>, vector<1x16xf32>,
      %get3A_680 = vector.shape_cast %get3A_679 : vector<1x16xf32> to vector<16xf32>
      %mul3A_681 = arith.constant 2 : i32
      %mul3A_682 = arith.muli %mul3A_681, %scan3A_614 : i32
      %add3A_683 = arith.constant 1 : i32
      %add3A_684 = arith.addi %mul3A_682, %add3A_683 : i32
      %get3A_685 = arith.index_cast %add3A_684 : i32 to index
      %get3A_686 = arith.constant 112 : index
      %get3A_687 = tpu.vector_load %arg8[%get3A_685, %get3A_686] {strides = array<i32>} : memref<64x128xf32, #tpu.memory_space<vmem>>, vector<1x16xf32>,
      %get3A_688 = vector.shape_cast %get3A_687 : vector<1x16xf32> to vector<16xf32>
      %add3A_689 = arith.addf %get3A_680, %get3A_688 : vector<16xf32>
      %swap3A_690 = arith.index_cast %scan3A_614 : i32 to index
      %swap3A_691 = arith.constant 48 : index
      %swap3A_692 = tpu.vector_load %arg10[%swap3A_690, %swap3A_691] {strides = array<i32>} : memref<32x64xf32, #tpu.memory_space<vmem>>, vector<1x16xf32>,
      %swap3A_693 = vector.shape_cast %swap3A_692 : vector<1x16xf32> to vector<16xf32>
      %swap3A_694 = vector.shape_cast %add3A_689 : vector<16xf32> to vector<1x16xf32>
      tpu.vector_store %arg10[%swap3A_690, %swap3A_691], %swap3A_694 {strides = array<i32>} : memref<32x64xf32, #tpu.memory_space<vmem>>, vector<1x16xf32>,
      %scan3A_695 = arith.constant 7 : i32
      %mul3A_696 = arith.constant 2 : i32
      %mul3A_697 = arith.muli %mul3A_696, %scan3A_695 : i32
      %get3A_698 = arith.index_cast %mul3A_697 : i32 to index
      %get3A_699 = arith.constant 0 : index
      %get3A_700 = tpu.vector_load %arg8[%get3A_698, %get3A_699] {strides = array<i32>} : memref<64x128xf32, #tpu.memory_space<vmem>>, vector<1x16xf32>,
      %get3A_701 = vector.shape_cast %get3A_700 : vector<1x16xf32> to vector<16xf32>
      %mul3A_702 = arith.constant 2 : i32
      %mul3A_703 = arith.muli %mul3A_702, %scan3A_695 : i32
      %add3A_704 = arith.constant 1 : i32
      %add3A_705 = arith.addi %mul3A_703, %add3A_704 : i32
      %get3A_706 = arith.index_cast %add3A_705 : i32 to index
      %get3A_707 = arith.constant 64 : index
      %get3A_708 = tpu.vector_load %arg8[%get3A_706, %get3A_707] {strides = array<i32>} : memref<64x128xf32, #tpu.memory_space<vmem>>, vector<1x16xf32>,
      %get3A_709 = vector.shape_cast %get3A_708 : vector<1x16xf32> to vector<16xf32>
      %add3A_710 = arith.addf %get3A_701, %get3A_709 : vector<16xf32>
      %swap3A_711 = arith.index_cast %scan3A_695 : i32 to index
      %swap3A_712 = arith.constant 0 : index
      %swap3A_713 = tpu.vector_load %arg10[%swap3A_711, %swap3A_712] {strides = array<i32>} : memref<32x64xf32, #tpu.memory_space<vmem>>, vector<1x16xf32>,
      %swap3A_714 = vector.shape_cast %swap3A_713 : vector<1x16xf32> to vector<16xf32>
      %swap3A_715 = vector.shape_cast %add3A_710 : vector<16xf32> to vector<1x16xf32>
      tpu.vector_store %arg10[%swap3A_711, %swap3A_712], %swap3A_715 {strides = array<i32>} : memref<32x64xf32, #tpu.memory_space<vmem>>, vector<1x16xf32>,
      %mul3A_716 = arith.constant 2 : i32
      %mul3A_717 = arith.muli %mul3A_716, %scan3A_695 : i32
      %get3A_718 = arith.index_cast %mul3A_717 : i32 to index
      %get3A_719 = arith.constant 16 : index
      %get3A_720 = tpu.vector_load %arg8[%get3A_718, %get3A_719] {strides = array<i32>} : memref<64x128xf32, #tpu.memory_space<vmem>>, vector<1x16xf32>,
      %get3A_721 = vector.shape_cast %get3A_720 : vector<1x16xf32> to vector<16xf32>
      %mul3A_722 = arith.constant 2 : i32
      %mul3A_723 = arith.muli %mul3A_722, %scan3A_695 : i32
      %add3A_724 = arith.constant 1 : i32
      %add3A_725 = arith.addi %mul3A_723, %add3A_724 : i32
      %get3A_726 = arith.index_cast %add3A_725 : i32 to index
      %get3A_727 = arith.constant 80 : index
      %get3A_728 = tpu.vector_load %arg8[%get3A_726, %get3A_727] {strides = array<i32>} : memref<64x128xf32, #tpu.memory_space<vmem>>, vector<1x16xf32>,
      %get3A_729 = vector.shape_cast %get3A_728 : vector<1x16xf32> to vector<16xf32>
      %add3A_730 = arith.addf %get3A_721, %get3A_729 : vector<16xf32>
      %swap3A_731 = arith.index_cast %scan3A_695 : i32 to index
      %swap3A_732 = arith.constant 16 : index
      %swap3A_733 = tpu.vector_load %arg10[%swap3A_731, %swap3A_732] {strides = array<i32>} : memref<32x64xf32, #tpu.memory_space<vmem>>, vector<1x16xf32>,
      %swap3A_734 = vector.shape_cast %swap3A_733 : vector<1x16xf32> to vector<16xf32>
      %swap3A_735 = vector.shape_cast %add3A_730 : vector<16xf32> to vector<1x16xf32>
      tpu.vector_store %arg10[%swap3A_731, %swap3A_732], %swap3A_735 {strides = array<i32>} : memref<32x64xf32, #tpu.memory_space<vmem>>, vector<1x16xf32>,
      %mul3A_736 = arith.constant 2 : i32
      %mul3A_737 = arith.muli %mul3A_736, %scan3A_695 : i32
      %get3A_738 = arith.index_cast %mul3A_737 : i32 to index
      %get3A_739 = arith.constant 32 : index
      %get3A_740 = tpu.vector_load %arg8[%get3A_738, %get3A_739] {strides = array<i32>} : memref<64x128xf32, #tpu.memory_space<vmem>>, vector<1x16xf32>,
      %get3A_741 = vector.shape_cast %get3A_740 : vector<1x16xf32> to vector<16xf32>
      %mul3A_742 = arith.constant 2 : i32
      %mul3A_743 = arith.muli %mul3A_742, %scan3A_695 : i32
      %add3A_744 = arith.constant 1 : i32
      %add3A_745 = arith.addi %mul3A_743, %add3A_744 : i32
      %get3A_746 = arith.index_cast %add3A_745 : i32 to index
      %get3A_747 = arith.constant 96 : index
      %get3A_748 = tpu.vector_load %arg8[%get3A_746, %get3A_747] {strides = array<i32>} : memref<64x128xf32, #tpu.memory_space<vmem>>, vector<1x16xf32>,
      %get3A_749 = vector.shape_cast %get3A_748 : vector<1x16xf32> to vector<16xf32>
      %add3A_750 = arith.addf %get3A_741, %get3A_749 : vector<16xf32>
      %swap3A_751 = arith.index_cast %scan3A_695 : i32 to index
      %swap3A_752 = arith.constant 32 : index
      %swap3A_753 = tpu.vector_load %arg10[%swap3A_751, %swap3A_752] {strides = array<i32>} : memref<32x64xf32, #tpu.memory_space<vmem>>, vector<1x16xf32>,
      %swap3A_754 = vector.shape_cast %swap3A_753 : vector<1x16xf32> to vector<16xf32>
      %swap3A_755 = vector.shape_cast %add3A_750 : vector<16xf32> to vector<1x16xf32>
      tpu.vector_store %arg10[%swap3A_751, %swap3A_752], %swap3A_755 {strides = array<i32>} : memref<32x64xf32, #tpu.memory_space<vmem>>, vector<1x16xf32>,
      %mul3A_756 = arith.constant 2 : i32
      %mul3A_757 = arith.muli %mul3A_756, %scan3A_695 : i32
      %get3A_758 = arith.index_cast %mul3A_757 : i32 to index
      %get3A_759 = arith.constant 48 : index
      %get3A_760 = tpu.vector_load %arg8[%get3A_758, %get3A_759] {strides = array<i32>} : memref<64x128xf32, #tpu.memory_space<vmem>>, vector<1x16xf32>,
      %get3A_761 = vector.shape_cast %get3A_760 : vector<1x16xf32> to vector<16xf32>
      %mul3A_762 = arith.constant 2 : i32
      %mul3A_763 = arith.muli %mul3A_762, %scan3A_695 : i32
      %add3A_764 = arith.constant 1 : i32
      %add3A_765 = arith.addi %mul3A_763, %add3A_764 : i32
      %get3A_766 = arith.index_cast %add3A_765 : i32 to index
      %get3A_767 = arith.constant 112 : index
      %get3A_768 = tpu.vector_load %arg8[%get3A_766, %get3A_767] {strides = array<i32>} : memref<64x128xf32, #tpu.memory_space<vmem>>, vector<1x16xf32>,
      %get3A_769 = vector.shape_cast %get3A_768 : vector<1x16xf32> to vector<16xf32>
      %add3A_770 = arith.addf %get3A_761, %get3A_769 : vector<16xf32>
      %swap3A_771 = arith.index_cast %scan3A_695 : i32 to index
      %swap3A_772 = arith.constant 48 : index
      %swap3A_773 = tpu.vector_load %arg10[%swap3A_771, %swap3A_772] {strides = array<i32>} : memref<32x64xf32, #tpu.memory_space<vmem>>, vector<1x16xf32>,
      %swap3A_774 = vector.shape_cast %swap3A_773 : vector<1x16xf32> to vector<16xf32>
      %swap3A_775 = vector.shape_cast %add3A_770 : vector<16xf32> to vector<1x16xf32>
      tpu.vector_store %arg10[%swap3A_771, %swap3A_772], %swap3A_775 {strides = array<i32>} : memref<32x64xf32, #tpu.memory_space<vmem>>, vector<1x16xf32>,
      %scan3A_776 = arith.constant 8 : i32
      %mul3A_777 = arith.constant 2 : i32
      %mul3A_778 = arith.muli %mul3A_777, %scan3A_776 : i32
      %get3A_779 = arith.index_cast %mul3A_778 : i32 to index
      %get3A_780 = arith.constant 0 : index
      %get3A_781 = tpu.vector_load %arg8[%get3A_779, %get3A_780] {strides = array<i32>} : memref<64x128xf32, #tpu.memory_space<vmem>>, vector<1x16xf32>,
      %get3A_782 = vector.shape_cast %get3A_781 : vector<1x16xf32> to vector<16xf32>
      %mul3A_783 = arith.constant 2 : i32
      %mul3A_784 = arith.muli %mul3A_783, %scan3A_776 : i32
      %add3A_785 = arith.constant 1 : i32
      %add3A_786 = arith.addi %mul3A_784, %add3A_785 : i32
      %get3A_787 = arith.index_cast %add3A_786 : i32 to index
      %get3A_788 = arith.constant 64 : index
      %get3A_789 = tpu.vector_load %arg8[%get3A_787, %get3A_788] {strides = array<i32>} : memref<64x128xf32, #tpu.memory_space<vmem>>, vector<1x16xf32>,
      %get3A_790 = vector.shape_cast %get3A_789 : vector<1x16xf32> to vector<16xf32>
      %add3A_791 = arith.addf %get3A_782, %get3A_790 : vector<16xf32>
      %swap3A_792 = arith.index_cast %scan3A_776 : i32 to index
      %swap3A_793 = arith.constant 0 : index
      %swap3A_794 = tpu.vector_load %arg10[%swap3A_792, %swap3A_793] {strides = array<i32>} : memref<32x64xf32, #tpu.memory_space<vmem>>, vector<1x16xf32>,
      %swap3A_795 = vector.shape_cast %swap3A_794 : vector<1x16xf32> to vector<16xf32>
      %swap3A_796 = vector.shape_cast %add3A_791 : vector<16xf32> to vector<1x16xf32>
      tpu.vector_store %arg10[%swap3A_792, %swap3A_793], %swap3A_796 {strides = array<i32>} : memref<32x64xf32, #tpu.memory_space<vmem>>, vector<1x16xf32>,
      %mul3A_797 = arith.constant 2 : i32
      %mul3A_798 = arith.muli %mul3A_797, %scan3A_776 : i32
      %get3A_799 = arith.index_cast %mul3A_798 : i32 to index
      %get3A_800 = arith.constant 16 : index
      %get3A_801 = tpu.vector_load %arg8[%get3A_799, %get3A_800] {strides = array<i32>} : memref<64x128xf32, #tpu.memory_space<vmem>>, vector<1x16xf32>,
      %get3A_802 = vector.shape_cast %get3A_801 : vector<1x16xf32> to vector<16xf32>
      %mul3A_803 = arith.constant 2 : i32
      %mul3A_804 = arith.muli %mul3A_803, %scan3A_776 : i32
      %add3A_805 = arith.constant 1 : i32
      %add3A_806 = arith.addi %mul3A_804, %add3A_805 : i32
      %get3A_807 = arith.index_cast %add3A_806 : i32 to index
      %get3A_808 = arith.constant 80 : index
      %get3A_809 = tpu.vector_load %arg8[%get3A_807, %get3A_808] {strides = array<i32>} : memref<64x128xf32, #tpu.memory_space<vmem>>, vector<1x16xf32>,
      %get3A_810 = vector.shape_cast %get3A_809 : vector<1x16xf32> to vector<16xf32>
      %add3A_811 = arith.addf %get3A_802, %get3A_810 : vector<16xf32>
      %swap3A_812 = arith.index_cast %scan3A_776 : i32 to index
      %swap3A_813 = arith.constant 16 : index
      %swap3A_814 = tpu.vector_load %arg10[%swap3A_812, %swap3A_813] {strides = array<i32>} : memref<32x64xf32, #tpu.memory_space<vmem>>, vector<1x16xf32>,
      %swap3A_815 = vector.shape_cast %swap3A_814 : vector<1x16xf32> to vector<16xf32>
      %swap3A_816 = vector.shape_cast %add3A_811 : vector<16xf32> to vector<1x16xf32>
      tpu.vector_store %arg10[%swap3A_812, %swap3A_813], %swap3A_816 {strides = array<i32>} : memref<32x64xf32, #tpu.memory_space<vmem>>, vector<1x16xf32>,
      %mul3A_817 = arith.constant 2 : i32
      %mul3A_818 = arith.muli %mul3A_817, %scan3A_776 : i32
      %get3A_819 = arith.index_cast %mul3A_818 : i32 to index
      %get3A_820 = arith.constant 32 : index
      %get3A_821 = tpu.vector_load %arg8[%get3A_819, %get3A_820] {strides = array<i32>} : memref<64x128xf32, #tpu.memory_space<vmem>>, vector<1x16xf32>,
      %get3A_822 = vector.shape_cast %get3A_821 : vector<1x16xf32> to vector<16xf32>
      %mul3A_823 = arith.constant 2 : i32
      %mul3A_824 = arith.muli %mul3A_823, %scan3A_776 : i32
      %add3A_825 = arith.constant 1 : i32
      %add3A_826 = arith.addi %mul3A_824, %add3A_825 : i32
      %get3A_827 = arith.index_cast %add3A_826 : i32 to index
      %get3A_828 = arith.constant 96 : index
      %get3A_829 = tpu.vector_load %arg8[%get3A_827, %get3A_828] {strides = array<i32>} : memref<64x128xf32, #tpu.memory_space<vmem>>, vector<1x16xf32>,
      %get3A_830 = vector.shape_cast %get3A_829 : vector<1x16xf32> to vector<16xf32>
      %add3A_831 = arith.addf %get3A_822, %get3A_830 : vector<16xf32>
      %swap3A_832 = arith.index_cast %scan3A_776 : i32 to index
      %swap3A_833 = arith.constant 32 : index
      %swap3A_834 = tpu.vector_load %arg10[%swap3A_832, %swap3A_833] {strides = array<i32>} : memref<32x64xf32, #tpu.memory_space<vmem>>, vector<1x16xf32>,
      %swap3A_835 = vector.shape_cast %swap3A_834 : vector<1x16xf32> to vector<16xf32>
      %swap3A_836 = vector.shape_cast %add3A_831 : vector<16xf32> to vector<1x16xf32>
      tpu.vector_store %arg10[%swap3A_832, %swap3A_833], %swap3A_836 {strides = array<i32>} : memref<32x64xf32, #tpu.memory_space<vmem>>, vector<1x16xf32>,
      %mul3A_837 = arith.constant 2 : i32
      %mul3A_838 = arith.muli %mul3A_837, %scan3A_776 : i32
      %get3A_839 = arith.index_cast %mul3A_838 : i32 to index
      %get3A_840 = arith.constant 48 : index
      %get3A_841 = tpu.vector_load %arg8[%get3A_839, %get3A_840] {strides = array<i32>} : memref<64x128xf32, #tpu.memory_space<vmem>>, vector<1x16xf32>,
      %get3A_842 = vector.shape_cast %get3A_841 : vector<1x16xf32> to vector<16xf32>
      %mul3A_843 = arith.constant 2 : i32
      %mul3A_844 = arith.muli %mul3A_843, %scan3A_776 : i32
      %add3A_845 = arith.constant 1 : i32
      %add3A_846 = arith.addi %mul3A_844, %add3A_845 : i32
      %get3A_847 = arith.index_cast %add3A_846 : i32 to index
      %get3A_848 = arith.constant 112 : index
      %get3A_849 = tpu.vector_load %arg8[%get3A_847, %get3A_848] {strides = array<i32>} : memref<64x128xf32, #tpu.memory_space<vmem>>, vector<1x16xf32>,
      %get3A_850 = vector.shape_cast %get3A_849 : vector<1x16xf32> to vector<16xf32>
      %add3A_851 = arith.addf %get3A_842, %get3A_850 : vector<16xf32>
      %swap3A_852 = arith.index_cast %scan3A_776 : i32 to index
      %swap3A_853 = arith.constant 48 : index
      %swap3A_854 = tpu.vector_load %arg10[%swap3A_852, %swap3A_853] {strides = array<i32>} : memref<32x64xf32, #tpu.memory_space<vmem>>, vector<1x16xf32>,
      %swap3A_855 = vector.shape_cast %swap3A_854 : vector<1x16xf32> to vector<16xf32>
      %swap3A_856 = vector.shape_cast %add3A_851 : vector<16xf32> to vector<1x16xf32>
      tpu.vector_store %arg10[%swap3A_852, %swap3A_853], %swap3A_856 {strides = array<i32>} : memref<32x64xf32, #tpu.memory_space<vmem>>, vector<1x16xf32>,
      %scan3A_857 = arith.constant 9 : i32
      %mul3A_858 = arith.constant 2 : i32
      %mul3A_859 = arith.muli %mul3A_858, %scan3A_857 : i32
      %get3A_860 = arith.index_cast %mul3A_859 : i32 to index
      %get3A_861 = arith.constant 0 : index
      %get3A_862 = tpu.vector_load %arg8[%get3A_860, %get3A_861] {strides = array<i32>} : memref<64x128xf32, #tpu.memory_space<vmem>>, vector<1x16xf32>,
      %get3A_863 = vector.shape_cast %get3A_862 : vector<1x16xf32> to vector<16xf32>
      %mul3A_864 = arith.constant 2 : i32
      %mul3A_865 = arith.muli %mul3A_864, %scan3A_857 : i32
      %add3A_866 = arith.constant 1 : i32
      %add3A_867 = arith.addi %mul3A_865, %add3A_866 : i32
      %get3A_868 = arith.index_cast %add3A_867 : i32 to index
      %get3A_869 = arith.constant 64 : index
      %get3A_870 = tpu.vector_load %arg8[%get3A_868, %get3A_869] {strides = array<i32>} : memref<64x128xf32, #tpu.memory_space<vmem>>, vector<1x16xf32>,
      %get3A_871 = vector.shape_cast %get3A_870 : vector<1x16xf32> to vector<16xf32>
      %add3A_872 = arith.addf %get3A_863, %get3A_871 : vector<16xf32>
      %swap3A_873 = arith.index_cast %scan3A_857 : i32 to index
      %swap3A_874 = arith.constant 0 : index
      %swap3A_875 = tpu.vector_load %arg10[%swap3A_873, %swap3A_874] {strides = array<i32>} : memref<32x64xf32, #tpu.memory_space<vmem>>, vector<1x16xf32>,
      %swap3A_876 = vector.shape_cast %swap3A_875 : vector<1x16xf32> to vector<16xf32>
      %swap3A_877 = vector.shape_cast %add3A_872 : vector<16xf32> to vector<1x16xf32>
      tpu.vector_store %arg10[%swap3A_873, %swap3A_874], %swap3A_877 {strides = array<i32>} : memref<32x64xf32, #tpu.memory_space<vmem>>, vector<1x16xf32>,
      %mul3A_878 = arith.constant 2 : i32
      %mul3A_879 = arith.muli %mul3A_878, %scan3A_857 : i32
      %get3A_880 = arith.index_cast %mul3A_879 : i32 to index
      %get3A_881 = arith.constant 16 : index
      %get3A_882 = tpu.vector_load %arg8[%get3A_880, %get3A_881] {strides = array<i32>} : memref<64x128xf32, #tpu.memory_space<vmem>>, vector<1x16xf32>,
      %get3A_883 = vector.shape_cast %get3A_882 : vector<1x16xf32> to vector<16xf32>
      %mul3A_884 = arith.constant 2 : i32
      %mul3A_885 = arith.muli %mul3A_884, %scan3A_857 : i32
      %add3A_886 = arith.constant 1 : i32
      %add3A_887 = arith.addi %mul3A_885, %add3A_886 : i32
      %get3A_888 = arith.index_cast %add3A_887 : i32 to index
      %get3A_889 = arith.constant 80 : index
      %get3A_890 = tpu.vector_load %arg8[%get3A_888, %get3A_889] {strides = array<i32>} : memref<64x128xf32, #tpu.memory_space<vmem>>, vector<1x16xf32>,
      %get3A_891 = vector.shape_cast %get3A_890 : vector<1x16xf32> to vector<16xf32>
      %add3A_892 = arith.addf %get3A_883, %get3A_891 : vector<16xf32>
      %swap3A_893 = arith.index_cast %scan3A_857 : i32 to index
      %swap3A_894 = arith.constant 16 : index
      %swap3A_895 = tpu.vector_load %arg10[%swap3A_893, %swap3A_894] {strides = array<i32>} : memref<32x64xf32, #tpu.memory_space<vmem>>, vector<1x16xf32>,
      %swap3A_896 = vector.shape_cast %swap3A_895 : vector<1x16xf32> to vector<16xf32>
      %swap3A_897 = vector.shape_cast %add3A_892 : vector<16xf32> to vector<1x16xf32>
      tpu.vector_store %arg10[%swap3A_893, %swap3A_894], %swap3A_897 {strides = array<i32>} : memref<32x64xf32, #tpu.memory_space<vmem>>, vector<1x16xf32>,
      %mul3A_898 = arith.constant 2 : i32
      %mul3A_899 = arith.muli %mul3A_898, %scan3A_857 : i32
      %get3A_900 = arith.index_cast %mul3A_899 : i32 to index
      %get3A_901 = arith.constant 32 : index
      %get3A_902 = tpu.vector_load %arg8[%get3A_900, %get3A_901] {strides = array<i32>} : memref<64x128xf32, #tpu.memory_space<vmem>>, vector<1x16xf32>,
      %get3A_903 = vector.shape_cast %get3A_902 : vector<1x16xf32> to vector<16xf32>
      %mul3A_904 = arith.constant 2 : i32
      %mul3A_905 = arith.muli %mul3A_904, %scan3A_857 : i32
      %add3A_906 = arith.constant 1 : i32
      %add3A_907 = arith.addi %mul3A_905, %add3A_906 : i32
      %get3A_908 = arith.index_cast %add3A_907 : i32 to index
      %get3A_909 = arith.constant 96 : index
      %get3A_910 = tpu.vector_load %arg8[%get3A_908, %get3A_909] {strides = array<i32>} : memref<64x128xf32, #tpu.memory_space<vmem>>, vector<1x16xf32>,
      %get3A_911 = vector.shape_cast %get3A_910 : vector<1x16xf32> to vector<16xf32>
      %add3A_912 = arith.addf %get3A_903, %get3A_911 : vector<16xf32>
      %swap3A_913 = arith.index_cast %scan3A_857 : i32 to index
      %swap3A_914 = arith.constant 32 : index
      %swap3A_915 = tpu.vector_load %arg10[%swap3A_913, %swap3A_914] {strides = array<i32>} : memref<32x64xf32, #tpu.memory_space<vmem>>, vector<1x16xf32>,
      %swap3A_916 = vector.shape_cast %swap3A_915 : vector<1x16xf32> to vector<16xf32>
      %swap3A_917 = vector.shape_cast %add3A_912 : vector<16xf32> to vector<1x16xf32>
      tpu.vector_store %arg10[%swap3A_913, %swap3A_914], %swap3A_917 {strides = array<i32>} : memref<32x64xf32, #tpu.memory_space<vmem>>, vector<1x16xf32>,
      %mul3A_918 = arith.constant 2 : i32
      %mul3A_919 = arith.muli %mul3A_918, %scan3A_857 : i32
      %get3A_920 = arith.index_cast %mul3A_919 : i32 to index
      %get3A_921 = arith.constant 48 : index
      %get3A_922 = tpu.vector_load %arg8[%get3A_920, %get3A_921] {strides = array<i32>} : memref<64x128xf32, #tpu.memory_space<vmem>>, vector<1x16xf32>,
      %get3A_923 = vector.shape_cast %get3A_922 : vector<1x16xf32> to vector<16xf32>
      %mul3A_924 = arith.constant 2 : i32
      %mul3A_925 = arith.muli %mul3A_924, %scan3A_857 : i32
      %add3A_926 = arith.constant 1 : i32
      %add3A_927 = arith.addi %mul3A_925, %add3A_926 : i32
      %get3A_928 = arith.index_cast %add3A_927 : i32 to index
      %get3A_929 = arith.constant 112 : index
      %get3A_930 = tpu.vector_load %arg8[%get3A_928, %get3A_929] {strides = array<i32>} : memref<64x128xf32, #tpu.memory_space<vmem>>, vector<1x16xf32>,
      %get3A_931 = vector.shape_cast %get3A_930 : vector<1x16xf32> to vector<16xf32>
      %add3A_932 = arith.addf %get3A_923, %get3A_931 : vector<16xf32>
      %swap3A_933 = arith.index_cast %scan3A_857 : i32 to index
      %swap3A_934 = arith.constant 48 : index
      %swap3A_935 = tpu.vector_load %arg10[%swap3A_933, %swap3A_934] {strides = array<i32>} : memref<32x64xf32, #tpu.memory_space<vmem>>, vector<1x16xf32>,
      %swap3A_936 = vector.shape_cast %swap3A_935 : vector<1x16xf32> to vector<16xf32>
      %swap3A_937 = vector.shape_cast %add3A_932 : vector<16xf32> to vector<1x16xf32>
      tpu.vector_store %arg10[%swap3A_933, %swap3A_934], %swap3A_937 {strides = array<i32>} : memref<32x64xf32, #tpu.memory_space<vmem>>, vector<1x16xf32>,
      %scan3A_938 = arith.constant 10 : i32
      %mul3A_939 = arith.constant 2 : i32
      %mul3A_940 = arith.muli %mul3A_939, %scan3A_938 : i32
      %get3A_941 = arith.index_cast %mul3A_940 : i32 to index
      %get3A_942 = arith.constant 0 : index
      %get3A_943 = tpu.vector_load %arg8[%get3A_941, %get3A_942] {strides = array<i32>} : memref<64x128xf32, #tpu.memory_space<vmem>>, vector<1x16xf32>,
      %get3A_944 = vector.shape_cast %get3A_943 : vector<1x16xf32> to vector<16xf32>
      %mul3A_945 = arith.constant 2 : i32
      %mul3A_946 = arith.muli %mul3A_945, %scan3A_938 : i32
      %add3A_947 = arith.constant 1 : i32
      %add3A_948 = arith.addi %mul3A_946, %add3A_947 : i32
      %get3A_949 = arith.index_cast %add3A_948 : i32 to index
      %get3A_950 = arith.constant 64 : index
      %get3A_951 = tpu.vector_load %arg8[%get3A_949, %get3A_950] {strides = array<i32>} : memref<64x128xf32, #tpu.memory_space<vmem>>, vector<1x16xf32>,
      %get3A_952 = vector.shape_cast %get3A_951 : vector<1x16xf32> to vector<16xf32>
      %add3A_953 = arith.addf %get3A_944, %get3A_952 : vector<16xf32>
      %swap3A_954 = arith.index_cast %scan3A_938 : i32 to index
      %swap3A_955 = arith.constant 0 : index
      %swap3A_956 = tpu.vector_load %arg10[%swap3A_954, %swap3A_955] {strides = array<i32>} : memref<32x64xf32, #tpu.memory_space<vmem>>, vector<1x16xf32>,
      %swap3A_957 = vector.shape_cast %swap3A_956 : vector<1x16xf32> to vector<16xf32>
      %swap3A_958 = vector.shape_cast %add3A_953 : vector<16xf32> to vector<1x16xf32>
      tpu.vector_store %arg10[%swap3A_954, %swap3A_955], %swap3A_958 {strides = array<i32>} : memref<32x64xf32, #tpu.memory_space<vmem>>, vector<1x16xf32>,
      %mul3A_959 = arith.constant 2 : i32
      %mul3A_960 = arith.muli %mul3A_959, %scan3A_938 : i32
      %get3A_961 = arith.index_cast %mul3A_960 : i32 to index
      %get3A_962 = arith.constant 16 : index
      %get3A_963 = tpu.vector_load %arg8[%get3A_961, %get3A_962] {strides = array<i32>} : memref<64x128xf32, #tpu.memory_space<vmem>>, vector<1x16xf32>,
      %get3A_964 = vector.shape_cast %get3A_963 : vector<1x16xf32> to vector<16xf32>
      %mul3A_965 = arith.constant 2 : i32
      %mul3A_966 = arith.muli %mul3A_965, %scan3A_938 : i32
      %add3A_967 = arith.constant 1 : i32
      %add3A_968 = arith.addi %mul3A_966, %add3A_967 : i32
      %get3A_969 = arith.index_cast %add3A_968 : i32 to index
      %get3A_970 = arith.constant 80 : index
      %get3A_971 = tpu.vector_load %arg8[%get3A_969, %get3A_970] {strides = array<i32>} : memref<64x128xf32, #tpu.memory_space<vmem>>, vector<1x16xf32>,
      %get3A_972 = vector.shape_cast %get3A_971 : vector<1x16xf32> to vector<16xf32>
      %add3A_973 = arith.addf %get3A_964, %get3A_972 : vector<16xf32>
      %swap3A_974 = arith.index_cast %scan3A_938 : i32 to index
      %swap3A_975 = arith.constant 16 : index
      %swap3A_976 = tpu.vector_load %arg10[%swap3A_974, %swap3A_975] {strides = array<i32>} : memref<32x64xf32, #tpu.memory_space<vmem>>, vector<1x16xf32>,
      %swap3A_977 = vector.shape_cast %swap3A_976 : vector<1x16xf32> to vector<16xf32>
      %swap3A_978 = vector.shape_cast %add3A_973 : vector<16xf32> to vector<1x16xf32>
      tpu.vector_store %arg10[%swap3A_974, %swap3A_975], %swap3A_978 {strides = array<i32>} : memref<32x64xf32, #tpu.memory_space<vmem>>, vector<1x16xf32>,
      %mul3A_979 = arith.constant 2 : i32
      %mul3A_980 = arith.muli %mul3A_979, %scan3A_938 : i32
      %get3A_981 = arith.index_cast %mul3A_980 : i32 to index
      %get3A_982 = arith.constant 32 : index
      %get3A_983 = tpu.vector_load %arg8[%get3A_981, %get3A_982] {strides = array<i32>} : memref<64x128xf32, #tpu.memory_space<vmem>>, vector<1x16xf32>,
      %get3A_984 = vector.shape_cast %get3A_983 : vector<1x16xf32> to vector<16xf32>
      %mul3A_985 = arith.constant 2 : i32
      %mul3A_986 = arith.muli %mul3A_985, %scan3A_938 : i32
      %add3A_987 = arith.constant 1 : i32
      %add3A_988 = arith.addi %mul3A_986, %add3A_987 : i32
      %get3A_989 = arith.index_cast %add3A_988 : i32 to index
      %get3A_990 = arith.constant 96 : index
      %get3A_991 = tpu.vector_load %arg8[%get3A_989, %get3A_990] {strides = array<i32>} : memref<64x128xf32, #tpu.memory_space<vmem>>, vector<1x16xf32>,
      %get3A_992 = vector.shape_cast %get3A_991 : vector<1x16xf32> to vector<16xf32>
      %add3A_993 = arith.addf %get3A_984, %get3A_992 : vector<16xf32>
      %swap3A_994 = arith.index_cast %scan3A_938 : i32 to index
      %swap3A_995 = arith.constant 32 : index
      %swap3A_996 = tpu.vector_load %arg10[%swap3A_994, %swap3A_995] {strides = array<i32>} : memref<32x64xf32, #tpu.memory_space<vmem>>, vector<1x16xf32>,
      %swap3A_997 = vector.shape_cast %swap3A_996 : vector<1x16xf32> to vector<16xf32>
      %swap3A_998 = vector.shape_cast %add3A_993 : vector<16xf32> to vector<1x16xf32>
      tpu.vector_store %arg10[%swap3A_994, %swap3A_995], %swap3A_998 {strides = array<i32>} : memref<32x64xf32, #tpu.memory_space<vmem>>, vector<1x16xf32>,
      %mul3A_999 = arith.constant 2 : i32
      %mul3A_1000 = arith.muli %mul3A_999, %scan3A_938 : i32
      %get3A_1001 = arith.index_cast %mul3A_1000 : i32 to index
      %get3A_1002 = arith.constant 48 : index
      %get3A_1003 = tpu.vector_load %arg8[%get3A_1001, %get3A_1002] {strides = array<i32>} : memref<64x128xf32, #tpu.memory_space<vmem>>, vector<1x16xf32>,
      %get3A_1004 = vector.shape_cast %get3A_1003 : vector<1x16xf32> to vector<16xf32>
      %mul3A_1005 = arith.constant 2 : i32
      %mul3A_1006 = arith.muli %mul3A_1005, %scan3A_938 : i32
      %add3A_1007 = arith.constant 1 : i32
      %add3A_1008 = arith.addi %mul3A_1006, %add3A_1007 : i32
      %get3A_1009 = arith.index_cast %add3A_1008 : i32 to index
      %get3A_1010 = arith.constant 112 : index
      %get3A_1011 = tpu.vector_load %arg8[%get3A_1009, %get3A_1010] {strides = array<i32>} : memref<64x128xf32, #tpu.memory_space<vmem>>, vector<1x16xf32>,
      %get3A_1012 = vector.shape_cast %get3A_1011 : vector<1x16xf32> to vector<16xf32>
      %add3A_1013 = arith.addf %get3A_1004, %get3A_1012 : vector<16xf32>
      %swap3A_1014 = arith.index_cast %scan3A_938 : i32 to index
      %swap3A_1015 = arith.constant 48 : index
      %swap3A_1016 = tpu.vector_load %arg10[%swap3A_1014, %swap3A_1015] {strides = array<i32>} : memref<32x64xf32, #tpu.memory_space<vmem>>, vector<1x16xf32>,
      %swap3A_1017 = vector.shape_cast %swap3A_1016 : vector<1x16xf32> to vector<16xf32>
      %swap3A_1018 = vector.shape_cast %add3A_1013 : vector<16xf32> to vector<1x16xf32>
      tpu.vector_store %arg10[%swap3A_1014, %swap3A_1015], %swap3A_1018 {strides = array<i32>} : memref<32x64xf32, #tpu.memory_space<vmem>>, vector<1x16xf32>,
      %scan3A_1019 = arith.constant 11 : i32
      %mul3A_1020 = arith.constant 2 : i32
      %mul3A_1021 = arith.muli %mul3A_1020, %scan3A_1019 : i32
      %get3A_1022 = arith.index_cast %mul3A_1021 : i32 to index
      %get3A_1023 = arith.constant 0 : index
      %get3A_1024 = tpu.vector_load %arg8[%get3A_1022, %get3A_1023] {strides = array<i32>} : memref<64x128xf32, #tpu.memory_space<vmem>>, vector<1x16xf32>,
      %get3A_1025 = vector.shape_cast %get3A_1024 : vector<1x16xf32> to vector<16xf32>
      %mul3A_1026 = arith.constant 2 : i32
      %mul3A_1027 = arith.muli %mul3A_1026, %scan3A_1019 : i32
      %add3A_1028 = arith.constant 1 : i32
      %add3A_1029 = arith.addi %mul3A_1027, %add3A_1028 : i32
      %get3A_1030 = arith.index_cast %add3A_1029 : i32 to index
      %get3A_1031 = arith.constant 64 : index
      %get3A_1032 = tpu.vector_load %arg8[%get3A_1030, %get3A_1031] {strides = array<i32>} : memref<64x128xf32, #tpu.memory_space<vmem>>, vector<1x16xf32>,
      %get3A_1033 = vector.shape_cast %get3A_1032 : vector<1x16xf32> to vector<16xf32>
      %add3A_1034 = arith.addf %get3A_1025, %get3A_1033 : vector<16xf32>
      %swap3A_1035 = arith.index_cast %scan3A_1019 : i32 to index
      %swap3A_1036 = arith.constant 0 : index
      %swap3A_1037 = tpu.vector_load %arg10[%swap3A_1035, %swap3A_1036] {strides = array<i32>} : memref<32x64xf32, #tpu.memory_space<vmem>>, vector<1x16xf32>,
      %swap3A_1038 = vector.shape_cast %swap3A_1037 : vector<1x16xf32> to vector<16xf32>
      %swap3A_1039 = vector.shape_cast %add3A_1034 : vector<16xf32> to vector<1x16xf32>
      tpu.vector_store %arg10[%swap3A_1035, %swap3A_1036], %swap3A_1039 {strides = array<i32>} : memref<32x64xf32, #tpu.memory_space<vmem>>, vector<1x16xf32>,
      %mul3A_1040 = arith.constant 2 : i32
      %mul3A_1041 = arith.muli %mul3A_1040, %scan3A_1019 : i32
      %get3A_1042 = arith.index_cast %mul3A_1041 : i32 to index
      %get3A_1043 = arith.constant 16 : index
      %get3A_1044 = tpu.vector_load %arg8[%get3A_1042, %get3A_1043] {strides = array<i32>} : memref<64x128xf32, #tpu.memory_space<vmem>>, vector<1x16xf32>,
      %get3A_1045 = vector.shape_cast %get3A_1044 : vector<1x16xf32> to vector<16xf32>
      %mul3A_1046 = arith.constant 2 : i32
      %mul3A_1047 = arith.muli %mul3A_1046, %scan3A_1019 : i32
      %add3A_1048 = arith.constant 1 : i32
      %add3A_1049 = arith.addi %mul3A_1047, %add3A_1048 : i32
      %get3A_1050 = arith.index_cast %add3A_1049 : i32 to index
      %get3A_1051 = arith.constant 80 : index
      %get3A_1052 = tpu.vector_load %arg8[%get3A_1050, %get3A_1051] {strides = array<i32>} : memref<64x128xf32, #tpu.memory_space<vmem>>, vector<1x16xf32>,
      %get3A_1053 = vector.shape_cast %get3A_1052 : vector<1x16xf32> to vector<16xf32>
      %add3A_1054 = arith.addf %get3A_1045, %get3A_1053 : vector<16xf32>
      %swap3A_1055 = arith.index_cast %scan3A_1019 : i32 to index
      %swap3A_1056 = arith.constant 16 : index
      %swap3A_1057 = tpu.vector_load %arg10[%swap3A_1055, %swap3A_1056] {strides = array<i32>} : memref<32x64xf32, #tpu.memory_space<vmem>>, vector<1x16xf32>,
      %swap3A_1058 = vector.shape_cast %swap3A_1057 : vector<1x16xf32> to vector<16xf32>
      %swap3A_1059 = vector.shape_cast %add3A_1054 : vector<16xf32> to vector<1x16xf32>
      tpu.vector_store %arg10[%swap3A_1055, %swap3A_1056], %swap3A_1059 {strides = array<i32>} : memref<32x64xf32, #tpu.memory_space<vmem>>, vector<1x16xf32>,
      %mul3A_1060 = arith.constant 2 : i32
      %mul3A_1061 = arith.muli %mul3A_1060, %scan3A_1019 : i32
      %get3A_1062 = arith.index_cast %mul3A_1061 : i32 to index
      %get3A_1063 = arith.constant 32 : index
      %get3A_1064 = tpu.vector_load %arg8[%get3A_1062, %get3A_1063] {strides = array<i32>} : memref<64x128xf32, #tpu.memory_space<vmem>>, vector<1x16xf32>,
      %get3A_1065 = vector.shape_cast %get3A_1064 : vector<1x16xf32> to vector<16xf32>
      %mul3A_1066 = arith.constant 2 : i32
      %mul3A_1067 = arith.muli %mul3A_1066, %scan3A_1019 : i32
      %add3A_1068 = arith.constant 1 : i32
      %add3A_1069 = arith.addi %mul3A_1067, %add3A_1068 : i32
      %get3A_1070 = arith.index_cast %add3A_1069 : i32 to index
      %get3A_1071 = arith.constant 96 : index
      %get3A_1072 = tpu.vector_load %arg8[%get3A_1070, %get3A_1071] {strides = array<i32>} : memref<64x128xf32, #tpu.memory_space<vmem>>, vector<1x16xf32>,
      %get3A_1073 = vector.shape_cast %get3A_1072 : vector<1x16xf32> to vector<16xf32>
      %add3A_1074 = arith.addf %get3A_1065, %get3A_1073 : vector<16xf32>
      %swap3A_1075 = arith.index_cast %scan3A_1019 : i32 to index
      %swap3A_1076 = arith.constant 32 : index
      %swap3A_1077 = tpu.vector_load %arg10[%swap3A_1075, %swap3A_1076] {strides = array<i32>} : memref<32x64xf32, #tpu.memory_space<vmem>>, vector<1x16xf32>,
      %swap3A_1078 = vector.shape_cast %swap3A_1077 : vector<1x16xf32> to vector<16xf32>
      %swap3A_1079 = vector.shape_cast %add3A_1074 : vector<16xf32> to vector<1x16xf32>
      tpu.vector_store %arg10[%swap3A_1075, %swap3A_1076], %swap3A_1079 {strides = array<i32>} : memref<32x64xf32, #tpu.memory_space<vmem>>, vector<1x16xf32>,
      %mul3A_1080 = arith.constant 2 : i32
      %mul3A_1081 = arith.muli %mul3A_1080, %scan3A_1019 : i32
      %get3A_1082 = arith.index_cast %mul3A_1081 : i32 to index
      %get3A_1083 = arith.constant 48 : index
      %get3A_1084 = tpu.vector_load %arg8[%get3A_1082, %get3A_1083] {strides = array<i32>} : memref<64x128xf32, #tpu.memory_space<vmem>>, vector<1x16xf32>,
      %get3A_1085 = vector.shape_cast %get3A_1084 : vector<1x16xf32> to vector<16xf32>
      %mul3A_1086 = arith.constant 2 : i32
      %mul3A_1087 = arith.muli %mul3A_1086, %scan3A_1019 : i32
      %add3A_1088 = arith.constant 1 : i32
      %add3A_1089 = arith.addi %mul3A_1087, %add3A_1088 : i32
      %get3A_1090 = arith.index_cast %add3A_1089 : i32 to index
      %get3A_1091 = arith.constant 112 : index
      %get3A_1092 = tpu.vector_load %arg8[%get3A_1090, %get3A_1091] {strides = array<i32>} : memref<64x128xf32, #tpu.memory_space<vmem>>, vector<1x16xf32>,
      %get3A_1093 = vector.shape_cast %get3A_1092 : vector<1x16xf32> to vector<16xf32>
      %add3A_1094 = arith.addf %get3A_1085, %get3A_1093 : vector<16xf32>
      %swap3A_1095 = arith.index_cast %scan3A_1019 : i32 to index
      %swap3A_1096 = arith.constant 48 : index
      %swap3A_1097 = tpu.vector_load %arg10[%swap3A_1095, %swap3A_1096] {strides = array<i32>} : memref<32x64xf32, #tpu.memory_space<vmem>>, vector<1x16xf32>,
      %swap3A_1098 = vector.shape_cast %swap3A_1097 : vector<1x16xf32> to vector<16xf32>
      %swap3A_1099 = vector.shape_cast %add3A_1094 : vector<16xf32> to vector<1x16xf32>
      tpu.vector_store %arg10[%swap3A_1095, %swap3A_1096], %swap3A_1099 {strides = array<i32>} : memref<32x64xf32, #tpu.memory_space<vmem>>, vector<1x16xf32>,
      %scan3A_1100 = arith.constant 12 : i32
      %mul3A_1101 = arith.constant 2 : i32
      %mul3A_1102 = arith.muli %mul3A_1101, %scan3A_1100 : i32
      %get3A_1103 = arith.index_cast %mul3A_1102 : i32 to index
      %get3A_1104 = arith.constant 0 : index
      %get3A_1105 = tpu.vector_load %arg8[%get3A_1103, %get3A_1104] {strides = array<i32>} : memref<64x128xf32, #tpu.memory_space<vmem>>, vector<1x16xf32>,
      %get3A_1106 = vector.shape_cast %get3A_1105 : vector<1x16xf32> to vector<16xf32>
      %mul3A_1107 = arith.constant 2 : i32
      %mul3A_1108 = arith.muli %mul3A_1107, %scan3A_1100 : i32
      %add3A_1109 = arith.constant 1 : i32
      %add3A_1110 = arith.addi %mul3A_1108, %add3A_1109 : i32
      %get3A_1111 = arith.index_cast %add3A_1110 : i32 to index
      %get3A_1112 = arith.constant 64 : index
      %get3A_1113 = tpu.vector_load %arg8[%get3A_1111, %get3A_1112] {strides = array<i32>} : memref<64x128xf32, #tpu.memory_space<vmem>>, vector<1x16xf32>,
      %get3A_1114 = vector.shape_cast %get3A_1113 : vector<1x16xf32> to vector<16xf32>
      %add3A_1115 = arith.addf %get3A_1106, %get3A_1114 : vector<16xf32>
      %swap3A_1116 = arith.index_cast %scan3A_1100 : i32 to index
      %swap3A_1117 = arith.constant 0 : index
      %swap3A_1118 = tpu.vector_load %arg10[%swap3A_1116, %swap3A_1117] {strides = array<i32>} : memref<32x64xf32, #tpu.memory_space<vmem>>, vector<1x16xf32>,
      %swap3A_1119 = vector.shape_cast %swap3A_1118 : vector<1x16xf32> to vector<16xf32>
      %swap3A_1120 = vector.shape_cast %add3A_1115 : vector<16xf32> to vector<1x16xf32>
      tpu.vector_store %arg10[%swap3A_1116, %swap3A_1117], %swap3A_1120 {strides = array<i32>} : memref<32x64xf32, #tpu.memory_space<vmem>>, vector<1x16xf32>,
      %mul3A_1121 = arith.constant 2 : i32
      %mul3A_1122 = arith.muli %mul3A_1121, %scan3A_1100 : i32
      %get3A_1123 = arith.index_cast %mul3A_1122 : i32 to index
      %get3A_1124 = arith.constant 16 : index
      %get3A_1125 = tpu.vector_load %arg8[%get3A_1123, %get3A_1124] {strides = array<i32>} : memref<64x128xf32, #tpu.memory_space<vmem>>, vector<1x16xf32>,
      %get3A_1126 = vector.shape_cast %get3A_1125 : vector<1x16xf32> to vector<16xf32>
      %mul3A_1127 = arith.constant 2 : i32
      %mul3A_1128 = arith.muli %mul3A_1127, %scan3A_1100 : i32
      %add3A_1129 = arith.constant 1 : i32
      %add3A_1130 = arith.addi %mul3A_1128, %add3A_1129 : i32
      %get3A_1131 = arith.index_cast %add3A_1130 : i32 to index
      %get3A_1132 = arith.constant 80 : index
      %get3A_1133 = tpu.vector_load %arg8[%get3A_1131, %get3A_1132] {strides = array<i32>} : memref<64x128xf32, #tpu.memory_space<vmem>>, vector<1x16xf32>,
      %get3A_1134 = vector.shape_cast %get3A_1133 : vector<1x16xf32> to vector<16xf32>
      %add3A_1135 = arith.addf %get3A_1126, %get3A_1134 : vector<16xf32>
      %swap3A_1136 = arith.index_cast %scan3A_1100 : i32 to index
      %swap3A_1137 = arith.constant 16 : index
      %swap3A_1138 = tpu.vector_load %arg10[%swap3A_1136, %swap3A_1137] {strides = array<i32>} : memref<32x64xf32, #tpu.memory_space<vmem>>, vector<1x16xf32>,
      %swap3A_1139 = vector.shape_cast %swap3A_1138 : vector<1x16xf32> to vector<16xf32>
      %swap3A_1140 = vector.shape_cast %add3A_1135 : vector<16xf32> to vector<1x16xf32>
      tpu.vector_store %arg10[%swap3A_1136, %swap3A_1137], %swap3A_1140 {strides = array<i32>} : memref<32x64xf32, #tpu.memory_space<vmem>>, vector<1x16xf32>,
      %mul3A_1141 = arith.constant 2 : i32
      %mul3A_1142 = arith.muli %mul3A_1141, %scan3A_1100 : i32
      %get3A_1143 = arith.index_cast %mul3A_1142 : i32 to index
      %get3A_1144 = arith.constant 32 : index
      %get3A_1145 = tpu.vector_load %arg8[%get3A_1143, %get3A_1144] {strides = array<i32>} : memref<64x128xf32, #tpu.memory_space<vmem>>, vector<1x16xf32>,
      %get3A_1146 = vector.shape_cast %get3A_1145 : vector<1x16xf32> to vector<16xf32>
      %mul3A_1147 = arith.constant 2 : i32
      %mul3A_1148 = arith.muli %mul3A_1147, %scan3A_1100 : i32
      %add3A_1149 = arith.constant 1 : i32
      %add3A_1150 = arith.addi %mul3A_1148, %add3A_1149 : i32
      %get3A_1151 = arith.index_cast %add3A_1150 : i32 to index
      %get3A_1152 = arith.constant 96 : index
      %get3A_1153 = tpu.vector_load %arg8[%get3A_1151, %get3A_1152] {strides = array<i32>} : memref<64x128xf32, #tpu.memory_space<vmem>>, vector<1x16xf32>,
      %get3A_1154 = vector.shape_cast %get3A_1153 : vector<1x16xf32> to vector<16xf32>
      %add3A_1155 = arith.addf %get3A_1146, %get3A_1154 : vector<16xf32>
      %swap3A_1156 = arith.index_cast %scan3A_1100 : i32 to index
      %swap3A_1157 = arith.constant 32 : index
      %swap3A_1158 = tpu.vector_load %arg10[%swap3A_1156, %swap3A_1157] {strides = array<i32>} : memref<32x64xf32, #tpu.memory_space<vmem>>, vector<1x16xf32>,
      %swap3A_1159 = vector.shape_cast %swap3A_1158 : vector<1x16xf32> to vector<16xf32>
      %swap3A_1160 = vector.shape_cast %add3A_1155 : vector<16xf32> to vector<1x16xf32>
      tpu.vector_store %arg10[%swap3A_1156, %swap3A_1157], %swap3A_1160 {strides = array<i32>} : memref<32x64xf32, #tpu.memory_space<vmem>>, vector<1x16xf32>,
      %mul3A_1161 = arith.constant 2 : i32
      %mul3A_1162 = arith.muli %mul3A_1161, %scan3A_1100 : i32
      %get3A_1163 = arith.index_cast %mul3A_1162 : i32 to index
      %get3A_1164 = arith.constant 48 : index
      %get3A_1165 = tpu.vector_load %arg8[%get3A_1163, %get3A_1164] {strides = array<i32>} : memref<64x128xf32, #tpu.memory_space<vmem>>, vector<1x16xf32>,
      %get3A_1166 = vector.shape_cast %get3A_1165 : vector<1x16xf32> to vector<16xf32>
      %mul3A_1167 = arith.constant 2 : i32
      %mul3A_1168 = arith.muli %mul3A_1167, %scan3A_1100 : i32
      %add3A_1169 = arith.constant 1 : i32
      %add3A_1170 = arith.addi %mul3A_1168, %add3A_1169 : i32
      %get3A_1171 = arith.index_cast %add3A_1170 : i32 to index
      %get3A_1172 = arith.constant 112 : index
      %get3A_1173 = tpu.vector_load %arg8[%get3A_1171, %get3A_1172] {strides = array<i32>} : memref<64x128xf32, #tpu.memory_space<vmem>>, vector<1x16xf32>,
      %get3A_1174 = vector.shape_cast %get3A_1173 : vector<1x16xf32> to vector<16xf32>
      %add3A_1175 = arith.addf %get3A_1166, %get3A_1174 : vector<16xf32>
      %swap3A_1176 = arith.index_cast %scan3A_1100 : i32 to index
      %swap3A_1177 = arith.constant 48 : index
      %swap3A_1178 = tpu.vector_load %arg10[%swap3A_1176, %swap3A_1177] {strides = array<i32>} : memref<32x64xf32, #tpu.memory_space<vmem>>, vector<1x16xf32>,
      %swap3A_1179 = vector.shape_cast %swap3A_1178 : vector<1x16xf32> to vector<16xf32>
      %swap3A_1180 = vector.shape_cast %add3A_1175 : vector<16xf32> to vector<1x16xf32>
      tpu.vector_store %arg10[%swap3A_1176, %swap3A_1177], %swap3A_1180 {strides = array<i32>} : memref<32x64xf32, #tpu.memory_space<vmem>>, vector<1x16xf32>,
      %scan3A_1181 = arith.constant 13 : i32
      %mul3A_1182 = arith.constant 2 : i32
      %mul3A_1183 = arith.muli %mul3A_1182, %scan3A_1181 : i32
      %get3A_1184 = arith.index_cast %mul3A_1183 : i32 to index
      %get3A_1185 = arith.constant 0 : index
      %get3A_1186 = tpu.vector_load %arg8[%get3A_1184, %get3A_1185] {strides = array<i32>} : memref<64x128xf32, #tpu.memory_space<vmem>>, vector<1x16xf32>,
      %get3A_1187 = vector.shape_cast %get3A_1186 : vector<1x16xf32> to vector<16xf32>
      %mul3A_1188 = arith.constant 2 : i32
      %mul3A_1189 = arith.muli %mul3A_1188, %scan3A_1181 : i32
      %add3A_1190 = arith.constant 1 : i32
      %add3A_1191 = arith.addi %mul3A_1189, %add3A_1190 : i32
      %get3A_1192 = arith.index_cast %add3A_1191 : i32 to index
      %get3A_1193 = arith.constant 64 : index
      %get3A_1194 = tpu.vector_load %arg8[%get3A_1192, %get3A_1193] {strides = array<i32>} : memref<64x128xf32, #tpu.memory_space<vmem>>, vector<1x16xf32>,
      %get3A_1195 = vector.shape_cast %get3A_1194 : vector<1x16xf32> to vector<16xf32>
      %add3A_1196 = arith.addf %get3A_1187, %get3A_1195 : vector<16xf32>
      %swap3A_1197 = arith.index_cast %scan3A_1181 : i32 to index
      %swap3A_1198 = arith.constant 0 : index
      %swap3A_1199 = tpu.vector_load %arg10[%swap3A_1197, %swap3A_1198] {strides = array<i32>} : memref<32x64xf32, #tpu.memory_space<vmem>>, vector<1x16xf32>,
      %swap3A_1200 = vector.shape_cast %swap3A_1199 : vector<1x16xf32> to vector<16xf32>
      %swap3A_1201 = vector.shape_cast %add3A_1196 : vector<16xf32> to vector<1x16xf32>
      tpu.vector_store %arg10[%swap3A_1197, %swap3A_1198], %swap3A_1201 {strides = array<i32>} : memref<32x64xf32, #tpu.memory_space<vmem>>, vector<1x16xf32>,
      %mul3A_1202 = arith.constant 2 : i32
      %mul3A_1203 = arith.muli %mul3A_1202, %scan3A_1181 : i32
      %get3A_1204 = arith.index_cast %mul3A_1203 : i32 to index
      %get3A_1205 = arith.constant 16 : index
      %get3A_1206 = tpu.vector_load %arg8[%get3A_1204, %get3A_1205] {strides = array<i32>} : memref<64x128xf32, #tpu.memory_space<vmem>>, vector<1x16xf32>,
      %get3A_1207 = vector.shape_cast %get3A_1206 : vector<1x16xf32> to vector<16xf32>
      %mul3A_1208 = arith.constant 2 : i32
      %mul3A_1209 = arith.muli %mul3A_1208, %scan3A_1181 : i32
      %add3A_1210 = arith.constant 1 : i32
      %add3A_1211 = arith.addi %mul3A_1209, %add3A_1210 : i32
      %get3A_1212 = arith.index_cast %add3A_1211 : i32 to index
      %get3A_1213 = arith.constant 80 : index
      %get3A_1214 = tpu.vector_load %arg8[%get3A_1212, %get3A_1213] {strides = array<i32>} : memref<64x128xf32, #tpu.memory_space<vmem>>, vector<1x16xf32>,
      %get3A_1215 = vector.shape_cast %get3A_1214 : vector<1x16xf32> to vector<16xf32>
      %add3A_1216 = arith.addf %get3A_1207, %get3A_1215 : vector<16xf32>
      %swap3A_1217 = arith.index_cast %scan3A_1181 : i32 to index
      %swap3A_1218 = arith.constant 16 : index
      %swap3A_1219 = tpu.vector_load %arg10[%swap3A_1217, %swap3A_1218] {strides = array<i32>} : memref<32x64xf32, #tpu.memory_space<vmem>>, vector<1x16xf32>,
      %swap3A_1220 = vector.shape_cast %swap3A_1219 : vector<1x16xf32> to vector<16xf32>
      %swap3A_1221 = vector.shape_cast %add3A_1216 : vector<16xf32> to vector<1x16xf32>
      tpu.vector_store %arg10[%swap3A_1217, %swap3A_1218], %swap3A_1221 {strides = array<i32>} : memref<32x64xf32, #tpu.memory_space<vmem>>, vector<1x16xf32>,
      %mul3A_1222 = arith.constant 2 : i32
      %mul3A_1223 = arith.muli %mul3A_1222, %scan3A_1181 : i32
      %get3A_1224 = arith.index_cast %mul3A_1223 : i32 to index
      %get3A_1225 = arith.constant 32 : index
      %get3A_1226 = tpu.vector_load %arg8[%get3A_1224, %get3A_1225] {strides = array<i32>} : memref<64x128xf32, #tpu.memory_space<vmem>>, vector<1x16xf32>,
      %get3A_1227 = vector.shape_cast %get3A_1226 : vector<1x16xf32> to vector<16xf32>
      %mul3A_1228 = arith.constant 2 : i32
      %mul3A_1229 = arith.muli %mul3A_1228, %scan3A_1181 : i32
      %add3A_1230 = arith.constant 1 : i32
      %add3A_1231 = arith.addi %mul3A_1229, %add3A_1230 : i32
      %get3A_1232 = arith.index_cast %add3A_1231 : i32 to index
      %get3A_1233 = arith.constant 96 : index
      %get3A_1234 = tpu.vector_load %arg8[%get3A_1232, %get3A_1233] {strides = array<i32>} : memref<64x128xf32, #tpu.memory_space<vmem>>, vector<1x16xf32>,
      %get3A_1235 = vector.shape_cast %get3A_1234 : vector<1x16xf32> to vector<16xf32>
      %add3A_1236 = arith.addf %get3A_1227, %get3A_1235 : vector<16xf32>
      %swap3A_1237 = arith.index_cast %scan3A_1181 : i32 to index
      %swap3A_1238 = arith.constant 32 : index
      %swap3A_1239 = tpu.vector_load %arg10[%swap3A_1237, %swap3A_1238] {strides = array<i32>} : memref<32x64xf32, #tpu.memory_space<vmem>>, vector<1x16xf32>,
      %swap3A_1240 = vector.shape_cast %swap3A_1239 : vector<1x16xf32> to vector<16xf32>
      %swap3A_1241 = vector.shape_cast %add3A_1236 : vector<16xf32> to vector<1x16xf32>
      tpu.vector_store %arg10[%swap3A_1237, %swap3A_1238], %swap3A_1241 {strides = array<i32>} : memref<32x64xf32, #tpu.memory_space<vmem>>, vector<1x16xf32>,
      %mul3A_1242 = arith.constant 2 : i32
      %mul3A_1243 = arith.muli %mul3A_1242, %scan3A_1181 : i32
      %get3A_1244 = arith.index_cast %mul3A_1243 : i32 to index
      %get3A_1245 = arith.constant 48 : index
      %get3A_1246 = tpu.vector_load %arg8[%get3A_1244, %get3A_1245] {strides = array<i32>} : memref<64x128xf32, #tpu.memory_space<vmem>>, vector<1x16xf32>,
      %get3A_1247 = vector.shape_cast %get3A_1246 : vector<1x16xf32> to vector<16xf32>
      %mul3A_1248 = arith.constant 2 : i32
      %mul3A_1249 = arith.muli %mul3A_1248, %scan3A_1181 : i32
      %add3A_1250 = arith.constant 1 : i32
      %add3A_1251 = arith.addi %mul3A_1249, %add3A_1250 : i32
      %get3A_1252 = arith.index_cast %add3A_1251 : i32 to index
      %get3A_1253 = arith.constant 112 : index
      %get3A_1254 = tpu.vector_load %arg8[%get3A_1252, %get3A_1253] {strides = array<i32>} : memref<64x128xf32, #tpu.memory_space<vmem>>, vector<1x16xf32>,
      %get3A_1255 = vector.shape_cast %get3A_1254 : vector<1x16xf32> to vector<16xf32>
      %add3A_1256 = arith.addf %get3A_1247, %get3A_1255 : vector<16xf32>
      %swap3A_1257 = arith.index_cast %scan3A_1181 : i32 to index
      %swap3A_1258 = arith.constant 48 : index
      %swap3A_1259 = tpu.vector_load %arg10[%swap3A_1257, %swap3A_1258] {strides = array<i32>} : memref<32x64xf32, #tpu.memory_space<vmem>>, vector<1x16xf32>,
      %swap3A_1260 = vector.shape_cast %swap3A_1259 : vector<1x16xf32> to vector<16xf32>
      %swap3A_1261 = vector.shape_cast %add3A_1256 : vector<16xf32> to vector<1x16xf32>
      tpu.vector_store %arg10[%swap3A_1257, %swap3A_1258], %swap3A_1261 {strides = array<i32>} : memref<32x64xf32, #tpu.memory_space<vmem>>, vector<1x16xf32>,
      %scan3A_1262 = arith.constant 14 : i32
      %mul3A_1263 = arith.constant 2 : i32
      %mul3A_1264 = arith.muli %mul3A_1263, %scan3A_1262 : i32
      %get3A_1265 = arith.index_cast %mul3A_1264 : i32 to index
      %get3A_1266 = arith.constant 0 : index
      %get3A_1267 = tpu.vector_load %arg8[%get3A_1265, %get3A_1266] {strides = array<i32>} : memref<64x128xf32, #tpu.memory_space<vmem>>, vector<1x16xf32>,
      %get3A_1268 = vector.shape_cast %get3A_1267 : vector<1x16xf32> to vector<16xf32>
      %mul3A_1269 = arith.constant 2 : i32
      %mul3A_1270 = arith.muli %mul3A_1269, %scan3A_1262 : i32
      %add3A_1271 = arith.constant 1 : i32
      %add3A_1272 = arith.addi %mul3A_1270, %add3A_1271 : i32
      %get3A_1273 = arith.index_cast %add3A_1272 : i32 to index
      %get3A_1274 = arith.constant 64 : index
      %get3A_1275 = tpu.vector_load %arg8[%get3A_1273, %get3A_1274] {strides = array<i32>} : memref<64x128xf32, #tpu.memory_space<vmem>>, vector<1x16xf32>,
      %get3A_1276 = vector.shape_cast %get3A_1275 : vector<1x16xf32> to vector<16xf32>
      %add3A_1277 = arith.addf %get3A_1268, %get3A_1276 : vector<16xf32>
      %swap3A_1278 = arith.index_cast %scan3A_1262 : i32 to index
      %swap3A_1279 = arith.constant 0 : index
      %swap3A_1280 = tpu.vector_load %arg10[%swap3A_1278, %swap3A_1279] {strides = array<i32>} : memref<32x64xf32, #tpu.memory_space<vmem>>, vector<1x16xf32>,
      %swap3A_1281 = vector.shape_cast %swap3A_1280 : vector<1x16xf32> to vector<16xf32>
      %swap3A_1282 = vector.shape_cast %add3A_1277 : vector<16xf32> to vector<1x16xf32>
      tpu.vector_store %arg10[%swap3A_1278, %swap3A_1279], %swap3A_1282 {strides = array<i32>} : memref<32x64xf32, #tpu.memory_space<vmem>>, vector<1x16xf32>,
      %mul3A_1283 = arith.constant 2 : i32
      %mul3A_1284 = arith.muli %mul3A_1283, %scan3A_1262 : i32
      %get3A_1285 = arith.index_cast %mul3A_1284 : i32 to index
      %get3A_1286 = arith.constant 16 : index
      %get3A_1287 = tpu.vector_load %arg8[%get3A_1285, %get3A_1286] {strides = array<i32>} : memref<64x128xf32, #tpu.memory_space<vmem>>, vector<1x16xf32>,
      %get3A_1288 = vector.shape_cast %get3A_1287 : vector<1x16xf32> to vector<16xf32>
      %mul3A_1289 = arith.constant 2 : i32
      %mul3A_1290 = arith.muli %mul3A_1289, %scan3A_1262 : i32
      %add3A_1291 = arith.constant 1 : i32
      %add3A_1292 = arith.addi %mul3A_1290, %add3A_1291 : i32
      %get3A_1293 = arith.index_cast %add3A_1292 : i32 to index
      %get3A_1294 = arith.constant 80 : index
      %get3A_1295 = tpu.vector_load %arg8[%get3A_1293, %get3A_1294] {strides = array<i32>} : memref<64x128xf32, #tpu.memory_space<vmem>>, vector<1x16xf32>,
      %get3A_1296 = vector.shape_cast %get3A_1295 : vector<1x16xf32> to vector<16xf32>
      %add3A_1297 = arith.addf %get3A_1288, %get3A_1296 : vector<16xf32>
      %swap3A_1298 = arith.index_cast %scan3A_1262 : i32 to index
      %swap3A_1299 = arith.constant 16 : index
      %swap3A_1300 = tpu.vector_load %arg10[%swap3A_1298, %swap3A_1299] {strides = array<i32>} : memref<32x64xf32, #tpu.memory_space<vmem>>, vector<1x16xf32>,
      %swap3A_1301 = vector.shape_cast %swap3A_1300 : vector<1x16xf32> to vector<16xf32>
      %swap3A_1302 = vector.shape_cast %add3A_1297 : vector<16xf32> to vector<1x16xf32>
      tpu.vector_store %arg10[%swap3A_1298, %swap3A_1299], %swap3A_1302 {strides = array<i32>} : memref<32x64xf32, #tpu.memory_space<vmem>>, vector<1x16xf32>,
      %mul3A_1303 = arith.constant 2 : i32
      %mul3A_1304 = arith.muli %mul3A_1303, %scan3A_1262 : i32
      %get3A_1305 = arith.index_cast %mul3A_1304 : i32 to index
      %get3A_1306 = arith.constant 32 : index
      %get3A_1307 = tpu.vector_load %arg8[%get3A_1305, %get3A_1306] {strides = array<i32>} : memref<64x128xf32, #tpu.memory_space<vmem>>, vector<1x16xf32>,
      %get3A_1308 = vector.shape_cast %get3A_1307 : vector<1x16xf32> to vector<16xf32>
      %mul3A_1309 = arith.constant 2 : i32
      %mul3A_1310 = arith.muli %mul3A_1309, %scan3A_1262 : i32
      %add3A_1311 = arith.constant 1 : i32
      %add3A_1312 = arith.addi %mul3A_1310, %add3A_1311 : i32
      %get3A_1313 = arith.index_cast %add3A_1312 : i32 to index
      %get3A_1314 = arith.constant 96 : index
      %get3A_1315 = tpu.vector_load %arg8[%get3A_1313, %get3A_1314] {strides = array<i32>} : memref<64x128xf32, #tpu.memory_space<vmem>>, vector<1x16xf32>,
      %get3A_1316 = vector.shape_cast %get3A_1315 : vector<1x16xf32> to vector<16xf32>
      %add3A_1317 = arith.addf %get3A_1308, %get3A_1316 : vector<16xf32>
      %swap3A_1318 = arith.index_cast %scan3A_1262 : i32 to index
      %swap3A_1319 = arith.constant 32 : index
      %swap3A_1320 = tpu.vector_load %arg10[%swap3A_1318, %swap3A_1319] {strides = array<i32>} : memref<32x64xf32, #tpu.memory_space<vmem>>, vector<1x16xf32>,
      %swap3A_1321 = vector.shape_cast %swap3A_1320 : vector<1x16xf32> to vector<16xf32>
      %swap3A_1322 = vector.shape_cast %add3A_1317 : vector<16xf32> to vector<1x16xf32>
      tpu.vector_store %arg10[%swap3A_1318, %swap3A_1319], %swap3A_1322 {strides = array<i32>} : memref<32x64xf32, #tpu.memory_space<vmem>>, vector<1x16xf32>,
      %mul3A_1323 = arith.constant 2 : i32
      %mul3A_1324 = arith.muli %mul3A_1323, %scan3A_1262 : i32
      %get3A_1325 = arith.index_cast %mul3A_1324 : i32 to index
      %get3A_1326 = arith.constant 48 : index
      %get3A_1327 = tpu.vector_load %arg8[%get3A_1325, %get3A_1326] {strides = array<i32>} : memref<64x128xf32, #tpu.memory_space<vmem>>, vector<1x16xf32>,
      %get3A_1328 = vector.shape_cast %get3A_1327 : vector<1x16xf32> to vector<16xf32>
      %mul3A_1329 = arith.constant 2 : i32
      %mul3A_1330 = arith.muli %mul3A_1329, %scan3A_1262 : i32
      %add3A_1331 = arith.constant 1 : i32
      %add3A_1332 = arith.addi %mul3A_1330, %add3A_1331 : i32
      %get3A_1333 = arith.index_cast %add3A_1332 : i32 to index
      %get3A_1334 = arith.constant 112 : index
      %get3A_1335 = tpu.vector_load %arg8[%get3A_1333, %get3A_1334] {strides = array<i32>} : memref<64x128xf32, #tpu.memory_space<vmem>>, vector<1x16xf32>,
      %get3A_1336 = vector.shape_cast %get3A_1335 : vector<1x16xf32> to vector<16xf32>
      %add3A_1337 = arith.addf %get3A_1328, %get3A_1336 : vector<16xf32>
      %swap3A_1338 = arith.index_cast %scan3A_1262 : i32 to index
      %swap3A_1339 = arith.constant 48 : index
      %swap3A_1340 = tpu.vector_load %arg10[%swap3A_1338, %swap3A_1339] {strides = array<i32>} : memref<32x64xf32, #tpu.memory_space<vmem>>, vector<1x16xf32>,
      %swap3A_1341 = vector.shape_cast %swap3A_1340 : vector<1x16xf32> to vector<16xf32>
      %swap3A_1342 = vector.shape_cast %add3A_1337 : vector<16xf32> to vector<1x16xf32>
      tpu.vector_store %arg10[%swap3A_1338, %swap3A_1339], %swap3A_1342 {strides = array<i32>} : memref<32x64xf32, #tpu.memory_space<vmem>>, vector<1x16xf32>,
      %scan3A_1343 = arith.constant 15 : i32
      %mul3A_1344 = arith.constant 2 : i32
      %mul3A_1345 = arith.muli %mul3A_1344, %scan3A_1343 : i32
      %get3A_1346 = arith.index_cast %mul3A_1345 : i32 to index
      %get3A_1347 = arith.constant 0 : index
      %get3A_1348 = tpu.vector_load %arg8[%get3A_1346, %get3A_1347] {strides = array<i32>} : memref<64x128xf32, #tpu.memory_space<vmem>>, vector<1x16xf32>,
      %get3A_1349 = vector.shape_cast %get3A_1348 : vector<1x16xf32> to vector<16xf32>
      %mul3A_1350 = arith.constant 2 : i32
      %mul3A_1351 = arith.muli %mul3A_1350, %scan3A_1343 : i32
      %add3A_1352 = arith.constant 1 : i32
      %add3A_1353 = arith.addi %mul3A_1351, %add3A_1352 : i32
      %get3A_1354 = arith.index_cast %add3A_1353 : i32 to index
      %get3A_1355 = arith.constant 64 : index
      %get3A_1356 = tpu.vector_load %arg8[%get3A_1354, %get3A_1355] {strides = array<i32>} : memref<64x128xf32, #tpu.memory_space<vmem>>, vector<1x16xf32>,
      %get3A_1357 = vector.shape_cast %get3A_1356 : vector<1x16xf32> to vector<16xf32>
      %add3A_1358 = arith.addf %get3A_1349, %get3A_1357 : vector<16xf32>
      %swap3A_1359 = arith.index_cast %scan3A_1343 : i32 to index
      %swap3A_1360 = arith.constant 0 : index
      %swap3A_1361 = tpu.vector_load %arg10[%swap3A_1359, %swap3A_1360] {strides = array<i32>} : memref<32x64xf32, #tpu.memory_space<vmem>>, vector<1x16xf32>,
      %swap3A_1362 = vector.shape_cast %swap3A_1361 : vector<1x16xf32> to vector<16xf32>
      %swap3A_1363 = vector.shape_cast %add3A_1358 : vector<16xf32> to vector<1x16xf32>
      tpu.vector_store %arg10[%swap3A_1359, %swap3A_1360], %swap3A_1363 {strides = array<i32>} : memref<32x64xf32, #tpu.memory_space<vmem>>, vector<1x16xf32>,
      %mul3A_1364 = arith.constant 2 : i32
      %mul3A_1365 = arith.muli %mul3A_1364, %scan3A_1343 : i32
      %get3A_1366 = arith.index_cast %mul3A_1365 : i32 to index
      %get3A_1367 = arith.constant 16 : index
      %get3A_1368 = tpu.vector_load %arg8[%get3A_1366, %get3A_1367] {strides = array<i32>} : memref<64x128xf32, #tpu.memory_space<vmem>>, vector<1x16xf32>,
      %get3A_1369 = vector.shape_cast %get3A_1368 : vector<1x16xf32> to vector<16xf32>
      %mul3A_1370 = arith.constant 2 : i32
      %mul3A_1371 = arith.muli %mul3A_1370, %scan3A_1343 : i32
      %add3A_1372 = arith.constant 1 : i32
      %add3A_1373 = arith.addi %mul3A_1371, %add3A_1372 : i32
      %get3A_1374 = arith.index_cast %add3A_1373 : i32 to index
      %get3A_1375 = arith.constant 80 : index
      %get3A_1376 = tpu.vector_load %arg8[%get3A_1374, %get3A_1375] {strides = array<i32>} : memref<64x128xf32, #tpu.memory_space<vmem>>, vector<1x16xf32>,
      %get3A_1377 = vector.shape_cast %get3A_1376 : vector<1x16xf32> to vector<16xf32>
      %add3A_1378 = arith.addf %get3A_1369, %get3A_1377 : vector<16xf32>
      %swap3A_1379 = arith.index_cast %scan3A_1343 : i32 to index
      %swap3A_1380 = arith.constant 16 : index
      %swap3A_1381 = tpu.vector_load %arg10[%swap3A_1379, %swap3A_1380] {strides = array<i32>} : memref<32x64xf32, #tpu.memory_space<vmem>>, vector<1x16xf32>,
      %swap3A_1382 = vector.shape_cast %swap3A_1381 : vector<1x16xf32> to vector<16xf32>
      %swap3A_1383 = vector.shape_cast %add3A_1378 : vector<16xf32> to vector<1x16xf32>
      tpu.vector_store %arg10[%swap3A_1379, %swap3A_1380], %swap3A_1383 {strides = array<i32>} : memref<32x64xf32, #tpu.memory_space<vmem>>, vector<1x16xf32>,
      %mul3A_1384 = arith.constant 2 : i32
      %mul3A_1385 = arith.muli %mul3A_1384, %scan3A_1343 : i32
      %get3A_1386 = arith.index_cast %mul3A_1385 : i32 to index
      %get3A_1387 = arith.constant 32 : index
      %get3A_1388 = tpu.vector_load %arg8[%get3A_1386, %get3A_1387] {strides = array<i32>} : memref<64x128xf32, #tpu.memory_space<vmem>>, vector<1x16xf32>,
      %get3A_1389 = vector.shape_cast %get3A_1388 : vector<1x16xf32> to vector<16xf32>
      %mul3A_1390 = arith.constant 2 : i32
      %mul3A_1391 = arith.muli %mul3A_1390, %scan3A_1343 : i32
      %add3A_1392 = arith.constant 1 : i32
      %add3A_1393 = arith.addi %mul3A_1391, %add3A_1392 : i32
      %get3A_1394 = arith.index_cast %add3A_1393 : i32 to index
      %get3A_1395 = arith.constant 96 : index
      %get3A_1396 = tpu.vector_load %arg8[%get3A_1394, %get3A_1395] {strides = array<i32>} : memref<64x128xf32, #tpu.memory_space<vmem>>, vector<1x16xf32>,
      %get3A_1397 = vector.shape_cast %get3A_1396 : vector<1x16xf32> to vector<16xf32>
      %add3A_1398 = arith.addf %get3A_1389, %get3A_1397 : vector<16xf32>
      %swap3A_1399 = arith.index_cast %scan3A_1343 : i32 to index
      %swap3A_1400 = arith.constant 32 : index
      %swap3A_1401 = tpu.vector_load %arg10[%swap3A_1399, %swap3A_1400] {strides = array<i32>} : memref<32x64xf32, #tpu.memory_space<vmem>>, vector<1x16xf32>,
      %swap3A_1402 = vector.shape_cast %swap3A_1401 : vector<1x16xf32> to vector<16xf32>
      %swap3A_1403 = vector.shape_cast %add3A_1398 : vector<16xf32> to vector<1x16xf32>
      tpu.vector_store %arg10[%swap3A_1399, %swap3A_1400], %swap3A_1403 {strides = array<i32>} : memref<32x64xf32, #tpu.memory_space<vmem>>, vector<1x16xf32>,
      %mul3A_1404 = arith.constant 2 : i32
      %mul3A_1405 = arith.muli %mul3A_1404, %scan3A_1343 : i32
      %get3A_1406 = arith.index_cast %mul3A_1405 : i32 to index
      %get3A_1407 = arith.constant 48 : index
      %get3A_1408 = tpu.vector_load %arg8[%get3A_1406, %get3A_1407] {strides = array<i32>} : memref<64x128xf32, #tpu.memory_space<vmem>>, vector<1x16xf32>,
      %get3A_1409 = vector.shape_cast %get3A_1408 : vector<1x16xf32> to vector<16xf32>
      %mul3A_1410 = arith.constant 2 : i32
      %mul3A_1411 = arith.muli %mul3A_1410, %scan3A_1343 : i32
      %add3A_1412 = arith.constant 1 : i32
      %add3A_1413 = arith.addi %mul3A_1411, %add3A_1412 : i32
      %get3A_1414 = arith.index_cast %add3A_1413 : i32 to index
      %get3A_1415 = arith.constant 112 : index
      %get3A_1416 = tpu.vector_load %arg8[%get3A_1414, %get3A_1415] {strides = array<i32>} : memref<64x128xf32, #tpu.memory_space<vmem>>, vector<1x16xf32>,
      %get3A_1417 = vector.shape_cast %get3A_1416 : vector<1x16xf32> to vector<16xf32>
      %add3A_1418 = arith.addf %get3A_1409, %get3A_1417 : vector<16xf32>
      %swap3A_1419 = arith.index_cast %scan3A_1343 : i32 to index
      %swap3A_1420 = arith.constant 48 : index
      %swap3A_1421 = tpu.vector_load %arg10[%swap3A_1419, %swap3A_1420] {strides = array<i32>} : memref<32x64xf32, #tpu.memory_space<vmem>>, vector<1x16xf32>,
      %swap3A_1422 = vector.shape_cast %swap3A_1421 : vector<1x16xf32> to vector<16xf32>
      %swap3A_1423 = vector.shape_cast %add3A_1418 : vector<16xf32> to vector<1x16xf32>
      tpu.vector_store %arg10[%swap3A_1419, %swap3A_1420], %swap3A_1423 {strides = array<i32>} : memref<32x64xf32, #tpu.memory_space<vmem>>, vector<1x16xf32>,
      %scan3A_1424 = arith.constant 16 : i32
      %mul3A_1425 = arith.constant 2 : i32
      %mul3A_1426 = arith.muli %mul3A_1425, %scan3A_1424 : i32
      %get3A_1427 = arith.index_cast %mul3A_1426 : i32 to index
      %get3A_1428 = arith.constant 0 : index
      %get3A_1429 = tpu.vector_load %arg8[%get3A_1427, %get3A_1428] {strides = array<i32>} : memref<64x128xf32, #tpu.memory_space<vmem>>, vector<1x16xf32>,
      %get3A_1430 = vector.shape_cast %get3A_1429 : vector<1x16xf32> to vector<16xf32>
      %mul3A_1431 = arith.constant 2 : i32
      %mul3A_1432 = arith.muli %mul3A_1431, %scan3A_1424 : i32
      %add3A_1433 = arith.constant 1 : i32
      %add3A_1434 = arith.addi %mul3A_1432, %add3A_1433 : i32
      %get3A_1435 = arith.index_cast %add3A_1434 : i32 to index
      %get3A_1436 = arith.constant 64 : index
      %get3A_1437 = tpu.vector_load %arg8[%get3A_1435, %get3A_1436] {strides = array<i32>} : memref<64x128xf32, #tpu.memory_space<vmem>>, vector<1x16xf32>,
      %get3A_1438 = vector.shape_cast %get3A_1437 : vector<1x16xf32> to vector<16xf32>
      %add3A_1439 = arith.addf %get3A_1430, %get3A_1438 : vector<16xf32>
      %swap3A_1440 = arith.index_cast %scan3A_1424 : i32 to index
      %swap3A_1441 = arith.constant 0 : index
      %swap3A_1442 = tpu.vector_load %arg10[%swap3A_1440, %swap3A_1441] {strides = array<i32>} : memref<32x64xf32, #tpu.memory_space<vmem>>, vector<1x16xf32>,
      %swap3A_1443 = vector.shape_cast %swap3A_1442 : vector<1x16xf32> to vector<16xf32>
      %swap3A_1444 = vector.shape_cast %add3A_1439 : vector<16xf32> to vector<1x16xf32>
      tpu.vector_store %arg10[%swap3A_1440, %swap3A_1441], %swap3A_1444 {strides = array<i32>} : memref<32x64xf32, #tpu.memory_space<vmem>>, vector<1x16xf32>,
      %mul3A_1445 = arith.constant 2 : i32
      %mul3A_1446 = arith.muli %mul3A_1445, %scan3A_1424 : i32
      %get3A_1447 = arith.index_cast %mul3A_1446 : i32 to index
      %get3A_1448 = arith.constant 16 : index
      %get3A_1449 = tpu.vector_load %arg8[%get3A_1447, %get3A_1448] {strides = array<i32>} : memref<64x128xf32, #tpu.memory_space<vmem>>, vector<1x16xf32>,
      %get3A_1450 = vector.shape_cast %get3A_1449 : vector<1x16xf32> to vector<16xf32>
      %mul3A_1451 = arith.constant 2 : i32
      %mul3A_1452 = arith.muli %mul3A_1451, %scan3A_1424 : i32
      %add3A_1453 = arith.constant 1 : i32
      %add3A_1454 = arith.addi %mul3A_1452, %add3A_1453 : i32
      %get3A_1455 = arith.index_cast %add3A_1454 : i32 to index
      %get3A_1456 = arith.constant 80 : index
      %get3A_1457 = tpu.vector_load %arg8[%get3A_1455, %get3A_1456] {strides = array<i32>} : memref<64x128xf32, #tpu.memory_space<vmem>>, vector<1x16xf32>,
      %get3A_1458 = vector.shape_cast %get3A_1457 : vector<1x16xf32> to vector<16xf32>
      %add3A_1459 = arith.addf %get3A_1450, %get3A_1458 : vector<16xf32>
      %swap3A_1460 = arith.index_cast %scan3A_1424 : i32 to index
      %swap3A_1461 = arith.constant 16 : index
      %swap3A_1462 = tpu.vector_load %arg10[%swap3A_1460, %swap3A_1461] {strides = array<i32>} : memref<32x64xf32, #tpu.memory_space<vmem>>, vector<1x16xf32>,
      %swap3A_1463 = vector.shape_cast %swap3A_1462 : vector<1x16xf32> to vector<16xf32>
      %swap3A_1464 = vector.shape_cast %add3A_1459 : vector<16xf32> to vector<1x16xf32>
      tpu.vector_store %arg10[%swap3A_1460, %swap3A_1461], %swap3A_1464 {strides = array<i32>} : memref<32x64xf32, #tpu.memory_space<vmem>>, vector<1x16xf32>,
      %mul3A_1465 = arith.constant 2 : i32
      %mul3A_1466 = arith.muli %mul3A_1465, %scan3A_1424 : i32
      %get3A_1467 = arith.index_cast %mul3A_1466 : i32 to index
      %get3A_1468 = arith.constant 32 : index
      %get3A_1469 = tpu.vector_load %arg8[%get3A_1467, %get3A_1468] {strides = array<i32>} : memref<64x128xf32, #tpu.memory_space<vmem>>, vector<1x16xf32>,
      %get3A_1470 = vector.shape_cast %get3A_1469 : vector<1x16xf32> to vector<16xf32>
      %mul3A_1471 = arith.constant 2 : i32
      %mul3A_1472 = arith.muli %mul3A_1471, %scan3A_1424 : i32
      %add3A_1473 = arith.constant 1 : i32
      %add3A_1474 = arith.addi %mul3A_1472, %add3A_1473 : i32
      %get3A_1475 = arith.index_cast %add3A_1474 : i32 to index
      %get3A_1476 = arith.constant 96 : index
      %get3A_1477 = tpu.vector_load %arg8[%get3A_1475, %get3A_1476] {strides = array<i32>} : memref<64x128xf32, #tpu.memory_space<vmem>>, vector<1x16xf32>,
      %get3A_1478 = vector.shape_cast %get3A_1477 : vector<1x16xf32> to vector<16xf32>
      %add3A_1479 = arith.addf %get3A_1470, %get3A_1478 : vector<16xf32>
      %swap3A_1480 = arith.index_cast %scan3A_1424 : i32 to index
      %swap3A_1481 = arith.constant 32 : index
      %swap3A_1482 = tpu.vector_load %arg10[%swap3A_1480, %swap3A_1481] {strides = array<i32>} : memref<32x64xf32, #tpu.memory_space<vmem>>, vector<1x16xf32>,
      %swap3A_1483 = vector.shape_cast %swap3A_1482 : vector<1x16xf32> to vector<16xf32>
      %swap3A_1484 = vector.shape_cast %add3A_1479 : vector<16xf32> to vector<1x16xf32>
      tpu.vector_store %arg10[%swap3A_1480, %swap3A_1481], %swap3A_1484 {strides = array<i32>} : memref<32x64xf32, #tpu.memory_space<vmem>>, vector<1x16xf32>,
      %mul3A_1485 = arith.constant 2 : i32
      %mul3A_1486 = arith.muli %mul3A_1485, %scan3A_1424 : i32
      %get3A_1487 = arith.index_cast %mul3A_1486 : i32 to index
      %get3A_1488 = arith.constant 48 : index
      %get3A_1489 = tpu.vector_load %arg8[%get3A_1487, %get3A_1488] {strides = array<i32>} : memref<64x128xf32, #tpu.memory_space<vmem>>, vector<1x16xf32>,
      %get3A_1490 = vector.shape_cast %get3A_1489 : vector<1x16xf32> to vector<16xf32>
      %mul3A_1491 = arith.constant 2 : i32
      %mul3A_1492 = arith.muli %mul3A_1491, %scan3A_1424 : i32
      %add3A_1493 = arith.constant 1 : i32
      %add3A_1494 = arith.addi %mul3A_1492, %add3A_1493 : i32
      %get3A_1495 = arith.index_cast %add3A_1494 : i32 to index
      %get3A_1496 = arith.constant 112 : index
      %get3A_1497 = tpu.vector_load %arg8[%get3A_1495, %get3A_1496] {strides = array<i32>} : memref<64x128xf32, #tpu.memory_space<vmem>>, vector<1x16xf32>,
      %get3A_1498 = vector.shape_cast %get3A_1497 : vector<1x16xf32> to vector<16xf32>
      %add3A_1499 = arith.addf %get3A_1490, %get3A_1498 : vector<16xf32>
      %swap3A_1500 = arith.index_cast %scan3A_1424 : i32 to index
      %swap3A_1501 = arith.constant 48 : index
      %swap3A_1502 = tpu.vector_load %arg10[%swap3A_1500, %swap3A_1501] {strides = array<i32>} : memref<32x64xf32, #tpu.memory_space<vmem>>, vector<1x16xf32>,
      %swap3A_1503 = vector.shape_cast %swap3A_1502 : vector<1x16xf32> to vector<16xf32>
      %swap3A_1504 = vector.shape_cast %add3A_1499 : vector<16xf32> to vector<1x16xf32>
      tpu.vector_store %arg10[%swap3A_1500, %swap3A_1501], %swap3A_1504 {strides = array<i32>} : memref<32x64xf32, #tpu.memory_space<vmem>>, vector<1x16xf32>,
      %scan3A_1505 = arith.constant 17 : i32
      %mul3A_1506 = arith.constant 2 : i32
      %mul3A_1507 = arith.muli %mul3A_1506, %scan3A_1505 : i32
      %get3A_1508 = arith.index_cast %mul3A_1507 : i32 to index
      %get3A_1509 = arith.constant 0 : index
      %get3A_1510 = tpu.vector_load %arg8[%get3A_1508, %get3A_1509] {strides = array<i32>} : memref<64x128xf32, #tpu.memory_space<vmem>>, vector<1x16xf32>,
      %get3A_1511 = vector.shape_cast %get3A_1510 : vector<1x16xf32> to vector<16xf32>
      %mul3A_1512 = arith.constant 2 : i32
      %mul3A_1513 = arith.muli %mul3A_1512, %scan3A_1505 : i32
      %add3A_1514 = arith.constant 1 : i32
      %add3A_1515 = arith.addi %mul3A_1513, %add3A_1514 : i32
      %get3A_1516 = arith.index_cast %add3A_1515 : i32 to index
      %get3A_1517 = arith.constant 64 : index
      %get3A_1518 = tpu.vector_load %arg8[%get3A_1516, %get3A_1517] {strides = array<i32>} : memref<64x128xf32, #tpu.memory_space<vmem>>, vector<1x16xf32>,
      %get3A_1519 = vector.shape_cast %get3A_1518 : vector<1x16xf32> to vector<16xf32>
      %add3A_1520 = arith.addf %get3A_1511, %get3A_1519 : vector<16xf32>
      %swap3A_1521 = arith.index_cast %scan3A_1505 : i32 to index
      %swap3A_1522 = arith.constant 0 : index
      %swap3A_1523 = tpu.vector_load %arg10[%swap3A_1521, %swap3A_1522] {strides = array<i32>} : memref<32x64xf32, #tpu.memory_space<vmem>>, vector<1x16xf32>,
      %swap3A_1524 = vector.shape_cast %swap3A_1523 : vector<1x16xf32> to vector<16xf32>
      %swap3A_1525 = vector.shape_cast %add3A_1520 : vector<16xf32> to vector<1x16xf32>
      tpu.vector_store %arg10[%swap3A_1521, %swap3A_1522], %swap3A_1525 {strides = array<i32>} : memref<32x64xf32, #tpu.memory_space<vmem>>, vector<1x16xf32>,
      %mul3A_1526 = arith.constant 2 : i32
      %mul3A_1527 = arith.muli %mul3A_1526, %scan3A_1505 : i32
      %get3A_1528 = arith.index_cast %mul3A_1527 : i32 to index
      %get3A_1529 = arith.constant 16 : index
      %get3A_1530 = tpu.vector_load %arg8[%get3A_1528, %get3A_1529] {strides = array<i32>} : memref<64x128xf32, #tpu.memory_space<vmem>>, vector<1x16xf32>,
      %get3A_1531 = vector.shape_cast %get3A_1530 : vector<1x16xf32> to vector<16xf32>
      %mul3A_1532 = arith.constant 2 : i32
      %mul3A_1533 = arith.muli %mul3A_1532, %scan3A_1505 : i32
      %add3A_1534 = arith.constant 1 : i32
      %add3A_1535 = arith.addi %mul3A_1533, %add3A_1534 : i32
      %get3A_1536 = arith.index_cast %add3A_1535 : i32 to index
      %get3A_1537 = arith.constant 80 : index
      %get3A_1538 = tpu.vector_load %arg8[%get3A_1536, %get3A_1537] {strides = array<i32>} : memref<64x128xf32, #tpu.memory_space<vmem>>, vector<1x16xf32>,
      %get3A_1539 = vector.shape_cast %get3A_1538 : vector<1x16xf32> to vector<16xf32>
      %add3A_1540 = arith.addf %get3A_1531, %get3A_1539 : vector<16xf32>
      %swap3A_1541 = arith.index_cast %scan3A_1505 : i32 to index
      %swap3A_1542 = arith.constant 16 : index
      %swap3A_1543 = tpu.vector_load %arg10[%swap3A_1541, %swap3A_1542] {strides = array<i32>} : memref<32x64xf32, #tpu.memory_space<vmem>>, vector<1x16xf32>,
      %swap3A_1544 = vector.shape_cast %swap3A_1543 : vector<1x16xf32> to vector<16xf32>
      %swap3A_1545 = vector.shape_cast %add3A_1540 : vector<16xf32> to vector<1x16xf32>
      tpu.vector_store %arg10[%swap3A_1541, %swap3A_1542], %swap3A_1545 {strides = array<i32>} : memref<32x64xf32, #tpu.memory_space<vmem>>, vector<1x16xf32>,
      %mul3A_1546 = arith.constant 2 : i32
      %mul3A_1547 = arith.muli %mul3A_1546, %scan3A_1505 : i32
      %get3A_1548 = arith.index_cast %mul3A_1547 : i32 to index
      %get3A_1549 = arith.constant 32 : index
      %get3A_1550 = tpu.vector_load %arg8[%get3A_1548, %get3A_1549] {strides = array<i32>} : memref<64x128xf32, #tpu.memory_space<vmem>>, vector<1x16xf32>,
      %get3A_1551 = vector.shape_cast %get3A_1550 : vector<1x16xf32> to vector<16xf32>
      %mul3A_1552 = arith.constant 2 : i32
      %mul3A_1553 = arith.muli %mul3A_1552, %scan3A_1505 : i32
      %add3A_1554 = arith.constant 1 : i32
      %add3A_1555 = arith.addi %mul3A_1553, %add3A_1554 : i32
      %get3A_1556 = arith.index_cast %add3A_1555 : i32 to index
      %get3A_1557 = arith.constant 96 : index
      %get3A_1558 = tpu.vector_load %arg8[%get3A_1556, %get3A_1557] {strides = array<i32>} : memref<64x128xf32, #tpu.memory_space<vmem>>, vector<1x16xf32>,
      %get3A_1559 = vector.shape_cast %get3A_1558 : vector<1x16xf32> to vector<16xf32>
      %add3A_1560 = arith.addf %get3A_1551, %get3A_1559 : vector<16xf32>
      %swap3A_1561 = arith.index_cast %scan3A_1505 : i32 to index
      %swap3A_1562 = arith.constant 32 : index
      %swap3A_1563 = tpu.vector_load %arg10[%swap3A_1561, %swap3A_1562] {strides = array<i32>} : memref<32x64xf32, #tpu.memory_space<vmem>>, vector<1x16xf32>,
      %swap3A_1564 = vector.shape_cast %swap3A_1563 : vector<1x16xf32> to vector<16xf32>
      %swap3A_1565 = vector.shape_cast %add3A_1560 : vector<16xf32> to vector<1x16xf32>
      tpu.vector_store %arg10[%swap3A_1561, %swap3A_1562], %swap3A_1565 {strides = array<i32>} : memref<32x64xf32, #tpu.memory_space<vmem>>, vector<1x16xf32>,
      %mul3A_1566 = arith.constant 2 : i32
      %mul3A_1567 = arith.muli %mul3A_1566, %scan3A_1505 : i32
      %get3A_1568 = arith.index_cast %mul3A_1567 : i32 to index
      %get3A_1569 = arith.constant 48 : index
      %get3A_1570 = tpu.vector_load %arg8[%get3A_1568, %get3A_1569] {strides = array<i32>} : memref<64x128xf32, #tpu.memory_space<vmem>>, vector<1x16xf32>,
      %get3A_1571 = vector.shape_cast %get3A_1570 : vector<1x16xf32> to vector<16xf32>
      %mul3A_1572 = arith.constant 2 : i32
      %mul3A_1573 = arith.muli %mul3A_1572, %scan3A_1505 : i32
      %add3A_1574 = arith.constant 1 : i32
      %add3A_1575 = arith.addi %mul3A_1573, %add3A_1574 : i32
      %get3A_1576 = arith.index_cast %add3A_1575 : i32 to index
      %get3A_1577 = arith.constant 112 : index
      %get3A_1578 = tpu.vector_load %arg8[%get3A_1576, %get3A_1577] {strides = array<i32>} : memref<64x128xf32, #tpu.memory_space<vmem>>, vector<1x16xf32>,
      %get3A_1579 = vector.shape_cast %get3A_1578 : vector<1x16xf32> to vector<16xf32>
      %add3A_1580 = arith.addf %get3A_1571, %get3A_1579 : vector<16xf32>
      %swap3A_1581 = arith.index_cast %scan3A_1505 : i32 to index
      %swap3A_1582 = arith.constant 48 : index
      %swap3A_1583 = tpu.vector_load %arg10[%swap3A_1581, %swap3A_1582] {strides = array<i32>} : memref<32x64xf32, #tpu.memory_space<vmem>>, vector<1x16xf32>,
      %swap3A_1584 = vector.shape_cast %swap3A_1583 : vector<1x16xf32> to vector<16xf32>
      %swap3A_1585 = vector.shape_cast %add3A_1580 : vector<16xf32> to vector<1x16xf32>
      tpu.vector_store %arg10[%swap3A_1581, %swap3A_1582], %swap3A_1585 {strides = array<i32>} : memref<32x64xf32, #tpu.memory_space<vmem>>, vector<1x16xf32>,
      %scan3A_1586 = arith.constant 18 : i32
      %mul3A_1587 = arith.constant 2 : i32
      %mul3A_1588 = arith.muli %mul3A_1587, %scan3A_1586 : i32
      %get3A_1589 = arith.index_cast %mul3A_1588 : i32 to index
      %get3A_1590 = arith.constant 0 : index
      %get3A_1591 = tpu.vector_load %arg8[%get3A_1589, %get3A_1590] {strides = array<i32>} : memref<64x128xf32, #tpu.memory_space<vmem>>, vector<1x16xf32>,
      %get3A_1592 = vector.shape_cast %get3A_1591 : vector<1x16xf32> to vector<16xf32>
      %mul3A_1593 = arith.constant 2 : i32
      %mul3A_1594 = arith.muli %mul3A_1593, %scan3A_1586 : i32
      %add3A_1595 = arith.constant 1 : i32
      %add3A_1596 = arith.addi %mul3A_1594, %add3A_1595 : i32
      %get3A_1597 = arith.index_cast %add3A_1596 : i32 to index
      %get3A_1598 = arith.constant 64 : index
      %get3A_1599 = tpu.vector_load %arg8[%get3A_1597, %get3A_1598] {strides = array<i32>} : memref<64x128xf32, #tpu.memory_space<vmem>>, vector<1x16xf32>,
      %get3A_1600 = vector.shape_cast %get3A_1599 : vector<1x16xf32> to vector<16xf32>
      %add3A_1601 = arith.addf %get3A_1592, %get3A_1600 : vector<16xf32>
      %swap3A_1602 = arith.index_cast %scan3A_1586 : i32 to index
      %swap3A_1603 = arith.constant 0 : index
      %swap3A_1604 = tpu.vector_load %arg10[%swap3A_1602, %swap3A_1603] {strides = array<i32>} : memref<32x64xf32, #tpu.memory_space<vmem>>, vector<1x16xf32>,
      %swap3A_1605 = vector.shape_cast %swap3A_1604 : vector<1x16xf32> to vector<16xf32>
      %swap3A_1606 = vector.shape_cast %add3A_1601 : vector<16xf32> to vector<1x16xf32>
      tpu.vector_store %arg10[%swap3A_1602, %swap3A_1603], %swap3A_1606 {strides = array<i32>} : memref<32x64xf32, #tpu.memory_space<vmem>>, vector<1x16xf32>,
      %mul3A_1607 = arith.constant 2 : i32
      %mul3A_1608 = arith.muli %mul3A_1607, %scan3A_1586 : i32
      %get3A_1609 = arith.index_cast %mul3A_1608 : i32 to index
      %get3A_1610 = arith.constant 16 : index
      %get3A_1611 = tpu.vector_load %arg8[%get3A_1609, %get3A_1610] {strides = array<i32>} : memref<64x128xf32, #tpu.memory_space<vmem>>, vector<1x16xf32>,
      %get3A_1612 = vector.shape_cast %get3A_1611 : vector<1x16xf32> to vector<16xf32>
      %mul3A_1613 = arith.constant 2 : i32
      %mul3A_1614 = arith.muli %mul3A_1613, %scan3A_1586 : i32
      %add3A_1615 = arith.constant 1 : i32
      %add3A_1616 = arith.addi %mul3A_1614, %add3A_1615 : i32
      %get3A_1617 = arith.index_cast %add3A_1616 : i32 to index
      %get3A_1618 = arith.constant 80 : index
      %get3A_1619 = tpu.vector_load %arg8[%get3A_1617, %get3A_1618] {strides = array<i32>} : memref<64x128xf32, #tpu.memory_space<vmem>>, vector<1x16xf32>,
      %get3A_1620 = vector.shape_cast %get3A_1619 : vector<1x16xf32> to vector<16xf32>
      %add3A_1621 = arith.addf %get3A_1612, %get3A_1620 : vector<16xf32>
      %swap3A_1622 = arith.index_cast %scan3A_1586 : i32 to index
      %swap3A_1623 = arith.constant 16 : index
      %swap3A_1624 = tpu.vector_load %arg10[%swap3A_1622, %swap3A_1623] {strides = array<i32>} : memref<32x64xf32, #tpu.memory_space<vmem>>, vector<1x16xf32>,
      %swap3A_1625 = vector.shape_cast %swap3A_1624 : vector<1x16xf32> to vector<16xf32>
      %swap3A_1626 = vector.shape_cast %add3A_1621 : vector<16xf32> to vector<1x16xf32>
      tpu.vector_store %arg10[%swap3A_1622, %swap3A_1623], %swap3A_1626 {strides = array<i32>} : memref<32x64xf32, #tpu.memory_space<vmem>>, vector<1x16xf32>,
      %mul3A_1627 = arith.constant 2 : i32
      %mul3A_1628 = arith.muli %mul3A_1627, %scan3A_1586 : i32
      %get3A_1629 = arith.index_cast %mul3A_1628 : i32 to index
      %get3A_1630 = arith.constant 32 : index
      %get3A_1631 = tpu.vector_load %arg8[%get3A_1629, %get3A_1630] {strides = array<i32>} : memref<64x128xf32, #tpu.memory_space<vmem>>, vector<1x16xf32>,
      %get3A_1632 = vector.shape_cast %get3A_1631 : vector<1x16xf32> to vector<16xf32>
      %mul3A_1633 = arith.constant 2 : i32
      %mul3A_1634 = arith.muli %mul3A_1633, %scan3A_1586 : i32
      %add3A_1635 = arith.constant 1 : i32
      %add3A_1636 = arith.addi %mul3A_1634, %add3A_1635 : i32
      %get3A_1637 = arith.index_cast %add3A_1636 : i32 to index
      %get3A_1638 = arith.constant 96 : index
      %get3A_1639 = tpu.vector_load %arg8[%get3A_1637, %get3A_1638] {strides = array<i32>} : memref<64x128xf32, #tpu.memory_space<vmem>>, vector<1x16xf32>,
      %get3A_1640 = vector.shape_cast %get3A_1639 : vector<1x16xf32> to vector<16xf32>
      %add3A_1641 = arith.addf %get3A_1632, %get3A_1640 : vector<16xf32>
      %swap3A_1642 = arith.index_cast %scan3A_1586 : i32 to index
      %swap3A_1643 = arith.constant 32 : index
      %swap3A_1644 = tpu.vector_load %arg10[%swap3A_1642, %swap3A_1643] {strides = array<i32>} : memref<32x64xf32, #tpu.memory_space<vmem>>, vector<1x16xf32>,
      %swap3A_1645 = vector.shape_cast %swap3A_1644 : vector<1x16xf32> to vector<16xf32>
      %swap3A_1646 = vector.shape_cast %add3A_1641 : vector<16xf32> to vector<1x16xf32>
      tpu.vector_store %arg10[%swap3A_1642, %swap3A_1643], %swap3A_1646 {strides = array<i32>} : memref<32x64xf32, #tpu.memory_space<vmem>>, vector<1x16xf32>,
      %mul3A_1647 = arith.constant 2 : i32
      %mul3A_1648 = arith.muli %mul3A_1647, %scan3A_1586 : i32
      %get3A_1649 = arith.index_cast %mul3A_1648 : i32 to index
      %get3A_1650 = arith.constant 48 : index
      %get3A_1651 = tpu.vector_load %arg8[%get3A_1649, %get3A_1650] {strides = array<i32>} : memref<64x128xf32, #tpu.memory_space<vmem>>, vector<1x16xf32>,
      %get3A_1652 = vector.shape_cast %get3A_1651 : vector<1x16xf32> to vector<16xf32>
      %mul3A_1653 = arith.constant 2 : i32
      %mul3A_1654 = arith.muli %mul3A_1653, %scan3A_1586 : i32
      %add3A_1655 = arith.constant 1 : i32
      %add3A_1656 = arith.addi %mul3A_1654, %add3A_1655 : i32
      %get3A_1657 = arith.index_cast %add3A_1656 : i32 to index
      %get3A_1658 = arith.constant 112 : index
      %get3A_1659 = tpu.vector_load %arg8[%get3A_1657, %get3A_1658] {strides = array<i32>} : memref<64x128xf32, #tpu.memory_space<vmem>>, vector<1x16xf32>,
      %get3A_1660 = vector.shape_cast %get3A_1659 : vector<1x16xf32> to vector<16xf32>
      %add3A_1661 = arith.addf %get3A_1652, %get3A_1660 : vector<16xf32>
      %swap3A_1662 = arith.index_cast %scan3A_1586 : i32 to index
      %swap3A_1663 = arith.constant 48 : index
      %swap3A_1664 = tpu.vector_load %arg10[%swap3A_1662, %swap3A_1663] {strides = array<i32>} : memref<32x64xf32, #tpu.memory_space<vmem>>, vector<1x16xf32>,
      %swap3A_1665 = vector.shape_cast %swap3A_1664 : vector<1x16xf32> to vector<16xf32>
      %swap3A_1666 = vector.shape_cast %add3A_1661 : vector<16xf32> to vector<1x16xf32>
      tpu.vector_store %arg10[%swap3A_1662, %swap3A_1663], %swap3A_1666 {strides = array<i32>} : memref<32x64xf32, #tpu.memory_space<vmem>>, vector<1x16xf32>,
      %scan3A_1667 = arith.constant 19 : i32
      %mul3A_1668 = arith.constant 2 : i32
      %mul3A_1669 = arith.muli %mul3A_1668, %scan3A_1667 : i32
      %get3A_1670 = arith.index_cast %mul3A_1669 : i32 to index
      %get3A_1671 = arith.constant 0 : index
      %get3A_1672 = tpu.vector_load %arg8[%get3A_1670, %get3A_1671] {strides = array<i32>} : memref<64x128xf32, #tpu.memory_space<vmem>>, vector<1x16xf32>,
      %get3A_1673 = vector.shape_cast %get3A_1672 : vector<1x16xf32> to vector<16xf32>
      %mul3A_1674 = arith.constant 2 : i32
      %mul3A_1675 = arith.muli %mul3A_1674, %scan3A_1667 : i32
      %add3A_1676 = arith.constant 1 : i32
      %add3A_1677 = arith.addi %mul3A_1675, %add3A_1676 : i32
      %get3A_1678 = arith.index_cast %add3A_1677 : i32 to index
      %get3A_1679 = arith.constant 64 : index
      %get3A_1680 = tpu.vector_load %arg8[%get3A_1678, %get3A_1679] {strides = array<i32>} : memref<64x128xf32, #tpu.memory_space<vmem>>, vector<1x16xf32>,
      %get3A_1681 = vector.shape_cast %get3A_1680 : vector<1x16xf32> to vector<16xf32>
      %add3A_1682 = arith.addf %get3A_1673, %get3A_1681 : vector<16xf32>
      %swap3A_1683 = arith.index_cast %scan3A_1667 : i32 to index
      %swap3A_1684 = arith.constant 0 : index
      %swap3A_1685 = tpu.vector_load %arg10[%swap3A_1683, %swap3A_1684] {strides = array<i32>} : memref<32x64xf32, #tpu.memory_space<vmem>>, vector<1x16xf32>,
      %swap3A_1686 = vector.shape_cast %swap3A_1685 : vector<1x16xf32> to vector<16xf32>
      %swap3A_1687 = vector.shape_cast %add3A_1682 : vector<16xf32> to vector<1x16xf32>
      tpu.vector_store %arg10[%swap3A_1683, %swap3A_1684], %swap3A_1687 {strides = array<i32>} : memref<32x64xf32, #tpu.memory_space<vmem>>, vector<1x16xf32>,
      %mul3A_1688 = arith.constant 2 : i32
      %mul3A_1689 = arith.muli %mul3A_1688, %scan3A_1667 : i32
      %get3A_1690 = arith.index_cast %mul3A_1689 : i32 to index
      %get3A_1691 = arith.constant 16 : index
      %get3A_1692 = tpu.vector_load %arg8[%get3A_1690, %get3A_1691] {strides = array<i32>} : memref<64x128xf32, #tpu.memory_space<vmem>>, vector<1x16xf32>,
      %get3A_1693 = vector.shape_cast %get3A_1692 : vector<1x16xf32> to vector<16xf32>
      %mul3A_1694 = arith.constant 2 : i32
      %mul3A_1695 = arith.muli %mul3A_1694, %scan3A_1667 : i32
      %add3A_1696 = arith.constant 1 : i32
      %add3A_1697 = arith.addi %mul3A_1695, %add3A_1696 : i32
      %get3A_1698 = arith.index_cast %add3A_1697 : i32 to index
      %get3A_1699 = arith.constant 80 : index
      %get3A_1700 = tpu.vector_load %arg8[%get3A_1698, %get3A_1699] {strides = array<i32>} : memref<64x128xf32, #tpu.memory_space<vmem>>, vector<1x16xf32>,
      %get3A_1701 = vector.shape_cast %get3A_1700 : vector<1x16xf32> to vector<16xf32>
      %add3A_1702 = arith.addf %get3A_1693, %get3A_1701 : vector<16xf32>
      %swap3A_1703 = arith.index_cast %scan3A_1667 : i32 to index
      %swap3A_1704 = arith.constant 16 : index
      %swap3A_1705 = tpu.vector_load %arg10[%swap3A_1703, %swap3A_1704] {strides = array<i32>} : memref<32x64xf32, #tpu.memory_space<vmem>>, vector<1x16xf32>,
      %swap3A_1706 = vector.shape_cast %swap3A_1705 : vector<1x16xf32> to vector<16xf32>
      %swap3A_1707 = vector.shape_cast %add3A_1702 : vector<16xf32> to vector<1x16xf32>
      tpu.vector_store %arg10[%swap3A_1703, %swap3A_1704], %swap3A_1707 {strides = array<i32>} : memref<32x64xf32, #tpu.memory_space<vmem>>, vector<1x16xf32>,
      %mul3A_1708 = arith.constant 2 : i32
      %mul3A_1709 = arith.muli %mul3A_1708, %scan3A_1667 : i32
      %get3A_1710 = arith.index_cast %mul3A_1709 : i32 to index
      %get3A_1711 = arith.constant 32 : index
      %get3A_1712 = tpu.vector_load %arg8[%get3A_1710, %get3A_1711] {strides = array<i32>} : memref<64x128xf32, #tpu.memory_space<vmem>>, vector<1x16xf32>,
      %get3A_1713 = vector.shape_cast %get3A_1712 : vector<1x16xf32> to vector<16xf32>
      %mul3A_1714 = arith.constant 2 : i32
      %mul3A_1715 = arith.muli %mul3A_1714, %scan3A_1667 : i32
      %add3A_1716 = arith.constant 1 : i32
      %add3A_1717 = arith.addi %mul3A_1715, %add3A_1716 : i32
      %get3A_1718 = arith.index_cast %add3A_1717 : i32 to index
      %get3A_1719 = arith.constant 96 : index
      %get3A_1720 = tpu.vector_load %arg8[%get3A_1718, %get3A_1719] {strides = array<i32>} : memref<64x128xf32, #tpu.memory_space<vmem>>, vector<1x16xf32>,
      %get3A_1721 = vector.shape_cast %get3A_1720 : vector<1x16xf32> to vector<16xf32>
      %add3A_1722 = arith.addf %get3A_1713, %get3A_1721 : vector<16xf32>
      %swap3A_1723 = arith.index_cast %scan3A_1667 : i32 to index
      %swap3A_1724 = arith.constant 32 : index
      %swap3A_1725 = tpu.vector_load %arg10[%swap3A_1723, %swap3A_1724] {strides = array<i32>} : memref<32x64xf32, #tpu.memory_space<vmem>>, vector<1x16xf32>,
      %swap3A_1726 = vector.shape_cast %swap3A_1725 : vector<1x16xf32> to vector<16xf32>
      %swap3A_1727 = vector.shape_cast %add3A_1722 : vector<16xf32> to vector<1x16xf32>
      tpu.vector_store %arg10[%swap3A_1723, %swap3A_1724], %swap3A_1727 {strides = array<i32>} : memref<32x64xf32, #tpu.memory_space<vmem>>, vector<1x16xf32>,
      %mul3A_1728 = arith.constant 2 : i32
      %mul3A_1729 = arith.muli %mul3A_1728, %scan3A_1667 : i32
      %get3A_1730 = arith.index_cast %mul3A_1729 : i32 to index
      %get3A_1731 = arith.constant 48 : index
      %get3A_1732 = tpu.vector_load %arg8[%get3A_1730, %get3A_1731] {strides = array<i32>} : memref<64x128xf32, #tpu.memory_space<vmem>>, vector<1x16xf32>,
      %get3A_1733 = vector.shape_cast %get3A_1732 : vector<1x16xf32> to vector<16xf32>
      %mul3A_1734 = arith.constant 2 : i32
      %mul3A_1735 = arith.muli %mul3A_1734, %scan3A_1667 : i32
      %add3A_1736 = arith.constant 1 : i32
      %add3A_1737 = arith.addi %mul3A_1735, %add3A_1736 : i32
      %get3A_1738 = arith.index_cast %add3A_1737 : i32 to index
      %get3A_1739 = arith.constant 112 : index
      %get3A_1740 = tpu.vector_load %arg8[%get3A_1738, %get3A_1739] {strides = array<i32>} : memref<64x128xf32, #tpu.memory_space<vmem>>, vector<1x16xf32>,
      %get3A_1741 = vector.shape_cast %get3A_1740 : vector<1x16xf32> to vector<16xf32>
      %add3A_1742 = arith.addf %get3A_1733, %get3A_1741 : vector<16xf32>
      %swap3A_1743 = arith.index_cast %scan3A_1667 : i32 to index
      %swap3A_1744 = arith.constant 48 : index
      %swap3A_1745 = tpu.vector_load %arg10[%swap3A_1743, %swap3A_1744] {strides = array<i32>} : memref<32x64xf32, #tpu.memory_space<vmem>>, vector<1x16xf32>,
      %swap3A_1746 = vector.shape_cast %swap3A_1745 : vector<1x16xf32> to vector<16xf32>
      %swap3A_1747 = vector.shape_cast %add3A_1742 : vector<16xf32> to vector<1x16xf32>
      tpu.vector_store %arg10[%swap3A_1743, %swap3A_1744], %swap3A_1747 {strides = array<i32>} : memref<32x64xf32, #tpu.memory_space<vmem>>, vector<1x16xf32>,
      %scan3A_1748 = arith.constant 20 : i32
      %mul3A_1749 = arith.constant 2 : i32
      %mul3A_1750 = arith.muli %mul3A_1749, %scan3A_1748 : i32
      %get3A_1751 = arith.index_cast %mul3A_1750 : i32 to index
      %get3A_1752 = arith.constant 0 : index
      %get3A_1753 = tpu.vector_load %arg8[%get3A_1751, %get3A_1752] {strides = array<i32>} : memref<64x128xf32, #tpu.memory_space<vmem>>, vector<1x16xf32>,
      %get3A_1754 = vector.shape_cast %get3A_1753 : vector<1x16xf32> to vector<16xf32>
      %mul3A_1755 = arith.constant 2 : i32
      %mul3A_1756 = arith.muli %mul3A_1755, %scan3A_1748 : i32
      %add3A_1757 = arith.constant 1 : i32
      %add3A_1758 = arith.addi %mul3A_1756, %add3A_1757 : i32
      %get3A_1759 = arith.index_cast %add3A_1758 : i32 to index
      %get3A_1760 = arith.constant 64 : index
      %get3A_1761 = tpu.vector_load %arg8[%get3A_1759, %get3A_1760] {strides = array<i32>} : memref<64x128xf32, #tpu.memory_space<vmem>>, vector<1x16xf32>,
      %get3A_1762 = vector.shape_cast %get3A_1761 : vector<1x16xf32> to vector<16xf32>
      %add3A_1763 = arith.addf %get3A_1754, %get3A_1762 : vector<16xf32>
      %swap3A_1764 = arith.index_cast %scan3A_1748 : i32 to index
      %swap3A_1765 = arith.constant 0 : index
      %swap3A_1766 = tpu.vector_load %arg10[%swap3A_1764, %swap3A_1765] {strides = array<i32>} : memref<32x64xf32, #tpu.memory_space<vmem>>, vector<1x16xf32>,
      %swap3A_1767 = vector.shape_cast %swap3A_1766 : vector<1x16xf32> to vector<16xf32>
      %swap3A_1768 = vector.shape_cast %add3A_1763 : vector<16xf32> to vector<1x16xf32>
      tpu.vector_store %arg10[%swap3A_1764, %swap3A_1765], %swap3A_1768 {strides = array<i32>} : memref<32x64xf32, #tpu.memory_space<vmem>>, vector<1x16xf32>,
      %mul3A_1769 = arith.constant 2 : i32
      %mul3A_1770 = arith.muli %mul3A_1769, %scan3A_1748 : i32
      %get3A_1771 = arith.index_cast %mul3A_1770 : i32 to index
      %get3A_1772 = arith.constant 16 : index
      %get3A_1773 = tpu.vector_load %arg8[%get3A_1771, %get3A_1772] {strides = array<i32>} : memref<64x128xf32, #tpu.memory_space<vmem>>, vector<1x16xf32>,
      %get3A_1774 = vector.shape_cast %get3A_1773 : vector<1x16xf32> to vector<16xf32>
      %mul3A_1775 = arith.constant 2 : i32
      %mul3A_1776 = arith.muli %mul3A_1775, %scan3A_1748 : i32
      %add3A_1777 = arith.constant 1 : i32
      %add3A_1778 = arith.addi %mul3A_1776, %add3A_1777 : i32
      %get3A_1779 = arith.index_cast %add3A_1778 : i32 to index
      %get3A_1780 = arith.constant 80 : index
      %get3A_1781 = tpu.vector_load %arg8[%get3A_1779, %get3A_1780] {strides = array<i32>} : memref<64x128xf32, #tpu.memory_space<vmem>>, vector<1x16xf32>,
      %get3A_1782 = vector.shape_cast %get3A_1781 : vector<1x16xf32> to vector<16xf32>
      %add3A_1783 = arith.addf %get3A_1774, %get3A_1782 : vector<16xf32>
      %swap3A_1784 = arith.index_cast %scan3A_1748 : i32 to index
      %swap3A_1785 = arith.constant 16 : index
      %swap3A_1786 = tpu.vector_load %arg10[%swap3A_1784, %swap3A_1785] {strides = array<i32>} : memref<32x64xf32, #tpu.memory_space<vmem>>, vector<1x16xf32>,
      %swap3A_1787 = vector.shape_cast %swap3A_1786 : vector<1x16xf32> to vector<16xf32>
      %swap3A_1788 = vector.shape_cast %add3A_1783 : vector<16xf32> to vector<1x16xf32>
      tpu.vector_store %arg10[%swap3A_1784, %swap3A_1785], %swap3A_1788 {strides = array<i32>} : memref<32x64xf32, #tpu.memory_space<vmem>>, vector<1x16xf32>,
      %mul3A_1789 = arith.constant 2 : i32
      %mul3A_1790 = arith.muli %mul3A_1789, %scan3A_1748 : i32
      %get3A_1791 = arith.index_cast %mul3A_1790 : i32 to index
      %get3A_1792 = arith.constant 32 : index
      %get3A_1793 = tpu.vector_load %arg8[%get3A_1791, %get3A_1792] {strides = array<i32>} : memref<64x128xf32, #tpu.memory_space<vmem>>, vector<1x16xf32>,
      %get3A_1794 = vector.shape_cast %get3A_1793 : vector<1x16xf32> to vector<16xf32>
      %mul3A_1795 = arith.constant 2 : i32
      %mul3A_1796 = arith.muli %mul3A_1795, %scan3A_1748 : i32
      %add3A_1797 = arith.constant 1 : i32
      %add3A_1798 = arith.addi %mul3A_1796, %add3A_1797 : i32
      %get3A_1799 = arith.index_cast %add3A_1798 : i32 to index
      %get3A_1800 = arith.constant 96 : index
      %get3A_1801 = tpu.vector_load %arg8[%get3A_1799, %get3A_1800] {strides = array<i32>} : memref<64x128xf32, #tpu.memory_space<vmem>>, vector<1x16xf32>,
      %get3A_1802 = vector.shape_cast %get3A_1801 : vector<1x16xf32> to vector<16xf32>
      %add3A_1803 = arith.addf %get3A_1794, %get3A_1802 : vector<16xf32>
      %swap3A_1804 = arith.index_cast %scan3A_1748 : i32 to index
      %swap3A_1805 = arith.constant 32 : index
      %swap3A_1806 = tpu.vector_load %arg10[%swap3A_1804, %swap3A_1805] {strides = array<i32>} : memref<32x64xf32, #tpu.memory_space<vmem>>, vector<1x16xf32>,
      %swap3A_1807 = vector.shape_cast %swap3A_1806 : vector<1x16xf32> to vector<16xf32>
      %swap3A_1808 = vector.shape_cast %add3A_1803 : vector<16xf32> to vector<1x16xf32>
      tpu.vector_store %arg10[%swap3A_1804, %swap3A_1805], %swap3A_1808 {strides = array<i32>} : memref<32x64xf32, #tpu.memory_space<vmem>>, vector<1x16xf32>,
      %mul3A_1809 = arith.constant 2 : i32
      %mul3A_1810 = arith.muli %mul3A_1809, %scan3A_1748 : i32
      %get3A_1811 = arith.index_cast %mul3A_1810 : i32 to index
      %get3A_1812 = arith.constant 48 : index
      %get3A_1813 = tpu.vector_load %arg8[%get3A_1811, %get3A_1812] {strides = array<i32>} : memref<64x128xf32, #tpu.memory_space<vmem>>, vector<1x16xf32>,
      %get3A_1814 = vector.shape_cast %get3A_1813 : vector<1x16xf32> to vector<16xf32>
      %mul3A_1815 = arith.constant 2 : i32
      %mul3A_1816 = arith.muli %mul3A_1815, %scan3A_1748 : i32
      %add3A_1817 = arith.constant 1 : i32
      %add3A_1818 = arith.addi %mul3A_1816, %add3A_1817 : i32
      %get3A_1819 = arith.index_cast %add3A_1818 : i32 to index
      %get3A_1820 = arith.constant 112 : index
      %get3A_1821 = tpu.vector_load %arg8[%get3A_1819, %get3A_1820] {strides = array<i32>} : memref<64x128xf32, #tpu.memory_space<vmem>>, vector<1x16xf32>,
      %get3A_1822 = vector.shape_cast %get3A_1821 : vector<1x16xf32> to vector<16xf32>
      %add3A_1823 = arith.addf %get3A_1814, %get3A_1822 : vector<16xf32>
      %swap3A_1824 = arith.index_cast %scan3A_1748 : i32 to index
      %swap3A_1825 = arith.constant 48 : index
      %swap3A_1826 = tpu.vector_load %arg10[%swap3A_1824, %swap3A_1825] {strides = array<i32>} : memref<32x64xf32, #tpu.memory_space<vmem>>, vector<1x16xf32>,
      %swap3A_1827 = vector.shape_cast %swap3A_1826 : vector<1x16xf32> to vector<16xf32>
      %swap3A_1828 = vector.shape_cast %add3A_1823 : vector<16xf32> to vector<1x16xf32>
      tpu.vector_store %arg10[%swap3A_1824, %swap3A_1825], %swap3A_1828 {strides = array<i32>} : memref<32x64xf32, #tpu.memory_space<vmem>>, vector<1x16xf32>,
      %scan3A_1829 = arith.constant 21 : i32
      %mul3A_1830 = arith.constant 2 : i32
      %mul3A_1831 = arith.muli %mul3A_1830, %scan3A_1829 : i32
      %get3A_1832 = arith.index_cast %mul3A_1831 : i32 to index
      %get3A_1833 = arith.constant 0 : index
      %get3A_1834 = tpu.vector_load %arg8[%get3A_1832, %get3A_1833] {strides = array<i32>} : memref<64x128xf32, #tpu.memory_space<vmem>>, vector<1x16xf32>,
      %get3A_1835 = vector.shape_cast %get3A_1834 : vector<1x16xf32> to vector<16xf32>
      %mul3A_1836 = arith.constant 2 : i32
      %mul3A_1837 = arith.muli %mul3A_1836, %scan3A_1829 : i32
      %add3A_1838 = arith.constant 1 : i32
      %add3A_1839 = arith.addi %mul3A_1837, %add3A_1838 : i32
      %get3A_1840 = arith.index_cast %add3A_1839 : i32 to index
      %get3A_1841 = arith.constant 64 : index
      %get3A_1842 = tpu.vector_load %arg8[%get3A_1840, %get3A_1841] {strides = array<i32>} : memref<64x128xf32, #tpu.memory_space<vmem>>, vector<1x16xf32>,
      %get3A_1843 = vector.shape_cast %get3A_1842 : vector<1x16xf32> to vector<16xf32>
      %add3A_1844 = arith.addf %get3A_1835, %get3A_1843 : vector<16xf32>
      %swap3A_1845 = arith.index_cast %scan3A_1829 : i32 to index
      %swap3A_1846 = arith.constant 0 : index
      %swap3A_1847 = tpu.vector_load %arg10[%swap3A_1845, %swap3A_1846] {strides = array<i32>} : memref<32x64xf32, #tpu.memory_space<vmem>>, vector<1x16xf32>,
      %swap3A_1848 = vector.shape_cast %swap3A_1847 : vector<1x16xf32> to vector<16xf32>
      %swap3A_1849 = vector.shape_cast %add3A_1844 : vector<16xf32> to vector<1x16xf32>
      tpu.vector_store %arg10[%swap3A_1845, %swap3A_1846], %swap3A_1849 {strides = array<i32>} : memref<32x64xf32, #tpu.memory_space<vmem>>, vector<1x16xf32>,
      %mul3A_1850 = arith.constant 2 : i32
      %mul3A_1851 = arith.muli %mul3A_1850, %scan3A_1829 : i32
      %get3A_1852 = arith.index_cast %mul3A_1851 : i32 to index
      %get3A_1853 = arith.constant 16 : index
      %get3A_1854 = tpu.vector_load %arg8[%get3A_1852, %get3A_1853] {strides = array<i32>} : memref<64x128xf32, #tpu.memory_space<vmem>>, vector<1x16xf32>,
      %get3A_1855 = vector.shape_cast %get3A_1854 : vector<1x16xf32> to vector<16xf32>
      %mul3A_1856 = arith.constant 2 : i32
      %mul3A_1857 = arith.muli %mul3A_1856, %scan3A_1829 : i32
      %add3A_1858 = arith.constant 1 : i32
      %add3A_1859 = arith.addi %mul3A_1857, %add3A_1858 : i32
      %get3A_1860 = arith.index_cast %add3A_1859 : i32 to index
      %get3A_1861 = arith.constant 80 : index
      %get3A_1862 = tpu.vector_load %arg8[%get3A_1860, %get3A_1861] {strides = array<i32>} : memref<64x128xf32, #tpu.memory_space<vmem>>, vector<1x16xf32>,
      %get3A_1863 = vector.shape_cast %get3A_1862 : vector<1x16xf32> to vector<16xf32>
      %add3A_1864 = arith.addf %get3A_1855, %get3A_1863 : vector<16xf32>
      %swap3A_1865 = arith.index_cast %scan3A_1829 : i32 to index
      %swap3A_1866 = arith.constant 16 : index
      %swap3A_1867 = tpu.vector_load %arg10[%swap3A_1865, %swap3A_1866] {strides = array<i32>} : memref<32x64xf32, #tpu.memory_space<vmem>>, vector<1x16xf32>,
      %swap3A_1868 = vector.shape_cast %swap3A_1867 : vector<1x16xf32> to vector<16xf32>
      %swap3A_1869 = vector.shape_cast %add3A_1864 : vector<16xf32> to vector<1x16xf32>
      tpu.vector_store %arg10[%swap3A_1865, %swap3A_1866], %swap3A_1869 {strides = array<i32>} : memref<32x64xf32, #tpu.memory_space<vmem>>, vector<1x16xf32>,
      %mul3A_1870 = arith.constant 2 : i32
      %mul3A_1871 = arith.muli %mul3A_1870, %scan3A_1829 : i32
      %get3A_1872 = arith.index_cast %mul3A_1871 : i32 to index
      %get3A_1873 = arith.constant 32 : index
      %get3A_1874 = tpu.vector_load %arg8[%get3A_1872, %get3A_1873] {strides = array<i32>} : memref<64x128xf32, #tpu.memory_space<vmem>>, vector<1x16xf32>,
      %get3A_1875 = vector.shape_cast %get3A_1874 : vector<1x16xf32> to vector<16xf32>
      %mul3A_1876 = arith.constant 2 : i32
      %mul3A_1877 = arith.muli %mul3A_1876, %scan3A_1829 : i32
      %add3A_1878 = arith.constant 1 : i32
      %add3A_1879 = arith.addi %mul3A_1877, %add3A_1878 : i32
      %get3A_1880 = arith.index_cast %add3A_1879 : i32 to index
      %get3A_1881 = arith.constant 96 : index
      %get3A_1882 = tpu.vector_load %arg8[%get3A_1880, %get3A_1881] {strides = array<i32>} : memref<64x128xf32, #tpu.memory_space<vmem>>, vector<1x16xf32>,
      %get3A_1883 = vector.shape_cast %get3A_1882 : vector<1x16xf32> to vector<16xf32>
      %add3A_1884 = arith.addf %get3A_1875, %get3A_1883 : vector<16xf32>
      %swap3A_1885 = arith.index_cast %scan3A_1829 : i32 to index
      %swap3A_1886 = arith.constant 32 : index
      %swap3A_1887 = tpu.vector_load %arg10[%swap3A_1885, %swap3A_1886] {strides = array<i32>} : memref<32x64xf32, #tpu.memory_space<vmem>>, vector<1x16xf32>,
      %swap3A_1888 = vector.shape_cast %swap3A_1887 : vector<1x16xf32> to vector<16xf32>
      %swap3A_1889 = vector.shape_cast %add3A_1884 : vector<16xf32> to vector<1x16xf32>
      tpu.vector_store %arg10[%swap3A_1885, %swap3A_1886], %swap3A_1889 {strides = array<i32>} : memref<32x64xf32, #tpu.memory_space<vmem>>, vector<1x16xf32>,
      %mul3A_1890 = arith.constant 2 : i32
      %mul3A_1891 = arith.muli %mul3A_1890, %scan3A_1829 : i32
      %get3A_1892 = arith.index_cast %mul3A_1891 : i32 to index
      %get3A_1893 = arith.constant 48 : index
      %get3A_1894 = tpu.vector_load %arg8[%get3A_1892, %get3A_1893] {strides = array<i32>} : memref<64x128xf32, #tpu.memory_space<vmem>>, vector<1x16xf32>,
      %get3A_1895 = vector.shape_cast %get3A_1894 : vector<1x16xf32> to vector<16xf32>
      %mul3A_1896 = arith.constant 2 : i32
      %mul3A_1897 = arith.muli %mul3A_1896, %scan3A_1829 : i32
      %add3A_1898 = arith.constant 1 : i32
      %add3A_1899 = arith.addi %mul3A_1897, %add3A_1898 : i32
      %get3A_1900 = arith.index_cast %add3A_1899 : i32 to index
      %get3A_1901 = arith.constant 112 : index
      %get3A_1902 = tpu.vector_load %arg8[%get3A_1900, %get3A_1901] {strides = array<i32>} : memref<64x128xf32, #tpu.memory_space<vmem>>, vector<1x16xf32>,
      %get3A_1903 = vector.shape_cast %get3A_1902 : vector<1x16xf32> to vector<16xf32>
      %add3A_1904 = arith.addf %get3A_1895, %get3A_1903 : vector<16xf32>
      %swap3A_1905 = arith.index_cast %scan3A_1829 : i32 to index
      %swap3A_1906 = arith.constant 48 : index
      %swap3A_1907 = tpu.vector_load %arg10[%swap3A_1905, %swap3A_1906] {strides = array<i32>} : memref<32x64xf32, #tpu.memory_space<vmem>>, vector<1x16xf32>,
      %swap3A_1908 = vector.shape_cast %swap3A_1907 : vector<1x16xf32> to vector<16xf32>
      %swap3A_1909 = vector.shape_cast %add3A_1904 : vector<16xf32> to vector<1x16xf32>
      tpu.vector_store %arg10[%swap3A_1905, %swap3A_1906], %swap3A_1909 {strides = array<i32>} : memref<32x64xf32, #tpu.memory_space<vmem>>, vector<1x16xf32>,
      %scan3A_1910 = arith.constant 22 : i32
      %mul3A_1911 = arith.constant 2 : i32
      %mul3A_1912 = arith.muli %mul3A_1911, %scan3A_1910 : i32
      %get3A_1913 = arith.index_cast %mul3A_1912 : i32 to index
      %get3A_1914 = arith.constant 0 : index
      %get3A_1915 = tpu.vector_load %arg8[%get3A_1913, %get3A_1914] {strides = array<i32>} : memref<64x128xf32, #tpu.memory_space<vmem>>, vector<1x16xf32>,
      %get3A_1916 = vector.shape_cast %get3A_1915 : vector<1x16xf32> to vector<16xf32>
      %mul3A_1917 = arith.constant 2 : i32
      %mul3A_1918 = arith.muli %mul3A_1917, %scan3A_1910 : i32
      %add3A_1919 = arith.constant 1 : i32
      %add3A_1920 = arith.addi %mul3A_1918, %add3A_1919 : i32
      %get3A_1921 = arith.index_cast %add3A_1920 : i32 to index
      %get3A_1922 = arith.constant 64 : index
      %get3A_1923 = tpu.vector_load %arg8[%get3A_1921, %get3A_1922] {strides = array<i32>} : memref<64x128xf32, #tpu.memory_space<vmem>>, vector<1x16xf32>,
      %get3A_1924 = vector.shape_cast %get3A_1923 : vector<1x16xf32> to vector<16xf32>
      %add3A_1925 = arith.addf %get3A_1916, %get3A_1924 : vector<16xf32>
      %swap3A_1926 = arith.index_cast %scan3A_1910 : i32 to index
      %swap3A_1927 = arith.constant 0 : index
      %swap3A_1928 = tpu.vector_load %arg10[%swap3A_1926, %swap3A_1927] {strides = array<i32>} : memref<32x64xf32, #tpu.memory_space<vmem>>, vector<1x16xf32>,
      %swap3A_1929 = vector.shape_cast %swap3A_1928 : vector<1x16xf32> to vector<16xf32>
      %swap3A_1930 = vector.shape_cast %add3A_1925 : vector<16xf32> to vector<1x16xf32>
      tpu.vector_store %arg10[%swap3A_1926, %swap3A_1927], %swap3A_1930 {strides = array<i32>} : memref<32x64xf32, #tpu.memory_space<vmem>>, vector<1x16xf32>,
      %mul3A_1931 = arith.constant 2 : i32
      %mul3A_1932 = arith.muli %mul3A_1931, %scan3A_1910 : i32
      %get3A_1933 = arith.index_cast %mul3A_1932 : i32 to index
      %get3A_1934 = arith.constant 16 : index
      %get3A_1935 = tpu.vector_load %arg8[%get3A_1933, %get3A_1934] {strides = array<i32>} : memref<64x128xf32, #tpu.memory_space<vmem>>, vector<1x16xf32>,
      %get3A_1936 = vector.shape_cast %get3A_1935 : vector<1x16xf32> to vector<16xf32>
      %mul3A_1937 = arith.constant 2 : i32
      %mul3A_1938 = arith.muli %mul3A_1937, %scan3A_1910 : i32
      %add3A_1939 = arith.constant 1 : i32
      %add3A_1940 = arith.addi %mul3A_1938, %add3A_1939 : i32
      %get3A_1941 = arith.index_cast %add3A_1940 : i32 to index
      %get3A_1942 = arith.constant 80 : index
      %get3A_1943 = tpu.vector_load %arg8[%get3A_1941, %get3A_1942] {strides = array<i32>} : memref<64x128xf32, #tpu.memory_space<vmem>>, vector<1x16xf32>,
      %get3A_1944 = vector.shape_cast %get3A_1943 : vector<1x16xf32> to vector<16xf32>
      %add3A_1945 = arith.addf %get3A_1936, %get3A_1944 : vector<16xf32>
      %swap3A_1946 = arith.index_cast %scan3A_1910 : i32 to index
      %swap3A_1947 = arith.constant 16 : index
      %swap3A_1948 = tpu.vector_load %arg10[%swap3A_1946, %swap3A_1947] {strides = array<i32>} : memref<32x64xf32, #tpu.memory_space<vmem>>, vector<1x16xf32>,
      %swap3A_1949 = vector.shape_cast %swap3A_1948 : vector<1x16xf32> to vector<16xf32>
      %swap3A_1950 = vector.shape_cast %add3A_1945 : vector<16xf32> to vector<1x16xf32>
      tpu.vector_store %arg10[%swap3A_1946, %swap3A_1947], %swap3A_1950 {strides = array<i32>} : memref<32x64xf32, #tpu.memory_space<vmem>>, vector<1x16xf32>,
      %mul3A_1951 = arith.constant 2 : i32
      %mul3A_1952 = arith.muli %mul3A_1951, %scan3A_1910 : i32
      %get3A_1953 = arith.index_cast %mul3A_1952 : i32 to index
      %get3A_1954 = arith.constant 32 : index
      %get3A_1955 = tpu.vector_load %arg8[%get3A_1953, %get3A_1954] {strides = array<i32>} : memref<64x128xf32, #tpu.memory_space<vmem>>, vector<1x16xf32>,
      %get3A_1956 = vector.shape_cast %get3A_1955 : vector<1x16xf32> to vector<16xf32>
      %mul3A_1957 = arith.constant 2 : i32
      %mul3A_1958 = arith.muli %mul3A_1957, %scan3A_1910 : i32
      %add3A_1959 = arith.constant 1 : i32
      %add3A_1960 = arith.addi %mul3A_1958, %add3A_1959 : i32
      %get3A_1961 = arith.index_cast %add3A_1960 : i32 to index
      %get3A_1962 = arith.constant 96 : index
      %get3A_1963 = tpu.vector_load %arg8[%get3A_1961, %get3A_1962] {strides = array<i32>} : memref<64x128xf32, #tpu.memory_space<vmem>>, vector<1x16xf32>,
      %get3A_1964 = vector.shape_cast %get3A_1963 : vector<1x16xf32> to vector<16xf32>
      %add3A_1965 = arith.addf %get3A_1956, %get3A_1964 : vector<16xf32>
      %swap3A_1966 = arith.index_cast %scan3A_1910 : i32 to index
      %swap3A_1967 = arith.constant 32 : index
      %swap3A_1968 = tpu.vector_load %arg10[%swap3A_1966, %swap3A_1967] {strides = array<i32>} : memref<32x64xf32, #tpu.memory_space<vmem>>, vector<1x16xf32>,
      %swap3A_1969 = vector.shape_cast %swap3A_1968 : vector<1x16xf32> to vector<16xf32>
      %swap3A_1970 = vector.shape_cast %add3A_1965 : vector<16xf32> to vector<1x16xf32>
      tpu.vector_store %arg10[%swap3A_1966, %swap3A_1967], %swap3A_1970 {strides = array<i32>} : memref<32x64xf32, #tpu.memory_space<vmem>>, vector<1x16xf32>,
      %mul3A_1971 = arith.constant 2 : i32
      %mul3A_1972 = arith.muli %mul3A_1971, %scan3A_1910 : i32
      %get3A_1973 = arith.index_cast %mul3A_1972 : i32 to index
      %get3A_1974 = arith.constant 48 : index
      %get3A_1975 = tpu.vector_load %arg8[%get3A_1973, %get3A_1974] {strides = array<i32>} : memref<64x128xf32, #tpu.memory_space<vmem>>, vector<1x16xf32>,
      %get3A_1976 = vector.shape_cast %get3A_1975 : vector<1x16xf32> to vector<16xf32>
      %mul3A_1977 = arith.constant 2 : i32
      %mul3A_1978 = arith.muli %mul3A_1977, %scan3A_1910 : i32
      %add3A_1979 = arith.constant 1 : i32
      %add3A_1980 = arith.addi %mul3A_1978, %add3A_1979 : i32
      %get3A_1981 = arith.index_cast %add3A_1980 : i32 to index
      %get3A_1982 = arith.constant 112 : index
      %get3A_1983 = tpu.vector_load %arg8[%get3A_1981, %get3A_1982] {strides = array<i32>} : memref<64x128xf32, #tpu.memory_space<vmem>>, vector<1x16xf32>,
      %get3A_1984 = vector.shape_cast %get3A_1983 : vector<1x16xf32> to vector<16xf32>
      %add3A_1985 = arith.addf %get3A_1976, %get3A_1984 : vector<16xf32>
      %swap3A_1986 = arith.index_cast %scan3A_1910 : i32 to index
      %swap3A_1987 = arith.constant 48 : index
      %swap3A_1988 = tpu.vector_load %arg10[%swap3A_1986, %swap3A_1987] {strides = array<i32>} : memref<32x64xf32, #tpu.memory_space<vmem>>, vector<1x16xf32>,
      %swap3A_1989 = vector.shape_cast %swap3A_1988 : vector<1x16xf32> to vector<16xf32>
      %swap3A_1990 = vector.shape_cast %add3A_1985 : vector<16xf32> to vector<1x16xf32>
      tpu.vector_store %arg10[%swap3A_1986, %swap3A_1987], %swap3A_1990 {strides = array<i32>} : memref<32x64xf32, #tpu.memory_space<vmem>>, vector<1x16xf32>,
      %scan3A_1991 = arith.constant 23 : i32
      %mul3A_1992 = arith.constant 2 : i32
      %mul3A_1993 = arith.muli %mul3A_1992, %scan3A_1991 : i32
      %get3A_1994 = arith.index_cast %mul3A_1993 : i32 to index
      %get3A_1995 = arith.constant 0 : index
      %get3A_1996 = tpu.vector_load %arg8[%get3A_1994, %get3A_1995] {strides = array<i32>} : memref<64x128xf32, #tpu.memory_space<vmem>>, vector<1x16xf32>,
      %get3A_1997 = vector.shape_cast %get3A_1996 : vector<1x16xf32> to vector<16xf32>
      %mul3A_1998 = arith.constant 2 : i32
      %mul3A_1999 = arith.muli %mul3A_1998, %scan3A_1991 : i32
      %add3A_2000 = arith.constant 1 : i32
      %add3A_2001 = arith.addi %mul3A_1999, %add3A_2000 : i32
      %get3A_2002 = arith.index_cast %add3A_2001 : i32 to index
      %get3A_2003 = arith.constant 64 : index
      %get3A_2004 = tpu.vector_load %arg8[%get3A_2002, %get3A_2003] {strides = array<i32>} : memref<64x128xf32, #tpu.memory_space<vmem>>, vector<1x16xf32>,
      %get3A_2005 = vector.shape_cast %get3A_2004 : vector<1x16xf32> to vector<16xf32>
      %add3A_2006 = arith.addf %get3A_1997, %get3A_2005 : vector<16xf32>
      %swap3A_2007 = arith.index_cast %scan3A_1991 : i32 to index
      %swap3A_2008 = arith.constant 0 : index
      %swap3A_2009 = tpu.vector_load %arg10[%swap3A_2007, %swap3A_2008] {strides = array<i32>} : memref<32x64xf32, #tpu.memory_space<vmem>>, vector<1x16xf32>,
      %swap3A_2010 = vector.shape_cast %swap3A_2009 : vector<1x16xf32> to vector<16xf32>
      %swap3A_2011 = vector.shape_cast %add3A_2006 : vector<16xf32> to vector<1x16xf32>
      tpu.vector_store %arg10[%swap3A_2007, %swap3A_2008], %swap3A_2011 {strides = array<i32>} : memref<32x64xf32, #tpu.memory_space<vmem>>, vector<1x16xf32>,
      %mul3A_2012 = arith.constant 2 : i32
      %mul3A_2013 = arith.muli %mul3A_2012, %scan3A_1991 : i32
      %get3A_2014 = arith.index_cast %mul3A_2013 : i32 to index
      %get3A_2015 = arith.constant 16 : index
      %get3A_2016 = tpu.vector_load %arg8[%get3A_2014, %get3A_2015] {strides = array<i32>} : memref<64x128xf32, #tpu.memory_space<vmem>>, vector<1x16xf32>,
      %get3A_2017 = vector.shape_cast %get3A_2016 : vector<1x16xf32> to vector<16xf32>
      %mul3A_2018 = arith.constant 2 : i32
      %mul3A_2019 = arith.muli %mul3A_2018, %scan3A_1991 : i32
      %add3A_2020 = arith.constant 1 : i32
      %add3A_2021 = arith.addi %mul3A_2019, %add3A_2020 : i32
      %get3A_2022 = arith.index_cast %add3A_2021 : i32 to index
      %get3A_2023 = arith.constant 80 : index
      %get3A_2024 = tpu.vector_load %arg8[%get3A_2022, %get3A_2023] {strides = array<i32>} : memref<64x128xf32, #tpu.memory_space<vmem>>, vector<1x16xf32>,
      %get3A_2025 = vector.shape_cast %get3A_2024 : vector<1x16xf32> to vector<16xf32>
      %add3A_2026 = arith.addf %get3A_2017, %get3A_2025 : vector<16xf32>
      %swap3A_2027 = arith.index_cast %scan3A_1991 : i32 to index
      %swap3A_2028 = arith.constant 16 : index
      %swap3A_2029 = tpu.vector_load %arg10[%swap3A_2027, %swap3A_2028] {strides = array<i32>} : memref<32x64xf32, #tpu.memory_space<vmem>>, vector<1x16xf32>,
      %swap3A_2030 = vector.shape_cast %swap3A_2029 : vector<1x16xf32> to vector<16xf32>
      %swap3A_2031 = vector.shape_cast %add3A_2026 : vector<16xf32> to vector<1x16xf32>
      tpu.vector_store %arg10[%swap3A_2027, %swap3A_2028], %swap3A_2031 {strides = array<i32>} : memref<32x64xf32, #tpu.memory_space<vmem>>, vector<1x16xf32>,
      %mul3A_2032 = arith.constant 2 : i32
      %mul3A_2033 = arith.muli %mul3A_2032, %scan3A_1991 : i32
      %get3A_2034 = arith.index_cast %mul3A_2033 : i32 to index
      %get3A_2035 = arith.constant 32 : index
      %get3A_2036 = tpu.vector_load %arg8[%get3A_2034, %get3A_2035] {strides = array<i32>} : memref<64x128xf32, #tpu.memory_space<vmem>>, vector<1x16xf32>,
      %get3A_2037 = vector.shape_cast %get3A_2036 : vector<1x16xf32> to vector<16xf32>
      %mul3A_2038 = arith.constant 2 : i32
      %mul3A_2039 = arith.muli %mul3A_2038, %scan3A_1991 : i32
      %add3A_2040 = arith.constant 1 : i32
      %add3A_2041 = arith.addi %mul3A_2039, %add3A_2040 : i32
      %get3A_2042 = arith.index_cast %add3A_2041 : i32 to index
      %get3A_2043 = arith.constant 96 : index
      %get3A_2044 = tpu.vector_load %arg8[%get3A_2042, %get3A_2043] {strides = array<i32>} : memref<64x128xf32, #tpu.memory_space<vmem>>, vector<1x16xf32>,
      %get3A_2045 = vector.shape_cast %get3A_2044 : vector<1x16xf32> to vector<16xf32>
      %add3A_2046 = arith.addf %get3A_2037, %get3A_2045 : vector<16xf32>
      %swap3A_2047 = arith.index_cast %scan3A_1991 : i32 to index
      %swap3A_2048 = arith.constant 32 : index
      %swap3A_2049 = tpu.vector_load %arg10[%swap3A_2047, %swap3A_2048] {strides = array<i32>} : memref<32x64xf32, #tpu.memory_space<vmem>>, vector<1x16xf32>,
      %swap3A_2050 = vector.shape_cast %swap3A_2049 : vector<1x16xf32> to vector<16xf32>
      %swap3A_2051 = vector.shape_cast %add3A_2046 : vector<16xf32> to vector<1x16xf32>
      tpu.vector_store %arg10[%swap3A_2047, %swap3A_2048], %swap3A_2051 {strides = array<i32>} : memref<32x64xf32, #tpu.memory_space<vmem>>, vector<1x16xf32>,
      %mul3A_2052 = arith.constant 2 : i32
      %mul3A_2053 = arith.muli %mul3A_2052, %scan3A_1991 : i32
      %get3A_2054 = arith.index_cast %mul3A_2053 : i32 to index
      %get3A_2055 = arith.constant 48 : index
      %get3A_2056 = tpu.vector_load %arg8[%get3A_2054, %get3A_2055] {strides = array<i32>} : memref<64x128xf32, #tpu.memory_space<vmem>>, vector<1x16xf32>,
      %get3A_2057 = vector.shape_cast %get3A_2056 : vector<1x16xf32> to vector<16xf32>
      %mul3A_2058 = arith.constant 2 : i32
      %mul3A_2059 = arith.muli %mul3A_2058, %scan3A_1991 : i32
      %add3A_2060 = arith.constant 1 : i32
      %add3A_2061 = arith.addi %mul3A_2059, %add3A_2060 : i32
      %get3A_2062 = arith.index_cast %add3A_2061 : i32 to index
      %get3A_2063 = arith.constant 112 : index
      %get3A_2064 = tpu.vector_load %arg8[%get3A_2062, %get3A_2063] {strides = array<i32>} : memref<64x128xf32, #tpu.memory_space<vmem>>, vector<1x16xf32>,
      %get3A_2065 = vector.shape_cast %get3A_2064 : vector<1x16xf32> to vector<16xf32>
      %add3A_2066 = arith.addf %get3A_2057, %get3A_2065 : vector<16xf32>
      %swap3A_2067 = arith.index_cast %scan3A_1991 : i32 to index
      %swap3A_2068 = arith.constant 48 : index
      %swap3A_2069 = tpu.vector_load %arg10[%swap3A_2067, %swap3A_2068] {strides = array<i32>} : memref<32x64xf32, #tpu.memory_space<vmem>>, vector<1x16xf32>,
      %swap3A_2070 = vector.shape_cast %swap3A_2069 : vector<1x16xf32> to vector<16xf32>
      %swap3A_2071 = vector.shape_cast %add3A_2066 : vector<16xf32> to vector<1x16xf32>
      tpu.vector_store %arg10[%swap3A_2067, %swap3A_2068], %swap3A_2071 {strides = array<i32>} : memref<32x64xf32, #tpu.memory_space<vmem>>, vector<1x16xf32>,
      %scan3A_2072 = arith.constant 24 : i32
      %mul3A_2073 = arith.constant 2 : i32
      %mul3A_2074 = arith.muli %mul3A_2073, %scan3A_2072 : i32
      %get3A_2075 = arith.index_cast %mul3A_2074 : i32 to index
      %get3A_2076 = arith.constant 0 : index
      %get3A_2077 = tpu.vector_load %arg8[%get3A_2075, %get3A_2076] {strides = array<i32>} : memref<64x128xf32, #tpu.memory_space<vmem>>, vector<1x16xf32>,
      %get3A_2078 = vector.shape_cast %get3A_2077 : vector<1x16xf32> to vector<16xf32>
      %mul3A_2079 = arith.constant 2 : i32
      %mul3A_2080 = arith.muli %mul3A_2079, %scan3A_2072 : i32
      %add3A_2081 = arith.constant 1 : i32
      %add3A_2082 = arith.addi %mul3A_2080, %add3A_2081 : i32
      %get3A_2083 = arith.index_cast %add3A_2082 : i32 to index
      %get3A_2084 = arith.constant 64 : index
      %get3A_2085 = tpu.vector_load %arg8[%get3A_2083, %get3A_2084] {strides = array<i32>} : memref<64x128xf32, #tpu.memory_space<vmem>>, vector<1x16xf32>,
      %get3A_2086 = vector.shape_cast %get3A_2085 : vector<1x16xf32> to vector<16xf32>
      %add3A_2087 = arith.addf %get3A_2078, %get3A_2086 : vector<16xf32>
      %swap3A_2088 = arith.index_cast %scan3A_2072 : i32 to index
      %swap3A_2089 = arith.constant 0 : index
      %swap3A_2090 = tpu.vector_load %arg10[%swap3A_2088, %swap3A_2089] {strides = array<i32>} : memref<32x64xf32, #tpu.memory_space<vmem>>, vector<1x16xf32>,
      %swap3A_2091 = vector.shape_cast %swap3A_2090 : vector<1x16xf32> to vector<16xf32>
      %swap3A_2092 = vector.shape_cast %add3A_2087 : vector<16xf32> to vector<1x16xf32>
      tpu.vector_store %arg10[%swap3A_2088, %swap3A_2089], %swap3A_2092 {strides = array<i32>} : memref<32x64xf32, #tpu.memory_space<vmem>>, vector<1x16xf32>,
      %mul3A_2093 = arith.constant 2 : i32
      %mul3A_2094 = arith.muli %mul3A_2093, %scan3A_2072 : i32
      %get3A_2095 = arith.index_cast %mul3A_2094 : i32 to index
      %get3A_2096 = arith.constant 16 : index
      %get3A_2097 = tpu.vector_load %arg8[%get3A_2095, %get3A_2096] {strides = array<i32>} : memref<64x128xf32, #tpu.memory_space<vmem>>, vector<1x16xf32>,
      %get3A_2098 = vector.shape_cast %get3A_2097 : vector<1x16xf32> to vector<16xf32>
      %mul3A_2099 = arith.constant 2 : i32
      %mul3A_2100 = arith.muli %mul3A_2099, %scan3A_2072 : i32
      %add3A_2101 = arith.constant 1 : i32
      %add3A_2102 = arith.addi %mul3A_2100, %add3A_2101 : i32
      %get3A_2103 = arith.index_cast %add3A_2102 : i32 to index
      %get3A_2104 = arith.constant 80 : index
      %get3A_2105 = tpu.vector_load %arg8[%get3A_2103, %get3A_2104] {strides = array<i32>} : memref<64x128xf32, #tpu.memory_space<vmem>>, vector<1x16xf32>,
      %get3A_2106 = vector.shape_cast %get3A_2105 : vector<1x16xf32> to vector<16xf32>
      %add3A_2107 = arith.addf %get3A_2098, %get3A_2106 : vector<16xf32>
      %swap3A_2108 = arith.index_cast %scan3A_2072 : i32 to index
      %swap3A_2109 = arith.constant 16 : index
      %swap3A_2110 = tpu.vector_load %arg10[%swap3A_2108, %swap3A_2109] {strides = array<i32>} : memref<32x64xf32, #tpu.memory_space<vmem>>, vector<1x16xf32>,
      %swap3A_2111 = vector.shape_cast %swap3A_2110 : vector<1x16xf32> to vector<16xf32>
      %swap3A_2112 = vector.shape_cast %add3A_2107 : vector<16xf32> to vector<1x16xf32>
      tpu.vector_store %arg10[%swap3A_2108, %swap3A_2109], %swap3A_2112 {strides = array<i32>} : memref<32x64xf32, #tpu.memory_space<vmem>>, vector<1x16xf32>,
      %mul3A_2113 = arith.constant 2 : i32
      %mul3A_2114 = arith.muli %mul3A_2113, %scan3A_2072 : i32
      %get3A_2115 = arith.index_cast %mul3A_2114 : i32 to index
      %get3A_2116 = arith.constant 32 : index
      %get3A_2117 = tpu.vector_load %arg8[%get3A_2115, %get3A_2116] {strides = array<i32>} : memref<64x128xf32, #tpu.memory_space<vmem>>, vector<1x16xf32>,
      %get3A_2118 = vector.shape_cast %get3A_2117 : vector<1x16xf32> to vector<16xf32>
      %mul3A_2119 = arith.constant 2 : i32
      %mul3A_2120 = arith.muli %mul3A_2119, %scan3A_2072 : i32
      %add3A_2121 = arith.constant 1 : i32
      %add3A_2122 = arith.addi %mul3A_2120, %add3A_2121 : i32
      %get3A_2123 = arith.index_cast %add3A_2122 : i32 to index
      %get3A_2124 = arith.constant 96 : index
      %get3A_2125 = tpu.vector_load %arg8[%get3A_2123, %get3A_2124] {strides = array<i32>} : memref<64x128xf32, #tpu.memory_space<vmem>>, vector<1x16xf32>,
      %get3A_2126 = vector.shape_cast %get3A_2125 : vector<1x16xf32> to vector<16xf32>
      %add3A_2127 = arith.addf %get3A_2118, %get3A_2126 : vector<16xf32>
      %swap3A_2128 = arith.index_cast %scan3A_2072 : i32 to index
      %swap3A_2129 = arith.constant 32 : index
      %swap3A_2130 = tpu.vector_load %arg10[%swap3A_2128, %swap3A_2129] {strides = array<i32>} : memref<32x64xf32, #tpu.memory_space<vmem>>, vector<1x16xf32>,
      %swap3A_2131 = vector.shape_cast %swap3A_2130 : vector<1x16xf32> to vector<16xf32>
      %swap3A_2132 = vector.shape_cast %add3A_2127 : vector<16xf32> to vector<1x16xf32>
      tpu.vector_store %arg10[%swap3A_2128, %swap3A_2129], %swap3A_2132 {strides = array<i32>} : memref<32x64xf32, #tpu.memory_space<vmem>>, vector<1x16xf32>,
      %mul3A_2133 = arith.constant 2 : i32
      %mul3A_2134 = arith.muli %mul3A_2133, %scan3A_2072 : i32
      %get3A_2135 = arith.index_cast %mul3A_2134 : i32 to index
      %get3A_2136 = arith.constant 48 : index
      %get3A_2137 = tpu.vector_load %arg8[%get3A_2135, %get3A_2136] {strides = array<i32>} : memref<64x128xf32, #tpu.memory_space<vmem>>, vector<1x16xf32>,
      %get3A_2138 = vector.shape_cast %get3A_2137 : vector<1x16xf32> to vector<16xf32>
      %mul3A_2139 = arith.constant 2 : i32
      %mul3A_2140 = arith.muli %mul3A_2139, %scan3A_2072 : i32
      %add3A_2141 = arith.constant 1 : i32
      %add3A_2142 = arith.addi %mul3A_2140, %add3A_2141 : i32
      %get3A_2143 = arith.index_cast %add3A_2142 : i32 to index
      %get3A_2144 = arith.constant 112 : index
      %get3A_2145 = tpu.vector_load %arg8[%get3A_2143, %get3A_2144] {strides = array<i32>} : memref<64x128xf32, #tpu.memory_space<vmem>>, vector<1x16xf32>,
      %get3A_2146 = vector.shape_cast %get3A_2145 : vector<1x16xf32> to vector<16xf32>
      %add3A_2147 = arith.addf %get3A_2138, %get3A_2146 : vector<16xf32>
      %swap3A_2148 = arith.index_cast %scan3A_2072 : i32 to index
      %swap3A_2149 = arith.constant 48 : index
      %swap3A_2150 = tpu.vector_load %arg10[%swap3A_2148, %swap3A_2149] {strides = array<i32>} : memref<32x64xf32, #tpu.memory_space<vmem>>, vector<1x16xf32>,
      %swap3A_2151 = vector.shape_cast %swap3A_2150 : vector<1x16xf32> to vector<16xf32>
      %swap3A_2152 = vector.shape_cast %add3A_2147 : vector<16xf32> to vector<1x16xf32>
      tpu.vector_store %arg10[%swap3A_2148, %swap3A_2149], %swap3A_2152 {strides = array<i32>} : memref<32x64xf32, #tpu.memory_space<vmem>>, vector<1x16xf32>,
      %scan3A_2153 = arith.constant 25 : i32
      %mul3A_2154 = arith.constant 2 : i32
      %mul3A_2155 = arith.muli %mul3A_2154, %scan3A_2153 : i32
      %get3A_2156 = arith.index_cast %mul3A_2155 : i32 to index
      %get3A_2157 = arith.constant 0 : index
      %get3A_2158 = tpu.vector_load %arg8[%get3A_2156, %get3A_2157] {strides = array<i32>} : memref<64x128xf32, #tpu.memory_space<vmem>>, vector<1x16xf32>,
      %get3A_2159 = vector.shape_cast %get3A_2158 : vector<1x16xf32> to vector<16xf32>
      %mul3A_2160 = arith.constant 2 : i32
      %mul3A_2161 = arith.muli %mul3A_2160, %scan3A_2153 : i32
      %add3A_2162 = arith.constant 1 : i32
      %add3A_2163 = arith.addi %mul3A_2161, %add3A_2162 : i32
      %get3A_2164 = arith.index_cast %add3A_2163 : i32 to index
      %get3A_2165 = arith.constant 64 : index
      %get3A_2166 = tpu.vector_load %arg8[%get3A_2164, %get3A_2165] {strides = array<i32>} : memref<64x128xf32, #tpu.memory_space<vmem>>, vector<1x16xf32>,
      %get3A_2167 = vector.shape_cast %get3A_2166 : vector<1x16xf32> to vector<16xf32>
      %add3A_2168 = arith.addf %get3A_2159, %get3A_2167 : vector<16xf32>
      %swap3A_2169 = arith.index_cast %scan3A_2153 : i32 to index
      %swap3A_2170 = arith.constant 0 : index
      %swap3A_2171 = tpu.vector_load %arg10[%swap3A_2169, %swap3A_2170] {strides = array<i32>} : memref<32x64xf32, #tpu.memory_space<vmem>>, vector<1x16xf32>,
      %swap3A_2172 = vector.shape_cast %swap3A_2171 : vector<1x16xf32> to vector<16xf32>
      %swap3A_2173 = vector.shape_cast %add3A_2168 : vector<16xf32> to vector<1x16xf32>
      tpu.vector_store %arg10[%swap3A_2169, %swap3A_2170], %swap3A_2173 {strides = array<i32>} : memref<32x64xf32, #tpu.memory_space<vmem>>, vector<1x16xf32>,
      %mul3A_2174 = arith.constant 2 : i32
      %mul3A_2175 = arith.muli %mul3A_2174, %scan3A_2153 : i32
      %get3A_2176 = arith.index_cast %mul3A_2175 : i32 to index
      %get3A_2177 = arith.constant 16 : index
      %get3A_2178 = tpu.vector_load %arg8[%get3A_2176, %get3A_2177] {strides = array<i32>} : memref<64x128xf32, #tpu.memory_space<vmem>>, vector<1x16xf32>,
      %get3A_2179 = vector.shape_cast %get3A_2178 : vector<1x16xf32> to vector<16xf32>
      %mul3A_2180 = arith.constant 2 : i32
      %mul3A_2181 = arith.muli %mul3A_2180, %scan3A_2153 : i32
      %add3A_2182 = arith.constant 1 : i32
      %add3A_2183 = arith.addi %mul3A_2181, %add3A_2182 : i32
      %get3A_2184 = arith.index_cast %add3A_2183 : i32 to index
      %get3A_2185 = arith.constant 80 : index
      %get3A_2186 = tpu.vector_load %arg8[%get3A_2184, %get3A_2185] {strides = array<i32>} : memref<64x128xf32, #tpu.memory_space<vmem>>, vector<1x16xf32>,
      %get3A_2187 = vector.shape_cast %get3A_2186 : vector<1x16xf32> to vector<16xf32>
      %add3A_2188 = arith.addf %get3A_2179, %get3A_2187 : vector<16xf32>
      %swap3A_2189 = arith.index_cast %scan3A_2153 : i32 to index
      %swap3A_2190 = arith.constant 16 : index
      %swap3A_2191 = tpu.vector_load %arg10[%swap3A_2189, %swap3A_2190] {strides = array<i32>} : memref<32x64xf32, #tpu.memory_space<vmem>>, vector<1x16xf32>,
      %swap3A_2192 = vector.shape_cast %swap3A_2191 : vector<1x16xf32> to vector<16xf32>
      %swap3A_2193 = vector.shape_cast %add3A_2188 : vector<16xf32> to vector<1x16xf32>
      tpu.vector_store %arg10[%swap3A_2189, %swap3A_2190], %swap3A_2193 {strides = array<i32>} : memref<32x64xf32, #tpu.memory_space<vmem>>, vector<1x16xf32>,
      %mul3A_2194 = arith.constant 2 : i32
      %mul3A_2195 = arith.muli %mul3A_2194, %scan3A_2153 : i32
      %get3A_2196 = arith.index_cast %mul3A_2195 : i32 to index
      %get3A_2197 = arith.constant 32 : index
      %get3A_2198 = tpu.vector_load %arg8[%get3A_2196, %get3A_2197] {strides = array<i32>} : memref<64x128xf32, #tpu.memory_space<vmem>>, vector<1x16xf32>,
      %get3A_2199 = vector.shape_cast %get3A_2198 : vector<1x16xf32> to vector<16xf32>
      %mul3A_2200 = arith.constant 2 : i32
      %mul3A_2201 = arith.muli %mul3A_2200, %scan3A_2153 : i32
      %add3A_2202 = arith.constant 1 : i32
      %add3A_2203 = arith.addi %mul3A_2201, %add3A_2202 : i32
      %get3A_2204 = arith.index_cast %add3A_2203 : i32 to index
      %get3A_2205 = arith.constant 96 : index
      %get3A_2206 = tpu.vector_load %arg8[%get3A_2204, %get3A_2205] {strides = array<i32>} : memref<64x128xf32, #tpu.memory_space<vmem>>, vector<1x16xf32>,
      %get3A_2207 = vector.shape_cast %get3A_2206 : vector<1x16xf32> to vector<16xf32>
      %add3A_2208 = arith.addf %get3A_2199, %get3A_2207 : vector<16xf32>
      %swap3A_2209 = arith.index_cast %scan3A_2153 : i32 to index
      %swap3A_2210 = arith.constant 32 : index
      %swap3A_2211 = tpu.vector_load %arg10[%swap3A_2209, %swap3A_2210] {strides = array<i32>} : memref<32x64xf32, #tpu.memory_space<vmem>>, vector<1x16xf32>,
      %swap3A_2212 = vector.shape_cast %swap3A_2211 : vector<1x16xf32> to vector<16xf32>
      %swap3A_2213 = vector.shape_cast %add3A_2208 : vector<16xf32> to vector<1x16xf32>
      tpu.vector_store %arg10[%swap3A_2209, %swap3A_2210], %swap3A_2213 {strides = array<i32>} : memref<32x64xf32, #tpu.memory_space<vmem>>, vector<1x16xf32>,
      %mul3A_2214 = arith.constant 2 : i32
      %mul3A_2215 = arith.muli %mul3A_2214, %scan3A_2153 : i32
      %get3A_2216 = arith.index_cast %mul3A_2215 : i32 to index
      %get3A_2217 = arith.constant 48 : index
      %get3A_2218 = tpu.vector_load %arg8[%get3A_2216, %get3A_2217] {strides = array<i32>} : memref<64x128xf32, #tpu.memory_space<vmem>>, vector<1x16xf32>,
      %get3A_2219 = vector.shape_cast %get3A_2218 : vector<1x16xf32> to vector<16xf32>
      %mul3A_2220 = arith.constant 2 : i32
      %mul3A_2221 = arith.muli %mul3A_2220, %scan3A_2153 : i32
      %add3A_2222 = arith.constant 1 : i32
      %add3A_2223 = arith.addi %mul3A_2221, %add3A_2222 : i32
      %get3A_2224 = arith.index_cast %add3A_2223 : i32 to index
      %get3A_2225 = arith.constant 112 : index
      %get3A_2226 = tpu.vector_load %arg8[%get3A_2224, %get3A_2225] {strides = array<i32>} : memref<64x128xf32, #tpu.memory_space<vmem>>, vector<1x16xf32>,
      %get3A_2227 = vector.shape_cast %get3A_2226 : vector<1x16xf32> to vector<16xf32>
      %add3A_2228 = arith.addf %get3A_2219, %get3A_2227 : vector<16xf32>
      %swap3A_2229 = arith.index_cast %scan3A_2153 : i32 to index
      %swap3A_2230 = arith.constant 48 : index
      %swap3A_2231 = tpu.vector_load %arg10[%swap3A_2229, %swap3A_2230] {strides = array<i32>} : memref<32x64xf32, #tpu.memory_space<vmem>>, vector<1x16xf32>,
      %swap3A_2232 = vector.shape_cast %swap3A_2231 : vector<1x16xf32> to vector<16xf32>
      %swap3A_2233 = vector.shape_cast %add3A_2228 : vector<16xf32> to vector<1x16xf32>
      tpu.vector_store %arg10[%swap3A_2229, %swap3A_2230], %swap3A_2233 {strides = array<i32>} : memref<32x64xf32, #tpu.memory_space<vmem>>, vector<1x16xf32>,
      %scan3A_2234 = arith.constant 26 : i32
      %mul3A_2235 = arith.constant 2 : i32
      %mul3A_2236 = arith.muli %mul3A_2235, %scan3A_2234 : i32
      %get3A_2237 = arith.index_cast %mul3A_2236 : i32 to index
      %get3A_2238 = arith.constant 0 : index
      %get3A_2239 = tpu.vector_load %arg8[%get3A_2237, %get3A_2238] {strides = array<i32>} : memref<64x128xf32, #tpu.memory_space<vmem>>, vector<1x16xf32>,
      %get3A_2240 = vector.shape_cast %get3A_2239 : vector<1x16xf32> to vector<16xf32>
      %mul3A_2241 = arith.constant 2 : i32
      %mul3A_2242 = arith.muli %mul3A_2241, %scan3A_2234 : i32
      %add3A_2243 = arith.constant 1 : i32
      %add3A_2244 = arith.addi %mul3A_2242, %add3A_2243 : i32
      %get3A_2245 = arith.index_cast %add3A_2244 : i32 to index
      %get3A_2246 = arith.constant 64 : index
      %get3A_2247 = tpu.vector_load %arg8[%get3A_2245, %get3A_2246] {strides = array<i32>} : memref<64x128xf32, #tpu.memory_space<vmem>>, vector<1x16xf32>,
      %get3A_2248 = vector.shape_cast %get3A_2247 : vector<1x16xf32> to vector<16xf32>
      %add3A_2249 = arith.addf %get3A_2240, %get3A_2248 : vector<16xf32>
      %swap3A_2250 = arith.index_cast %scan3A_2234 : i32 to index
      %swap3A_2251 = arith.constant 0 : index
      %swap3A_2252 = tpu.vector_load %arg10[%swap3A_2250, %swap3A_2251] {strides = array<i32>} : memref<32x64xf32, #tpu.memory_space<vmem>>, vector<1x16xf32>,
      %swap3A_2253 = vector.shape_cast %swap3A_2252 : vector<1x16xf32> to vector<16xf32>
      %swap3A_2254 = vector.shape_cast %add3A_2249 : vector<16xf32> to vector<1x16xf32>
      tpu.vector_store %arg10[%swap3A_2250, %swap3A_2251], %swap3A_2254 {strides = array<i32>} : memref<32x64xf32, #tpu.memory_space<vmem>>, vector<1x16xf32>,
      %mul3A_2255 = arith.constant 2 : i32
      %mul3A_2256 = arith.muli %mul3A_2255, %scan3A_2234 : i32
      %get3A_2257 = arith.index_cast %mul3A_2256 : i32 to index
      %get3A_2258 = arith.constant 16 : index
      %get3A_2259 = tpu.vector_load %arg8[%get3A_2257, %get3A_2258] {strides = array<i32>} : memref<64x128xf32, #tpu.memory_space<vmem>>, vector<1x16xf32>,
      %get3A_2260 = vector.shape_cast %get3A_2259 : vector<1x16xf32> to vector<16xf32>
      %mul3A_2261 = arith.constant 2 : i32
      %mul3A_2262 = arith.muli %mul3A_2261, %scan3A_2234 : i32
      %add3A_2263 = arith.constant 1 : i32
      %add3A_2264 = arith.addi %mul3A_2262, %add3A_2263 : i32
      %get3A_2265 = arith.index_cast %add3A_2264 : i32 to index
      %get3A_2266 = arith.constant 80 : index
      %get3A_2267 = tpu.vector_load %arg8[%get3A_2265, %get3A_2266] {strides = array<i32>} : memref<64x128xf32, #tpu.memory_space<vmem>>, vector<1x16xf32>,
      %get3A_2268 = vector.shape_cast %get3A_2267 : vector<1x16xf32> to vector<16xf32>
      %add3A_2269 = arith.addf %get3A_2260, %get3A_2268 : vector<16xf32>
      %swap3A_2270 = arith.index_cast %scan3A_2234 : i32 to index
      %swap3A_2271 = arith.constant 16 : index
      %swap3A_2272 = tpu.vector_load %arg10[%swap3A_2270, %swap3A_2271] {strides = array<i32>} : memref<32x64xf32, #tpu.memory_space<vmem>>, vector<1x16xf32>,
      %swap3A_2273 = vector.shape_cast %swap3A_2272 : vector<1x16xf32> to vector<16xf32>
      %swap3A_2274 = vector.shape_cast %add3A_2269 : vector<16xf32> to vector<1x16xf32>
      tpu.vector_store %arg10[%swap3A_2270, %swap3A_2271], %swap3A_2274 {strides = array<i32>} : memref<32x64xf32, #tpu.memory_space<vmem>>, vector<1x16xf32>,
      %mul3A_2275 = arith.constant 2 : i32
      %mul3A_2276 = arith.muli %mul3A_2275, %scan3A_2234 : i32
      %get3A_2277 = arith.index_cast %mul3A_2276 : i32 to index
      %get3A_2278 = arith.constant 32 : index
      %get3A_2279 = tpu.vector_load %arg8[%get3A_2277, %get3A_2278] {strides = array<i32>} : memref<64x128xf32, #tpu.memory_space<vmem>>, vector<1x16xf32>,
      %get3A_2280 = vector.shape_cast %get3A_2279 : vector<1x16xf32> to vector<16xf32>
      %mul3A_2281 = arith.constant 2 : i32
      %mul3A_2282 = arith.muli %mul3A_2281, %scan3A_2234 : i32
      %add3A_2283 = arith.constant 1 : i32
      %add3A_2284 = arith.addi %mul3A_2282, %add3A_2283 : i32
      %get3A_2285 = arith.index_cast %add3A_2284 : i32 to index
      %get3A_2286 = arith.constant 96 : index
      %get3A_2287 = tpu.vector_load %arg8[%get3A_2285, %get3A_2286] {strides = array<i32>} : memref<64x128xf32, #tpu.memory_space<vmem>>, vector<1x16xf32>,
      %get3A_2288 = vector.shape_cast %get3A_2287 : vector<1x16xf32> to vector<16xf32>
      %add3A_2289 = arith.addf %get3A_2280, %get3A_2288 : vector<16xf32>
      %swap3A_2290 = arith.index_cast %scan3A_2234 : i32 to index
      %swap3A_2291 = arith.constant 32 : index
      %swap3A_2292 = tpu.vector_load %arg10[%swap3A_2290, %swap3A_2291] {strides = array<i32>} : memref<32x64xf32, #tpu.memory_space<vmem>>, vector<1x16xf32>,
      %swap3A_2293 = vector.shape_cast %swap3A_2292 : vector<1x16xf32> to vector<16xf32>
      %swap3A_2294 = vector.shape_cast %add3A_2289 : vector<16xf32> to vector<1x16xf32>
      tpu.vector_store %arg10[%swap3A_2290, %swap3A_2291], %swap3A_2294 {strides = array<i32>} : memref<32x64xf32, #tpu.memory_space<vmem>>, vector<1x16xf32>,
      %mul3A_2295 = arith.constant 2 : i32
      %mul3A_2296 = arith.muli %mul3A_2295, %scan3A_2234 : i32
      %get3A_2297 = arith.index_cast %mul3A_2296 : i32 to index
      %get3A_2298 = arith.constant 48 : index
      %get3A_2299 = tpu.vector_load %arg8[%get3A_2297, %get3A_2298] {strides = array<i32>} : memref<64x128xf32, #tpu.memory_space<vmem>>, vector<1x16xf32>,
      %get3A_2300 = vector.shape_cast %get3A_2299 : vector<1x16xf32> to vector<16xf32>
      %mul3A_2301 = arith.constant 2 : i32
      %mul3A_2302 = arith.muli %mul3A_2301, %scan3A_2234 : i32
      %add3A_2303 = arith.constant 1 : i32
      %add3A_2304 = arith.addi %mul3A_2302, %add3A_2303 : i32
      %get3A_2305 = arith.index_cast %add3A_2304 : i32 to index
      %get3A_2306 = arith.constant 112 : index
      %get3A_2307 = tpu.vector_load %arg8[%get3A_2305, %get3A_2306] {strides = array<i32>} : memref<64x128xf32, #tpu.memory_space<vmem>>, vector<1x16xf32>,
      %get3A_2308 = vector.shape_cast %get3A_2307 : vector<1x16xf32> to vector<16xf32>
      %add3A_2309 = arith.addf %get3A_2300, %get3A_2308 : vector<16xf32>
      %swap3A_2310 = arith.index_cast %scan3A_2234 : i32 to index
      %swap3A_2311 = arith.constant 48 : index
      %swap3A_2312 = tpu.vector_load %arg10[%swap3A_2310, %swap3A_2311] {strides = array<i32>} : memref<32x64xf32, #tpu.memory_space<vmem>>, vector<1x16xf32>,
      %swap3A_2313 = vector.shape_cast %swap3A_2312 : vector<1x16xf32> to vector<16xf32>
      %swap3A_2314 = vector.shape_cast %add3A_2309 : vector<16xf32> to vector<1x16xf32>
      tpu.vector_store %arg10[%swap3A_2310, %swap3A_2311], %swap3A_2314 {strides = array<i32>} : memref<32x64xf32, #tpu.memory_space<vmem>>, vector<1x16xf32>,
      %scan3A_2315 = arith.constant 27 : i32
      %mul3A_2316 = arith.constant 2 : i32
      %mul3A_2317 = arith.muli %mul3A_2316, %scan3A_2315 : i32
      %get3A_2318 = arith.index_cast %mul3A_2317 : i32 to index
      %get3A_2319 = arith.constant 0 : index
      %get3A_2320 = tpu.vector_load %arg8[%get3A_2318, %get3A_2319] {strides = array<i32>} : memref<64x128xf32, #tpu.memory_space<vmem>>, vector<1x16xf32>,
      %get3A_2321 = vector.shape_cast %get3A_2320 : vector<1x16xf32> to vector<16xf32>
      %mul3A_2322 = arith.constant 2 : i32
      %mul3A_2323 = arith.muli %mul3A_2322, %scan3A_2315 : i32
      %add3A_2324 = arith.constant 1 : i32
      %add3A_2325 = arith.addi %mul3A_2323, %add3A_2324 : i32
      %get3A_2326 = arith.index_cast %add3A_2325 : i32 to index
      %get3A_2327 = arith.constant 64 : index
      %get3A_2328 = tpu.vector_load %arg8[%get3A_2326, %get3A_2327] {strides = array<i32>} : memref<64x128xf32, #tpu.memory_space<vmem>>, vector<1x16xf32>,
      %get3A_2329 = vector.shape_cast %get3A_2328 : vector<1x16xf32> to vector<16xf32>
      %add3A_2330 = arith.addf %get3A_2321, %get3A_2329 : vector<16xf32>
      %swap3A_2331 = arith.index_cast %scan3A_2315 : i32 to index
      %swap3A_2332 = arith.constant 0 : index
      %swap3A_2333 = tpu.vector_load %arg10[%swap3A_2331, %swap3A_2332] {strides = array<i32>} : memref<32x64xf32, #tpu.memory_space<vmem>>, vector<1x16xf32>,
      %swap3A_2334 = vector.shape_cast %swap3A_2333 : vector<1x16xf32> to vector<16xf32>
      %swap3A_2335 = vector.shape_cast %add3A_2330 : vector<16xf32> to vector<1x16xf32>
      tpu.vector_store %arg10[%swap3A_2331, %swap3A_2332], %swap3A_2335 {strides = array<i32>} : memref<32x64xf32, #tpu.memory_space<vmem>>, vector<1x16xf32>,
      %mul3A_2336 = arith.constant 2 : i32
      %mul3A_2337 = arith.muli %mul3A_2336, %scan3A_2315 : i32
      %get3A_2338 = arith.index_cast %mul3A_2337 : i32 to index
      %get3A_2339 = arith.constant 16 : index
      %get3A_2340 = tpu.vector_load %arg8[%get3A_2338, %get3A_2339] {strides = array<i32>} : memref<64x128xf32, #tpu.memory_space<vmem>>, vector<1x16xf32>,
      %get3A_2341 = vector.shape_cast %get3A_2340 : vector<1x16xf32> to vector<16xf32>
      %mul3A_2342 = arith.constant 2 : i32
      %mul3A_2343 = arith.muli %mul3A_2342, %scan3A_2315 : i32
      %add3A_2344 = arith.constant 1 : i32
      %add3A_2345 = arith.addi %mul3A_2343, %add3A_2344 : i32
      %get3A_2346 = arith.index_cast %add3A_2345 : i32 to index
      %get3A_2347 = arith.constant 80 : index
      %get3A_2348 = tpu.vector_load %arg8[%get3A_2346, %get3A_2347] {strides = array<i32>} : memref<64x128xf32, #tpu.memory_space<vmem>>, vector<1x16xf32>,
      %get3A_2349 = vector.shape_cast %get3A_2348 : vector<1x16xf32> to vector<16xf32>
      %add3A_2350 = arith.addf %get3A_2341, %get3A_2349 : vector<16xf32>
      %swap3A_2351 = arith.index_cast %scan3A_2315 : i32 to index
      %swap3A_2352 = arith.constant 16 : index
      %swap3A_2353 = tpu.vector_load %arg10[%swap3A_2351, %swap3A_2352] {strides = array<i32>} : memref<32x64xf32, #tpu.memory_space<vmem>>, vector<1x16xf32>,
      %swap3A_2354 = vector.shape_cast %swap3A_2353 : vector<1x16xf32> to vector<16xf32>
      %swap3A_2355 = vector.shape_cast %add3A_2350 : vector<16xf32> to vector<1x16xf32>
      tpu.vector_store %arg10[%swap3A_2351, %swap3A_2352], %swap3A_2355 {strides = array<i32>} : memref<32x64xf32, #tpu.memory_space<vmem>>, vector<1x16xf32>,
      %mul3A_2356 = arith.constant 2 : i32
      %mul3A_2357 = arith.muli %mul3A_2356, %scan3A_2315 : i32
      %get3A_2358 = arith.index_cast %mul3A_2357 : i32 to index
      %get3A_2359 = arith.constant 32 : index
      %get3A_2360 = tpu.vector_load %arg8[%get3A_2358, %get3A_2359] {strides = array<i32>} : memref<64x128xf32, #tpu.memory_space<vmem>>, vector<1x16xf32>,
      %get3A_2361 = vector.shape_cast %get3A_2360 : vector<1x16xf32> to vector<16xf32>
      %mul3A_2362 = arith.constant 2 : i32
      %mul3A_2363 = arith.muli %mul3A_2362, %scan3A_2315 : i32
      %add3A_2364 = arith.constant 1 : i32
      %add3A_2365 = arith.addi %mul3A_2363, %add3A_2364 : i32
      %get3A_2366 = arith.index_cast %add3A_2365 : i32 to index
      %get3A_2367 = arith.constant 96 : index
      %get3A_2368 = tpu.vector_load %arg8[%get3A_2366, %get3A_2367] {strides = array<i32>} : memref<64x128xf32, #tpu.memory_space<vmem>>, vector<1x16xf32>,
      %get3A_2369 = vector.shape_cast %get3A_2368 : vector<1x16xf32> to vector<16xf32>
      %add3A_2370 = arith.addf %get3A_2361, %get3A_2369 : vector<16xf32>
      %swap3A_2371 = arith.index_cast %scan3A_2315 : i32 to index
      %swap3A_2372 = arith.constant 32 : index
      %swap3A_2373 = tpu.vector_load %arg10[%swap3A_2371, %swap3A_2372] {strides = array<i32>} : memref<32x64xf32, #tpu.memory_space<vmem>>, vector<1x16xf32>,
      %swap3A_2374 = vector.shape_cast %swap3A_2373 : vector<1x16xf32> to vector<16xf32>
      %swap3A_2375 = vector.shape_cast %add3A_2370 : vector<16xf32> to vector<1x16xf32>
      tpu.vector_store %arg10[%swap3A_2371, %swap3A_2372], %swap3A_2375 {strides = array<i32>} : memref<32x64xf32, #tpu.memory_space<vmem>>, vector<1x16xf32>,
      %mul3A_2376 = arith.constant 2 : i32
      %mul3A_2377 = arith.muli %mul3A_2376, %scan3A_2315 : i32
      %get3A_2378 = arith.index_cast %mul3A_2377 : i32 to index
      %get3A_2379 = arith.constant 48 : index
      %get3A_2380 = tpu.vector_load %arg8[%get3A_2378, %get3A_2379] {strides = array<i32>} : memref<64x128xf32, #tpu.memory_space<vmem>>, vector<1x16xf32>,
      %get3A_2381 = vector.shape_cast %get3A_2380 : vector<1x16xf32> to vector<16xf32>
      %mul3A_2382 = arith.constant 2 : i32
      %mul3A_2383 = arith.muli %mul3A_2382, %scan3A_2315 : i32
      %add3A_2384 = arith.constant 1 : i32
      %add3A_2385 = arith.addi %mul3A_2383, %add3A_2384 : i32
      %get3A_2386 = arith.index_cast %add3A_2385 : i32 to index
      %get3A_2387 = arith.constant 112 : index
      %get3A_2388 = tpu.vector_load %arg8[%get3A_2386, %get3A_2387] {strides = array<i32>} : memref<64x128xf32, #tpu.memory_space<vmem>>, vector<1x16xf32>,
      %get3A_2389 = vector.shape_cast %get3A_2388 : vector<1x16xf32> to vector<16xf32>
      %add3A_2390 = arith.addf %get3A_2381, %get3A_2389 : vector<16xf32>
      %swap3A_2391 = arith.index_cast %scan3A_2315 : i32 to index
      %swap3A_2392 = arith.constant 48 : index
      %swap3A_2393 = tpu.vector_load %arg10[%swap3A_2391, %swap3A_2392] {strides = array<i32>} : memref<32x64xf32, #tpu.memory_space<vmem>>, vector<1x16xf32>,
      %swap3A_2394 = vector.shape_cast %swap3A_2393 : vector<1x16xf32> to vector<16xf32>
      %swap3A_2395 = vector.shape_cast %add3A_2390 : vector<16xf32> to vector<1x16xf32>
      tpu.vector_store %arg10[%swap3A_2391, %swap3A_2392], %swap3A_2395 {strides = array<i32>} : memref<32x64xf32, #tpu.memory_space<vmem>>, vector<1x16xf32>,
      %scan3A_2396 = arith.constant 28 : i32
      %mul3A_2397 = arith.constant 2 : i32
      %mul3A_2398 = arith.muli %mul3A_2397, %scan3A_2396 : i32
      %get3A_2399 = arith.index_cast %mul3A_2398 : i32 to index
      %get3A_2400 = arith.constant 0 : index
      %get3A_2401 = tpu.vector_load %arg8[%get3A_2399, %get3A_2400] {strides = array<i32>} : memref<64x128xf32, #tpu.memory_space<vmem>>, vector<1x16xf32>,
      %get3A_2402 = vector.shape_cast %get3A_2401 : vector<1x16xf32> to vector<16xf32>
      %mul3A_2403 = arith.constant 2 : i32
      %mul3A_2404 = arith.muli %mul3A_2403, %scan3A_2396 : i32
      %add3A_2405 = arith.constant 1 : i32
      %add3A_2406 = arith.addi %mul3A_2404, %add3A_2405 : i32
      %get3A_2407 = arith.index_cast %add3A_2406 : i32 to index
      %get3A_2408 = arith.constant 64 : index
      %get3A_2409 = tpu.vector_load %arg8[%get3A_2407, %get3A_2408] {strides = array<i32>} : memref<64x128xf32, #tpu.memory_space<vmem>>, vector<1x16xf32>,
      %get3A_2410 = vector.shape_cast %get3A_2409 : vector<1x16xf32> to vector<16xf32>
      %add3A_2411 = arith.addf %get3A_2402, %get3A_2410 : vector<16xf32>
      %swap3A_2412 = arith.index_cast %scan3A_2396 : i32 to index
      %swap3A_2413 = arith.constant 0 : index
      %swap3A_2414 = tpu.vector_load %arg10[%swap3A_2412, %swap3A_2413] {strides = array<i32>} : memref<32x64xf32, #tpu.memory_space<vmem>>, vector<1x16xf32>,
      %swap3A_2415 = vector.shape_cast %swap3A_2414 : vector<1x16xf32> to vector<16xf32>
      %swap3A_2416 = vector.shape_cast %add3A_2411 : vector<16xf32> to vector<1x16xf32>
      tpu.vector_store %arg10[%swap3A_2412, %swap3A_2413], %swap3A_2416 {strides = array<i32>} : memref<32x64xf32, #tpu.memory_space<vmem>>, vector<1x16xf32>,
      %mul3A_2417 = arith.constant 2 : i32
      %mul3A_2418 = arith.muli %mul3A_2417, %scan3A_2396 : i32
      %get3A_2419 = arith.index_cast %mul3A_2418 : i32 to index
      %get3A_2420 = arith.constant 16 : index
      %get3A_2421 = tpu.vector_load %arg8[%get3A_2419, %get3A_2420] {strides = array<i32>} : memref<64x128xf32, #tpu.memory_space<vmem>>, vector<1x16xf32>,
      %get3A_2422 = vector.shape_cast %get3A_2421 : vector<1x16xf32> to vector<16xf32>
      %mul3A_2423 = arith.constant 2 : i32
      %mul3A_2424 = arith.muli %mul3A_2423, %scan3A_2396 : i32
      %add3A_2425 = arith.constant 1 : i32
      %add3A_2426 = arith.addi %mul3A_2424, %add3A_2425 : i32
      %get3A_2427 = arith.index_cast %add3A_2426 : i32 to index
      %get3A_2428 = arith.constant 80 : index
      %get3A_2429 = tpu.vector_load %arg8[%get3A_2427, %get3A_2428] {strides = array<i32>} : memref<64x128xf32, #tpu.memory_space<vmem>>, vector<1x16xf32>,
      %get3A_2430 = vector.shape_cast %get3A_2429 : vector<1x16xf32> to vector<16xf32>
      %add3A_2431 = arith.addf %get3A_2422, %get3A_2430 : vector<16xf32>
      %swap3A_2432 = arith.index_cast %scan3A_2396 : i32 to index
      %swap3A_2433 = arith.constant 16 : index
      %swap3A_2434 = tpu.vector_load %arg10[%swap3A_2432, %swap3A_2433] {strides = array<i32>} : memref<32x64xf32, #tpu.memory_space<vmem>>, vector<1x16xf32>,
      %swap3A_2435 = vector.shape_cast %swap3A_2434 : vector<1x16xf32> to vector<16xf32>
      %swap3A_2436 = vector.shape_cast %add3A_2431 : vector<16xf32> to vector<1x16xf32>
      tpu.vector_store %arg10[%swap3A_2432, %swap3A_2433], %swap3A_2436 {strides = array<i32>} : memref<32x64xf32, #tpu.memory_space<vmem>>, vector<1x16xf32>,
      %mul3A_2437 = arith.constant 2 : i32
      %mul3A_2438 = arith.muli %mul3A_2437, %scan3A_2396 : i32
      %get3A_2439 = arith.index_cast %mul3A_2438 : i32 to index
      %get3A_2440 = arith.constant 32 : index
      %get3A_2441 = tpu.vector_load %arg8[%get3A_2439, %get3A_2440] {strides = array<i32>} : memref<64x128xf32, #tpu.memory_space<vmem>>, vector<1x16xf32>,
      %get3A_2442 = vector.shape_cast %get3A_2441 : vector<1x16xf32> to vector<16xf32>
      %mul3A_2443 = arith.constant 2 : i32
      %mul3A_2444 = arith.muli %mul3A_2443, %scan3A_2396 : i32
      %add3A_2445 = arith.constant 1 : i32
      %add3A_2446 = arith.addi %mul3A_2444, %add3A_2445 : i32
      %get3A_2447 = arith.index_cast %add3A_2446 : i32 to index
      %get3A_2448 = arith.constant 96 : index
      %get3A_2449 = tpu.vector_load %arg8[%get3A_2447, %get3A_2448] {strides = array<i32>} : memref<64x128xf32, #tpu.memory_space<vmem>>, vector<1x16xf32>,
      %get3A_2450 = vector.shape_cast %get3A_2449 : vector<1x16xf32> to vector<16xf32>
      %add3A_2451 = arith.addf %get3A_2442, %get3A_2450 : vector<16xf32>
      %swap3A_2452 = arith.index_cast %scan3A_2396 : i32 to index
      %swap3A_2453 = arith.constant 32 : index
      %swap3A_2454 = tpu.vector_load %arg10[%swap3A_2452, %swap3A_2453] {strides = array<i32>} : memref<32x64xf32, #tpu.memory_space<vmem>>, vector<1x16xf32>,
      %swap3A_2455 = vector.shape_cast %swap3A_2454 : vector<1x16xf32> to vector<16xf32>
      %swap3A_2456 = vector.shape_cast %add3A_2451 : vector<16xf32> to vector<1x16xf32>
      tpu.vector_store %arg10[%swap3A_2452, %swap3A_2453], %swap3A_2456 {strides = array<i32>} : memref<32x64xf32, #tpu.memory_space<vmem>>, vector<1x16xf32>,
      %mul3A_2457 = arith.constant 2 : i32
      %mul3A_2458 = arith.muli %mul3A_2457, %scan3A_2396 : i32
      %get3A_2459 = arith.index_cast %mul3A_2458 : i32 to index
      %get3A_2460 = arith.constant 48 : index
      %get3A_2461 = tpu.vector_load %arg8[%get3A_2459, %get3A_2460] {strides = array<i32>} : memref<64x128xf32, #tpu.memory_space<vmem>>, vector<1x16xf32>,
      %get3A_2462 = vector.shape_cast %get3A_2461 : vector<1x16xf32> to vector<16xf32>
      %mul3A_2463 = arith.constant 2 : i32
      %mul3A_2464 = arith.muli %mul3A_2463, %scan3A_2396 : i32
      %add3A_2465 = arith.constant 1 : i32
      %add3A_2466 = arith.addi %mul3A_2464, %add3A_2465 : i32
      %get3A_2467 = arith.index_cast %add3A_2466 : i32 to index
      %get3A_2468 = arith.constant 112 : index
      %get3A_2469 = tpu.vector_load %arg8[%get3A_2467, %get3A_2468] {strides = array<i32>} : memref<64x128xf32, #tpu.memory_space<vmem>>, vector<1x16xf32>,
      %get3A_2470 = vector.shape_cast %get3A_2469 : vector<1x16xf32> to vector<16xf32>
      %add3A_2471 = arith.addf %get3A_2462, %get3A_2470 : vector<16xf32>
      %swap3A_2472 = arith.index_cast %scan3A_2396 : i32 to index
      %swap3A_2473 = arith.constant 48 : index
      %swap3A_2474 = tpu.vector_load %arg10[%swap3A_2472, %swap3A_2473] {strides = array<i32>} : memref<32x64xf32, #tpu.memory_space<vmem>>, vector<1x16xf32>,
      %swap3A_2475 = vector.shape_cast %swap3A_2474 : vector<1x16xf32> to vector<16xf32>
      %swap3A_2476 = vector.shape_cast %add3A_2471 : vector<16xf32> to vector<1x16xf32>
      tpu.vector_store %arg10[%swap3A_2472, %swap3A_2473], %swap3A_2476 {strides = array<i32>} : memref<32x64xf32, #tpu.memory_space<vmem>>, vector<1x16xf32>,
      %scan3A_2477 = arith.constant 29 : i32
      %mul3A_2478 = arith.constant 2 : i32
      %mul3A_2479 = arith.muli %mul3A_2478, %scan3A_2477 : i32
      %get3A_2480 = arith.index_cast %mul3A_2479 : i32 to index
      %get3A_2481 = arith.constant 0 : index
      %get3A_2482 = tpu.vector_load %arg8[%get3A_2480, %get3A_2481] {strides = array<i32>} : memref<64x128xf32, #tpu.memory_space<vmem>>, vector<1x16xf32>,
      %get3A_2483 = vector.shape_cast %get3A_2482 : vector<1x16xf32> to vector<16xf32>
      %mul3A_2484 = arith.constant 2 : i32
      %mul3A_2485 = arith.muli %mul3A_2484, %scan3A_2477 : i32
      %add3A_2486 = arith.constant 1 : i32
      %add3A_2487 = arith.addi %mul3A_2485, %add3A_2486 : i32
      %get3A_2488 = arith.index_cast %add3A_2487 : i32 to index
      %get3A_2489 = arith.constant 64 : index
      %get3A_2490 = tpu.vector_load %arg8[%get3A_2488, %get3A_2489] {strides = array<i32>} : memref<64x128xf32, #tpu.memory_space<vmem>>, vector<1x16xf32>,
      %get3A_2491 = vector.shape_cast %get3A_2490 : vector<1x16xf32> to vector<16xf32>
      %add3A_2492 = arith.addf %get3A_2483, %get3A_2491 : vector<16xf32>
      %swap3A_2493 = arith.index_cast %scan3A_2477 : i32 to index
      %swap3A_2494 = arith.constant 0 : index
      %swap3A_2495 = tpu.vector_load %arg10[%swap3A_2493, %swap3A_2494] {strides = array<i32>} : memref<32x64xf32, #tpu.memory_space<vmem>>, vector<1x16xf32>,
      %swap3A_2496 = vector.shape_cast %swap3A_2495 : vector<1x16xf32> to vector<16xf32>
      %swap3A_2497 = vector.shape_cast %add3A_2492 : vector<16xf32> to vector<1x16xf32>
      tpu.vector_store %arg10[%swap3A_2493, %swap3A_2494], %swap3A_2497 {strides = array<i32>} : memref<32x64xf32, #tpu.memory_space<vmem>>, vector<1x16xf32>,
      %mul3A_2498 = arith.constant 2 : i32
      %mul3A_2499 = arith.muli %mul3A_2498, %scan3A_2477 : i32
      %get3A_2500 = arith.index_cast %mul3A_2499 : i32 to index
      %get3A_2501 = arith.constant 16 : index
      %get3A_2502 = tpu.vector_load %arg8[%get3A_2500, %get3A_2501] {strides = array<i32>} : memref<64x128xf32, #tpu.memory_space<vmem>>, vector<1x16xf32>,
      %get3A_2503 = vector.shape_cast %get3A_2502 : vector<1x16xf32> to vector<16xf32>
      %mul3A_2504 = arith.constant 2 : i32
      %mul3A_2505 = arith.muli %mul3A_2504, %scan3A_2477 : i32
      %add3A_2506 = arith.constant 1 : i32
      %add3A_2507 = arith.addi %mul3A_2505, %add3A_2506 : i32
      %get3A_2508 = arith.index_cast %add3A_2507 : i32 to index
      %get3A_2509 = arith.constant 80 : index
      %get3A_2510 = tpu.vector_load %arg8[%get3A_2508, %get3A_2509] {strides = array<i32>} : memref<64x128xf32, #tpu.memory_space<vmem>>, vector<1x16xf32>,
      %get3A_2511 = vector.shape_cast %get3A_2510 : vector<1x16xf32> to vector<16xf32>
      %add3A_2512 = arith.addf %get3A_2503, %get3A_2511 : vector<16xf32>
      %swap3A_2513 = arith.index_cast %scan3A_2477 : i32 to index
      %swap3A_2514 = arith.constant 16 : index
      %swap3A_2515 = tpu.vector_load %arg10[%swap3A_2513, %swap3A_2514] {strides = array<i32>} : memref<32x64xf32, #tpu.memory_space<vmem>>, vector<1x16xf32>,
      %swap3A_2516 = vector.shape_cast %swap3A_2515 : vector<1x16xf32> to vector<16xf32>
      %swap3A_2517 = vector.shape_cast %add3A_2512 : vector<16xf32> to vector<1x16xf32>
      tpu.vector_store %arg10[%swap3A_2513, %swap3A_2514], %swap3A_2517 {strides = array<i32>} : memref<32x64xf32, #tpu.memory_space<vmem>>, vector<1x16xf32>,
      %mul3A_2518 = arith.constant 2 : i32
      %mul3A_2519 = arith.muli %mul3A_2518, %scan3A_2477 : i32
      %get3A_2520 = arith.index_cast %mul3A_2519 : i32 to index
      %get3A_2521 = arith.constant 32 : index
      %get3A_2522 = tpu.vector_load %arg8[%get3A_2520, %get3A_2521] {strides = array<i32>} : memref<64x128xf32, #tpu.memory_space<vmem>>, vector<1x16xf32>,
      %get3A_2523 = vector.shape_cast %get3A_2522 : vector<1x16xf32> to vector<16xf32>
      %mul3A_2524 = arith.constant 2 : i32
      %mul3A_2525 = arith.muli %mul3A_2524, %scan3A_2477 : i32
      %add3A_2526 = arith.constant 1 : i32
      %add3A_2527 = arith.addi %mul3A_2525, %add3A_2526 : i32
      %get3A_2528 = arith.index_cast %add3A_2527 : i32 to index
      %get3A_2529 = arith.constant 96 : index
      %get3A_2530 = tpu.vector_load %arg8[%get3A_2528, %get3A_2529] {strides = array<i32>} : memref<64x128xf32, #tpu.memory_space<vmem>>, vector<1x16xf32>,
      %get3A_2531 = vector.shape_cast %get3A_2530 : vector<1x16xf32> to vector<16xf32>
      %add3A_2532 = arith.addf %get3A_2523, %get3A_2531 : vector<16xf32>
      %swap3A_2533 = arith.index_cast %scan3A_2477 : i32 to index
      %swap3A_2534 = arith.constant 32 : index
      %swap3A_2535 = tpu.vector_load %arg10[%swap3A_2533, %swap3A_2534] {strides = array<i32>} : memref<32x64xf32, #tpu.memory_space<vmem>>, vector<1x16xf32>,
      %swap3A_2536 = vector.shape_cast %swap3A_2535 : vector<1x16xf32> to vector<16xf32>
      %swap3A_2537 = vector.shape_cast %add3A_2532 : vector<16xf32> to vector<1x16xf32>
      tpu.vector_store %arg10[%swap3A_2533, %swap3A_2534], %swap3A_2537 {strides = array<i32>} : memref<32x64xf32, #tpu.memory_space<vmem>>, vector<1x16xf32>,
      %mul3A_2538 = arith.constant 2 : i32
      %mul3A_2539 = arith.muli %mul3A_2538, %scan3A_2477 : i32
      %get3A_2540 = arith.index_cast %mul3A_2539 : i32 to index
      %get3A_2541 = arith.constant 48 : index
      %get3A_2542 = tpu.vector_load %arg8[%get3A_2540, %get3A_2541] {strides = array<i32>} : memref<64x128xf32, #tpu.memory_space<vmem>>, vector<1x16xf32>,
      %get3A_2543 = vector.shape_cast %get3A_2542 : vector<1x16xf32> to vector<16xf32>
      %mul3A_2544 = arith.constant 2 : i32
      %mul3A_2545 = arith.muli %mul3A_2544, %scan3A_2477 : i32
      %add3A_2546 = arith.constant 1 : i32
      %add3A_2547 = arith.addi %mul3A_2545, %add3A_2546 : i32
      %get3A_2548 = arith.index_cast %add3A_2547 : i32 to index
      %get3A_2549 = arith.constant 112 : index
      %get3A_2550 = tpu.vector_load %arg8[%get3A_2548, %get3A_2549] {strides = array<i32>} : memref<64x128xf32, #tpu.memory_space<vmem>>, vector<1x16xf32>,
      %get3A_2551 = vector.shape_cast %get3A_2550 : vector<1x16xf32> to vector<16xf32>
      %add3A_2552 = arith.addf %get3A_2543, %get3A_2551 : vector<16xf32>
      %swap3A_2553 = arith.index_cast %scan3A_2477 : i32 to index
      %swap3A_2554 = arith.constant 48 : index
      %swap3A_2555 = tpu.vector_load %arg10[%swap3A_2553, %swap3A_2554] {strides = array<i32>} : memref<32x64xf32, #tpu.memory_space<vmem>>, vector<1x16xf32>,
      %swap3A_2556 = vector.shape_cast %swap3A_2555 : vector<1x16xf32> to vector<16xf32>
      %swap3A_2557 = vector.shape_cast %add3A_2552 : vector<16xf32> to vector<1x16xf32>
      tpu.vector_store %arg10[%swap3A_2553, %swap3A_2554], %swap3A_2557 {strides = array<i32>} : memref<32x64xf32, #tpu.memory_space<vmem>>, vector<1x16xf32>,
      %scan3A_2558 = arith.constant 30 : i32
      %mul3A_2559 = arith.constant 2 : i32
      %mul3A_2560 = arith.muli %mul3A_2559, %scan3A_2558 : i32
      %get3A_2561 = arith.index_cast %mul3A_2560 : i32 to index
      %get3A_2562 = arith.constant 0 : index
      %get3A_2563 = tpu.vector_load %arg8[%get3A_2561, %get3A_2562] {strides = array<i32>} : memref<64x128xf32, #tpu.memory_space<vmem>>, vector<1x16xf32>,
      %get3A_2564 = vector.shape_cast %get3A_2563 : vector<1x16xf32> to vector<16xf32>
      %mul3A_2565 = arith.constant 2 : i32
      %mul3A_2566 = arith.muli %mul3A_2565, %scan3A_2558 : i32
      %add3A_2567 = arith.constant 1 : i32
      %add3A_2568 = arith.addi %mul3A_2566, %add3A_2567 : i32
      %get3A_2569 = arith.index_cast %add3A_2568 : i32 to index
      %get3A_2570 = arith.constant 64 : index
      %get3A_2571 = tpu.vector_load %arg8[%get3A_2569, %get3A_2570] {strides = array<i32>} : memref<64x128xf32, #tpu.memory_space<vmem>>, vector<1x16xf32>,
      %get3A_2572 = vector.shape_cast %get3A_2571 : vector<1x16xf32> to vector<16xf32>
      %add3A_2573 = arith.addf %get3A_2564, %get3A_2572 : vector<16xf32>
      %swap3A_2574 = arith.index_cast %scan3A_2558 : i32 to index
      %swap3A_2575 = arith.constant 0 : index
      %swap3A_2576 = tpu.vector_load %arg10[%swap3A_2574, %swap3A_2575] {strides = array<i32>} : memref<32x64xf32, #tpu.memory_space<vmem>>, vector<1x16xf32>,
      %swap3A_2577 = vector.shape_cast %swap3A_2576 : vector<1x16xf32> to vector<16xf32>
      %swap3A_2578 = vector.shape_cast %add3A_2573 : vector<16xf32> to vector<1x16xf32>
      tpu.vector_store %arg10[%swap3A_2574, %swap3A_2575], %swap3A_2578 {strides = array<i32>} : memref<32x64xf32, #tpu.memory_space<vmem>>, vector<1x16xf32>,
      %mul3A_2579 = arith.constant 2 : i32
      %mul3A_2580 = arith.muli %mul3A_2579, %scan3A_2558 : i32
      %get3A_2581 = arith.index_cast %mul3A_2580 : i32 to index
      %get3A_2582 = arith.constant 16 : index
      %get3A_2583 = tpu.vector_load %arg8[%get3A_2581, %get3A_2582] {strides = array<i32>} : memref<64x128xf32, #tpu.memory_space<vmem>>, vector<1x16xf32>,
      %get3A_2584 = vector.shape_cast %get3A_2583 : vector<1x16xf32> to vector<16xf32>
      %mul3A_2585 = arith.constant 2 : i32
      %mul3A_2586 = arith.muli %mul3A_2585, %scan3A_2558 : i32
      %add3A_2587 = arith.constant 1 : i32
      %add3A_2588 = arith.addi %mul3A_2586, %add3A_2587 : i32
      %get3A_2589 = arith.index_cast %add3A_2588 : i32 to index
      %get3A_2590 = arith.constant 80 : index
      %get3A_2591 = tpu.vector_load %arg8[%get3A_2589, %get3A_2590] {strides = array<i32>} : memref<64x128xf32, #tpu.memory_space<vmem>>, vector<1x16xf32>,
      %get3A_2592 = vector.shape_cast %get3A_2591 : vector<1x16xf32> to vector<16xf32>
      %add3A_2593 = arith.addf %get3A_2584, %get3A_2592 : vector<16xf32>
      %swap3A_2594 = arith.index_cast %scan3A_2558 : i32 to index
      %swap3A_2595 = arith.constant 16 : index
      %swap3A_2596 = tpu.vector_load %arg10[%swap3A_2594, %swap3A_2595] {strides = array<i32>} : memref<32x64xf32, #tpu.memory_space<vmem>>, vector<1x16xf32>,
      %swap3A_2597 = vector.shape_cast %swap3A_2596 : vector<1x16xf32> to vector<16xf32>
      %swap3A_2598 = vector.shape_cast %add3A_2593 : vector<16xf32> to vector<1x16xf32>
      tpu.vector_store %arg10[%swap3A_2594, %swap3A_2595], %swap3A_2598 {strides = array<i32>} : memref<32x64xf32, #tpu.memory_space<vmem>>, vector<1x16xf32>,
      %mul3A_2599 = arith.constant 2 : i32
      %mul3A_2600 = arith.muli %mul3A_2599, %scan3A_2558 : i32
      %get3A_2601 = arith.index_cast %mul3A_2600 : i32 to index
      %get3A_2602 = arith.constant 32 : index
      %get3A_2603 = tpu.vector_load %arg8[%get3A_2601, %get3A_2602] {strides = array<i32>} : memref<64x128xf32, #tpu.memory_space<vmem>>, vector<1x16xf32>,
      %get3A_2604 = vector.shape_cast %get3A_2603 : vector<1x16xf32> to vector<16xf32>
      %mul3A_2605 = arith.constant 2 : i32
      %mul3A_2606 = arith.muli %mul3A_2605, %scan3A_2558 : i32
      %add3A_2607 = arith.constant 1 : i32
      %add3A_2608 = arith.addi %mul3A_2606, %add3A_2607 : i32
      %get3A_2609 = arith.index_cast %add3A_2608 : i32 to index
      %get3A_2610 = arith.constant 96 : index
      %get3A_2611 = tpu.vector_load %arg8[%get3A_2609, %get3A_2610] {strides = array<i32>} : memref<64x128xf32, #tpu.memory_space<vmem>>, vector<1x16xf32>,
      %get3A_2612 = vector.shape_cast %get3A_2611 : vector<1x16xf32> to vector<16xf32>
      %add3A_2613 = arith.addf %get3A_2604, %get3A_2612 : vector<16xf32>
      %swap3A_2614 = arith.index_cast %scan3A_2558 : i32 to index
      %swap3A_2615 = arith.constant 32 : index
      %swap3A_2616 = tpu.vector_load %arg10[%swap3A_2614, %swap3A_2615] {strides = array<i32>} : memref<32x64xf32, #tpu.memory_space<vmem>>, vector<1x16xf32>,
      %swap3A_2617 = vector.shape_cast %swap3A_2616 : vector<1x16xf32> to vector<16xf32>
      %swap3A_2618 = vector.shape_cast %add3A_2613 : vector<16xf32> to vector<1x16xf32>
      tpu.vector_store %arg10[%swap3A_2614, %swap3A_2615], %swap3A_2618 {strides = array<i32>} : memref<32x64xf32, #tpu.memory_space<vmem>>, vector<1x16xf32>,
      %mul3A_2619 = arith.constant 2 : i32
      %mul3A_2620 = arith.muli %mul3A_2619, %scan3A_2558 : i32
      %get3A_2621 = arith.index_cast %mul3A_2620 : i32 to index
      %get3A_2622 = arith.constant 48 : index
      %get3A_2623 = tpu.vector_load %arg8[%get3A_2621, %get3A_2622] {strides = array<i32>} : memref<64x128xf32, #tpu.memory_space<vmem>>, vector<1x16xf32>,
      %get3A_2624 = vector.shape_cast %get3A_2623 : vector<1x16xf32> to vector<16xf32>
      %mul3A_2625 = arith.constant 2 : i32
      %mul3A_2626 = arith.muli %mul3A_2625, %scan3A_2558 : i32
      %add3A_2627 = arith.constant 1 : i32
      %add3A_2628 = arith.addi %mul3A_2626, %add3A_2627 : i32
      %get3A_2629 = arith.index_cast %add3A_2628 : i32 to index
      %get3A_2630 = arith.constant 112 : index
      %get3A_2631 = tpu.vector_load %arg8[%get3A_2629, %get3A_2630] {strides = array<i32>} : memref<64x128xf32, #tpu.memory_space<vmem>>, vector<1x16xf32>,
      %get3A_2632 = vector.shape_cast %get3A_2631 : vector<1x16xf32> to vector<16xf32>
      %add3A_2633 = arith.addf %get3A_2624, %get3A_2632 : vector<16xf32>
      %swap3A_2634 = arith.index_cast %scan3A_2558 : i32 to index
      %swap3A_2635 = arith.constant 48 : index
      %swap3A_2636 = tpu.vector_load %arg10[%swap3A_2634, %swap3A_2635] {strides = array<i32>} : memref<32x64xf32, #tpu.memory_space<vmem>>, vector<1x16xf32>,
      %swap3A_2637 = vector.shape_cast %swap3A_2636 : vector<1x16xf32> to vector<16xf32>
      %swap3A_2638 = vector.shape_cast %add3A_2633 : vector<16xf32> to vector<1x16xf32>
      tpu.vector_store %arg10[%swap3A_2634, %swap3A_2635], %swap3A_2638 {strides = array<i32>} : memref<32x64xf32, #tpu.memory_space<vmem>>, vector<1x16xf32>,
      %scan3A_2639 = arith.constant 31 : i32
      %mul3A_2640 = arith.constant 2 : i32
      %mul3A_2641 = arith.muli %mul3A_2640, %scan3A_2639 : i32
      %get3A_2642 = arith.index_cast %mul3A_2641 : i32 to index
      %get3A_2643 = arith.constant 0 : index
      %get3A_2644 = tpu.vector_load %arg8[%get3A_2642, %get3A_2643] {strides = array<i32>} : memref<64x128xf32, #tpu.memory_space<vmem>>, vector<1x16xf32>,
      %get3A_2645 = vector.shape_cast %get3A_2644 : vector<1x16xf32> to vector<16xf32>
      %mul3A_2646 = arith.constant 2 : i32
      %mul3A_2647 = arith.muli %mul3A_2646, %scan3A_2639 : i32
      %add3A_2648 = arith.constant 1 : i32
      %add3A_2649 = arith.addi %mul3A_2647, %add3A_2648 : i32
      %get3A_2650 = arith.index_cast %add3A_2649 : i32 to index
      %get3A_2651 = arith.constant 64 : index
      %get3A_2652 = tpu.vector_load %arg8[%get3A_2650, %get3A_2651] {strides = array<i32>} : memref<64x128xf32, #tpu.memory_space<vmem>>, vector<1x16xf32>,
      %get3A_2653 = vector.shape_cast %get3A_2652 : vector<1x16xf32> to vector<16xf32>
      %add3A_2654 = arith.addf %get3A_2645, %get3A_2653 : vector<16xf32>
      %swap3A_2655 = arith.index_cast %scan3A_2639 : i32 to index
      %swap3A_2656 = arith.constant 0 : index
      %swap3A_2657 = tpu.vector_load %arg10[%swap3A_2655, %swap3A_2656] {strides = array<i32>} : memref<32x64xf32, #tpu.memory_space<vmem>>, vector<1x16xf32>,
      %swap3A_2658 = vector.shape_cast %swap3A_2657 : vector<1x16xf32> to vector<16xf32>
      %swap3A_2659 = vector.shape_cast %add3A_2654 : vector<16xf32> to vector<1x16xf32>
      tpu.vector_store %arg10[%swap3A_2655, %swap3A_2656], %swap3A_2659 {strides = array<i32>} : memref<32x64xf32, #tpu.memory_space<vmem>>, vector<1x16xf32>,
      %mul3A_2660 = arith.constant 2 : i32
      %mul3A_2661 = arith.muli %mul3A_2660, %scan3A_2639 : i32
      %get3A_2662 = arith.index_cast %mul3A_2661 : i32 to index
      %get3A_2663 = arith.constant 16 : index
      %get3A_2664 = tpu.vector_load %arg8[%get3A_2662, %get3A_2663] {strides = array<i32>} : memref<64x128xf32, #tpu.memory_space<vmem>>, vector<1x16xf32>,
      %get3A_2665 = vector.shape_cast %get3A_2664 : vector<1x16xf32> to vector<16xf32>
      %mul3A_2666 = arith.constant 2 : i32
      %mul3A_2667 = arith.muli %mul3A_2666, %scan3A_2639 : i32
      %add3A_2668 = arith.constant 1 : i32
      %add3A_2669 = arith.addi %mul3A_2667, %add3A_2668 : i32
      %get3A_2670 = arith.index_cast %add3A_2669 : i32 to index
      %get3A_2671 = arith.constant 80 : index
      %get3A_2672 = tpu.vector_load %arg8[%get3A_2670, %get3A_2671] {strides = array<i32>} : memref<64x128xf32, #tpu.memory_space<vmem>>, vector<1x16xf32>,
      %get3A_2673 = vector.shape_cast %get3A_2672 : vector<1x16xf32> to vector<16xf32>
      %add3A_2674 = arith.addf %get3A_2665, %get3A_2673 : vector<16xf32>
      %swap3A_2675 = arith.index_cast %scan3A_2639 : i32 to index
      %swap3A_2676 = arith.constant 16 : index
      %swap3A_2677 = tpu.vector_load %arg10[%swap3A_2675, %swap3A_2676] {strides = array<i32>} : memref<32x64xf32, #tpu.memory_space<vmem>>, vector<1x16xf32>,
      %swap3A_2678 = vector.shape_cast %swap3A_2677 : vector<1x16xf32> to vector<16xf32>
      %swap3A_2679 = vector.shape_cast %add3A_2674 : vector<16xf32> to vector<1x16xf32>
      tpu.vector_store %arg10[%swap3A_2675, %swap3A_2676], %swap3A_2679 {strides = array<i32>} : memref<32x64xf32, #tpu.memory_space<vmem>>, vector<1x16xf32>,
      %mul3A_2680 = arith.constant 2 : i32
      %mul3A_2681 = arith.muli %mul3A_2680, %scan3A_2639 : i32
      %get3A_2682 = arith.index_cast %mul3A_2681 : i32 to index
      %get3A_2683 = arith.constant 32 : index
      %get3A_2684 = tpu.vector_load %arg8[%get3A_2682, %get3A_2683] {strides = array<i32>} : memref<64x128xf32, #tpu.memory_space<vmem>>, vector<1x16xf32>,
      %get3A_2685 = vector.shape_cast %get3A_2684 : vector<1x16xf32> to vector<16xf32>
      %mul3A_2686 = arith.constant 2 : i32
      %mul3A_2687 = arith.muli %mul3A_2686, %scan3A_2639 : i32
      %add3A_2688 = arith.constant 1 : i32
      %add3A_2689 = arith.addi %mul3A_2687, %add3A_2688 : i32
      %get3A_2690 = arith.index_cast %add3A_2689 : i32 to index
      %get3A_2691 = arith.constant 96 : index
      %get3A_2692 = tpu.vector_load %arg8[%get3A_2690, %get3A_2691] {strides = array<i32>} : memref<64x128xf32, #tpu.memory_space<vmem>>, vector<1x16xf32>,
      %get3A_2693 = vector.shape_cast %get3A_2692 : vector<1x16xf32> to vector<16xf32>
      %add3A_2694 = arith.addf %get3A_2685, %get3A_2693 : vector<16xf32>
      %swap3A_2695 = arith.index_cast %scan3A_2639 : i32 to index
      %swap3A_2696 = arith.constant 32 : index
      %swap3A_2697 = tpu.vector_load %arg10[%swap3A_2695, %swap3A_2696] {strides = array<i32>} : memref<32x64xf32, #tpu.memory_space<vmem>>, vector<1x16xf32>,
      %swap3A_2698 = vector.shape_cast %swap3A_2697 : vector<1x16xf32> to vector<16xf32>
      %swap3A_2699 = vector.shape_cast %add3A_2694 : vector<16xf32> to vector<1x16xf32>
      tpu.vector_store %arg10[%swap3A_2695, %swap3A_2696], %swap3A_2699 {strides = array<i32>} : memref<32x64xf32, #tpu.memory_space<vmem>>, vector<1x16xf32>,
      %mul3A_2700 = arith.constant 2 : i32
      %mul3A_2701 = arith.muli %mul3A_2700, %scan3A_2639 : i32
      %get3A_2702 = arith.index_cast %mul3A_2701 : i32 to index
      %get3A_2703 = arith.constant 48 : index
      %get3A_2704 = tpu.vector_load %arg8[%get3A_2702, %get3A_2703] {strides = array<i32>} : memref<64x128xf32, #tpu.memory_space<vmem>>, vector<1x16xf32>,
      %get3A_2705 = vector.shape_cast %get3A_2704 : vector<1x16xf32> to vector<16xf32>
      %mul3A_2706 = arith.constant 2 : i32
      %mul3A_2707 = arith.muli %mul3A_2706, %scan3A_2639 : i32
      %add3A_2708 = arith.constant 1 : i32
      %add3A_2709 = arith.addi %mul3A_2707, %add3A_2708 : i32
      %get3A_2710 = arith.index_cast %add3A_2709 : i32 to index
      %get3A_2711 = arith.constant 112 : index
      %get3A_2712 = tpu.vector_load %arg8[%get3A_2710, %get3A_2711] {strides = array<i32>} : memref<64x128xf32, #tpu.memory_space<vmem>>, vector<1x16xf32>,
      %get3A_2713 = vector.shape_cast %get3A_2712 : vector<1x16xf32> to vector<16xf32>
      %add3A_2714 = arith.addf %get3A_2705, %get3A_2713 : vector<16xf32>
      %swap3A_2715 = arith.index_cast %scan3A_2639 : i32 to index
      %swap3A_2716 = arith.constant 48 : index
      %swap3A_2717 = tpu.vector_load %arg10[%swap3A_2715, %swap3A_2716] {strides = array<i32>} : memref<32x64xf32, #tpu.memory_space<vmem>>, vector<1x16xf32>,
      %swap3A_2718 = vector.shape_cast %swap3A_2717 : vector<1x16xf32> to vector<16xf32>
      %swap3A_2719 = vector.shape_cast %add3A_2714 : vector<16xf32> to vector<1x16xf32>
      tpu.vector_store %arg10[%swap3A_2715, %swap3A_2716], %swap3A_2719 {strides = array<i32>} : memref<32x64xf32, #tpu.memory_space<vmem>>, vector<1x16xf32>,
      %scan3A_2720 = arith.constant 32 : i32
      "tpu.region"() ({
        %run_scoped3A = tpu.sem_alloc : memref<!tpu.dma_semaphore, #tpu.memory_space<semaphore_mem>>
        %dma_start3A_2721 = arith.constant 0 : i32
        %dma_start3A_2722 = tpu.memref_slice %arg4[%add3A_28, %dma_start3A_2721] : memref<16384x64xf32, #tpu.memory_space<hbm>> -> memref<32x64xf32, #tpu.memory_space<hbm>>
        %dma_start3A_2723 = arith.constant 0 : i32
        %dma_start3A_2724 = tpu.memref_slice %arg4[%add3A_28, %dma_start3A_2723] : memref<16384x64xf32, #tpu.memory_space<hbm>> -> memref<32x64xf32, #tpu.memory_space<hbm>>
        tpu.enqueue_dma source(%arg10 : memref<32x64xf32, #tpu.memory_space<vmem>>) target(%dma_start3A_2724 : memref<32x64xf32, #tpu.memory_space<hbm>>) target_semaphore(%run_scoped3A : memref<!tpu.dma_semaphore, #tpu.memory_space<semaphore_mem>>)
        %dma_wait3A_2725 = arith.constant 0 : i32
        %dma_wait3A_2726 = tpu.memref_slice %arg4[%add3A_28, %dma_wait3A_2725] : memref<16384x64xf32, #tpu.memory_space<hbm>> -> memref<32x64xf32, #tpu.memory_space<hbm>>
        %dma_wait3A_2727 = arith.constant 0 : i32
        %dma_wait3A_2728 = tpu.memref_slice %arg4[%add3A_28, %dma_wait3A_2727] : memref<16384x64xf32, #tpu.memory_space<hbm>> -> memref<32x64xf32, #tpu.memory_space<hbm>>
        tpu.wait_dma2 semaphore(%run_scoped3A : memref<!tpu.dma_semaphore, #tpu.memory_space<semaphore_mem>>) src(%arg10 : memref<32x64xf32, #tpu.memory_space<vmem>>) dst(%dma_wait3A_2728 : memref<32x64xf32, #tpu.memory_space<hbm>>)
        tpu.yield
      }) : () -> ()
    }
    %scan3A_22 = arith.constant 16 : i32
    return
  }
}

module attributes {stable_mosaic.version = 14 : i64} {
  func.func @_mlp_body(%arg0: i32, %arg1: memref<2048x64xf32, #tpu.memory_space<vmem>>, %arg2: memref<64x128xf32, #tpu.memory_space<vmem>>, %arg3: memref<1x128xf32, #tpu.memory_space<vmem>>, %arg4: memref<128x64xf32, #tpu.memory_space<vmem>>, %arg5: memref<1x64xf32, #tpu.memory_space<vmem>>, %arg6: memref<1x64xf32, #tpu.memory_space<vmem>>, %arg7: memref<1x64xf32, #tpu.memory_space<vmem>>, %arg8: memref<2048x64xf32, #tpu.memory_space<vmem>>) attributes {dimension_semantics = [#tpu.dimension_semantics<arbitrary>], iteration_bounds = array<i64: 8>, scalar_prefetch = 0 : i64, scratch_operands = 0 : i64, tpu.core_type = #tpu.core_type<tc>, window_params = [{transform_indices = @transform_0, window_bounds = array<i64: 2048, 64>}, {pipeline_mode = #tpu.pipeline_mode<synchronous>, transform_indices = @transform_1, window_bounds = array<i64: 64, 128>}, {pipeline_mode = #tpu.pipeline_mode<synchronous>, transform_indices = @transform_2, window_bounds = array<i64: 1, 128>}, {pipeline_mode = #tpu.pipeline_mode<synchronous>, transform_indices = @transform_3, window_bounds = array<i64: 128, 64>}, {pipeline_mode = #tpu.pipeline_mode<synchronous>, transform_indices = @transform_4, window_bounds = array<i64: 1, 64>}, {pipeline_mode = #tpu.pipeline_mode<synchronous>, transform_indices = @transform_5, window_bounds = array<i64: 1, 64>}, {pipeline_mode = #tpu.pipeline_mode<synchronous>, transform_indices = @transform_6, window_bounds = array<i64: 1, 64>}, {transform_indices = @transform_7, window_bounds = array<i64: 2048, 64>}]} {
    %get3A = arith.constant 0 : index
    %get3A_0 = arith.constant 0 : index
    %get3A_1 = vector.load %arg1[%get3A, %get3A_0] : memref<2048x64xf32, #tpu.memory_space<vmem>>, vector<2048x64xf32>
    %get3A_2 = arith.constant 0 : index
    %get3A_3 = arith.constant 0 : index
    %get3A_4 = vector.load %arg2[%get3A_2, %get3A_3] : memref<64x128xf32, #tpu.memory_space<vmem>>, vector<64x128xf32>
    %dot_general3A = arith.constant dense<0.000000e+00> : vector<2048x128xf32>
    %dot_general3A_5 = tpu.matmul %get3A_1, %get3A_4, %dot_general3A {dimension_numbers = #tpu.dot_dimension_numbers<[1], [0], [0], [1], [0, 0, 1, 1], [], []>, transpose_lhs_hint = false} : vector<2048x64xf32>, vector<64x128xf32>, vector<2048x128xf32> -> vector<2048x128xf32>
    %get3A_6 = arith.constant 0 : index
    %get3A_7 = arith.constant 0 : index
    %get3A_8 = vector.load %arg3[%get3A_6, %get3A_7] : memref<1x128xf32, #tpu.memory_space<vmem>>, vector<1x128xf32>
    %add3A = vector.broadcast %get3A_8 : vector<1x128xf32> to vector<2048x128xf32>
    %add3A_9 = arith.addf %dot_general3A_5, %add3A : vector<2048x128xf32>
    %max3A = arith.constant 0.000000e+00 : f32
    %max3A_10 = vector.broadcast %max3A : f32 to vector<2048x128xf32>
    %max3A_11 = arith.maximumf %add3A_9, %max3A_10 : vector<2048x128xf32>
    %get3A_12 = arith.constant 0 : index
    %get3A_13 = arith.constant 0 : index
    %get3A_14 = vector.load %arg4[%get3A_12, %get3A_13] : memref<128x64xf32, #tpu.memory_space<vmem>>, vector<128x64xf32>
    %dot_general3A_15 = arith.constant dense<0.000000e+00> : vector<2048x64xf32>
    %dot_general3A_16 = tpu.matmul %max3A_11, %get3A_14, %dot_general3A_15 {dimension_numbers = #tpu.dot_dimension_numbers<[1], [0], [0], [1], [0, 0, 1, 1], [], []>, transpose_lhs_hint = false} : vector<2048x128xf32>, vector<128x64xf32>, vector<2048x64xf32> -> vector<2048x64xf32>
    %get3A_17 = arith.constant 0 : index
    %get3A_18 = arith.constant 0 : index
    %get3A_19 = vector.load %arg5[%get3A_17, %get3A_18] : memref<1x64xf32, #tpu.memory_space<vmem>>, vector<1x64xf32>
    %add3A_20 = vector.broadcast %get3A_19 : vector<1x64xf32> to vector<2048x64xf32>
    %add3A_21 = arith.addf %dot_general3A_16, %add3A_20 : vector<2048x64xf32>
    %reduce_sum3A = arith.constant dense<0.000000e+00> : vector<2048xf32>
    %reduce_sum3A_22 = vector.multi_reduction <add>, %add3A_21, %reduce_sum3A [1] : vector<2048x64xf32> to vector<2048xf32>
    %broadcast_in_dim3A = vector.shape_cast %reduce_sum3A_22 : vector<2048xf32> to vector<2048x1xf32>
    %div3A = arith.constant 6.400000e+01 : f32
    %div3A_23 = vector.broadcast %div3A : f32 to vector<2048x1xf32>
    %div3A_24 = arith.divf %broadcast_in_dim3A, %div3A_23 : vector<2048x1xf32>
    %sub3A = vector.broadcast %div3A_24 : vector<2048x1xf32> to vector<2048x64xf32>
    %sub3A_25 = arith.subf %add3A_21, %sub3A : vector<2048x64xf32>
    %mul3A = arith.mulf %sub3A_25, %sub3A_25 : vector<2048x64xf32>
    %reduce_sum3A_26 = arith.constant dense<0.000000e+00> : vector<2048xf32>
    %reduce_sum3A_27 = vector.multi_reduction <add>, %mul3A, %reduce_sum3A_26 [1] : vector<2048x64xf32> to vector<2048xf32>
    %broadcast_in_dim3A_28 = vector.shape_cast %reduce_sum3A_27 : vector<2048xf32> to vector<2048x1xf32>
    %div3A_29 = arith.constant 6.400000e+01 : f32
    %div3A_30 = vector.broadcast %div3A_29 : f32 to vector<2048x1xf32>
    %div3A_31 = arith.divf %broadcast_in_dim3A_28, %div3A_30 : vector<2048x1xf32>
    %add3A_32 = arith.constant 9.99999974E-6 : f32
    %add3A_33 = vector.broadcast %add3A_32 : f32 to vector<2048x1xf32>
    %add3A_34 = arith.addf %div3A_31, %add3A_33 : vector<2048x1xf32>
    %rsqrt3A = math.rsqrt %add3A_34 : vector<2048x1xf32>
    %mul3A_35 = vector.broadcast %rsqrt3A : vector<2048x1xf32> to vector<2048x64xf32>
    %mul3A_36 = arith.mulf %sub3A_25, %mul3A_35 : vector<2048x64xf32>
    %get3A_37 = arith.constant 0 : index
    %get3A_38 = arith.constant 0 : index
    %get3A_39 = vector.load %arg6[%get3A_37, %get3A_38] : memref<1x64xf32, #tpu.memory_space<vmem>>, vector<1x64xf32>
    %mul3A_40 = vector.broadcast %get3A_39 : vector<1x64xf32> to vector<2048x64xf32>
    %mul3A_41 = arith.mulf %mul3A_36, %mul3A_40 : vector<2048x64xf32>
    %get3A_42 = arith.constant 0 : index
    %get3A_43 = arith.constant 0 : index
    %get3A_44 = vector.load %arg7[%get3A_42, %get3A_43] : memref<1x64xf32, #tpu.memory_space<vmem>>, vector<1x64xf32>
    %add3A_45 = vector.broadcast %get3A_44 : vector<1x64xf32> to vector<2048x64xf32>
    %add3A_46 = arith.addf %mul3A_41, %add3A_45 : vector<2048x64xf32>
    %swap3A = arith.constant 0 : index
    %swap3A_47 = arith.constant 0 : index
    %swap3A_48 = vector.load %arg8[%swap3A, %swap3A_47] : memref<2048x64xf32, #tpu.memory_space<vmem>>, vector<2048x64xf32>
    tpu.vector_store %arg8[%swap3A, %swap3A_47], %add3A_46 {strides = array<i32>} : memref<2048x64xf32, #tpu.memory_space<vmem>>, vector<2048x64xf32>,
    return
  }
  func.func @transform_0(%arg0: i32) -> (i32, i32) {
    %c0_i32 = arith.constant 0 : i32
    %c0_i32_0 = arith.constant 0 : i32
    return %arg0, %c0_i32 : i32, i32
  }
  func.func @transform_1(%arg0: i32) -> (i32, i32) {
    %c0_i32 = arith.constant 0 : i32
    %c0_i32_0 = arith.constant 0 : i32
    %c0_i32_1 = arith.constant 0 : i32
    return %c0_i32, %c0_i32_0 : i32, i32
  }
  func.func @transform_2(%arg0: i32) -> (i32, i32) {
    %c0_i32 = arith.constant 0 : i32
    %c0_i32_0 = arith.constant 0 : i32
    %c0_i32_1 = arith.constant 0 : i32
    return %c0_i32, %c0_i32_0 : i32, i32
  }
  func.func @transform_3(%arg0: i32) -> (i32, i32) {
    %c0_i32 = arith.constant 0 : i32
    %c0_i32_0 = arith.constant 0 : i32
    %c0_i32_1 = arith.constant 0 : i32
    return %c0_i32, %c0_i32_0 : i32, i32
  }
  func.func @transform_4(%arg0: i32) -> (i32, i32) {
    %c0_i32 = arith.constant 0 : i32
    %c0_i32_0 = arith.constant 0 : i32
    %c0_i32_1 = arith.constant 0 : i32
    return %c0_i32, %c0_i32_0 : i32, i32
  }
  func.func @transform_5(%arg0: i32) -> (i32, i32) {
    %c0_i32 = arith.constant 0 : i32
    %c0_i32_0 = arith.constant 0 : i32
    %c0_i32_1 = arith.constant 0 : i32
    return %c0_i32, %c0_i32_0 : i32, i32
  }
  func.func @transform_6(%arg0: i32) -> (i32, i32) {
    %c0_i32 = arith.constant 0 : i32
    %c0_i32_0 = arith.constant 0 : i32
    %c0_i32_1 = arith.constant 0 : i32
    return %c0_i32, %c0_i32_0 : i32, i32
  }
  func.func @transform_7(%arg0: i32) -> (i32, i32) {
    %c0_i32 = arith.constant 0 : i32
    %c0_i32_0 = arith.constant 0 : i32
    return %arg0, %c0_i32 : i32, i32
  }
}

</mosaic_0001>

<sc_bundles>
// kernel: kernel.4.cloned.1.call-start
scs
__scs_entry_jumppad:
0x0: {  	(pc) =	sbr.rel $0x88, $3  }
0x1: {  	(tag) =	ssettag $0x0;
	lr =	simm.s32 $0x1  }
0x2: {  	[smem:$0x3F99] =	sst lr;
	_ =	strace $0xD0000000  }
0x3: {  	_ = 	snop  }
0x4: {  	_ = 	snop  }
0x5: {  	_ = 	snop  }
0x6: {  	_ = 	snop  }
0x7: {  	_ = 	snop  }
__scs_overlays_trampoline_lowered:
0x8: {  	[smem:$0x3FA8] =	sst s0  }
0x9: {  	[smem:$0x3FA9] =	sst s1  }
0xa: {  	[smem:$0x3FAA] =	sst s2  }
0xb: {  	[smem:$0x3FAB] =	sst s3  }
0xc: {  	[smem:$0x3FAC] =	sst s4  }
0xd: {  	[smem:$0x3FAD] =	sst s5  }
0xe: {  	[smem:$0x3FAE] =	sst s6  }
0xf: {  	[smem:$0x3FAF] =	sst s7  }
0x10: {  	[smem:$0x3FB0] =	sst s8  }
0x11: {  	[smem:$0x3FB1] =	sst s9;
	s0 =	simm.s32 @!p0 $0x0  }
0x12: {  	s1 =	sld [smem:$0x3F97];
	s0 =	simm.s32 @p0 $0x1  }
0x13: {  	[smem:$0x3FB2] =	sst s0;
	s0 =	simm.s32 @!p1 $0x0  }
0x14: {  	s2 =	sld [smem:$0x3F96];
	s0 =	simm.s32 @p1 $0x1  }
0x15: {  	[smem:$0x3FB3] =	sst s0;
	s0 =	simm.s32 @!p2 $0x0  }
0x16: {  	s3 =	sld [smem:$0x3FDB];
	s0 =	simm.s32 @p2 $0x1  }
0x17: {  	s4 =	simm.s32 $0x1BF5;
	[smem:$0x3FB5] =	sst s0  }
0x18: {  	s0 =	sld [smem:$0x3F98];
	_ =	swait.ge [sflag:s4], $0x0  }
0x19: {  	s7 =	sld [smem:$0x3F99]  }
0x1a: {  	s8 =	sadd.s32 $0xFFFFE003, lr  }
0x1b: {  	s9 =	sadd.s32 $0xFFFFFEF7, lr;
	s5 =	simm.s32 $0xFFFFFFFF;
	p2 =	slt.u32 s8, $0xFFFFF086  }
0x1c: {  	p1 =	slt.u32 s9, $0xF7A;
	s5 =	simm.s32 @!p2 $0x0  }
0x1d: {  	s5 =	simm.s32 @p1 $0x1;
	p0 =	seq.s32 s7, s2  }
0x1e: {  	s7 =	smul.u32 @!p0 $0xF7A, s2;
	p2 =	seq.s32 @!p0 s5, $0x0  }
0x1f: {  	s9 =	smul.u32 $0xF7A, s1;
	s8 =	simm.s32 @!p0 $0x1BF5;
	p2 =	por !p2, p0  }
0x20: {  	[sflag:s8] =	ssyncset.s32 @!p0 $0xFFFFF086;
	s6 =	sadd.s32 @!p0 s3, s7;
	s7 =	simm.s32 @!p0 $0x108  }
0x21: {  	s3 =	sadd.s32 s3, s9;
	s6 =	sadd.s32 @!p0 $0x88, s6;
	s7 =	simm.s32 @p2 $0x1082  }
0x22: {  	[simem:s7], [sflag:s8] =	dma.local @!p0 [hbm:s6], $0xF7A  }
0x23: {  	s9 =	sor.u32 $0xD0000000, s2;
	s6 =	simm.s32 $0x108;
	_ =	swait.ge @!p0 [sflag:s8], $0x0  }
0x24: {  	s3 =	sadd.s32 $0x88, s3;
	s6 =	simm.s32 @!p1 $0x1082;
	[sflag:s4] =	ssyncset.s32 $0xFFFFF086  }
0x25: {  	[simem:s6], [sflag:s4] =	dma.local [hbm:s3], $0xF7A  }
0x26: {  	[smem:$0x3F99] =	sst s1;
	(tag) =	ssettag s2;
	_ =	strace s9  }
0x27: {  	s1 =	sld [smem:$0x3FA9]  }
0x28: {  	s2 =	sld [smem:$0x3FAA]  }
0x29: {  	s4 =	sld [smem:$0x3FAC]  }
0x2a: {  	p0 =	seq.s32 s5, $0x0;
	s5 =	sld [smem:$0x3FAD]  }
0x2b: {  	s6 =	sld [smem:$0x3FAE]  }
0x2c: {  	s7 =	sld [smem:$0x3FAF]  }
0x2d: {  	s3 =	simm.s32 $0x108;
	s8 =	sld [smem:$0x3FB0]  }
0x2e: {  	s3 =	simm.s32 @!p0 $0x1082;
	s9 =	sld [smem:$0x3FB1]  }
0x2f: {  	lr =	sadd.s32 s0, s3;
	s0 =	sld [smem:$0x3FA8]  }
0x30: {  	s3 =	sld [smem:$0x3FAB]  }
0x31: {  	[smem:$0x3FB4] =	sst s10  }
0x32: {  	s10 =	sld [smem:$0x3FB2];
	_ =	sdelay $0x3  }
0x33: {  	p0 =	seq.s32 s10, $0x1;
	s10 =	sld [smem:$0x3FB4];
	_ =	sdelay $0x3  }
0x34: {  	[smem:$0x3FB4] =	sst s10  }
0x35: {  	s10 =	sld [smem:$0x3FB3];
	_ =	sdelay $0x3  }
0x36: {  	p1 =	seq.s32 s10, $0x1;
	s10 =	sld [smem:$0x3FB4];
	_ =	sdelay $0x3  }
0x37: {  	[smem:$0x3FB4] =	sst s10  }
0x38: {  	s10 =	sld [smem:$0x3FB5]  }
0x39: {  	_ = 	snop;
	(pc) =	sbr.ind lr, $3  }
0x3a: {  	_ = 	snop  }
0x3b: {  	_ = 	snop  }
0x3c: {  	p2 =	seq.s32 s10, $0x1;
	s10 =	sld [smem:$0x3FB4]  }
0x3d: {  	_ =	shalt  }
0x3e: {  	_ =	shalt  }
0x3f: {  	_ =	shalt  }
0x40: {  	_ =	shalt  }
0x41: {  	_ =	shalt  }
0x42: {  	_ =	shalt  }
0x43: {  	_ =	shalt  }
0x44: {  	_ =	shalt  }
0x45: {  	_ =	shalt  }
0x46: {  	_ =	shalt  }
0x47: {  	_ =	shalt  }
0x48: {  	_ =	shalt  }
0x49: {  	_ =	shalt  }
0x4a: {  	_ =	shalt  }
0x4b: {  	_ =	shalt  }
0x4c: {  	_ =	shalt  }
0x4d: {  	_ =	shalt  }
0x4e: {  	_ =	shalt  }
0x4f: {  	_ =	shalt  }
0x50: {  	_ =	shalt  }
0x51: {  	_ =	shalt  }
0x52: {  	_ =	shalt  }
0x53: {  	_ =	shalt  }
0x54: {  	_ =	shalt  }
0x55: {  	_ =	shalt  }
0x56: {  	_ =	shalt  }
0x57: {  	_ =	shalt  }
0x58: {  	_ =	shalt  }
0x59: {  	_ =	shalt  }
0x5a: {  	_ =	shalt  }
0x5b: {  	_ =	shalt  }
0x5c: {  	_ =	shalt  }
0x5d: {  	_ =	shalt  }
0x5e: {  	_ =	shalt  }
0x5f: {  	_ =	shalt  }
0x60: {  	_ =	shalt  }
0x61: {  	_ =	shalt  }
0x62: {  	_ =	shalt  }
0x63: {  	_ =	shalt  }
0x64: {  	_ =	shalt  }
0x65: {  	_ =	shalt  }
0x66: {  	_ =	shalt  }
0x67: {  	_ =	shalt  }
0x68: {  	_ =	shalt  }
0x69: {  	_ =	shalt  }
0x6a: {  	_ =	shalt  }
0x6b: {  	_ =	shalt  }
0x6c: {  	_ =	shalt  }
0x6d: {  	_ =	shalt  }
0x6e: {  	_ =	shalt  }
0x6f: {  	_ =	shalt  }
0x70: {  	_ =	shalt  }
0x71: {  	_ =	shalt  }
0x72: {  	_ =	shalt  }
0x73: {  	_ =	shalt  }
0x74: {  	_ =	shalt  }
0x75: {  	_ =	shalt  }
0x76: {  	_ =	shalt  }
0x77: {  	_ =	shalt  }
0x78: {  	_ =	shalt  }
0x79: {  	_ =	shalt  }
0x7a: {  	_ =	shalt  }
0x7b: {  	_ =	shalt  }
0x7c: {  	_ =	shalt  }
0x7d: {  	_ =	shalt  }
0x7e: {  	_ =	shalt  }
0x7f: {  	_ =	shalt  }
0x80: {  	_ =	shalt  }
0x81: {  	_ =	shalt  }
0x82: {  	_ =	shalt  }
0x83: {  	_ =	shalt  }
0x84: {  	_ =	shalt  }
0x85: {  	_ =	shalt  }
0x86: {  	_ =	shalt  }
0x87: {  	_ =	shalt  }
.Lfunc_end0:
.L_simem_size_0:
called_computation_lowered:
.L_overlay_start_0:
0x88: {  	s2 =	sld [smem:$0x3FD9]  }
0x89: {  	s3 =	sld [smem:$0x3FFE];
	_ =	sdelay $0x1  }
0x8a: {  	s1 =	srdreg.scid  }
0x8b: {  	s0 =	sand.u32 $0x1, s1  }
0x8c: {  	s17 =	sshll.u32 s0, $0xA;
	s2 =	sadd.s32 s3, s2  }
0x8d: {  	s2 =	sadd.s32 s2, s17  }
0x8e: {  	[smem:$0x3FC0] =	sst s2  }
0x8f: {  	_ = 	snop  }
0x90: {  	s2 =	sld [smem:$0x3FD0];
	(tm) =	ssettm $0x1  }
0x91: {  	s18 =	sld [smem:$0x3FFB];
	_ =	sdelay $0x3  }
0x92: {  	_ =	strace s18  }
0x93: {  	s3 =	sld [smem:$0x3FFC];
	_ =	sdelay $0x3  }
0x94: {  	_ =	strace s3  }
0x95: {  	s3 =	sld [smem:$0x3FFD];
	_ =	sdelay $0x3  }
0x96: {  	_ =	strace s3  }
0x97: {  	_ =	strace $0x8FFFFFFF  }
0x98: {  	s19 =	sld [smem:$0x3FDB];
	_ =	sdelay $0x1  }
0x99: {  	s4 =	simm.s32 $_scs_section_size  }
0x9a: {  	s5 =	simm.s32 $_size__tile_overlayer_lowered;
	s6 =	simm.s32 $_tile_overlayer_lowered  }
0x9b: {  	s22 =	simm.s32 $0x1BFF;
	s21 =	sshll.u32 s6, $0x1;
	s3 =	sadd.s32 s4, s19  }
0x9c: {  	s7 =	simm.s32 $0x0;
	s20 =	sshll.u32 s5, $0x1;
	s5 =	sadd.s32 s21, s3  }
0x9d: {  	[timem:s7], [sflag:s22] =	dma.local [hbm:s5], s20  }
0x9e: {  	_ =	swait.ge [sflag:s22], s20  }
0x9f: {  	s4 =	ssub.s32 $0x0, s20;
	[sflag:s22] =	ssyncset.done $0x0  }
0xa0: {  	[sflag:s22] =	ssyncadd.s32 s4;
	_ =	sdelay $0x1  }
0xa1: {  	s23 =	simm.s32 $0x1B8B  }
0xa2: {  	_ =	swait.ge [sflag:s23], $0x1  }
0xa3: {  	[sflag:s23] =	ssyncset.done $0x0  }
0xa4: {  	s25 =	simm.s32 $0x1B8E;
	s24 =	sld [smem:$0x3FFE];
	[sflag:s23] =	ssyncadd.s32 $0xFFFFFFFF  }
0xa5: {  	s26 =	simm.s32 $execute0_lowered;
	[smem:$0x3FD2] =	sst s25  }
0xa6: {  	s5 =	sshll.u32 s26, $0x1;
	_ =	strace $0x80000046;
	[dreg:$0x1] =	wrdreg $0xFFFFFFFF  }
0xa7: {  	s28 =	simm.s32 $_size_execute0_lowered;
	s3 =	sadd.s32 s3, s5;
	[dreg:$0x0] =	wrdreg $0x0  }
0xa8: {  	s5 =	sshll.u32 s28, $0x1;
	[dreg:$0x2] =	wrdreg s3  }
0xa9: {  	[dreg:$0x3] =	wrdreg s5  }
0xaa: {  	[dreg:$0x4] =	wrdreg $0xC0  }
0xab: {  	_ =	task [dreg:s7], $0x5FFFF  }
0xac: {  	[dreg:$0x1] =	wrdreg $0xFFFFFFFF  }
0xad: {  	[dreg:$0x0] =	wrdreg $0x60  }
0xae: {  	[dreg:$0x2] =	wrdreg s2  }
0xaf: {  	[dreg:$0x3] =	wrdreg s24  }
0xb0: {  	[dreg:$0x4] =	wrdreg $0x120000  }
0xb1: {  	[dreg:$0x5] =	wrdreg $0x9  }
0xb2: {  	_ =	task.clear_ibuf [dreg:s7], $0x6FFFF;
	_ =	strace $0x90000046  }
0xb3: {  	s29 =	simm.s32 $0x9;
	_ =	strace $0x80000048  }
0xb4: {  	_ =	swait.ge [sflag:s29], $0x1  }
0xb5: {  	[sflag:s29] =	ssyncadd.s32 $0xFFFFFFFF  }
0xb6: {  	_ =	strace $0x90000048  }
0xb7: {  	_ =	sfence  }
0xb8: {  	s30 =	sld [smem:$0x0];
	_ =	sdelay $0x2  }
0xb9: {  	s31 =	sshll.u32 s1, $0xD;
	s1 =	sshrl.u32 s1, $0x2  }
0xba: {  	s3 =	sand.u32 $0x4000, s31;
	s1 =	sadd.s32 s1, s30  }
0xbb: {  	s0 =	sor.u32 s3, s0;
	s1 =	sshll.u32 s1, $0x11  }
0xbc: {  	s0 =	sor.u32 s1, s0  }
0xbd: {  	s0 =	sadd.s32 $0x8F2B, s0  }
0xbe: {  	[sflag:s0] =	ssyncadd.remote.s32 $0x1  }
0xbf: {  	_ =	sfence.sel $0xFFFF  }
0xc0: {  	[dreg:$0x0] =	wrdreg $0xFFFFFFFF;
	(pc) =	sbr.abs _section_cstart, $3  }
0xc1: {  	[dreg:$0x1] =	wrdreg $0xFFFFFFFF  }
0xc2: {  	_ =	task.clear_ibuf [dreg:s7], $0x2FFFF;
	_ =	strace $0x9FFFFFFF  }
0xc3: {  	(tm) =	ssettm $0x7FFFFFFF  }
tec
execute0_lowered:
.L_overlay_start_1:
0x0: {  	(tag) =	ssettag $0x1  }
0x1: {  	s5 =	rddreg [dreg:$0x0]  }
0x2: {  	s0 =	stileid.u32;
	s6 =	rddreg [dreg:$0x1]  }
0x3: {  	vm1 =	vcmask $0xF00;
	v1 =	vimm.s32 $0x2;
	vm0 =	vcmask $0x2F00;
	s2 =	rddreg [dreg:$0x2];
	s3 =	simm.s32 $0x0;
	s16 =	sshll.u32 s0, $0x6  }
0x4: {  	v2 =	vimm.s32 $0x6;
	v1 =	vsel vm1, $0x0, v1;
	[smem:$0x7FF] =	sst s3;
	v41 =	vmov s16  }
0x5: {  	v37 =	vimm.s32 $0xE;
	s1 =	rddreg [dreg:$0x3];
	v2 =	vsel vm0, $0x4, v2;
	v16 =	vor.u32 s16, v1;
	_ =	strace $0x80000047;
	[tilespmem:$0x1FE10] =	vst v41  }
0x6: {  	v48 =	vimm.s32 $0x26;
	v38 =	vsel vm0, $0xC, v37;
	v19 =	vor.u32 s16, v2;
	[tilespmem:$0x1FE20] =	vst v16  }
0x7: {  	v49 =	vsel vm0, $0x24, v48;
	v24 =	vor.u32 s16, v38;
	[tilespmem:$0x1FE40] =	vst v19  }
0x8: {  	v18 =	vor.u32 s16, v49;
	[tilespmem:$0x1FE90] =	vst v24  }
0x9: {  	v51 =	vor.u32 $0x28, v41;
	[tilespmem:$0x1FF80] =	vst v18  }
0xa: {  	v55 =	vor.u32 $0x2E, v41;
	[tilespmem:$0x1FD80] =	vst v51  }
0xb: {  	v56 =	vor.u32 $0x30, v41;
	[tilespmem:$0x1FDC0] =	vst v55  }
0xc: {  	v63 =	vor.u32 $0x3E, v41;
	[tilespmem:$0x1FDD0] =	vst v56  }
0xd: {  	v35 =	vimm.s32 $0xA;
	v20 =	vor.u32 $0x6, v41;
	[tilespmem:$0x1FE00] =	vst v63  }
0xe: {  	v1 =	vsel vm1, $0x8, v35;
	v21 =	vor.u32 $0x8, v41;
	[tilespmem:$0x1FE50] =	vst v20  }
0xf: {  	v22 =	vor.u32 s16, v1;
	[tilespmem:$0x1FE60] =	vst v21  }
0x10: {  	v40 =	vimm.s32 $0x16;
	v25 =	vor.u32 $0xE, v41;
	[tilespmem:$0x1FE70] =	vst v22  }
0x11: {  	v2 =	vsel vm0, $0x14, v40;
	v26 =	vor.u32 $0x10, v41;
	[tilespmem:$0x1FEA0] =	vst v25  }
0x12: {  	v29 =	vor.u32 s16, v2;
	[tilespmem:$0x1FEB0] =	vst v26  }
0x13: {  	v0 =	vlaneseq.u32;
	v30 =	vor.u32 $0x16, v41;
	[tilespmem:$0x1FEE0] =	vst v29  }
0x14: {  	v39 =	vimm.s32 $0x12;
	v44 =	vimm.s32 $0x1E;
	v31 =	vor.u32 $0x18, v41;
	[tilespmem:$0x1FEF0] =	vst v30  }
0x15: {  	v52 =	vimm.s32 $0x2E;
	v0 =	vshrl.u32 v0, $0x3;
	v35 =	vor.u32 $0x1E, v41;
	[tilespmem:$0x1FF00] =	vst v31  }
0x16: {  	v0 =	vmul.u32 $0x2, v0;
	v1 =	vsel vm1, $0x10, v39;
	v39 =	vor.u32 $0x26, v41;
	[tilespmem:$0x1FF40] =	vst v35  }
0x17: {  	v2 =	vsel vm0, $0x1C, v44;
	v5 =	vor.u32 $0x36, v41;
	v6 =	vor.u32 $0x38, v41;
	[tilespmem:$0x1FF90] =	vst v39  }
0x18: {  	v3 =	vadd.s32 $0x2, v0;
	v36 =	vadd.s32 $0xA, v0;
	v27 =	vor.u32 s16, v1;
	[tilespmem:$0x1FFC0] =	vst v5  }
0x19: {  	v42 =	vadd.s32 $0x12, v0;
	v45 =	vadd.s32 $0x1A, v0;
	v34 =	vor.u32 s16, v2;
	[tilespmem:$0x1FFD0] =	vst v6  }
0x1a: {  	v47 =	vadd.s32 $0x22, v0;
	v53 =	vadd.s32 $0x2A, v0;
	v2 =	vsel vm0, $0x2C, v52;
	[tilespmem:$0x1FEC0] =	vst v27  }
0x1b: {  	v59 =	vadd.s32 $0x32, v0;
	v0 =	vadd.s32 $0x3A, v0;
	v54 =	vor.u32 s16, v2;
	[tilespmem:$0x1FF30] =	vst v34  }
0x1c: {  	v0 =	vor.u32 s16, v0;
	[tilespmem:$0x1FDB0] =	vst v54  }
0x1d: {  	v17 =	vor.u32 s16, v3;
	[tilespmem:$0x1FDF0] =	vst v0  }
0x1e: {  	v43 =	vimm.s32 $0x1A;
	v23 =	vor.u32 s16, v36;
	[tilespmem:$0x1FE30] =	vst v17  }
0x1f: {  	v1 =	vsel vm1, $0x18, v43;
	v28 =	vor.u32 s16, v42;
	[tilespmem:$0x1FE80] =	vst v23  }
0x20: {  	v32 =	vor.u32 s16, v1;
	[tilespmem:$0x1FED0] =	vst v28  }
0x21: {  	v33 =	vor.u32 s16, v45;
	[tilespmem:$0x1FF10] =	vst v32  }
0x22: {  	v36 =	vor.u32 $0x20, v41;
	[tilespmem:$0x1FF20] =	vst v33  }
0x23: {  	v46 =	vimm.s32 $0x22;
	s7 =	srdreg.scid;
	v38 =	vor.u32 s16, v47;
	[tilespmem:$0x1FF50] =	vst v36  }
0x24: {  	v50 =	vimm.s32 $0x2A;
	s11 =	simm.s32 $0x80;
	s12 =	simm.s32 $0x5000;
	s13 =	simm.s32 $0x1;
	v1 =	vsel vm1, $0x20, v46;
	v3 =	vor.u32 s16, v59;
	[tilespmem:$0x1FF70] =	vst v38  }
0x25: {  	s14 =	simm.s32 $0x9000;
	s15 =	simm.s32 $0x2;
	s17 =	simm.s32 $0x11000;
	v37 =	vor.u32 s16, v1;
	v1 =	vsel vm1, $0x28, v50;
	[tilespmem:$0x1FFA0] =	vst v3  }
0x26: {  	v58 =	vimm.s32 $0x36;
	s18 =	simm.s32 $0x0;
	s4 =	sadd.s32 $0xF43800, s6;
	s7 =	sand.u32 $0x1, s7;
	v1 =	vor.u32 s16, v1;
	[tilespmem:$0x1FF60] =	vst v37  }
0x27: {  	v57 =	vimm.s32 $0x32;
	s8 =	sshll.u32 s0, $0x1;
	s9 =	sshll.u32 s0, $0xE;
	s30 =	sshll.u32 s0, $0xD;
	v2 =	vsel vm0, $0x34, v58;
	[tilespmem:$0x1FD90] =	vst v1;
	v1 =	vor.u32 s16, v53  }
0x28: {  	v61 =	vimm.s32 $0x3E;
	s10 =	ssub.s32 $0x2, s7;
	s8 =	sor.u32 s7, s8;
	s9 =	sadd.s32 s9, s6;
	v4 =	vor.u32 s16, v2;
	[tilespmem:$0x1FDA0] =	vst v1;
	v1 =	vsel vm1, $0x30, v57  }
0x29: {  	v60 =	vimm.s32 $0x3A;
	v62 =	vsel vm0, $0x3C, v61;
	s7 =	sshll.u32 s7, $0xD;
	s29 =	sshrl.u32 s10, $0x1;
	s8 =	smul.u32 $0x500, s8;
	[tilespmem:$0x1FFB0] =	vst v4;
	v1 =	vor.u32 s16, v1  }
0x2a: {  	s6 =	sadd.s32 s30, s2;
	s31 =	sadd.s32 s7, s9;
	s10 =	ssub.s32 s10, s29;
	v0 =	vor.u32 s16, v62;
	[tilespmem:$0x1FDE0] =	vst v1;
	v1 =	vsel vm1, $0x38, v60  }
0x2b: {  	s9 =	simm.s32 $0x3;
	s5 =	sadd.s32 s5, s8;
	s7 =	smax.u32 s10, $0x1;
	[tilespmem:$0x1FFF0] =	vst v0;
	v1 =	vor.u32 s16, v1  }
0x2c: {  	v40 =	vimm.f32 $0.0e+00;
	s8 =	sadd.s32 $0x1400, s31;
	s10 =	simm.s32 $0xF000;
	s16 =	simm.s32 $0xD000;
	[tilespmem:$0x1FFE0] =	vst v1  }
.LBB2_1:
0x2d: {  	[tilespmem:s3], [sflag:$0x3] =	stream.linear.gather [hbm4b:s5+s3], $0x2800, $0x38;
	[tilespmem:$0x14000] =	vst v63  }
0x2e: {  	_ =	swait.ge [sflag:s9], $0x2800  }
0x2f: {  	[sflag:s9] =	ssyncset.done $0x0  }
0x30: {  	s19 =	simm.s32 $0xF100;
	[sflag:s9] =	ssyncadd.s32 $0xFFFFD800  }
0x31: {  	[tilespmem:s19+$0xFFFFFF00] =	vst v40  }
0x32: {  	[tilespmem:s19+$0xF0] =	vst v40  }
0x33: {  	[tilespmem:s19+$0xE0] =	vst v40  }
0x34: {  	[tilespmem:s19+$0xD0] =	vst v40  }
0x35: {  	[tilespmem:s19+$0xC0] =	vst v40  }
0x36: {  	[tilespmem:s19+$0xB0] =	vst v40  }
0x37: {  	[tilespmem:s19+$0xA0] =	vst v40  }
0x38: {  	[tilespmem:s19+$0x90] =	vst v40  }
0x39: {  	[tilespmem:s19+$0x80] =	vst v40  }
0x3a: {  	[tilespmem:s19+$0x70] =	vst v40  }
0x3b: {  	[tilespmem:s19+$0x60] =	vst v40  }
0x3c: {  	[tilespmem:s19+$0x50] =	vst v40  }
0x3d: {  	[tilespmem:s19+$0x40] =	vst v40  }
0x3e: {  	[tilespmem:s19+$0x30] =	vst v40  }
0x3f: {  	[tilespmem:s19+$0x20] =	vst v40  }
0x40: {  	[tilespmem:s19+$0x10] =	vst v40  }
0x41: {  	[tilespmem:s19+$0x0] =	vst v40  }
0x42: {  	[tilespmem:s19+$0xFFFFFFF0] =	vst v40  }
0x43: {  	[tilespmem:s19+$0xFFFFFFE0] =	vst v40  }
0x44: {  	[tilespmem:s19+$0xFFFFFFD0] =	vst v40  }
0x45: {  	[tilespmem:s19+$0xFFFFFFC0] =	vst v40  }
0x46: {  	[tilespmem:s19+$0xFFFFFFB0] =	vst v40  }
0x47: {  	[tilespmem:s19+$0xFFFFFFA0] =	vst v40  }
0x48: {  	[tilespmem:s19+$0xFFFFFF90] =	vst v40  }
0x49: {  	[tilespmem:s19+$0xFFFFFF80] =	vst v40  }
0x4a: {  	[tilespmem:s19+$0xFFFFFF70] =	vst v40  }
0x4b: {  	[tilespmem:s19+$0xFFFFFF60] =	vst v40  }
0x4c: {  	[tilespmem:s19+$0xFFFFFF50] =	vst v40  }
0x4d: {  	[tilespmem:s19+$0xFFFFFF40] =	vst v40  }
0x4e: {  	[tilespmem:s19+$0xFFFFFF30] =	vst v40  }
0x4f: {  	s20 =	simm.s32 $0x0;
	[tilespmem:s19+$0xFFFFFF20] =	vst v40  }
.LBB2_2:
0x50: {  	s20 =	sadd.s32 $0x4, s20;
	[tilespmem:s19+$0xFFFFFF10] =	vst v40;
	s19 =	sadd.s32 $0x200, s19  }
0x51: {  	[tilespmem:s19+$0xFFFFFF00] =	vst v40;
	p0 =	slt.u32 s20, $0x3C  }
0x52: {  	[tilespmem:s19+$0xF0] =	vst v40  }
0x53: {  	[tilespmem:s19+$0xE0] =	vst v40  }
0x54: {  	[tilespmem:s19+$0xD0] =	vst v40  }
0x55: {  	[tilespmem:s19+$0xC0] =	vst v40  }
0x56: {  	[tilespmem:s19+$0xB0] =	vst v40  }
0x57: {  	[tilespmem:s19+$0xA0] =	vst v40  }
0x58: {  	[tilespmem:s19+$0x90] =	vst v40  }
0x59: {  	[tilespmem:s19+$0x80] =	vst v40  }
0x5a: {  	[tilespmem:s19+$0x70] =	vst v40  }
0x5b: {  	[tilespmem:s19+$0x60] =	vst v40  }
0x5c: {  	[tilespmem:s19+$0x50] =	vst v40  }
0x5d: {  	[tilespmem:s19+$0x40] =	vst v40  }
0x5e: {  	[tilespmem:s19+$0x30] =	vst v40  }
0x5f: {  	[tilespmem:s19+$0x20] =	vst v40  }
0x60: {  	[tilespmem:s19+$0x10] =	vst v40  }
0x61: {  	[tilespmem:s19+$0x0] =	vst v40  }
0x62: {  	[tilespmem:s19+$0xFFFFFFF0] =	vst v40  }
0x63: {  	[tilespmem:s19+$0xFFFFFFE0] =	vst v40  }
0x64: {  	[tilespmem:s19+$0xFFFFFFD0] =	vst v40  }
0x65: {  	[tilespmem:s19+$0xFFFFFFC0] =	vst v40  }
0x66: {  	[tilespmem:s19+$0xFFFFFFB0] =	vst v40  }
0x67: {  	[tilespmem:s19+$0xFFFFFFA0] =	vst v40  }
0x68: {  	[tilespmem:s19+$0xFFFFFF90] =	vst v40  }
0x69: {  	[tilespmem:s19+$0xFFFFFF80] =	vst v40  }
0x6a: {  	[tilespmem:s19+$0xFFFFFF70] =	vst v40  }
.Ltmp0:
0x6b: {  	[tilespmem:s19+$0xFFFFFF60] =	vst v40;
	(pc) =	sbr.rel @p0 .LBB2_2-.Ltmp0, $4  }
0x6c: {  	[tilespmem:s19+$0xFFFFFF50] =	vst v40  }
0x6d: {  	[tilespmem:s19+$0xFFFFFF40] =	vst v40  }
0x6e: {  	[tilespmem:s19+$0xFFFFFF30] =	vst v40  }
0x6f: {  	[tilespmem:s19+$0xFFFFFF20] =	vst v40  }
0x70: {  	[tilespmem:s19+$0xFFFFFF10] =	vst v40;
	s20 =	simm.s32 $0x0  }
0x71: {  	v0 =	vld [tilespmem:s20+$0x0]  }
0x72: {  	v1 =	vld [tilespmem:s20+$0x10]  }
0x73: {  	v2 =	vld [tilespmem:s20+$0x20]  }
0x74: {  	v3 =	vld [tilespmem:s20+$0x30]  }
0x75: {  	v4 =	vld [tilespmem:s20+$0x40]  }
0x76: {  	v62 =	vld [tilespmem:s20+$0x150]  }
0x77: {  	v6 =	vld [tilespmem:s20+$0x50];
	v5 =	vshrl.u32 v0, $0x1  }
0x78: {  	v7 =	vld [tilespmem:s20+$0x60];
	v0 =	vand.u32 $0x1, v0;
	[tilespmem:s20+$0x0] =	vst v5;
	v5 =	vshrl.u32 v1, $0x1  }
0x79: {  	v8 =	vld [tilespmem:s20+$0x70];
	v41 =	vor.u32 v41, v0;
	v0 =	vand.u32 $0x1, v1;
	[tilespmem:s20+$0x10] =	vst v5;
	v5 =	vshrl.u32 v2, $0x1  }
0x7a: {  	v9 =	vld [tilespmem:s20+$0x80];
	v1 =	vand.u32 $0x1, v2;
	v2 =	vand.u32 $0x1, v3;
	[tilespmem:s20+$0x20] =	vst v5;
	v5 =	vshrl.u32 v3, $0x1  }
0x7b: {  	v10 =	vld [tilespmem:s20+$0x90];
	v44 =	vor.u32 v2, v19;
	v2 =	vshrl.u32 v62, $0x1;
	[tilespmem:s20+$0x30] =	vst v5  }
0x7c: {  	v11 =	vld [tilespmem:s20+$0xA0];
	v5 =	vshrl.u32 v4, $0x1;
	[tilespmem:s20+$0x150] =	vst v2  }
0x7d: {  	v12 =	vld [tilespmem:s20+$0xB0];
	[tilespmem:s20+$0x40] =	vst v5;
	v5 =	vshrl.u32 v6, $0x1  }
0x7e: {  	v13 =	vld [tilespmem:s20+$0xC0];
	[tilespmem:s20+$0x50] =	vst v5;
	v5 =	vshrl.u32 v7, $0x1  }
0x7f: {  	v14 =	vld [tilespmem:s20+$0xD0];
	[tilespmem:s20+$0x60] =	vst v5;
	v5 =	vshrl.u32 v8, $0x1  }
0x80: {  	v56 =	vld [tilespmem:s20+$0xE0];
	[tilespmem:s20+$0x70] =	vst v5;
	v5 =	vshrl.u32 v9, $0x1  }
0x81: {  	v55 =	vld [tilespmem:s20+$0xF0];
	[tilespmem:s20+$0x80] =	vst v5;
	v5 =	vshrl.u32 v10, $0x1  }
0x82: {  	v57 =	vld [tilespmem:s20+$0x100];
	[tilespmem:s20+$0x90] =	vst v5;
	v5 =	vshrl.u32 v11, $0x1  }
0x83: {  	v58 =	vld [tilespmem:s20+$0x110];
	[tilespmem:s20+$0xA0] =	vst v5;
	v5 =	vshrl.u32 v12, $0x1  }
0x84: {  	v63 =	vld [tilespmem:s20+$0x160];
	[tilespmem:s20+$0xB0] =	vst v5;
	v5 =	vshrl.u32 v13, $0x1  }
0x85: {  	v59 =	vld [tilespmem:s20+$0x120];
	v42 =	vor.u32 v0, v16;
	v43 =	vor.u32 v1, v17;
	[tilespmem:s20+$0xC0] =	vst v5;
	v5 =	vshrl.u32 v14, $0x1  }
0x86: {  	v60 =	vld [tilespmem:s20+$0x130];
	v0 =	vand.u32 $0x1, v4;
	v1 =	vand.u32 $0x1, v6;
	[tilespmem:s20+$0xD0] =	vst v5;
	v5 =	vshrl.u32 v56, $0x1  }
0x87: {  	v15 =	vld [tilespmem:s20+$0x170];
	v45 =	vor.u32 v0, v20;
	v46 =	vor.u32 v1, v21;
	[tilespmem:s20+$0xE0] =	vst v5;
	v5 =	vshrl.u32 v55, $0x1  }
0x88: {  	v0 =	vand.u32 $0x1, v7;
	v1 =	vand.u32 $0x1, v8;
	[tilespmem:s20+$0xF0] =	vst v5;
	v5 =	vshrl.u32 v57, $0x1  }
0x89: {  	v52 =	vld [tilespmem:s20+$0x180];
	v2 =	vand.u32 $0x1, v9;
	v4 =	vshrl.u32 v63, $0x1;
	[tilespmem:s20+$0x100] =	vst v5;
	v5 =	vshrl.u32 v58, $0x1  }
0x8a: {  	v47 =	vor.u32 v0, v22;
	v48 =	vor.u32 v1, v23;
	[tilespmem:s20+$0x110] =	vst v5;
	v5 =	vshrl.u32 v59, $0x1  }
0x8b: {  	v0 =	vand.u32 $0x1, v10;
	v1 =	vand.u32 $0x1, v11;
	[tilespmem:s20+$0x120] =	vst v5;
	v5 =	vshrl.u32 v60, $0x1  }
0x8c: {  	v49 =	vor.u32 v2, v24;
	v2 =	vshrl.u32 v15, $0x1;
	v50 =	vor.u32 v0, v25;
	[tilespmem:s20+$0x130] =	vst v5;
	v5 =	vld [tilespmem:s20+$0x190]  }
0x8d: {  	v51 =	vor.u32 v1, v26;
	v0 =	vand.u32 $0x1, v12;
	v1 =	vand.u32 $0x1, v13  }
0x8e: {  	v6 =	vld [tilespmem:s20+$0x1B0];
	[tilespmem:s20+$0x170] =	vst v2;
	v2 =	vand.u32 $0x1, v14;
	v7 =	vshrl.u32 v52, $0x1;
	v53 =	vor.u32 v1, v28  }
0x8f: {  	v61 =	vld [tilespmem:s20+$0x140];
	v1 =	vand.u32 $0x1, v55;
	v11 =	vmovc v52;
	v52 =	vor.u32 v0, v27;
	v0 =	vand.u32 $0x1, v56  }
0x90: {  	v8 =	vld [tilespmem:s20+$0x1D0];
	v54 =	vor.u32 v2, v29;
	v55 =	vor.u32 v0, v30;
	v0 =	vand.u32 $0x1, v57  }
0x91: {  	[tilespmem:s20+$0x160] =	vst v4;
	v4 =	vld [tilespmem:s20+$0x1C0];
	v57 =	vor.u32 v0, v32;
	v0 =	vand.u32 $0x1, v60;
	v2 =	vshrl.u32 v5, $0x1  }
0x92: {  	v60 =	vor.u32 v0, v35;
	[tilespmem:s20+$0x190] =	vst v2;
	v2 =	vand.u32 $0x1, v59  }
0x93: {  	v0 =	vand.u32 $0x1, v62;
	v59 =	vor.u32 v2, v34;
	v2 =	vshrl.u32 v6, $0x1  }
0x94: {  	v3 =	vshrl.u32 v61, $0x1;
	v62 =	vor.u32 v0, v37;
	[tilespmem:s20+$0x1B0] =	vst v2;
	v2 =	vand.u32 $0x1, v15  }
0x95: {  	[tilespmem:s20+$0x140] =	vst v3;
	v3 =	vld [tilespmem:s20+$0x1A0];
	v0 =	vor.u32 v2, v18;
	v2 =	vand.u32 $0x1, v5;
	v5 =	vshrl.u32 v8, $0x1  }
0x96: {  	v10 =	vshrl.u32 v4, $0x1;
	[tilespmem:s20+$0x1D0] =	vst v5;
	v5 =	vand.u32 $0x1, v6;
	v6 =	vand.u32 $0x1, v4;
	v4 =	vld [tilespmem:$0x1FD90];
	_ =	sdelay $0x3  }
0x97: {  	v9 =	vshrl.u32 v3, $0x1;
	v3 =	vand.u32 $0x1, v3  }
0x98: {  	v3 =	vor.u32 v3, v4;
	v4 =	vld [tilespmem:$0x1FDA0];
	_ =	sdelay $0x3  }
0x99: {  	v13 =	vld [tilespmem:s20+$0x1F0]  }
0x9a: {  	v4 =	vor.u32 v5, v4;
	v5 =	vld [tilespmem:$0x1FDB0]  }
0x9b: {  	v56 =	vor.u32 v1, v31;
	v1 =	vand.u32 $0x1, v58;
	v15 =	vld [tilespmem:$0x1FDC0]  }
0x9c: {  	v58 =	vor.u32 v1, v33;
	v1 =	vand.u32 $0x1, v61  }
0x9d: {  	[tilespmem:s20+$0x180] =	vst v7;
	v7 =	vld [tilespmem:s20+$0x1E0];
	v61 =	vor.u32 v1, v36;
	v1 =	vand.u32 $0x1, v63  }
0x9e: {  	v14 =	vld [tilespmem:s20+$0x200];
	v63 =	vor.u32 v1, v38  }
0x9f: {  	v1 =	vand.u32 $0x1, v11;
	v11 =	vld [tilespmem:$0x1FD80];
	v5 =	vor.u32 v6, v5;
	v6 =	vand.u32 $0x1, v8  }
0xa0: {  	v8 =	vshrl.u32 v13, $0x1;
	v6 =	vor.u32 v6, v15;
	v15 =	vld [tilespmem:$0x1FDD0]  }
0xa1: {  	[tilespmem:s20+$0x1F0] =	vst v8;
	v8 =	vld [tilespmem:$0x1FDE0]  }
0xa2: {  	[tilespmem:s20+$0x1A0] =	vst v9;
	v9 =	vld [tilespmem:s20+$0x210]  }
0xa3: {  	[tilespmem:s20+$0x1C0] =	vst v10;
	v10 =	vld [tilespmem:s20+$0x220];
	v12 =	vshrl.u32 v7, $0x1  }
0xa4: {  	v7 =	vand.u32 $0x1, v7;
	[tilespmem:s20+$0x1E0] =	vst v12;
	v12 =	vld [tilespmem:s20+$0x240];
	v1 =	vor.u32 v1, v39  }
0xa5: {  	v2 =	vor.u32 v2, v11;
	v11 =	vld [tilespmem:s20+$0x230];
	v13 =	vand.u32 $0x1, v13;
	v7 =	vor.u32 v7, v15  }
0xa6: {  	s19 =	simm.s32 $0x0;
	s21 =	simm.s32 $0xA00;
	v19 =	vmovc v16;
	v8 =	vor.u32 v13, v8;
	v15 =	vshrl.u32 v14, $0x1;
	v14 =	vand.u32 $0x1, v14;
	v13 =	vld [tilespmem:s20+$0x250]  }
.LBB2_4:
0xa7: {  	[tilespmem:s20+$0x200] =	vst v15;
	v15 =	vld [tilespmem:$0x1FFA0];
	_ =	sdelay $0x1  }
0xa8: {  	[tilespmem:s20+$0x2800] =	vst v41  }
0xa9: {  	[tilespmem:s20+$0x2810] =	vst v42  }
0xaa: {  	[tilespmem:s20+$0x2820] =	vst v43  }
0xab: {  	[tilespmem:s20+$0x2830] =	vst v44;
	v14 =	vor.u32 v14, v15;
	v15 =	vshrl.u32 v9, $0x1  }
0xac: {  	[tilespmem:s20+$0x210] =	vst v15;
	v15 =	vld [tilespmem:$0x1FFB0]  }
0xad: {  	[tilespmem:s20+$0x2840] =	vst v45  }
0xae: {  	[tilespmem:s20+$0x2850] =	vst v46  }
0xaf: {  	[tilespmem:s20+$0x2860] =	vst v47  }
0xb0: {  	[tilespmem:s20+$0x2870] =	vst v48;
	v9 =	vand.u32 $0x1, v9  }
0xb1: {  	[tilespmem:s20+$0x2880] =	vst v49;
	v9 =	vor.u32 v9, v15;
	v15 =	vshrl.u32 v10, $0x1  }
0xb2: {  	[tilespmem:s20+$0x220] =	vst v15;
	v15 =	vld [tilespmem:$0x1FFC0]  }
0xb3: {  	[tilespmem:s20+$0x2890] =	vst v50  }
0xb4: {  	[tilespmem:s20+$0x28A0] =	vst v51  }
0xb5: {  	[tilespmem:s20+$0x28B0] =	vst v52  }
0xb6: {  	[tilespmem:s20+$0x28C0] =	vst v53;
	v10 =	vand.u32 $0x1, v10  }
0xb7: {  	[tilespmem:s20+$0x28D0] =	vst v54;
	v10 =	vor.u32 v10, v15;
	v15 =	vshrl.u32 v11, $0x1  }
0xb8: {  	[tilespmem:s20+$0x230] =	vst v15;
	v15 =	vld [tilespmem:$0x1FFD0]  }
0xb9: {  	[tilespmem:s20+$0x28E0] =	vst v55  }
0xba: {  	[tilespmem:s20+$0x28F0] =	vst v56  }
0xbb: {  	[tilespmem:s20+$0x2900] =	vst v57  }
0xbc: {  	[tilespmem:s20+$0x2910] =	vst v58;
	v11 =	vand.u32 $0x1, v11  }
0xbd: {  	[tilespmem:s20+$0x2920] =	vst v59;
	v11 =	vor.u32 v11, v15;
	v15 =	vshrl.u32 v12, $0x1  }
0xbe: {  	[tilespmem:s20+$0x240] =	vst v15;
	v15 =	vld [tilespmem:$0x1FFE0]  }
0xbf: {  	[tilespmem:s20+$0x2930] =	vst v60  }
0xc0: {  	[tilespmem:s20+$0x2940] =	vst v61  }
0xc1: {  	[tilespmem:s20+$0x2950] =	vst v62  }
0xc2: {  	[tilespmem:s20+$0x2960] =	vst v63;
	v12 =	vand.u32 $0x1, v12  }
0xc3: {  	v16 =	vld [tilespmem:s20+$0x260];
	[tilespmem:s20+$0x2970] =	vst v0;
	v12 =	vor.u32 v12, v15;
	v15 =	vshrl.u32 v13, $0x1  }
0xc4: {  	[tilespmem:s20+$0x250] =	vst v15;
	v15 =	vld [tilespmem:$0x1FDF0]  }
0xc5: {  	[tilespmem:s20+$0x2980] =	vst v1  }
0xc6: {  	[tilespmem:s20+$0x2990] =	vst v2  }
0xc7: {  	[tilespmem:s20+$0x29A0] =	vst v3  }
0xc8: {  	[tilespmem:s20+$0x29B0] =	vst v4;
	v13 =	vand.u32 $0x1, v13  }
0xc9: {  	v17 =	vld [tilespmem:s20+$0x270];
	[tilespmem:s20+$0x29C0] =	vst v5;
	v13 =	vor.u32 v13, v15;
	v15 =	vshrl.u32 v16, $0x1  }
0xca: {  	[tilespmem:s20+$0x260] =	vst v15;
	v15 =	vld [tilespmem:$0x1FFF0]  }
0xcb: {  	[tilespmem:s20+$0x29D0] =	vst v6  }
0xcc: {  	[tilespmem:s20+$0x29E0] =	vst v7  }
0xcd: {  	[tilespmem:s20+$0x29F0] =	vst v8  }
0xce: {  	[tilespmem:s20+$0x2A00] =	vst v14;
	v16 =	vand.u32 $0x1, v16  }
0xcf: {  	[tilespmem:s20+$0x2A10] =	vst v9;
	v15 =	vor.u32 v16, v15;
	v16 =	vshrl.u32 v17, $0x1  }
0xd0: {  	s22 =	sshra.s32 s21, $0x2;
	[tilespmem:s20+$0x270] =	vst v16;
	v16 =	vld [tilespmem:$0x1FE00]  }
0xd1: {  	v0 =	vld [tilespmem:s22+$0x0];
	[tilespmem:s20+$0x2A20] =	vst v10  }
0xd2: {  	v1 =	vld [tilespmem:s22+$0x10];
	[tilespmem:s20+$0x2A30] =	vst v11  }
0xd3: {  	v2 =	vld [tilespmem:s22+$0x20];
	[tilespmem:s20+$0x2A40] =	vst v12  }
0xd4: {  	v17 =	vand.u32 $0x1, v17;
	v3 =	vld [tilespmem:s22+$0x30];
	[tilespmem:s20+$0x2A50] =	vst v13  }
0xd5: {  	v16 =	vor.u32 v17, v16;
	v4 =	vld [tilespmem:s22+$0x40];
	[tilespmem:s20+$0x2A60] =	vst v15  }
0xd6: {  	v5 =	vshrl.u32 v0, $0x1;
	v6 =	vld [tilespmem:s22+$0x50];
	[tilespmem:s20+$0x2A70] =	vst v16;
	s20 =	smov.u32 s22  }
0xd7: {  	[tilespmem:s20+$0x0] =	vst v5;
	v5 =	vld [tilespmem:$0x1FE10];
	_ =	sdelay $0x3  }
0xd8: {  	v0 =	vand.u32 $0x1, v0  }
0xd9: {  	v41 =	vor.u32 v5, v0;
	v0 =	vshrl.u32 v1, $0x1  }
0xda: {  	[tilespmem:s20+$0x10] =	vst v0;
	v0 =	vshrl.u32 v2, $0x1  }
0xdb: {  	[tilespmem:s20+$0x20] =	vst v0;
	v0 =	vld [tilespmem:$0x1FE30];
	_ =	sdelay $0x2  }
0xdc: {  	v1 =	vand.u32 $0x1, v1  }
0xdd: {  	v42 =	vor.u32 v1, v19;
	v1 =	vand.u32 $0x1, v2  }
0xde: {  	v43 =	vor.u32 v1, v0;
	v0 =	vshrl.u32 v3, $0x1  }
0xdf: {  	[tilespmem:s20+$0x30] =	vst v0;
	v0 =	vld [tilespmem:$0x1FE40];
	_ =	sdelay $0x1  }
0xe0: {  	v5 =	vld [tilespmem:s20+$0x60]  }
0xe1: {  	v2 =	vld [tilespmem:s20+$0x70]  }
0xe2: {  	v1 =	vand.u32 $0x1, v3;
	v3 =	vld [tilespmem:s20+$0x80]  }
0xe3: {  	v44 =	vor.u32 v1, v0;
	v0 =	vshrl.u32 v4, $0x1;
	v1 =	vand.u32 $0x1, v4;
	v4 =	vld [tilespmem:s20+$0x90]  }
0xe4: {  	[tilespmem:s20+$0x40] =	vst v0;
	v45 =	vor.u32 v1, v20;
	v0 =	vshrl.u32 v6, $0x1;
	v1 =	vand.u32 $0x1, v6;
	v6 =	vld [tilespmem:s20+$0xA0]  }
0xe5: {  	[tilespmem:s20+$0x50] =	vst v0;
	v46 =	vor.u32 v1, v21;
	v0 =	vshrl.u32 v5, $0x1;
	v1 =	vand.u32 $0x1, v5;
	v5 =	vld [tilespmem:s20+$0xB0]  }
0xe6: {  	[tilespmem:s20+$0x60] =	vst v0;
	v47 =	vor.u32 v1, v22;
	v0 =	vshrl.u32 v2, $0x1;
	v1 =	vand.u32 $0x1, v2;
	v2 =	vld [tilespmem:s20+$0xC0]  }
0xe7: {  	[tilespmem:s20+$0x70] =	vst v0;
	v48 =	vor.u32 v1, v23;
	v0 =	vshrl.u32 v3, $0x1;
	v1 =	vand.u32 $0x1, v3;
	v3 =	vld [tilespmem:s20+$0xD0]  }
0xe8: {  	[tilespmem:s20+$0x80] =	vst v0;
	v49 =	vor.u32 v1, v24;
	v0 =	vshrl.u32 v4, $0x1;
	v1 =	vand.u32 $0x1, v4;
	v4 =	vld [tilespmem:s20+$0xE0]  }
0xe9: {  	[tilespmem:s20+$0x90] =	vst v0;
	v50 =	vor.u32 v1, v25;
	v0 =	vshrl.u32 v6, $0x1;
	v1 =	vand.u32 $0x1, v6;
	v6 =	vld [tilespmem:s20+$0xF0]  }
0xea: {  	[tilespmem:s20+$0xA0] =	vst v0;
	v51 =	vor.u32 v1, v26;
	v0 =	vshrl.u32 v5, $0x1;
	v1 =	vand.u32 $0x1, v5;
	v5 =	vld [tilespmem:s20+$0x100]  }
0xeb: {  	[tilespmem:s20+$0xB0] =	vst v0;
	v52 =	vor.u32 v1, v27;
	v0 =	vshrl.u32 v2, $0x1;
	v1 =	vand.u32 $0x1, v2;
	v2 =	vld [tilespmem:s20+$0x110]  }
0xec: {  	[tilespmem:s20+$0xC0] =	vst v0;
	v53 =	vor.u32 v1, v28;
	v0 =	vshrl.u32 v3, $0x1;
	v1 =	vand.u32 $0x1, v3;
	v3 =	vld [tilespmem:s20+$0x120]  }
0xed: {  	[tilespmem:s20+$0xD0] =	vst v0;
	v54 =	vor.u32 v1, v29;
	v0 =	vshrl.u32 v4, $0x1;
	v1 =	vand.u32 $0x1, v4;
	v4 =	vld [tilespmem:s20+$0x130]  }
0xee: {  	[tilespmem:s20+$0xE0] =	vst v0;
	v55 =	vor.u32 v1, v30;
	v0 =	vshrl.u32 v6, $0x1;
	v1 =	vand.u32 $0x1, v6;
	v6 =	vld [tilespmem:s20+$0x140]  }
0xef: {  	[tilespmem:s20+$0xF0] =	vst v0;
	v56 =	vor.u32 v1, v31;
	v0 =	vshrl.u32 v5, $0x1;
	v1 =	vand.u32 $0x1, v5;
	v5 =	vld [tilespmem:s20+$0x150]  }
0xf0: {  	[tilespmem:s20+$0x100] =	vst v0;
	v57 =	vor.u32 v1, v32;
	v0 =	vshrl.u32 v2, $0x1;
	v1 =	vand.u32 $0x1, v2;
	v2 =	vld [tilespmem:s20+$0x160]  }
0xf1: {  	[tilespmem:s20+$0x110] =	vst v0;
	v58 =	vor.u32 v1, v33;
	v0 =	vshrl.u32 v3, $0x1;
	v1 =	vand.u32 $0x1, v3;
	v3 =	vld [tilespmem:s20+$0x170]  }
0xf2: {  	[tilespmem:s20+$0x120] =	vst v0;
	v59 =	vor.u32 v1, v34;
	v0 =	vshrl.u32 v4, $0x1;
	v1 =	vand.u32 $0x1, v4;
	v4 =	vld [tilespmem:s20+$0x180]  }
0xf3: {  	[tilespmem:s20+$0x130] =	vst v0;
	v60 =	vor.u32 v1, v35;
	v0 =	vshrl.u32 v6, $0x1;
	v1 =	vand.u32 $0x1, v6;
	v6 =	vld [tilespmem:s20+$0x190]  }
0xf4: {  	[tilespmem:s20+$0x140] =	vst v0;
	v61 =	vor.u32 v1, v36;
	v0 =	vshrl.u32 v5, $0x1;
	v1 =	vand.u32 $0x1, v5  }
0xf5: {  	[tilespmem:s20+$0x150] =	vst v0;
	v62 =	vor.u32 v1, v37;
	v0 =	vshrl.u32 v2, $0x1;
	v1 =	vand.u32 $0x1, v2  }
0xf6: {  	[tilespmem:s20+$0x160] =	vst v0;
	v63 =	vor.u32 v1, v38;
	v0 =	vshrl.u32 v3, $0x1;
	v1 =	vand.u32 $0x1, v3  }
0xf7: {  	[tilespmem:s20+$0x170] =	vst v0;
	v0 =	vor.u32 v1, v18;
	v1 =	vshrl.u32 v4, $0x1;
	v2 =	vand.u32 $0x1, v4  }
0xf8: {  	v5 =	vld [tilespmem:s20+$0x1A0];
	[tilespmem:s20+$0x180] =	vst v1;
	v1 =	vor.u32 v2, v39;
	v2 =	vshrl.u32 v6, $0x1  }
0xf9: {  	[tilespmem:s20+$0x190] =	vst v2;
	v2 =	vld [tilespmem:$0x1FD80];
	_ =	sdelay $0x3  }
0xfa: {  	v3 =	vand.u32 $0x1, v6  }
0xfb: {  	v7 =	vld [tilespmem:s20+$0x1B0];
	v2 =	vor.u32 v3, v2;
	v3 =	vshrl.u32 v5, $0x1  }
0xfc: {  	[tilespmem:s20+$0x1A0] =	vst v3;
	v3 =	vld [tilespmem:$0x1FD90];
	_ =	sdelay $0x3  }
0xfd: {  	v4 =	vand.u32 $0x1, v5  }
0xfe: {  	v8 =	vld [tilespmem:s20+$0x1C0];
	v3 =	vor.u32 v4, v3;
	v4 =	vshrl.u32 v7, $0x1  }
0xff: {  	[tilespmem:s20+$0x1B0] =	vst v4;
	v4 =	vld [tilespmem:$0x1FDA0];
	_ =	sdelay $0x3  }
0x100: {  	v5 =	vand.u32 $0x1, v7  }
0x101: {  	v10 =	vld [tilespmem:s20+$0x1D0];
	v4 =	vor.u32 v5, v4;
	v5 =	vshrl.u32 v8, $0x1  }
0x102: {  	[tilespmem:s20+$0x1C0] =	vst v5;
	v5 =	vld [tilespmem:$0x1FDB0];
	_ =	sdelay $0x3  }
0x103: {  	v6 =	vand.u32 $0x1, v8  }
0x104: {  	v11 =	vld [tilespmem:s20+$0x1E0];
	v5 =	vor.u32 v6, v5;
	v6 =	vshrl.u32 v10, $0x1  }
0x105: {  	[tilespmem:s20+$0x1D0] =	vst v6;
	v6 =	vld [tilespmem:$0x1FDC0];
	_ =	sdelay $0x3  }
0x106: {  	v7 =	vand.u32 $0x1, v10  }
0x107: {  	v12 =	vld [tilespmem:s20+$0x1F0];
	v6 =	vor.u32 v7, v6;
	v7 =	vshrl.u32 v11, $0x1  }
0x108: {  	[tilespmem:s20+$0x1E0] =	vst v7;
	v7 =	vld [tilespmem:$0x1FDD0];
	_ =	sdelay $0x3  }
0x109: {  	v8 =	vand.u32 $0x1, v11  }
0x10a: {  	v13 =	vld [tilespmem:s20+$0x200];
	v7 =	vor.u32 v8, v7;
	v8 =	vshrl.u32 v12, $0x1  }
0x10b: {  	p0 =	sne.s32 s21, $0x9600;
	[tilespmem:s20+$0x1F0] =	vst v8;
	v8 =	vld [tilespmem:$0x1FDE0]  }
.Ltmp1:
0x10c: {  	v9 =	vld [tilespmem:s20+$0x210];
	(pc) =	sbr.rel @p0 .LBB2_4-.Ltmp1, $4  }
0x10d: {  	v10 =	vld [tilespmem:s20+$0x220]  }
0x10e: {  	v11 =	vld [tilespmem:s20+$0x230]  }
0x10f: {  	v14 =	vand.u32 $0x1, v12;
	v12 =	vld [tilespmem:s20+$0x240]  }
0x110: {  	s21 =	sadd.s32 $0xA00, s21;
	v15 =	vshrl.u32 v13, $0x1;
	v8 =	vor.u32 v14, v8;
	v14 =	vand.u32 $0x1, v13;
	v13 =	vld [tilespmem:s20+$0x250]  }
0x111: {  	[tilespmem:s20+$0x200] =	vst v15  }
0x112: {  	[tilespmem:s20+$0x2800] =	vst v41  }
0x113: {  	[tilespmem:s20+$0x2810] =	vst v42  }
0x114: {  	[tilespmem:s20+$0x2820] =	vst v43  }
0x115: {  	[tilespmem:s20+$0x2830] =	vst v44  }
0x116: {  	[tilespmem:s20+$0x2840] =	vst v45  }
0x117: {  	[tilespmem:s20+$0x2850] =	vst v46  }
0x118: {  	[tilespmem:s20+$0x2860] =	vst v47  }
0x119: {  	[tilespmem:s20+$0x2870] =	vst v48  }
0x11a: {  	[tilespmem:s20+$0x2880] =	vst v49  }
0x11b: {  	[tilespmem:s20+$0x2890] =	vst v50  }
0x11c: {  	[tilespmem:s20+$0x28A0] =	vst v51  }
0x11d: {  	[tilespmem:s20+$0x28B0] =	vst v52  }
0x11e: {  	[tilespmem:s20+$0x28C0] =	vst v53  }
0x11f: {  	[tilespmem:s20+$0x28D0] =	vst v54  }
0x120: {  	[tilespmem:s20+$0x28E0] =	vst v55  }
0x121: {  	[tilespmem:s20+$0x28F0] =	vst v56  }
0x122: {  	[tilespmem:s20+$0x2900] =	vst v57  }
0x123: {  	[tilespmem:s20+$0x2910] =	vst v58  }
0x124: {  	[tilespmem:s20+$0x2920] =	vst v59  }
0x125: {  	[tilespmem:s20+$0x2930] =	vst v60  }
0x126: {  	[tilespmem:s20+$0x2940] =	vst v61  }
0x127: {  	[tilespmem:s20+$0x2950] =	vst v62  }
0x128: {  	[tilespmem:s20+$0x2960] =	vst v63  }
0x129: {  	[tilespmem:s20+$0x2970] =	vst v0  }
0x12a: {  	[tilespmem:s20+$0x2980] =	vst v1  }
0x12b: {  	[tilespmem:s20+$0x2990] =	vst v2  }
0x12c: {  	[tilespmem:s20+$0x29A0] =	vst v3  }
0x12d: {  	[tilespmem:s20+$0x29B0] =	vst v4  }
0x12e: {  	[tilespmem:s20+$0x29C0] =	vst v5  }
0x12f: {  	[tilespmem:s20+$0x29D0] =	vst v6  }
0x130: {  	[tilespmem:s20+$0x29E0] =	vst v7  }
0x131: {  	v33 =	vshrl.u32 v9, $0x1;
	v16 =	vld [tilespmem:s20+$0x260];
	[tilespmem:s20+$0x29F0] =	vst v8  }
0x132: {  	v17 =	vld [tilespmem:s20+$0x270];
	[tilespmem:s20+$0x210] =	vst v33;
	v34 =	vshrl.u32 v10, $0x1  }
0x133: {  	v49 =	vld [tilespmem:$0x1FFA0];
	[tilespmem:s20+$0x220] =	vst v34;
	v35 =	vshrl.u32 v11, $0x1  }
0x134: {  	v51 =	vld [tilespmem:$0x1FFB0];
	[tilespmem:s20+$0x230] =	vst v35;
	v36 =	vshrl.u32 v12, $0x1  }
0x135: {  	v53 =	vld [tilespmem:$0x1FFC0];
	[tilespmem:s20+$0x240] =	vst v36;
	v37 =	vshrl.u32 v13, $0x1  }
0x136: {  	v55 =	vld [tilespmem:$0x1FFD0];
	[tilespmem:s20+$0x250] =	vst v37;
	v38 =	vshrl.u32 v16, $0x1  }
0x137: {  	v57 =	vld [tilespmem:$0x1FFE0];
	v39 =	vshrl.u32 v17, $0x1;
	[tilespmem:s20+$0x260] =	vst v38  }
0x138: {  	v50 =	vand.u32 $0x1, v9;
	v59 =	vld [tilespmem:$0x1FDF0];
	v0 =	vor.u32 v14, v49;
	[tilespmem:s20+$0x270] =	vst v39  }
0x139: {  	v61 =	vld [tilespmem:$0x1FFF0];
	v52 =	vand.u32 $0x1, v10;
	v1 =	vor.u32 v50, v51;
	[tilespmem:s20+$0x2A00] =	vst v0  }
0x13a: {  	v63 =	vld [tilespmem:$0x1FE00];
	v54 =	vand.u32 $0x1, v11;
	v0 =	vor.u32 v52, v53;
	[tilespmem:s20+$0x2A10] =	vst v1  }
0x13b: {  	v56 =	vand.u32 $0x1, v12;
	v1 =	vor.u32 v54, v55;
	[tilespmem:s20+$0x2A20] =	vst v0  }
0x13c: {  	v58 =	vand.u32 $0x1, v13;
	v0 =	vor.u32 v56, v57;
	[tilespmem:s20+$0x2A30] =	vst v1  }
0x13d: {  	v60 =	vand.u32 $0x1, v16;
	v1 =	vor.u32 v58, v59;
	[tilespmem:s20+$0x2A40] =	vst v0  }
0x13e: {  	v62 =	vand.u32 $0x1, v17;
	v0 =	vor.u32 v60, v61;
	[tilespmem:s20+$0x2A50] =	vst v1  }
0x13f: {  	v1 =	vor.u32 v62, v63;
	[tilespmem:s20+$0x2A60] =	vst v0  }
0x140: {  	[tilespmem:s20+$0x2A70] =	vst v1;
	s20 =	smov.u32 s8  }
.LBB2_6:
0x141: {  	[spmem:s6] =	stream.linear.scatter [tilespmem:s10], [sflag:$0x3], $0x2000, $0x38;
	[tilespmem:$0x14000] =	vst v63  }
0x142: {  	_ =	swait.ge [sflag:s9], $0x2000  }
0x143: {  	[sflag:s9] =	ssyncset.done $0x0  }
0x144: {  	s21 =	sshra.s32 s19, $0x2;
	[sflag:s9] =	ssyncadd.s32 $0xFFFFE000  }
0x145: {  	[tilespmem:s12], [sflag:$0x1] =	stream.indirect.gather [hbm4b:s4+s11], $0x80, s21, s11, $0xb8;
	[tilespmem:$0x14000] =	vst v63  }
0x146: {  	_ =	swait.ge [sflag:s13], $0x4000  }
0x147: {  	[sflag:s13] =	ssyncset.done $0x0  }
0x148: {  	s22 =	sadd.s32 $0x80, s21;
	[sflag:s13] =	ssyncadd.s32 $0xFFFFC000  }
0x149: {  	[tilespmem:s14], [sflag:$0x2] =	stream.indirect.gather [hbm4b:s4+s11], $0x80, s22, s11, $0xb8;
	[tilespmem:$0x14000] =	vst v63  }
0x14a: {  	s24 =	sadd.s32 $0x2800, s21  }
0x14b: {  	[spmem:s2] =	stream.indirect.scatter.add.f32 [tilespmem:s12], [sflag:$0x3], $0x80, s24, s11, $0xb8;
	[tilespmem:$0x14000] =	vst v63  }
0x14c: {  	_ =	swait.ge [sflag:s9], $0x4000  }
0x14d: {  	[sflag:s9] =	ssyncset.done $0x0  }
0x14e: {  	[sflag:s9] =	ssyncadd.s32 $0xFFFFC000  }
0x14f: {  	_ =	swait.ge [sflag:s15], $0x4000  }
0x150: {  	[sflag:s15] =	ssyncset.done $0x0  }
0x151: {  	s25 =	sadd.s32 $0x100, s21;
	[sflag:s15] =	ssyncadd.s32 $0xFFFFC000  }
0x152: {  	[tilespmem:s12], [sflag:$0x1] =	stream.indirect.gather [hbm4b:s4+s11], $0x80, s25, s11, $0xb8;
	[tilespmem:$0x14000] =	vst v63  }
0x153: {  	s26 =	sadd.s32 $0x2880, s21  }
0x154: {  	[spmem:s2] =	stream.indirect.scatter.add.f32 [tilespmem:s14], [sflag:$0x3], $0x80, s26, s11, $0xb8;
	[tilespmem:$0x14000] =	vst v63  }
0x155: {  	_ =	swait.ge [sflag:s9], $0x4000  }
0x156: {  	[sflag:s9] =	ssyncset.done $0x0  }
0x157: {  	[sflag:s9] =	ssyncadd.s32 $0xFFFFC000  }
0x158: {  	_ =	swait.ge [sflag:s13], $0x4000  }
0x159: {  	[sflag:s13] =	ssyncset.done $0x0  }
0x15a: {  	s28 =	sadd.s32 $0x180, s21;
	[sflag:s13] =	ssyncadd.s32 $0xFFFFC000  }
0x15b: {  	[tilespmem:s14], [sflag:$0x2] =	stream.indirect.gather [hbm4b:s4+s11], $0x80, s28, s11, $0xb8;
	[tilespmem:$0x14000] =	vst v63  }
0x15c: {  	s29 =	sadd.s32 $0x2900, s21  }
0x15d: {  	[spmem:s2] =	stream.indirect.scatter.add.f32 [tilespmem:s12], [sflag:$0x3], $0x80, s29, s11, $0xb8;
	[tilespmem:$0x14000] =	vst v63  }
0x15e: {  	_ =	swait.ge [sflag:s9], $0x4000  }
0x15f: {  	[sflag:s9] =	ssyncset.done $0x0  }
0x160: {  	[sflag:s9] =	ssyncadd.s32 $0xFFFFC000  }
0x161: {  	_ =	swait.ge [sflag:s15], $0x4000  }
0x162: {  	[sflag:s15] =	ssyncset.done $0x0  }
0x163: {  	s30 =	sadd.s32 $0x200, s21;
	[sflag:s15] =	ssyncadd.s32 $0xFFFFC000  }
0x164: {  	[tilespmem:s12], [sflag:$0x1] =	stream.indirect.gather [hbm4b:s4+s11], $0x80, s30, s11, $0xb8;
	[tilespmem:$0x14000] =	vst v63  }
0x165: {  	s31 =	sadd.s32 $0x2980, s21  }
0x166: {  	[spmem:s2] =	stream.indirect.scatter.add.f32 [tilespmem:s14], [sflag:$0x3], $0x80, s31, s11, $0xb8;
	[tilespmem:$0x14000] =	vst v63  }
0x167: {  	_ =	swait.ge [sflag:s9], $0x4000  }
0x168: {  	[sflag:s9] =	ssyncset.done $0x0  }
0x169: {  	[sflag:s9] =	ssyncadd.s32 $0xFFFFC000  }
0x16a: {  	_ =	swait.ge [sflag:s13], $0x4000  }
0x16b: {  	[sflag:s13] =	ssyncset.done $0x0  }
0x16c: {  	s21 =	sadd.s32 $0x2A00, s21;
	[sflag:s13] =	ssyncadd.s32 $0xFFFFC000  }
0x16d: {  	[spmem:s2] =	stream.indirect.scatter.add.f32 [tilespmem:s12], [sflag:$0x3], $0x80, s21, s11, $0xb8;
	[tilespmem:$0x14000] =	vst v63  }
0x16e: {  	_ =	swait.ge [sflag:s9], $0x4000  }
0x16f: {  	[sflag:s9] =	ssyncset.done $0x0  }
0x170: {  	[sflag:s9] =	ssyncadd.s32 $0xFFFFC000  }
0x171: {  	[tilespmem:s16], [sflag:$0x3] =	stream.linear.gather [spmem:s6], $0x2000, $0x38;
	[tilespmem:$0x14000] =	vst v63  }
0x172: {  	_ =	swait.ge [sflag:s9], $0x2000  }
0x173: {  	[sflag:s9] =	ssyncset.done $0x0  }
0x174: {  	[sflag:s9] =	ssyncadd.s32 $0xFFFFE000  }
0x175: {  	v3 =	vld [tilespmem:$0xD000]  }
0x176: {  	v0 =	vld [tilespmem:$0xD0C0]  }
0x177: {  	v4 =	vld [tilespmem:$0xD010]  }
0x178: {  	v1 =	vld [tilespmem:$0xD0D0]  }
0x179: {  	v6 =	vld [tilespmem:$0xD020]  }
0x17a: {  	v2 =	vld [tilespmem:$0xD0E0]  }
0x17b: {  	v8 =	vld [tilespmem:$0xD030]  }
0x17c: {  	v5 =	vld [tilespmem:$0xD0F0]  }
0x17d: {  	v42 =	vld [tilespmem:$0xD100]  }
0x17e: {  	v7 =	vld [tilespmem:$0xD1C0]  }
0x17f: {  	v44 =	vld [tilespmem:$0xD110]  }
0x180: {  	v41 =	vld [tilespmem:$0xD1D0]  }
0x181: {  	v46 =	vld [tilespmem:$0xD120]  }
0x182: {  	v43 =	vld [tilespmem:$0xD1E0]  }
0x183: {  	v48 =	vld [tilespmem:$0xD130]  }
0x184: {  	v45 =	vld [tilespmem:$0xD1F0]  }
0x185: {  	v50 =	vld [tilespmem:$0xD200]  }
0x186: {  	v47 =	vld [tilespmem:$0xD2C0]  }
0x187: {  	v52 =	vld [tilespmem:$0xD210]  }
0x188: {  	v49 =	vld [tilespmem:$0xD2D0]  }
0x189: {  	v54 =	vld [tilespmem:$0xD220]  }
0x18a: {  	v51 =	vld [tilespmem:$0xD2E0]  }
0x18b: {  	v56 =	vld [tilespmem:$0xD230]  }
0x18c: {  	v53 =	vld [tilespmem:$0xD2F0]  }
0x18d: {  	v58 =	vld [tilespmem:$0xD300]  }
0x18e: {  	v55 =	vld [tilespmem:$0xD3C0]  }
0x18f: {  	v60 =	vld [tilespmem:$0xD310]  }
0x190: {  	v57 =	vld [tilespmem:$0xD3D0]  }
0x191: {  	v9 =	vld [tilespmem:$0xD330]  }
0x192: {  	v16 =	vld [tilespmem:$0xD400]  }
0x193: {  	v17 =	vld [tilespmem:$0xD410]  }
0x194: {  	v18 =	vld [tilespmem:$0xD4D0]  }
0x195: {  	v19 =	vld [tilespmem:$0xD420]  }
0x196: {  	v20 =	vld [tilespmem:$0xD4E0];
	[tilespmem:$0x1F660] =	vst v9  }
0x197: {  	v21 =	vld [tilespmem:$0xD430];
	[tilespmem:$0x1F670] =	vst v16  }
0x198: {  	v22 =	vld [tilespmem:$0xD4F0];
	[tilespmem:$0x1F680] =	vst v17  }
0x199: {  	v23 =	vld [tilespmem:$0xD500];
	[tilespmem:$0x1F690] =	vst v18  }
0x19a: {  	v24 =	vld [tilespmem:$0xD5C0];
	[tilespmem:$0x1F6A0] =	vst v19  }
0x19b: {  	v25 =	vld [tilespmem:$0xD510];
	[tilespmem:$0x1F6B0] =	vst v20  }
0x19c: {  	v26 =	vld [tilespmem:$0xD5D0];
	[tilespmem:$0x1F6C0] =	vst v21  }
0x19d: {  	v27 =	vld [tilespmem:$0xD520];
	[tilespmem:$0x1F6D0] =	vst v22  }
0x19e: {  	v28 =	vld [tilespmem:$0xD5E0];
	[tilespmem:$0x1F6E0] =	vst v23  }
0x19f: {  	v29 =	vld [tilespmem:$0xD530];
	[tilespmem:$0x1F6F0] =	vst v24  }
0x1a0: {  	v30 =	vld [tilespmem:$0xD5F0];
	[tilespmem:$0x1F700] =	vst v25  }
0x1a1: {  	v31 =	vld [tilespmem:$0xD600];
	[tilespmem:$0x1F710] =	vst v26  }
0x1a2: {  	v32 =	vld [tilespmem:$0xD6C0];
	[tilespmem:$0x1F720] =	vst v27  }
0x1a3: {  	v33 =	vld [tilespmem:$0xD610];
	[tilespmem:$0x1F730] =	vst v28  }
0x1a4: {  	v34 =	vld [tilespmem:$0xD6D0];
	[tilespmem:$0x1F740] =	vst v29  }
0x1a5: {  	v35 =	vld [tilespmem:$0xD620];
	[tilespmem:$0x1F750] =	vst v30  }
0x1a6: {  	v36 =	vld [tilespmem:$0xD6E0];
	[tilespmem:$0x1F760] =	vst v31  }
0x1a7: {  	v37 =	vld [tilespmem:$0xD630];
	[tilespmem:$0x1F770] =	vst v32  }
0x1a8: {  	v38 =	vld [tilespmem:$0xD6F0];
	[tilespmem:$0x1F780] =	vst v33  }
0x1a9: {  	v39 =	vld [tilespmem:$0xD700];
	[tilespmem:$0x1F790] =	vst v34  }
0x1aa: {  	v12 =	vld [tilespmem:$0xD7C0];
	[tilespmem:$0x1F7A0] =	vst v35  }
0x1ab: {  	v13 =	vld [tilespmem:$0xD710];
	[tilespmem:$0x1F7B0] =	vst v36  }
0x1ac: {  	v14 =	vld [tilespmem:$0xD7D0];
	[tilespmem:$0x1F7C0] =	vst v37  }
0x1ad: {  	v15 =	vld [tilespmem:$0xD720];
	[tilespmem:$0x1F7D0] =	vst v38  }
0x1ae: {  	[tilespmem:$0x1F7E0] =	vst v39;
	v16 =	vld [tilespmem:$0xD7E0]  }
0x1af: {  	[tilespmem:$0x1F7F0] =	vst v12;
	v17 =	vld [tilespmem:$0xD730]  }
0x1b0: {  	[tilespmem:$0x1F800] =	vst v13;
	v18 =	vld [tilespmem:$0xD7F0]  }
0x1b1: {  	[tilespmem:$0x1F810] =	vst v14;
	v19 =	vld [tilespmem:$0xD800]  }
0x1b2: {  	[tilespmem:$0x1F820] =	vst v15;
	v20 =	vld [tilespmem:$0xD8C0]  }
0x1b3: {  	v21 =	vld [tilespmem:$0xD8D0];
	[tilespmem:$0x1F830] =	vst v16  }
0x1b4: {  	v22 =	vld [tilespmem:$0xD820];
	[tilespmem:$0x1F840] =	vst v17  }
0x1b5: {  	v23 =	vld [tilespmem:$0xD8E0];
	[tilespmem:$0x1F850] =	vst v18  }
0x1b6: {  	v24 =	vld [tilespmem:$0xD830];
	[tilespmem:$0x1F860] =	vst v19  }
0x1b7: {  	v25 =	vld [tilespmem:$0xD8F0];
	[tilespmem:$0x1F870] =	vst v20  }
0x1b8: {  	v26 =	vld [tilespmem:$0xD900];
	[tilespmem:$0x1F880] =	vst v21  }
0x1b9: {  	v27 =	vld [tilespmem:$0xD9C0];
	[tilespmem:$0x1F890] =	vst v22  }
0x1ba: {  	v62 =	vld [tilespmem:$0xD320];
	[tilespmem:$0x1F8A0] =	vst v23  }
0x1bb: {  	v59 =	vld [tilespmem:$0xD3E0];
	[tilespmem:$0x1F8B0] =	vst v24  }
0x1bc: {  	v61 =	vld [tilespmem:$0xD3F0];
	[tilespmem:$0x1F8C0] =	vst v25  }
0x1bd: {  	v63 =	vld [tilespmem:$0xD4C0];
	[tilespmem:$0x1F8D0] =	vst v26  }
0x1be: {  	v10 =	vld [tilespmem:$0xD810];
	[tilespmem:$0x1F8E0] =	vst v27  }
0x1bf: {  	v9 =	vld [tilespmem:$0xD910]  }
0x1c0: {  	v28 =	vld [tilespmem:$0xD9D0]  }
0x1c1: {  	v29 =	vld [tilespmem:$0xD920]  }
0x1c2: {  	v30 =	vld [tilespmem:$0xD9E0]  }
0x1c3: {  	v31 =	vld [tilespmem:$0xD930]  }
0x1c4: {  	v32 =	vld [tilespmem:$0xD9F0]  }
0x1c5: {  	v33 =	vld [tilespmem:$0xDA00]  }
0x1c6: {  	v34 =	vld [tilespmem:$0xDAC0]  }
0x1c7: {  	v35 =	vld [tilespmem:$0xDA10]  }
0x1c8: {  	v36 =	vld [tilespmem:$0xDAD0]  }
0x1c9: {  	v37 =	vld [tilespmem:$0xDA20]  }
0x1ca: {  	v38 =	vld [tilespmem:$0xDAE0]  }
0x1cb: {  	v39 =	vld [tilespmem:$0xDA30]  }
0x1cc: {  	v12 =	vld [tilespmem:$0xDAF0]  }
0x1cd: {  	v13 =	vld [tilespmem:$0xDB00]  }
0x1ce: {  	v14 =	vld [tilespmem:$0xDBC0]  }
0x1cf: {  	v15 =	vld [tilespmem:$0xDB10]  }
0x1d0: {  	v16 =	vld [tilespmem:$0xDBD0]  }
0x1d1: {  	v17 =	vld [tilespmem:$0xDB20]  }
0x1d2: {  	v18 =	vld [tilespmem:$0xDBE0]  }
0x1d3: {  	v19 =	vld [tilespmem:$0xDB30]  }
0x1d4: {  	v20 =	vld [tilespmem:$0xDBF0]  }
0x1d5: {  	v21 =	vld [tilespmem:$0xDC00]  }
0x1d6: {  	v22 =	vld [tilespmem:$0xDCC0]  }
0x1d7: {  	v23 =	vld [tilespmem:$0xDC10]  }
0x1d8: {  	v24 =	vld [tilespmem:$0xDCD0]  }
0x1d9: {  	v25 =	vld [tilespmem:$0xDC20]  }
0x1da: {  	v26 =	vld [tilespmem:$0xDCE0]  }
0x1db: {  	v27 =	vld [tilespmem:$0xDC30]  }
0x1dc: {  	v11 =	vld [tilespmem:$0xE020]  }
0x1dd: {  	v42 =	vadd.f32 v7, v42;
	v7 =	vld [tilespmem:$0xE1C0]  }
0x1de: {  	v44 =	vadd.f32 v41, v44;
	v41 =	vld [tilespmem:$0xE1E0]  }
0x1df: {  	[tilespmem:$0x11080] =	vst v42;
	v42 =	vld [tilespmem:$0xE130]  }
0x1e0: {  	v46 =	vadd.f32 v43, v46;
	v43 =	vld [tilespmem:$0xE1F0]  }
0x1e1: {  	[tilespmem:$0x11090] =	vst v44;
	v44 =	vld [tilespmem:$0xE200]  }
0x1e2: {  	v48 =	vadd.f32 v45, v48;
	[tilespmem:$0x110A0] =	vst v46;
	v46 =	vld [tilespmem:$0xE2D0]  }
0x1e3: {  	v50 =	vadd.f32 v47, v50;
	v47 =	vld [tilespmem:$0x1F660]  }
0x1e4: {  	[tilespmem:$0x110B0] =	vst v48;
	v48 =	vld [tilespmem:$0xE220]  }
0x1e5: {  	v52 =	vadd.f32 v49, v52;
	v49 =	vld [tilespmem:$0x1F670]  }
0x1e6: {  	[tilespmem:$0x11100] =	vst v50;
	v50 =	vld [tilespmem:$0xE2E0]  }
0x1e7: {  	v54 =	vadd.f32 v51, v54;
	v51 =	vld [tilespmem:$0x1F680]  }
0x1e8: {  	[tilespmem:$0x11110] =	vst v52;
	v52 =	vld [tilespmem:$0x1F690]  }
0x1e9: {  	v1 =	vadd.f32 v1, v4;
	v4 =	vadd.f32 v53, v56;
	v53 =	vld [tilespmem:$0xE230]  }
0x1ea: {  	[tilespmem:$0x11120] =	vst v54;
	v54 =	vld [tilespmem:$0x1F6A0]  }
0x1eb: {  	v56 =	vld [tilespmem:$0xE2F0]  }
0x1ec: {  	v45 =	vadd.f32 v59, v62;
	v59 =	vld [tilespmem:$0xE300]  }
0x1ed: {  	v62 =	vld [tilespmem:$0xE3C0]  }
0x1ee: {  	[tilespmem:$0x11130] =	vst v4;
	v4 =	vld [tilespmem:$0x1F710]  }
0x1ef: {  	[tilespmem:$0x111A0] =	vst v45;
	v45 =	vld [tilespmem:$0x1F740]  }
0x1f0: {  	v0 =	vadd.f32 v0, v3;
	v3 =	vld [tilespmem:$0xE410]  }
0x1f1: {  	[tilespmem:$0x1F900] =	vst v28;
	v28 =	vld [tilespmem:$0xDCF0]  }
0x1f2: {  	[tilespmem:$0x1F910] =	vst v29;
	v29 =	vld [tilespmem:$0xDD00]  }
0x1f3: {  	[tilespmem:$0x1F920] =	vst v30;
	v30 =	vld [tilespmem:$0xDDC0]  }
0x1f4: {  	[tilespmem:$0x1F930] =	vst v31;
	v31 =	vld [tilespmem:$0xDD10]  }
0x1f5: {  	[tilespmem:$0x1F940] =	vst v32;
	v32 =	vld [tilespmem:$0xDDD0]  }
0x1f6: {  	[tilespmem:$0x1F950] =	vst v33;
	v33 =	vld [tilespmem:$0xDD20]  }
0x1f7: {  	[tilespmem:$0x1F960] =	vst v34;
	v34 =	vld [tilespmem:$0xDDE0]  }
0x1f8: {  	[tilespmem:$0x1F9A0] =	vst v38;
	v38 =	vld [tilespmem:$0xDD30]  }
0x1f9: {  	[tilespmem:$0x1F970] =	vst v35;
	v35 =	vld [tilespmem:$0xDDF0]  }
0x1fa: {  	[tilespmem:$0x1F9B0] =	vst v39;
	v39 =	vld [tilespmem:$0xDEC0]  }
0x1fb: {  	[tilespmem:$0x1FAB0] =	vst v27;
	v27 =	vld [tilespmem:$0xDE30]  }
0x1fc: {  	[tilespmem:$0x1FA90] =	vst v25;
	v25 =	vld [tilespmem:$0xDF00]  }
0x1fd: {  	[tilespmem:$0x1FA70] =	vst v23;
	v23 =	vld [tilespmem:$0xDF10]  }
0x1fe: {  	[tilespmem:$0x1FAA0] =	vst v26;
	v26 =	vld [tilespmem:$0xDFD0]  }
0x1ff: {  	[tilespmem:$0x1FA30] =	vst v19;
	v19 =	vld [tilespmem:$0xDF20]  }
0x200: {  	[tilespmem:$0x1FA80] =	vst v24;
	v24 =	vld [tilespmem:$0xDFE0]  }
0x201: {  	[tilespmem:$0x1FA10] =	vst v17;
	v17 =	vld [tilespmem:$0xDF30]  }
0x202: {  	[tilespmem:$0x1FA40] =	vst v20;
	v20 =	vld [tilespmem:$0xDFF0]  }
0x203: {  	[tilespmem:$0x1F9E0] =	vst v14;
	v14 =	vld [tilespmem:$0xE000]  }
0x204: {  	[tilespmem:$0x1FA20] =	vst v18;
	v18 =	vld [tilespmem:$0xE0C0]  }
0x205: {  	[tilespmem:$0x1F9C0] =	vst v12;
	v12 =	vld [tilespmem:$0xE010]  }
0x206: {  	[tilespmem:$0x1F9F0] =	vst v15;
	v15 =	vld [tilespmem:$0xE0D0]  }
0x207: {  	[tilespmem:$0x1FA00] =	vst v16;
	v16 =	vld [tilespmem:$0xE0E0]  }
0x208: {  	[tilespmem:$0x1F9D0] =	vst v13;
	v13 =	vld [tilespmem:$0xE030]  }
0x209: {  	[tilespmem:$0x1FA50] =	vst v21;
	v21 =	vld [tilespmem:$0xE0F0]  }
0x20a: {  	[tilespmem:$0x1FA60] =	vst v22;
	v22 =	vld [tilespmem:$0xE100]  }
0x20b: {  	[tilespmem:$0x1F980] =	vst v36;
	v36 =	vadd.f32 v2, v6;
	v6 =	vld [tilespmem:$0xE2C0]  }
0x20c: {  	[tilespmem:$0x1F8F0] =	vst v9;
	v9 =	vld [tilespmem:$0xE210]  }
0x20d: {  	[tilespmem:$0x1F990] =	vst v37;
	v37 =	vadd.f32 v5, v8;
	v5 =	vadd.f32 v55, v58;
	v55 =	vld [tilespmem:$0x1F6B0]  }
0x20e: {  	v8 =	vadd.f32 v57, v60;
	v57 =	vld [tilespmem:$0x1F6C0]  }
0x20f: {  	v58 =	vld [tilespmem:$0x1F6D0]  }
0x210: {  	v60 =	vld [tilespmem:$0x1F6E0]  }
0x211: {  	[tilespmem:$0x11010] =	vst v1;
	v1 =	vadd.f32 v61, v47;
	v61 =	vld [tilespmem:$0x1F6F0]  }
0x212: {  	[tilespmem:$0x11000] =	vst v0;
	v0 =	vadd.f32 v63, v49;
	v63 =	vld [tilespmem:$0x1F700]  }
0x213: {  	[tilespmem:$0x1FB60] =	vst v46;
	v46 =	vld [tilespmem:$0x1F750]  }
0x214: {  	v47 =	vld [tilespmem:$0xE320]  }
0x215: {  	[tilespmem:$0x1FB70] =	vst v48;
	v48 =	vld [tilespmem:$0x1F760]  }
0x216: {  	v49 =	vld [tilespmem:$0x1F770]  }
0x217: {  	[tilespmem:$0x1FB80] =	vst v50;
	v50 =	vld [tilespmem:$0xE3E0]  }
0x218: {  	[tilespmem:$0x1FB90] =	vst v53;
	v53 =	vld [tilespmem:$0xE330]  }
0x219: {  	[tilespmem:$0x1FBA0] =	vst v56;
	v56 =	vld [tilespmem:$0xE3F0]  }
0x21a: {  	[tilespmem:$0x1FBC0] =	vst v62;
	v62 =	vld [tilespmem:$0x1F7F0]  }
0x21b: {  	[tilespmem:$0x11020] =	vst v36;
	v36 =	vld [tilespmem:$0xE1D0]  }
0x21c: {  	[tilespmem:$0x11030] =	vst v37;
	v37 =	vld [tilespmem:$0xE120]  }
0x21d: {  	[tilespmem:$0x11180] =	vst v5;
	v5 =	vld [tilespmem:$0xE310]  }
0x21e: {  	[tilespmem:$0x11190] =	vst v8;
	v8 =	vld [tilespmem:$0x1F730]  }
0x21f: {  	[tilespmem:$0x111B0] =	vst v1;
	v1 =	vadd.f32 v52, v51;
	v51 =	vld [tilespmem:$0x1F780]  }
0x220: {  	v52 =	vld [tilespmem:$0x1F790]  }
0x221: {  	[tilespmem:$0x1FB20] =	vst v34;
	v34 =	vld [tilespmem:$0xDE00]  }
0x222: {  	[tilespmem:$0x1FB00] =	vst v32;
	v32 =	vld [tilespmem:$0xDE10]  }
0x223: {  	[tilespmem:$0x1FB30] =	vst v35;
	v35 =	vld [tilespmem:$0xDED0]  }
0x224: {  	[tilespmem:$0x1FAE0] =	vst v30;
	v30 =	vld [tilespmem:$0xDE20]  }
0x225: {  	[tilespmem:$0x1FB10] =	vst v33;
	v33 =	vld [tilespmem:$0xDEE0]  }
0x226: {  	[tilespmem:$0x1FAF0] =	vst v31;
	v31 =	vld [tilespmem:$0xDEF0]  }
0x227: {  	[tilespmem:$0x1FAC0] =	vst v28;
	v28 =	vld [tilespmem:$0xDFC0]  }
0x228: {  	[tilespmem:$0x1FAD0] =	vst v29;
	v29 =	vld [tilespmem:$0xE110]  }
0x229: {  	[tilespmem:$0x1FB40] =	vst v6;
	v6 =	vld [tilespmem:$0x1F720]  }
0x22a: {  	[tilespmem:$0x1FB50] =	vst v9;
	v9 =	vld [tilespmem:$0xE3D0]  }
0x22b: {  	[tilespmem:$0x11200] =	vst v0;
	v0 =	vadd.f32 v55, v54;
	v54 =	vld [tilespmem:$0x1F7A0]  }
0x22c: {  	v55 =	vld [tilespmem:$0x1F7B0]  }
0x22d: {  	[tilespmem:$0x11210] =	vst v1;
	v1 =	vadd.f32 v58, v57;
	v57 =	vld [tilespmem:$0x1F7C0]  }
0x22e: {  	v58 =	vld [tilespmem:$0x1F7D0]  }
0x22f: {  	[tilespmem:$0x1FBF0] =	vst v47;
	v47 =	vld [tilespmem:$0x1F830]  }
0x230: {  	[tilespmem:$0x1FC00] =	vst v50;
	v50 =	vld [tilespmem:$0x1F850]  }
0x231: {  	[tilespmem:$0x1FC10] =	vst v53;
	v53 =	vld [tilespmem:$0x1F870]  }
0x232: {  	[tilespmem:$0x1FC20] =	vst v56;
	v56 =	vld [tilespmem:$0xE430]  }
0x233: {  	v14 =	vadd.f32 v18, v14;
	v18 =	vadd.f32 v16, v11;
	v16 =	vld [tilespmem:$0xEAC0]  }
0x234: {  	v11 =	vld [tilespmem:$0xEB00]  }
0x235: {  	[tilespmem:$0x11220] =	vst v0;
	v0 =	vadd.f32 v61, v60;
	v60 =	vld [tilespmem:$0xE400]  }
0x236: {  	v61 =	vld [tilespmem:$0x1F7E0]  }
0x237: {  	[tilespmem:$0x11230] =	vst v1;
	v1 =	vadd.f32 v4, v63;
	v4 =	vld [tilespmem:$0xE4D0]  }
0x238: {  	[tilespmem:$0x1FBD0] =	vst v5;
	v5 =	vld [tilespmem:$0xE420]  }
0x239: {  	[tilespmem:$0x11820] =	vst v18;
	v18 =	vld [tilespmem:$0x1FBF0]  }
0x23a: {  	[tilespmem:$0x11800] =	vst v14;
	v14 =	vld [tilespmem:$0xEAD0]  }
0x23b: {  	[tilespmem:$0x11290] =	vst v1;
	v1 =	vadd.f32 v46, v45;
	v46 =	vld [tilespmem:$0x1F820]  }
0x23c: {  	[tilespmem:$0x11280] =	vst v0;
	v0 =	vadd.f32 v8, v6;
	v8 =	vld [tilespmem:$0x1F800]  }
0x23d: {  	[tilespmem:$0x1FBE0] =	vst v9;
	v9 =	vld [tilespmem:$0x1F810]  }
0x23e: {  	v6 =	vld [tilespmem:$0xE4E0]  }
0x23f: {  	v2 =	vadd.f32 v55, v54;
	v55 =	vld [tilespmem:$0x1F880]  }
0x240: {  	[tilespmem:$0x1FBB0] =	vst v59;
	v59 =	vadd.f32 v58, v57;
	v57 =	vld [tilespmem:$0x1F890]  }
0x241: {  	v58 =	vld [tilespmem:$0x1F8A0]  }
0x242: {  	[tilespmem:$0x1FC40] =	vst v56;
	v56 =	vld [tilespmem:$0xE5D0]  }
0x243: {  	[tilespmem:$0x112B0] =	vst v1;
	v1 =	vadd.f32 v52, v51;
	v52 =	vld [tilespmem:$0x1F860]  }
0x244: {  	[tilespmem:$0x11320] =	vst v2;
	v2 =	vld [tilespmem:$0xE4C0]  }
0x245: {  	[tilespmem:$0x112A0] =	vst v0;
	v0 =	vadd.f32 v49, v48;
	v49 =	vld [tilespmem:$0x1F840]  }
0x246: {  	[tilespmem:$0x1FC30] =	vst v60;
	v60 =	vld [tilespmem:$0xE4F0]  }
0x247: {  	v63 =	vadd.f32 v62, v61;
	v61 =	vld [tilespmem:$0x1F8B0]  }
0x248: {  	v62 =	vld [tilespmem:$0x1F8C0];
	[tilespmem:$0x11310] =	vst v1;
	v1 =	vadd.f32 v20, v17  }
0x249: {  	v20 =	vadd.f32 v7, v22;
	v22 =	vadd.f32 v41, v37;
	v41 =	vld [tilespmem:$0xE9F0]  }
0x24a: {  	v17 =	vadd.f32 v15, v12;
	v15 =	vld [tilespmem:$0xEA20]  }
0x24b: {  	v12 =	vld [tilespmem:$0xEAE0]  }
0x24c: {  	v48 =	vadd.f32 v47, v46;
	v46 =	vld [tilespmem:$0x1F8E0]  }
0x24d: {  	[tilespmem:$0x11300] =	vst v0;
	v0 =	vadd.f32 v24, v19;
	v24 =	vld [tilespmem:$0x1FB40]  }
0x24e: {  	v19 =	vadd.f32 v21, v13;
	v21 =	vadd.f32 v36, v29;
	v29 =	vld [tilespmem:$0x1FB70]  }
0x24f: {  	v36 =	vld [tilespmem:$0x1FBC0]  }
0x250: {  	v13 =	vld [tilespmem:$0xEA30]  }
0x251: {  	v45 =	vadd.f32 v9, v8;
	v8 =	vld [tilespmem:$0xE500]  }
0x252: {  	[tilespmem:$0x11330] =	vst v59;
	v59 =	vadd.f32 v58, v57;
	v57 =	vld [tilespmem:$0x1F930]  }
0x253: {  	v58 =	vld [tilespmem:$0x1F940]  }
0x254: {  	[tilespmem:$0x1FC90] =	vst v56;
	v56 =	vld [tilespmem:$0xE600]  }
0x255: {  	[tilespmem:$0x11810] =	vst v17;
	v17 =	vld [tilespmem:$0xEA10]  }
0x256: {  	[tilespmem:$0x118A0] =	vst v22;
	v22 =	vld [tilespmem:$0x1FC20]  }
0x257: {  	[tilespmem:$0x117B0] =	vst v1;
	v1 =	vld [tilespmem:$0xEC00]  }
0x258: {  	[tilespmem:$0x113A0] =	vst v48;
	v48 =	vld [tilespmem:$0xE5C0]  }
0x259: {  	v54 =	vadd.f32 v53, v52;
	v52 =	vld [tilespmem:$0xE510]  }
0x25a: {  	v53 =	vld [tilespmem:$0x1F910]  }
0x25b: {  	[tilespmem:$0x11830] =	vst v19;
	v19 =	vld [tilespmem:$0x1FC00]  }
0x25c: {  	[tilespmem:$0x11890] =	vst v21;
	v21 =	vld [tilespmem:$0x1FC10]  }
0x25d: {  	[tilespmem:$0x117A0] =	vst v0;
	v0 =	vld [tilespmem:$0xEBF0]  }
0x25e: {  	[tilespmem:$0x11390] =	vst v45;
	v45 =	vld [tilespmem:$0x1F8D0]  }
0x25f: {  	v51 =	vadd.f32 v50, v49;
	v49 =	vld [tilespmem:$0x1F8F0]  }
0x260: {  	v50 =	vld [tilespmem:$0x1F900]  }
0x261: {  	[tilespmem:$0x1FC50] =	vst v60;
	v60 =	vld [tilespmem:$0xE520]  }
0x262: {  	[tilespmem:$0x11380] =	vst v63;
	v10 =	vadd.f32 v55, v10;
	v63 =	vadd.f32 v62, v61;
	v61 =	vld [tilespmem:$0x1F950]  }
0x263: {  	v62 =	vld [tilespmem:$0x1F960]  }
0x264: {  	[tilespmem:$0x11410] =	vst v10;
	v10 =	vld [tilespmem:$0x1FB30]  }
0x265: {  	[tilespmem:$0x11400] =	vst v54;
	v54 =	vld [tilespmem:$0x1F920]  }
0x266: {  	[tilespmem:$0x1FC60] =	vst v8;
	v8 =	vld [tilespmem:$0xE5E0]  }
0x267: {  	[tilespmem:$0x11420] =	vst v59;
	v59 =	vadd.f32 v58, v57;
	v57 =	vld [tilespmem:$0x1F9D0]  }
0x268: {  	v58 =	vld [tilespmem:$0x1F9E0]  }
0x269: {  	[tilespmem:$0x1FCE0] =	vst v56;
	v56 =	vld [tilespmem:$0xE6E0]  }
0x26a: {  	[tilespmem:$0x1FC70] =	vst v48;
	v48 =	vld [tilespmem:$0xE530]  }
0x26b: {  	[tilespmem:$0x1FC80] =	vst v52;
	v52 =	vld [tilespmem:$0xE5F0]  }
0x26c: {  	v47 =	vadd.f32 v46, v45;
	v45 =	vld [tilespmem:$0x1F970]  }
0x26d: {  	v46 =	vld [tilespmem:$0x1F980]  }
0x26e: {  	[tilespmem:$0x113B0] =	vst v51;
	v51 =	vadd.f32 v50, v49;
	v49 =	vld [tilespmem:$0x1F990]  }
0x26f: {  	v50 =	vld [tilespmem:$0x1F9A0]  }
0x270: {  	[tilespmem:$0x1FCA0] =	vst v60;
	v60 =	vld [tilespmem:$0xE6C0]  }
0x271: {  	[tilespmem:$0x11430] =	vst v63;
	v63 =	vadd.f32 v62, v61;
	v61 =	vld [tilespmem:$0x1F9F0]  }
0x272: {  	v62 =	vld [tilespmem:$0x1FA00]  }
0x273: {  	[tilespmem:$0x11880] =	vst v20;
	v20 =	vadd.f32 v19, v18;
	v55 =	vadd.f32 v54, v53;
	v53 =	vld [tilespmem:$0x1F9B0]  }
0x274: {  	v38 =	vadd.f32 v10, v38;
	v54 =	vld [tilespmem:$0x1F9C0]  }
0x275: {  	[tilespmem:$0x119A0] =	vst v20;
	v20 =	vld [tilespmem:$0x1FCE0]  }
0x276: {  	[tilespmem:$0x116B0] =	vst v38;
	v38 =	vld [tilespmem:$0x1FBD0]  }
0x277: {  	[tilespmem:$0x1FCB0] =	vst v8;
	v8 =	vld [tilespmem:$0xE610]  }
0x278: {  	[tilespmem:$0x114B0] =	vst v59;
	v59 =	vadd.f32 v58, v57;
	v57 =	vld [tilespmem:$0x1FA70]  }
0x279: {  	v58 =	vld [tilespmem:$0x1FA80]  }
0x27a: {  	[tilespmem:$0x1FD30] =	vst v56;
	v56 =	vld [tilespmem:$0xE810]  }
0x27b: {  	[tilespmem:$0x1FCC0] =	vst v48;
	v48 =	vld [tilespmem:$0xE6D0]  }
0x27c: {  	[tilespmem:$0x1FCD0] =	vst v52;
	v52 =	vld [tilespmem:$0xE620]  }
0x27d: {  	[tilespmem:$0x11480] =	vst v47;
	v47 =	vadd.f32 v46, v45;
	v45 =	vld [tilespmem:$0x1FA10]  }
0x27e: {  	v46 =	vld [tilespmem:$0x1FA20]  }
0x27f: {  	[tilespmem:$0x11490] =	vst v51;
	v51 =	vadd.f32 v50, v49;
	v49 =	vld [tilespmem:$0x1FA30]  }
0x280: {  	v50 =	vld [tilespmem:$0x1FA40]  }
0x281: {  	[tilespmem:$0x1FCF0] =	vst v60;
	v60 =	vld [tilespmem:$0xE630]  }
0x282: {  	[tilespmem:$0x11500] =	vst v63;
	v63 =	vadd.f32 v62, v61;
	v61 =	vld [tilespmem:$0x1FA90]  }
0x283: {  	v62 =	vld [tilespmem:$0x1FAA0]  }
0x284: {  	v10 =	vld [tilespmem:$0x1FCC0]  }
0x285: {  	v18 =	vld [tilespmem:$0x1FCD0]  }
0x286: {  	[tilespmem:$0x114A0] =	vst v55;
	v55 =	vadd.f32 v54, v53;
	v53 =	vld [tilespmem:$0x1FA50]  }
0x287: {  	v54 =	vld [tilespmem:$0x1FA60]  }
0x288: {  	[tilespmem:$0x1FD00] =	vst v8;
	v8 =	vld [tilespmem:$0xE6F0]  }
0x289: {  	[tilespmem:$0x11580] =	vst v59;
	v59 =	vadd.f32 v58, v57;
	v58 =	vld [tilespmem:$0xE720]  }
0x28a: {  	v57 =	vld [tilespmem:$0xE800]  }
0x28b: {  	[tilespmem:$0x1FD10] =	vst v48;
	v48 =	vld [tilespmem:$0xE700]  }
0x28c: {  	[tilespmem:$0x1FD20] =	vst v52;
	v52 =	vld [tilespmem:$0xE7C0]  }
0x28d: {  	[tilespmem:$0x11510] =	vst v47;
	v47 =	vadd.f32 v46, v45;
	v45 =	vld [tilespmem:$0x1FAB0]  }
0x28e: {  	v46 =	vld [tilespmem:$0x1FAC0]  }
0x28f: {  	[tilespmem:$0x11520] =	vst v51;
	v51 =	vadd.f32 v50, v49;
	v49 =	vld [tilespmem:$0x1FAD0]  }
0x290: {  	v50 =	vld [tilespmem:$0x1FAE0]  }
0x291: {  	[tilespmem:$0x11590] =	vst v63;
	v63 =	vadd.f32 v62, v61;
	v61 =	vld [tilespmem:$0xE710]  }
0x292: {  	[tilespmem:$0x1FD40] =	vst v60;
	v60 =	vld [tilespmem:$0x1FB10]  }
0x293: {  	v62 =	vld [tilespmem:$0x1FB20]  }
0x294: {  	[tilespmem:$0x11610] =	vst v59;
	v59 =	vld [tilespmem:$0xE7D0]  }
0x295: {  	v19 =	vadd.f32 v18, v10;
	v18 =	vld [tilespmem:$0xECC0]  }
0x296: {  	[tilespmem:$0x11530] =	vst v55;
	v55 =	vadd.f32 v54, v53;
	v53 =	vld [tilespmem:$0x1FAF0]  }
0x297: {  	v54 =	vld [tilespmem:$0x1FB00]  }
0x298: {  	[tilespmem:$0x1FD50] =	vst v8;
	v8 =	vld [tilespmem:$0xEAF0]  }
0x299: {  	[tilespmem:$0x1FD70] =	vst v52;
	v52 =	vld [tilespmem:$0xE830]  }
0x29a: {  	[tilespmem:$0x1FD60] =	vst v48;
	v48 =	vadd.f32 v31, v27;
	v27 =	vld [tilespmem:$0x1FB60]  }
0x29b: {  	[tilespmem:$0x11620] =	vst v63;
	v63 =	vadd.f32 v62, v60;
	v60 =	vld [tilespmem:$0xE7E0]  }
0x29c: {  	[tilespmem:$0x115B0] =	vst v51;
	v51 =	vadd.f32 v50, v49;
	v62 =	vld [tilespmem:$0xE730]  }
0x29d: {  	v50 =	vadd.f32 v26, v23;
	v23 =	vadd.f32 v43, v42;
	v43 =	vld [tilespmem:$0xE9E0]  }
0x29e: {  	v26 =	vld [tilespmem:$0x1FB50]  }
0x29f: {  	v49 =	vadd.f32 v28, v25;
	v25 =	vadd.f32 v24, v44;
	v44 =	vld [tilespmem:$0xE930]  }
0x2a0: {  	[tilespmem:$0x115A0] =	vst v47;
	v47 =	vadd.f32 v46, v45;
	v46 =	vadd.f32 v35, v32;
	v32 =	vld [tilespmem:$0x1FB90]  }
0x2a1: {  	v42 =	vld [tilespmem:$0xEA00]  }
0x2a2: {  	v35 =	vld [tilespmem:$0x1FBB0]  }
0x2a3: {  	v45 =	vadd.f32 v39, v34;
	v39 =	vld [tilespmem:$0x1FBE0]  }
0x2a4: {  	v24 =	vld [tilespmem:$0x1FC30]  }
0x2a5: {  	[tilespmem:$0x11600] =	vst v55;
	v55 =	vadd.f32 v54, v53;
	v53 =	vld [tilespmem:$0xE8D0]  }
0x2a6: {  	v54 =	vld [tilespmem:$0xE820]  }
0x2a7: {  	[tilespmem:$0x11730] =	vst v48;
	v48 =	vld [tilespmem:$0xE910]  }
0x2a8: {  	[tilespmem:$0x116A0] =	vst v63;
	v63 =	vld [tilespmem:$0xE7F0]  }
0x2a9: {  	[tilespmem:$0x11680] =	vst v51;
	v51 =	vld [tilespmem:$0xE8E0]  }
0x2aa: {  	[tilespmem:$0x11780] =	vst v49;
	v49 =	vld [tilespmem:$0xE8F0]  }
0x2ab: {  	[tilespmem:$0x11790] =	vst v50;
	v50 =	vld [tilespmem:$0xE900]  }
0x2ac: {  	[tilespmem:$0x11700] =	vst v45;
	v45 =	vld [tilespmem:$0xE9D0]  }
0x2ad: {  	[tilespmem:$0x11710] =	vst v46;
	v46 =	vld [tilespmem:$0xE920]  }
0x2ae: {  	[tilespmem:$0x11630] =	vst v47;
	v47 =	vadd.f32 v33, v30;
	v30 =	vld [tilespmem:$0x1FB80]  }
0x2af: {  	v33 =	vld [tilespmem:$0x1FBA0]  }
0x2b0: {  	[tilespmem:$0x118B0] =	vst v23;
	v23 =	vadd.f32 v22, v21;
	v21 =	vld [tilespmem:$0x1FCF0]  }
0x2b1: {  	[tilespmem:$0x11690] =	vst v55;
	v55 =	vld [tilespmem:$0xE8C0]  }
0x2b2: {  	[tilespmem:$0x11720] =	vst v47;
	v47 =	vld [tilespmem:$0xE9C0]  }
0x2b3: {  	[tilespmem:$0x119B0] =	vst v23;
	v23 =	vld [tilespmem:$0x1FD00]  }
0x2b4: {  	v28 =	vadd.f32 v27, v26;
	v27 =	vadd.f32 v6, v5;
	v6 =	vld [tilespmem:$0xEBC0]  }
0x2b5: {  	v37 =	vadd.f32 v36, v35;
	v35 =	vld [tilespmem:$0x1FC90]  }
0x2b6: {  	v7 =	vadd.f32 v39, v38;
	v38 =	vld [tilespmem:$0x1FCB0]  }
0x2b7: {  	v26 =	vadd.f32 v4, v3;
	v4 =	vld [tilespmem:$0xEBD0]  }
0x2b8: {  	[tilespmem:$0x11AB0] =	vst v19;
	v1 =	vadd.f32 v18, v1;
	v5 =	vld [tilespmem:$0xEB20]  }
0x2b9: {  	[tilespmem:$0x11900] =	vst v25;
	v8 =	vadd.f32 v8, v13;
	v25 =	vadd.f32 v2, v24;
	v2 =	vld [tilespmem:$0xEBE0]  }
0x2ba: {  	[tilespmem:$0x11E00] =	vst v1;
	v24 =	vld [tilespmem:$0x1FD10]  }
0x2bb: {  	v3 =	vld [tilespmem:$0xEB30];
	[tilespmem:$0x11D30] =	vst v8  }
0x2bc: {  	[tilespmem:$0x11910] =	vst v28;
	v28 =	vld [tilespmem:$0x1FC40]  }
0x2bd: {  	v31 =	vadd.f32 v30, v29;
	[tilespmem:$0x11980] =	vst v37;
	v29 =	vld [tilespmem:$0x1FC50]  }
0x2be: {  	v34 =	vadd.f32 v33, v32;
	[tilespmem:$0x11990] =	vst v7;
	v32 =	vld [tilespmem:$0x1FC70]  }
0x2bf: {  	[tilespmem:$0x11A00] =	vst v25;
	v7 =	vld [tilespmem:$0xEB10]  }
0x2c0: {  	[tilespmem:$0x11A10] =	vst v26;
	v37 =	vld [tilespmem:$0x1FCA0]  }
0x2c1: {  	[tilespmem:$0x11A20] =	vst v27;
	v26 =	vld [tilespmem:$0x1FD20]  }
0x2c2: {  	v22 =	vadd.f32 v21, v20;
	v27 =	vld [tilespmem:$0x1FD30];
	[tilespmem:$0x11920] =	vst v31  }
0x2c3: {  	v19 =	vadd.f32 v43, v46;
	v20 =	vld [tilespmem:$0xEDD0];
	[tilespmem:$0x11930] =	vst v34  }
0x2c4: {  	v21 =	vadd.f32 v41, v44;
	v46 =	vld [tilespmem:$0xEFC0];
	[tilespmem:$0x11B00] =	vst v22  }
0x2c5: {  	v31 =	vld [tilespmem:$0x1FC60];
	[tilespmem:$0x11CA0] =	vst v19;
	v25 =	vadd.f32 v24, v23  }
0x2c6: {  	v34 =	vld [tilespmem:$0x1FC80];
	[tilespmem:$0x11CB0] =	vst v21;
	v23 =	vadd.f32 v16, v42  }
0x2c7: {  	v22 =	vld [tilespmem:$0xED20];
	v6 =	vadd.f32 v6, v11;
	[tilespmem:$0x11B10] =	vst v25  }
0x2c8: {  	v24 =	vld [tilespmem:$0xEDE0];
	v2 =	vadd.f32 v2, v5;
	[tilespmem:$0x11D00] =	vst v23  }
0x2c9: {  	v0 =	vadd.f32 v0, v3;
	v42 =	vld [tilespmem:$0xEF00];
	[tilespmem:$0x11D80] =	vst v6  }
0x2ca: {  	v30 =	vadd.f32 v29, v28;
	v29 =	vld [tilespmem:$0x1FD40];
	[tilespmem:$0x11DA0] =	vst v2  }
0x2cb: {  	v39 =	vadd.f32 v38, v37;
	v37 =	vld [tilespmem:$0xECE0];
	[tilespmem:$0x11DB0] =	vst v0  }
0x2cc: {  	v28 =	vadd.f32 v27, v26;
	v38 =	vadd.f32 v53, v56;
	v53 =	vld [tilespmem:$0xEC30];
	[tilespmem:$0x11A30] =	vst v30  }
0x2cd: {  	v56 =	vld [tilespmem:$0xED00];
	[tilespmem:$0x11AA0] =	vst v39  }
0x2ce: {  	v25 =	vadd.f32 v14, v17;
	v26 =	vld [tilespmem:$0xED30];
	[tilespmem:$0x11B20] =	vst v28  }
0x2cf: {  	v27 =	vadd.f32 v12, v15;
	v30 =	vld [tilespmem:$0x1FD50];
	[tilespmem:$0x11C10] =	vst v38  }
0x2d0: {  	v4 =	vadd.f32 v4, v7;
	v33 =	vadd.f32 v32, v31;
	v31 =	vld [tilespmem:$0x1FD60];
	[tilespmem:$0x11D10] =	vst v25  }
0x2d1: {  	v32 =	vld [tilespmem:$0x1FD70];
	[tilespmem:$0x11D20] =	vst v27  }
0x2d2: {  	v36 =	vadd.f32 v35, v34;
	v34 =	vadd.f32 v60, v58;
	v58 =	vld [tilespmem:$0xECD0];
	[tilespmem:$0x11D90] =	vst v4  }
0x2d3: {  	v60 =	vld [tilespmem:$0xEC20];
	[tilespmem:$0x11A80] =	vst v33  }
0x2d4: {  	v35 =	vadd.f32 v63, v62;
	v39 =	vadd.f32 v51, v54;
	v51 =	vld [tilespmem:$0xECF0];
	[tilespmem:$0x11A90] =	vst v36  }
0x2d5: {  	v63 =	vld [tilespmem:$0xED10];
	[tilespmem:$0x11BA0] =	vst v34  }
0x2d6: {  	v54 =	vadd.f32 v49, v52;
	v28 =	vld [tilespmem:$0xEDF0];
	[tilespmem:$0x11BB0] =	vst v35  }
0x2d7: {  	v62 =	vadd.f32 v45, v48;
	v38 =	vld [tilespmem:$0xEEF0];
	[tilespmem:$0x11C20] =	vst v39  }
0x2d8: {  	v48 =	vld [tilespmem:$0xEF10];
	v49 =	vadd.f32 v24, v22;
	[tilespmem:$0x11C30] =	vst v54  }
0x2d9: {  	v52 =	vld [tilespmem:$0xEF20];
	v33 =	vadd.f32 v59, v61;
	[tilespmem:$0x11C90] =	vst v62  }
0x2da: {  	v59 =	vld [tilespmem:$0xEC10];
	v36 =	vadd.f32 v55, v57;
	[tilespmem:$0x11EA0] =	vst v49  }
0x2db: {  	v57 =	vadd.f32 v47, v50;
	v61 =	vld [tilespmem:$0xEDC0];
	[tilespmem:$0x11B90] =	vst v33  }
0x2dc: {  	v34 =	vld [tilespmem:$0xEEE0];
	[tilespmem:$0x11C00] =	vst v36;
	v10 =	vadd.f32 v30, v29  }
0x2dd: {  	v50 =	vld [tilespmem:$0xEFD0];
	[tilespmem:$0x11C80] =	vst v57;
	v9 =	vadd.f32 v32, v31  }
0x2de: {  	v54 =	vld [tilespmem:$0xEFE0];
	v37 =	vadd.f32 v37, v60;
	[tilespmem:$0x11B30] =	vst v10  }
0x2df: {  	v33 =	vld [tilespmem:$0xEE20];
	v39 =	vadd.f32 v51, v53;
	[tilespmem:$0x11B80] =	vst v9  }
0x2e0: {  	v36 =	vld [tilespmem:$0xEE30];
	v47 =	vadd.f32 v20, v63;
	[tilespmem:$0x11E20] =	vst v37  }
0x2e1: {  	v29 =	vld [tilespmem:$0xEE00];
	v51 =	vadd.f32 v28, v26;
	[tilespmem:$0x11E30] =	vst v39  }
0x2e2: {  	v30 =	vld [tilespmem:$0xEEC0];
	v60 =	vadd.f32 v46, v42;
	[tilespmem:$0x11E90] =	vst v47  }
0x2e3: {  	v31 =	vld [tilespmem:$0xEE10];
	v35 =	vadd.f32 v58, v59;
	[tilespmem:$0x11EB0] =	vst v51  }
0x2e4: {  	v32 =	vld [tilespmem:$0xEED0];
	v44 =	vadd.f32 v61, v56;
	[tilespmem:$0x11F80] =	vst v60  }
0x2e5: {  	v56 =	vld [tilespmem:$0xEF30];
	v61 =	vadd.f32 v50, v48;
	[tilespmem:$0x11E10] =	vst v35  }
0x2e6: {  	v58 =	vld [tilespmem:$0xEFF0];
	v62 =	vadd.f32 v54, v52;
	[tilespmem:$0x11E80] =	vst v44  }
0x2e7: {  	v57 =	vadd.f32 v34, v33;
	[tilespmem:$0x11F90] =	vst v61  }
0x2e8: {  	v59 =	vadd.f32 v38, v36;
	[tilespmem:$0x11FA0] =	vst v62  }
0x2e9: {  	v53 =	vadd.f32 v30, v29;
	[tilespmem:$0x11F20] =	vst v57  }
0x2ea: {  	v55 =	vadd.f32 v32, v31;
	[tilespmem:$0x11F30] =	vst v59  }
0x2eb: {  	[tilespmem:$0x11F00] =	vst v53;
	v63 =	vadd.f32 v58, v56  }
0x2ec: {  	p0 =	sne.s32 s19, $0x9600;
	[tilespmem:$0x11F10] =	vst v55  }
.Ltmp2:
0x2ed: {  	[tilespmem:$0x11FB0] =	vst v63;
	(pc) =	sbr.rel @p0 .LBB2_6-.Ltmp2, $4  }
0x2ee: {  	[hbm4b:s20+s3] =	stream.linear.scatter [tilespmem:s17], [sflag:$0x3], $0x1000, $0x38;
	[tilespmem:$0x14000] =	vst v63  }
0x2ef: {  	_ =	swait.ge [sflag:s9], $0x1000  }
0x2f0: {  	[sflag:s9] =	ssyncset.done $0x0  }
0x2f1: {  	s19 =	sadd.s32 $0xA00, s19;
	s20 =	sadd.s32 $0x200, s20;
	[sflag:s9] =	ssyncadd.s32 $0xFFFFF000  }
0x2f2: {  	v41 =	vld [tilespmem:$0x1FE10]  }
0x2f3: {  	v16 =	vld [tilespmem:$0x1FE20]  }
0x2f4: {  	v17 =	vld [tilespmem:$0x1FE30]  }
0x2f5: {  	v19 =	vld [tilespmem:$0x1FE40]  }
0x2f6: {  	v20 =	vld [tilespmem:$0x1FE50]  }
0x2f7: {  	v21 =	vld [tilespmem:$0x1FE60]  }
0x2f8: {  	v22 =	vld [tilespmem:$0x1FE70]  }
0x2f9: {  	v23 =	vld [tilespmem:$0x1FE80]  }
0x2fa: {  	v24 =	vld [tilespmem:$0x1FE90]  }
0x2fb: {  	v25 =	vld [tilespmem:$0x1FEA0]  }
0x2fc: {  	v26 =	vld [tilespmem:$0x1FEB0]  }
0x2fd: {  	v27 =	vld [tilespmem:$0x1FEC0]  }
0x2fe: {  	v28 =	vld [tilespmem:$0x1FED0]  }
0x2ff: {  	v29 =	vld [tilespmem:$0x1FEE0]  }
0x300: {  	v30 =	vld [tilespmem:$0x1FEF0]  }
0x301: {  	v31 =	vld [tilespmem:$0x1FF00]  }
0x302: {  	v32 =	vld [tilespmem:$0x1FF10]  }
0x303: {  	v33 =	vld [tilespmem:$0x1FF20]  }
0x304: {  	s18 =	sadd.s32 $0x1, s18;
	v34 =	vld [tilespmem:$0x1FF30]  }
0x305: {  	v35 =	vld [tilespmem:$0x1FF40];
	p0 =	sne.s32 s18, s7  }
.Ltmp3:
0x306: {  	v36 =	vld [tilespmem:$0x1FF50];
	(pc) =	sbr.rel @p0 .LBB2_1-.Ltmp3, $4  }
0x307: {  	v37 =	vld [tilespmem:$0x1FF60]  }
0x308: {  	v38 =	vld [tilespmem:$0x1FF70]  }
0x309: {  	v18 =	vld [tilespmem:$0x1FF80]  }
0x30a: {  	v39 =	vld [tilespmem:$0x1FF90]  }
0x30b: {  	_ =	sfence.sel $0x180000  }
0x30c: {  	[bflag:$0x0] =	sbarrier.arrive $0xFFFF  }
0x30d: {  	p0 =	sne.s32 s0, $0x0;
	_ =	strace $0x90000047  }
0x30e: {  	s0 =	sadd.s32 @!p0 $0x100000, s1;
	[bflag:$0x2] =	sbarrier.arrive $0xFFFF  }
0x30f: {  	[sflag:s0] =	ssyncadd.tile.s32 @!p0 $0x1;
	_ =	shalt  }
.Lfunc_end2:
_tile_overlayer_lowered:
.L_overlay_start_2:
0x310: {  	(tag) =	ssettag $0x2  }
0x311: {  	s0 =	rddreg [dreg:$0x0];
	s2 =	stileid.u32  }
0x312: {  	s1 =	rddreg [dreg:$0x1];
	p0 =	sne.s32 s2, $0x0  }
0x313: {  	s3 =	rddreg [dreg:$0x2];
	[bflag:$0x3] =	sbarrier.arrive $0xFFFF;
	s2 =	simm.s32 @!p0 $0x1C03  }
0x314: {  	[timem:s3], [sflag:s2] =	dma.local @!p0 [hbm:s0], s1  }
0x315: {  	s0 =	simm.s32 @!p0 $0x3  }
0x316: {  	_ =	swait.ge @!p0 [sflag:s0], s1  }
0x317: {  	s1 =	ssub.s32 @!p0 $0x0, s1;
	[sflag:s0] =	ssyncset.done @!p0 $0x0  }
0x318: {  	[sflag:s0] =	ssyncadd.s32 @!p0 s1  }
0x319: {  	[bflag:$0x3] =	sbarrier.arrive $0xFFFF  }
0x31a: {  	_ =	shalt  }

</sc_bundles>
